<compile_context>
chip_gen: v7x
topology: tpu7x:2x2x1
jax: 0.10.2.dev20260603
libtpu: 0.0.44.dev20260713+nightly
codegen_flags: <defaults>
</compile_context>

<pallas_src>
import functools

import jax
import jax.numpy as jnp
import numpy as np
from jax import lax
from jax.experimental import pallas as pl
from jax.experimental.pallas import tpu as pltpu
from jax.experimental.pallas import tpu_sc as plsc

N = 50000
E = 800000
NG = 64
D = 64
DH = 32
NPAD = 51200
BN = 512
BE = 2000
CH = 200
ZB = 200
NTILES = 16
EDGES_PER_TILE = E // NTILES
ROWS_PER_TILE = NPAD // NTILES
INV_SQRT_NEIGH = 0.25



def _node_body(x_ref, na_ref, wm_ref, wsx_ref, wsa_ref, y2_ref, sc_ref):
    xb = x_ref[...]
    y2_ref[0] = jnp.dot(xb, wm_ref[0], preferred_element_type=jnp.float32)
    y2_ref[1] = jnp.dot(xb, wm_ref[1], preferred_element_type=jnp.float32)
    sc = jnp.dot(xb, wsx_ref[...], preferred_element_type=jnp.float32)
    sc += jnp.dot(na_ref[...], wsa_ref[...], preferred_element_type=jnp.float32)
    sc_ref[...] = sc


def _node_transform(x, na, wm, wsx, wsa):
    grid = (NPAD // BN,)
    return pl.pallas_call(
        _node_body,
        grid=grid,
        in_specs=[
            pl.BlockSpec((BN, D), lambda i: (i, 0)),
            pl.BlockSpec((BN, 8), lambda i: (i, 0)),
            pl.BlockSpec((2, D, DH), lambda i: (0, 0, 0)),
            pl.BlockSpec((D, D), lambda i: (0, 0)),
            pl.BlockSpec((8, D), lambda i: (0, 0)),
        ],
        out_specs=[
            pl.BlockSpec((2, BN, DH), lambda i: (0, i, 0)),
            pl.BlockSpec((BN, D), lambda i: (i, 0)),
        ],
        out_shape=[
            jax.ShapeDtypeStruct((2, NPAD, DH), jnp.float32),
            jax.ShapeDtypeStruct((NPAD, D), jnp.float32),
        ],
    )(x, na, wm, wsx, wsa)


def _edge_body(elen_ref, eattr_ref, fc1_ref, fc2_ref, we_ref, coef_ref):
    w8 = jnp.maximum(
        jnp.dot(elen_ref[...], fc1_ref[...], preferred_element_type=jnp.float32),
        0.0)
    for h in range(2):
        w = jnp.dot(w8, fc2_ref[h], preferred_element_type=jnp.float32)
        ew = jnp.dot(eattr_ref[...], we_ref[h],
                     preferred_element_type=jnp.float32)
        coef_ref[h] = w * ew


def _edge_coef(elen, eattr, fc1, fc2, we):
    grid = (E // BE,)
    return pl.pallas_call(
        _edge_body,
        grid=grid,
        in_specs=[
            pl.BlockSpec((BE, 10), lambda i: (i, 0)),
            pl.BlockSpec((BE, 9), lambda i: (i, 0)),
            pl.BlockSpec((10, 8), lambda i: (0, 0)),
            pl.BlockSpec((2, 8, DH), lambda i: (0, 0, 0)),
            pl.BlockSpec((2, 9, DH), lambda i: (0, 0, 0)),
        ],
        out_specs=pl.BlockSpec((2, BE, DH), lambda i: (0, i, 0)),
        out_shape=jax.ShapeDtypeStruct((2, E, DH), jnp.float32),
    )(elen, eattr, fc1, fc2, we)


def _combine_body(act, sc_ref, agg_ref, out_ref):
    agg = jnp.concatenate([agg_ref[0], agg_ref[1]], axis=1)
    h = sc_ref[...] + agg * INV_SQRT_NEIGH
    out_ref[...] = jax.nn.gelu(h) if act else h


def _combine(sc, agg, act):
    grid = (NPAD // BN,)
    return pl.pallas_call(
        functools.partial(_combine_body, act),
        grid=grid,
        in_specs=[
            pl.BlockSpec((BN, D), lambda i: (i, 0)),
            pl.BlockSpec((2, BN, DH), lambda i: (0, i, 0)),
        ],
        out_specs=pl.BlockSpec((BN, D), lambda i: (i, 0)),
        out_shape=jax.ShapeDtypeStruct((NPAD, D), jnp.float32),
    )(sc, agg)


def _pool_body(x_ref, b_ref, g_ref, y_ref, acc_ref):
    i = pl.program_id(0)

    @pl.when(i == 0)
    def _():
        acc_ref[...] = jnp.zeros((NG, D), jnp.float32)

    b = b_ref[0, 0, :]
    oh = (lax.broadcasted_iota(jnp.int32, (NG, BN), 0) == b[None, :])
    acc_ref[...] += jnp.dot(oh.astype(jnp.float32), x_ref[...],
                            preferred_element_type=jnp.float32)

    @pl.when(i == pl.num_programs(0) - 1)
    def _():
        acc = acc_ref[...]
        z = (acc[:, :10] + g_ref[...]) * 0.01
        m = jnp.max(z, axis=1, keepdims=True)
        e = jnp.exp(z - m)
        y_ref[...] = e / jnp.sum(e, axis=1, keepdims=True)


def _pool(x, batch3, g):
    grid = (NPAD // BN,)
    return pl.pallas_call(
        _pool_body,
        grid=grid,
        in_specs=[
            pl.BlockSpec((BN, D), lambda i: (i, 0)),
            pl.BlockSpec((1, 1, BN), lambda i: (i, 0, 0)),
            pl.BlockSpec((NG, 10), lambda i: (0, 0)),
        ],
        out_specs=pl.BlockSpec((NG, 10), lambda i: (0, 0)),
        out_shape=jax.ShapeDtypeStruct((NG, 10), jnp.float32),
        scratch_shapes=[pltpu.VMEM((NG, D), jnp.float32)],
    )(x, batch3, g)



def _sc_body(y_hbm, coef_hbm, esrc_hbm, edst_hbm, out_hbm,
             src_a, dst_a, rows_a, coef_a, src_b, dst_b, rows_b, coef_b,
             agg_sh, sem_fa, sem_fb, sem_ga, sem_gb):
    c = lax.axis_index("c")
    s = lax.axis_index("s")
    ebase = s * EDGES_PER_TILE
    base_r = s * ROWS_PER_TILE

    def zrow(r, carry):
        rows_a[r, pl.ds(0, 16)] = jnp.zeros((16,), jnp.float32)
        rows_a[r, pl.ds(16, 16)] = jnp.zeros((16,), jnp.float32)
        return carry

    lax.fori_loop(0, ZB, zrow, 0)

    def zcp(k, carry):
        pltpu.sync_copy(rows_a.at[pl.ds(0, ZB)],
                        agg_sh.at[pl.ds(base_r + k * ZB, ZB)])
        return carry

    lax.fori_loop(0, ROWS_PER_TILE // ZB, zcp, 0)
    plsc.subcore_barrier()

    def fetch(i, src_v, dst_v, coef_v, sem):
        off = ebase + i * CH
        pltpu.async_copy(esrc_hbm.at[pl.ds(off, CH)], src_v, sem)
        pltpu.async_copy(edst_hbm.at[pl.ds(off, CH)], dst_v, sem)
        pltpu.async_copy(coef_hbm.at[c].at[pl.ds(off, CH)], coef_v, sem)

    def wait_fetch(src_v, dst_v, coef_v, sem):
        pltpu.make_async_copy(esrc_hbm.at[pl.ds(0, CH)], src_v, sem).wait()
        pltpu.make_async_copy(edst_hbm.at[pl.ds(0, CH)], dst_v, sem).wait()
        pltpu.make_async_copy(coef_hbm.at[c].at[pl.ds(0, CH)], coef_v,
                              sem).wait()

    def gather(src_v, rows_v, sem):
        pltpu.async_copy(y_hbm.at[c].at[src_v], rows_v, sem)

    def wait_gather(src_v, rows_v, sem):
        pltpu.make_async_copy(y_hbm.at[c].at[src_v], rows_v, sem).wait()

    def mul_scatter(dst_v, rows_v, coef_v):
        @plsc.parallel_loop(0, CH, unroll=4)
        def _(r):
            rows_v[r, pl.ds(0, 16)] = (rows_v[r, pl.ds(0, 16)]
                                       * coef_v[r, pl.ds(0, 16)])
            rows_v[r, pl.ds(16, 16)] = (rows_v[r, pl.ds(16, 16)]
                                        * coef_v[r, pl.ds(16, 16)])

        pltpu.sync_copy(rows_v, agg_sh.at[dst_v], add=True)

    bufa = (src_a, dst_a, rows_a, coef_a, sem_fa, sem_ga)
    bufb = (src_b, dst_b, rows_b, coef_b, sem_fb, sem_gb)

    fetch(0, src_a, dst_a, coef_a, sem_fa)
    wait_fetch(src_a, dst_a, coef_a, sem_fa)
    gather(src_a, rows_a, sem_ga)

    npairs = EDGES_PER_TILE // CH // 2

    def pair(i2, carry):
        def half(iA, iB, A, B, last):
            src_A, dst_A, rows_A, coef_A, sfA, sgA = A
            src_B, dst_B, rows_B, coef_B, sfB, sgB = B
            fetch(iB, src_B, dst_B, coef_B, sfB)
            wait_gather(src_A, rows_A, sgA)
            wait_fetch(src_B, dst_B, coef_B, sfB)
            gather(src_B, rows_B, sgB)
            mul_scatter(dst_A, rows_A, coef_A)

        half(2 * i2, 2 * i2 + 1, bufa, bufb, False)

        @pl.when(i2 < npairs - 1)
        def _():
            half(2 * i2 + 1, 2 * i2 + 2, bufb, bufa, False)

        @pl.when(i2 == npairs - 1)
        def _():
            wait_gather(src_b, rows_b, sem_gb)
            mul_scatter(dst_b, rows_b, coef_b)

        return carry

    lax.fori_loop(0, npairs, pair, 0)
    plsc.subcore_barrier()

    def fcp(k, carry):
        off = base_r + k * ZB
        pltpu.sync_copy(agg_sh.at[pl.ds(off, ZB)],
                        out_hbm.at[c].at[pl.ds(off, ZB)])
        return carry

    lax.fori_loop(0, ROWS_PER_TILE // ZB, fcp, 0)


@functools.lru_cache(maxsize=None)
def _sc_edge_kernel():
    mesh = plsc.VectorSubcoreMesh(core_axis_name="c", subcore_axis_name="s")
    return pl.kernel(
        _sc_body,
        out_type=jax.ShapeDtypeStruct((2, NPAD, DH), jnp.float32),
        mesh=mesh,
        scratch_types=[
            pltpu.VMEM((CH,), jnp.int32),
            pltpu.VMEM((CH,), jnp.int32),
            pltpu.VMEM((CH, DH), jnp.float32),
            pltpu.VMEM((CH, DH), jnp.float32),
            pltpu.VMEM((CH,), jnp.int32),
            pltpu.VMEM((CH,), jnp.int32),
            pltpu.VMEM((CH, DH), jnp.float32),
            pltpu.VMEM((CH, DH), jnp.float32),
            pltpu.VMEM_SHARED((NPAD, DH), jnp.float32),
            pltpu.SemaphoreType.DMA,
            pltpu.SemaphoreType.DMA,
            pltpu.SemaphoreType.DMA,
            pltpu.SemaphoreType.DMA,
        ],
        compiler_params=pltpu.CompilerParams(use_tc_tiling_on_sc=False),
    )


def _sc_edge(y2, coef, esrc, edst):
    return _sc_edge_kernel()(y2, coef, esrc, edst)



def _pad_w(w, rows, cols):
    return jnp.pad(w, ((0, rows - w.shape[0]), (0, cols - w.shape[1])))


def kernel(embed_on_edges, node_attr, edge_src, edge_dst, edge_attr,
           edge_length_embedding, batch, params_edges, params_final):
    x = jnp.pad(embed_on_edges,
                ((0, NPAD - N), (0, D - embed_on_edges.shape[1])))
    na = jnp.pad(node_attr, ((0, NPAD - N), (0, 0)))
    esrc = edge_src.astype(jnp.int32)
    edst = edge_dst.astype(jnp.int32)

    params = list(params_edges) + list(params_final)
    n_edge_layers = len(params_edges)
    d_ins = [embed_on_edges.shape[1]] + [36] * (len(params) - 1)

    for li, p in enumerate(params):
        d_in = d_ins[li]
        wm = _pad_w(p["Wm"], D, D).reshape(D, 2, DH).transpose(1, 0, 2)
        wsx = _pad_w(p["Wself"][:d_in], D, D)
        wsa = _pad_w(p["Wself"][d_in:], 8, D)
        fc2 = _pad_w(p["fc2"], 8, D).reshape(8, 2, DH).transpose(1, 0, 2)
        we = _pad_w(p["We"], 9, D).reshape(9, 2, DH).transpose(1, 0, 2)

        y2, sc = _node_transform(x, na, wm, wsx, wsa)
        coef = _edge_coef(edge_length_embedding, edge_attr, p["fc1"], fc2, we)
        agg = _sc_edge(y2, coef, esrc, edst)
        is_last = li == len(params) - 1
        act = (li < n_edge_layers - 1) or (li == n_edge_layers)
        x = _combine(sc, agg, act and not is_last)

    atoms_fec = x[:N, :10]

    batch_pad = jnp.pad(batch.astype(jnp.int32), (0, NPAD - N),
                        constant_values=NG - 1)
    batch3 = batch_pad.reshape(NPAD // BN, 1, BN)
    u = jax.random.uniform(jax.random.key(7), (NG, 10), jnp.float32, 1e-10, 1.0)
    g = -jnp.log(-jnp.log(u))
    y = _pool(x, batch3, g)
    return (y, atoms_fec)

# --- scband reference (transcript-rebuilt; emitter-appended) ---
"""Pipeline reference for scband-energy-predictor-2937757631009 (READ-ONLY COPY).

The authoritative reference and input builder live on the scoring server;
editing this copy changes nothing except your own understanding.
"""

import jax, jax.numpy as jnp
import numpy as np

N = 50000
E = 800000
D_IN = 32
D_ATTR = 8
D_EDGE = 9
NB = 10
MUL = 8
HID = 36  # (mul//4)=2 copies * sum over (l,p), l=0..2, p=+-1 of (2l+1) = 2*2*(1+3+5) = 36
OUT = 10  # energy_levels
NG = 64
NUM_NEIGH = 16
MPN_LAYERS = 2


def _make_conv_params(key, d_in, d_out):
    k1, k2, k3, k4, k5 = jax.random.split(key, 5)
    return {
        "fc1": jax.random.normal(k1, (NB, MUL), jnp.float32) / np.sqrt(NB),
        "fc2": jax.random.normal(k2, (MUL, d_out), jnp.float32) / np.sqrt(MUL),
        "Wm": jax.random.normal(k3, (d_in, d_out), jnp.float32) / np.sqrt(d_in),
        "We": jax.random.normal(k4, (D_EDGE, d_out), jnp.float32) / np.sqrt(D_EDGE),
        "Wself": jax.random.normal(k5, (d_in + D_ATTR, d_out), jnp.float32) / np.sqrt(d_in + D_ATTR),
    }


def setup_inputs(seed: int = 0):
    key = jax.random.key(seed)
    ks = jax.random.split(key, 16)
    inp = {}
    inp["embed_on_edges"] = jax.random.normal(ks[0], (N, D_IN), jnp.float32)
    inp["node_attr"] = jax.random.normal(ks[1], (N, D_ATTR), jnp.float32)
    inp["edge_src"] = jax.random.randint(ks[2], (E,), 0, N)
    inp["edge_dst"] = jax.random.randint(ks[3], (E,), 0, N)
    inp["edge_attr"] = jax.random.normal(ks[4], (E, D_EDGE), jnp.float32)
    inp["edge_length_embedding"] = jax.random.uniform(ks[5], (E, NB), jnp.float32)
    inp["batch"] = jnp.sort(jax.random.randint(ks[6], (N,), 0, NG))
    dims_e = [D_IN] + [HID] * MPN_LAYERS + [HID]
    inp["params_edges"] = [
        _make_conv_params(jax.random.fold_in(ks[7], i), dims_e[i], dims_e[i + 1])
        for i in range(len(dims_e) - 1)
    ]
    dims_f = [HID, HID, OUT]
    inp["params_final"] = [
        _make_conv_params(jax.random.fold_in(ks[8], i), dims_f[i], dims_f[i + 1])
        for i in range(len(dims_f) - 1)
    ]
    return inp


def _conv(x, node_attr, esrc, edst, eattr, elen, p):
    # radial MLP on edge length embedding -> per-edge weights (fc_neurons=[NB, MUL, out])
    w = jnp.maximum(elen @ p["fc1"], 0.0) @ p["fc2"]
    # gather source node features along edges (SparseCore gather)
    m = jnp.take(x, esrc, axis=0)
    # tensor-product style mixing of node features with edge spherical harmonics
    msg = (m @ p["Wm"]) * (eattr @ p["We"]) * w
    # scatter-add messages to destination nodes, normalized by sqrt(num_neighbors)
    agg = jax.ops.segment_sum(msg, edst, num_segments=x.shape[0]) / np.sqrt(NUM_NEIGH)
    # self-connection conditioned on node attributes
    sc = jnp.concatenate([x, node_attr], axis=-1) @ p["Wself"]
    return sc + agg


def _mp(x, node_attr, esrc, edst, eattr, elen, params):
    n = len(params)
    for i, p in enumerate(params):
        h = _conv(x, node_attr, esrc, edst, eattr, elen, p)
        x = jax.nn.gelu(h) if i < n - 1 else h
    return x


def reference(embed_on_edges, node_attr, edge_src, edge_dst, edge_attr, edge_length_embedding, batch, params_edges, params_final):
    x = _mp(embed_on_edges, node_attr, edge_src, edge_dst, edge_attr, edge_length_embedding, params_edges)
    atoms_fec = _mp(x, node_attr, edge_src, edge_dst, edge_attr, edge_length_embedding, params_final)
    # scatter over graph ids (per-graph energy sum)
    xg = jax.ops.segment_sum(atoms_fec, batch, num_segments=NG)
    # gumbel_softmax(tau=100, dim=1), soft; fixed-key gumbel noise for reproducibility
    u = jax.random.uniform(jax.random.key(7), xg.shape, jnp.float32, 1e-10, 1.0)
    g = -jnp.log(-jnp.log(u))
    y = jax.nn.softmax((xg + g) / 100.0, axis=1)
    return (y, atoms_fec)

if __name__ == "__main__":
    import jax
    _d = setup_inputs()
    print(jax.jit(kernel)(*tuple(_d.values())))

</pallas_src>

<mosaic_0001>
#map = affine_map<(d0, d1) -> (0, 0, 0)>
#map1 = affine_map<(d0, d1) -> (0)>
module attributes {stable_mosaic.version = 14 : i64} {
  func.func @_sc_body(%arg0: i32, %arg1: i32, %arg2: memref<2x51200x32xf32, #tpu.memory_space<hbm>>, %arg3: memref<2x800000x32xf32, #tpu.memory_space<hbm>>, %arg4: memref<800000xi32, #tpu.memory_space<hbm>>, %arg5: memref<800000xi32, #tpu.memory_space<hbm>>, %arg6: memref<2x51200x32xf32, #tpu.memory_space<hbm>>, %arg7: memref<200xi32, #tpu.memory_space<vmem>>, %arg8: memref<200xi32, #tpu.memory_space<vmem>>, %arg9: memref<200x32xf32, #tpu.memory_space<vmem>>, %arg10: memref<200x32xf32, #tpu.memory_space<vmem>>, %arg11: memref<200xi32, #tpu.memory_space<vmem>>, %arg12: memref<200xi32, #tpu.memory_space<vmem>>, %arg13: memref<200x32xf32, #tpu.memory_space<vmem>>, %arg14: memref<200x32xf32, #tpu.memory_space<vmem>>, %arg15: memref<51200x32xf32, #tpu.memory_space<vmem_shared>>, %arg16: memref<!tpu.dma_semaphore, #tpu.memory_space<semaphore_mem>>, %arg17: memref<!tpu.dma_semaphore, #tpu.memory_space<semaphore_mem>>, %arg18: memref<!tpu.dma_semaphore, #tpu.memory_space<semaphore_mem>>, %arg19: memref<!tpu.dma_semaphore, #tpu.memory_space<semaphore_mem>>) attributes {dimension_semantics = [#tpu.dimension_semantics<core_parallel>, #tpu.dimension_semantics<subcore_parallel>], iteration_bounds = array<i64: 2, 16>, scalar_prefetch = 0 : i64, scratch_operands = 13 : i64, tpu.core_type = #tpu.core_type<sc_vector_subcore>, window_params = [{transform_indices = #map}, {transform_indices = #map}, {transform_indices = #map1}, {transform_indices = #map1}, {transform_indices = #map}]} {
    %mul3A = arith.constant 50000 : i32
    %mul3A_0 = arith.muli %arg1, %mul3A : i32
    %mul3A_1 = arith.constant 3200 : i32
    %mul3A_2 = arith.muli %arg1, %mul3A_1 : i32
    %scan3A = arith.constant 0 : i32
    %scan3A_3 = arith.constant 0 : i32
    %scan3A_4 = arith.constant 200 : i32
    %scan3A_5 = arith.addi %scan3A_3, %scan3A_4 : i32
    %scan3A_6 = arith.constant 1 : i32
    scf.for %scan3A_71 = %scan3A_3 to %scan3A_5 step %scan3A_6  : i32 {
      %broadcast_in_dim3A = arith.constant 0.000000e+00 : f32
      %broadcast_in_dim3A_72 = vector.broadcast %broadcast_in_dim3A : f32 to vector<16xf32>
      %swap3A = arith.index_cast %scan3A_71 : i32 to index
      %swap3A_73 = arith.constant 0 : index
      %swap3A_74 = tpu.vector_load %arg9[%swap3A, %swap3A_73] {strides = array<i32>} : memref<200x32xf32, #tpu.memory_space<vmem>>, vector<1x16xf32>,
      %swap3A_75 = vector.shape_cast %swap3A_74 : vector<1x16xf32> to vector<16xf32>
      %swap3A_76 = vector.shape_cast %broadcast_in_dim3A_72 : vector<16xf32> to vector<1x16xf32>
      tpu.vector_store %arg9[%swap3A, %swap3A_73], %swap3A_76 {strides = array<i32>} : memref<200x32xf32, #tpu.memory_space<vmem>>, vector<1x16xf32>,
      %broadcast_in_dim3A_77 = arith.constant 0.000000e+00 : f32
      %broadcast_in_dim3A_78 = vector.broadcast %broadcast_in_dim3A_77 : f32 to vector<16xf32>
      %swap3A_79 = arith.index_cast %scan3A_71 : i32 to index
      %swap3A_80 = arith.constant 16 : index
      %swap3A_81 = tpu.vector_load %arg9[%swap3A_79, %swap3A_80] {strides = array<i32>} : memref<200x32xf32, #tpu.memory_space<vmem>>, vector<1x16xf32>,
      %swap3A_82 = vector.shape_cast %swap3A_81 : vector<1x16xf32> to vector<16xf32>
      %swap3A_83 = vector.shape_cast %broadcast_in_dim3A_78 : vector<16xf32> to vector<1x16xf32>
      tpu.vector_store %arg9[%swap3A_79, %swap3A_80], %swap3A_83 {strides = array<i32>} : memref<200x32xf32, #tpu.memory_space<vmem>>, vector<1x16xf32>,
    }
    %scan3A_7 = arith.constant 200 : i32
    %scan3A_8 = arith.constant 0 : i32
    %scan3A_9 = arith.constant 0 : i32
    %scan3A_10 = arith.constant 16 : i32
    %scan3A_11 = arith.addi %scan3A_9, %scan3A_10 : i32
    %scan3A_12 = arith.constant 1 : i32
    scf.for %scan3A_71 = %scan3A_9 to %scan3A_11 step %scan3A_12  : i32 {
      %mul3A_72 = arith.constant 200 : i32
      %mul3A_73 = arith.muli %scan3A_71, %mul3A_72 : i32
      %add3A_74 = arith.addi %mul3A_2, %mul3A_73 : i32
      "tpu.region"() ({
        %run_scoped3A = tpu.sem_alloc : memref<!tpu.dma_semaphore, #tpu.memory_space<semaphore_mem>>
        %dma_start3A_75 = arith.constant 0 : i32
        %dma_start3A_76 = arith.constant 0 : i32
        %dma_start3A_77 = tpu.memref_slice %arg9[%dma_start3A_75, %dma_start3A_76] : memref<200x32xf32, #tpu.memory_space<vmem>> -> memref<200x32xf32, #tpu.memory_space<vmem>>
        %dma_start3A_78 = arith.constant 0 : i32
        %dma_start3A_79 = tpu.memref_slice %arg15[%add3A_74, %dma_start3A_78] : memref<51200x32xf32, #tpu.memory_space<vmem_shared>> -> memref<200x32xf32, #tpu.memory_space<vmem_shared>>
        %dma_start3A_80 = arith.constant 0 : i32
        %dma_start3A_81 = tpu.memref_slice %arg15[%add3A_74, %dma_start3A_80] : memref<51200x32xf32, #tpu.memory_space<vmem_shared>> -> memref<200x32xf32, #tpu.memory_space<vmem_shared>>
        %dma_start3A_82 = arith.constant 0 : i32
        %dma_start3A_83 = arith.constant 0 : i32
        %dma_start3A_84 = tpu.memref_slice %arg9[%dma_start3A_82, %dma_start3A_83] : memref<200x32xf32, #tpu.memory_space<vmem>> -> memref<200x32xf32, #tpu.memory_space<vmem>>
        tpu.enqueue_dma source(%dma_start3A_84 : memref<200x32xf32, #tpu.memory_space<vmem>>) target(%dma_start3A_81 : memref<200x32xf32, #tpu.memory_space<vmem_shared>>) target_semaphore(%run_scoped3A : memref<!tpu.dma_semaphore, #tpu.memory_space<semaphore_mem>>)
        %dma_wait3A_85 = arith.constant 0 : i32
        %dma_wait3A_86 = arith.constant 0 : i32
        %dma_wait3A_87 = tpu.memref_slice %arg9[%dma_wait3A_85, %dma_wait3A_86] : memref<200x32xf32, #tpu.memory_space<vmem>> -> memref<200x32xf32, #tpu.memory_space<vmem>>
        %dma_wait3A_88 = arith.constant 0 : i32
        %dma_wait3A_89 = tpu.memref_slice %arg15[%add3A_74, %dma_wait3A_88] : memref<51200x32xf32, #tpu.memory_space<vmem_shared>> -> memref<200x32xf32, #tpu.memory_space<vmem_shared>>
        %dma_wait3A_90 = arith.constant 0 : i32
        %dma_wait3A_91 = tpu.memref_slice %arg15[%add3A_74, %dma_wait3A_90] : memref<51200x32xf32, #tpu.memory_space<vmem_shared>> -> memref<200x32xf32, #tpu.memory_space<vmem_shared>>
        %dma_wait3A_92 = arith.constant 0 : i32
        %dma_wait3A_93 = arith.constant 0 : i32
        %dma_wait3A_94 = tpu.memref_slice %arg9[%dma_wait3A_92, %dma_wait3A_93] : memref<200x32xf32, #tpu.memory_space<vmem>> -> memref<200x32xf32, #tpu.memory_space<vmem>>
        tpu.wait_dma2 semaphore(%run_scoped3A : memref<!tpu.dma_semaphore, #tpu.memory_space<semaphore_mem>>) src(%dma_wait3A_94 : memref<200x32xf32, #tpu.memory_space<vmem>>) dst(%dma_wait3A_91 : memref<200x32xf32, #tpu.memory_space<vmem_shared>>)
        tpu.yield
      }) : () -> ()
    }
    %scan3A_13 = arith.constant 16 : i32
    %barrier3A = arith.constant 0 : index
    tpu.barrier barrier_id(%barrier3A)
    %add3A = arith.constant 0 : i32
    %add3A_14 = arith.addi %mul3A_0, %add3A : i32
    %dma_start3A = tpu.memref_slice %arg4[%add3A_14] : memref<800000xi32, #tpu.memory_space<hbm>> -> memref<200xi32, #tpu.memory_space<hbm>>
    %dma_start3A_15 = tpu.memref_slice %arg4[%add3A_14] : memref<800000xi32, #tpu.memory_space<hbm>> -> memref<200xi32, #tpu.memory_space<hbm>>
    tpu.enqueue_dma source(%dma_start3A_15 : memref<200xi32, #tpu.memory_space<hbm>>) target(%arg7 : memref<200xi32, #tpu.memory_space<vmem>>) target_semaphore(%arg16 : memref<!tpu.dma_semaphore, #tpu.memory_space<semaphore_mem>>)
    %dma_start3A_16 = tpu.memref_slice %arg5[%add3A_14] : memref<800000xi32, #tpu.memory_space<hbm>> -> memref<200xi32, #tpu.memory_space<hbm>>
    %dma_start3A_17 = tpu.memref_slice %arg5[%add3A_14] : memref<800000xi32, #tpu.memory_space<hbm>> -> memref<200xi32, #tpu.memory_space<hbm>>
    tpu.enqueue_dma source(%dma_start3A_17 : memref<200xi32, #tpu.memory_space<hbm>>) target(%arg8 : memref<200xi32, #tpu.memory_space<vmem>>) target_semaphore(%arg16 : memref<!tpu.dma_semaphore, #tpu.memory_space<semaphore_mem>>)
    %dma_start3A_18 = arith.constant 0 : i32
    %dma_start3A_19 = arith.constant 0 : i32
    %dma_start3A_20 = tpu.memref_slice %arg3[%arg0, %dma_start3A_18, %dma_start3A_19] : memref<2x800000x32xf32, #tpu.memory_space<hbm>> -> memref<1x800000x32xf32, #tpu.memory_space<hbm>>
    %dma_start3A_21 = tpu.memref_squeeze %dma_start3A_20 : memref<1x800000x32xf32, #tpu.memory_space<hbm>> -> memref<800000x32xf32, #tpu.memory_space<hbm>>
    %dma_start3A_22 = arith.constant 0 : i32
    %dma_start3A_23 = tpu.memref_slice %dma_start3A_21[%add3A_14, %dma_start3A_22] : memref<800000x32xf32, #tpu.memory_space<hbm>> -> memref<200x32xf32, #tpu.memory_space<hbm>>
    %dma_start3A_24 = arith.constant 0 : i32
    %dma_start3A_25 = arith.constant 0 : i32
    %dma_start3A_26 = tpu.memref_slice %arg3[%arg0, %dma_start3A_24, %dma_start3A_25] : memref<2x800000x32xf32, #tpu.memory_space<hbm>> -> memref<1x800000x32xf32, #tpu.memory_space<hbm>>
    %dma_start3A_27 = tpu.memref_squeeze %dma_start3A_26 : memref<1x800000x32xf32, #tpu.memory_space<hbm>> -> memref<800000x32xf32, #tpu.memory_space<hbm>>
    %dma_start3A_28 = arith.constant 0 : i32
    %dma_start3A_29 = tpu.memref_slice %dma_start3A_27[%add3A_14, %dma_start3A_28] : memref<800000x32xf32, #tpu.memory_space<hbm>> -> memref<200x32xf32, #tpu.memory_space<hbm>>
    tpu.enqueue_dma source(%dma_start3A_29 : memref<200x32xf32, #tpu.memory_space<hbm>>) target(%arg10 : memref<200x32xf32, #tpu.memory_space<vmem>>) target_semaphore(%arg16 : memref<!tpu.dma_semaphore, #tpu.memory_space<semaphore_mem>>)
    %dma_wait3A = arith.constant 0 : i32
    %dma_wait3A_30 = tpu.memref_slice %arg4[%dma_wait3A] : memref<800000xi32, #tpu.memory_space<hbm>> -> memref<200xi32, #tpu.memory_space<hbm>>
    %dma_wait3A_31 = arith.constant 0 : i32
    %dma_wait3A_32 = tpu.memref_slice %arg4[%dma_wait3A_31] : memref<800000xi32, #tpu.memory_space<hbm>> -> memref<200xi32, #tpu.memory_space<hbm>>
    tpu.wait_dma2 semaphore(%arg16 : memref<!tpu.dma_semaphore, #tpu.memory_space<semaphore_mem>>) src(%dma_wait3A_32 : memref<200xi32, #tpu.memory_space<hbm>>) dst(%arg7 : memref<200xi32, #tpu.memory_space<vmem>>)
    %dma_wait3A_33 = arith.constant 0 : i32
    %dma_wait3A_34 = tpu.memref_slice %arg5[%dma_wait3A_33] : memref<800000xi32, #tpu.memory_space<hbm>> -> memref<200xi32, #tpu.memory_space<hbm>>
    %dma_wait3A_35 = arith.constant 0 : i32
    %dma_wait3A_36 = tpu.memref_slice %arg5[%dma_wait3A_35] : memref<800000xi32, #tpu.memory_space<hbm>> -> memref<200xi32, #tpu.memory_space<hbm>>
    tpu.wait_dma2 semaphore(%arg16 : memref<!tpu.dma_semaphore, #tpu.memory_space<semaphore_mem>>) src(%dma_wait3A_36 : memref<200xi32, #tpu.memory_space<hbm>>) dst(%arg8 : memref<200xi32, #tpu.memory_space<vmem>>)
    %dma_wait3A_37 = arith.constant 0 : i32
    %dma_wait3A_38 = arith.constant 0 : i32
    %dma_wait3A_39 = tpu.memref_slice %arg3[%arg0, %dma_wait3A_37, %dma_wait3A_38] : memref<2x800000x32xf32, #tpu.memory_space<hbm>> -> memref<1x800000x32xf32, #tpu.memory_space<hbm>>
    %dma_wait3A_40 = tpu.memref_squeeze %dma_wait3A_39 : memref<1x800000x32xf32, #tpu.memory_space<hbm>> -> memref<800000x32xf32, #tpu.memory_space<hbm>>
    %dma_wait3A_41 = arith.constant 0 : i32
    %dma_wait3A_42 = arith.constant 0 : i32
    %dma_wait3A_43 = tpu.memref_slice %dma_wait3A_40[%dma_wait3A_41, %dma_wait3A_42] : memref<800000x32xf32, #tpu.memory_space<hbm>> -> memref<200x32xf32, #tpu.memory_space<hbm>>
    %dma_wait3A_44 = arith.constant 0 : i32
    %dma_wait3A_45 = arith.constant 0 : i32
    %dma_wait3A_46 = tpu.memref_slice %arg3[%arg0, %dma_wait3A_44, %dma_wait3A_45] : memref<2x800000x32xf32, #tpu.memory_space<hbm>> -> memref<1x800000x32xf32, #tpu.memory_space<hbm>>
    %dma_wait3A_47 = tpu.memref_squeeze %dma_wait3A_46 : memref<1x800000x32xf32, #tpu.memory_space<hbm>> -> memref<800000x32xf32, #tpu.memory_space<hbm>>
    %dma_wait3A_48 = arith.constant 0 : i32
    %dma_wait3A_49 = arith.constant 0 : i32
    %dma_wait3A_50 = tpu.memref_slice %dma_wait3A_47[%dma_wait3A_48, %dma_wait3A_49] : memref<800000x32xf32, #tpu.memory_space<hbm>> -> memref<200x32xf32, #tpu.memory_space<hbm>>
    tpu.wait_dma2 semaphore(%arg16 : memref<!tpu.dma_semaphore, #tpu.memory_space<semaphore_mem>>) src(%dma_wait3A_50 : memref<200x32xf32, #tpu.memory_space<hbm>>) dst(%arg10 : memref<200x32xf32, #tpu.memory_space<vmem>>)
    %dma_start3A_51 = arith.constant 0 : i32
    %dma_start3A_52 = arith.constant 0 : i32
    %dma_start3A_53 = tpu.memref_slice %arg2[%arg0, %dma_start3A_51, %dma_start3A_52] : memref<2x51200x32xf32, #tpu.memory_space<hbm>> -> memref<1x51200x32xf32, #tpu.memory_space<hbm>>
    %dma_start3A_54 = tpu.memref_squeeze %dma_start3A_53 : memref<1x51200x32xf32, #tpu.memory_space<hbm>> -> memref<51200x32xf32, #tpu.memory_space<hbm>>
    %dma_start3A_55 = arith.constant 0 : i32
    %dma_start3A_56 = arith.constant 0 : i32
    %dma_start3A_57 = tpu.memref_slice %dma_start3A_54[%dma_start3A_55, %dma_start3A_56] : memref<51200x32xf32, #tpu.memory_space<hbm>> -> memref<51200x32xf32, #tpu.memory_space<hbm>>
    tpu.enqueue_indirect_dma source(%dma_start3A_57 : memref<51200x32xf32, #tpu.memory_space<hbm>>) target(%arg9 : memref<200x32xf32, #tpu.memory_space<vmem>>) offsets(%arg7 : memref<200xi32, #tpu.memory_space<vmem>>) semaphore(%arg18 : memref<!tpu.dma_semaphore, #tpu.memory_space<semaphore_mem>>)
    %scan3A_58 = arith.constant 0 : i32
    %scan3A_59 = arith.constant 0 : i32
    %scan3A_60 = arith.constant 125 : i32
    %scan3A_61 = arith.addi %scan3A_59, %scan3A_60 : i32
    %scan3A_62 = arith.constant 1 : i32
    scf.for %scan3A_71 = %scan3A_59 to %scan3A_61 step %scan3A_62  : i32 {
      %mul3A_72 = arith.constant 2 : i32
      %mul3A_73 = arith.muli %mul3A_72, %scan3A_71 : i32
      %mul3A_74 = arith.constant 2 : i32
      %mul3A_75 = arith.muli %mul3A_74, %scan3A_71 : i32
      %add3A_76 = arith.constant 1 : i32
      %add3A_77 = arith.addi %mul3A_75, %add3A_76 : i32
      %mul3A_78 = arith.constant 200 : i32
      %mul3A_79 = arith.muli %add3A_77, %mul3A_78 : i32
      %add3A_80 = arith.addi %mul3A_0, %mul3A_79 : i32
      %dma_start3A_81 = tpu.memref_slice %arg4[%add3A_80] : memref<800000xi32, #tpu.memory_space<hbm>> -> memref<200xi32, #tpu.memory_space<hbm>>
      %dma_start3A_82 = tpu.memref_slice %arg4[%add3A_80] : memref<800000xi32, #tpu.memory_space<hbm>> -> memref<200xi32, #tpu.memory_space<hbm>>
      tpu.enqueue_dma source(%dma_start3A_82 : memref<200xi32, #tpu.memory_space<hbm>>) target(%arg11 : memref<200xi32, #tpu.memory_space<vmem>>) target_semaphore(%arg17 : memref<!tpu.dma_semaphore, #tpu.memory_space<semaphore_mem>>)
      %dma_start3A_83 = tpu.memref_slice %arg5[%add3A_80] : memref<800000xi32, #tpu.memory_space<hbm>> -> memref<200xi32, #tpu.memory_space<hbm>>
      %dma_start3A_84 = tpu.memref_slice %arg5[%add3A_80] : memref<800000xi32, #tpu.memory_space<hbm>> -> memref<200xi32, #tpu.memory_space<hbm>>
      tpu.enqueue_dma source(%dma_start3A_84 : memref<200xi32, #tpu.memory_space<hbm>>) target(%arg12 : memref<200xi32, #tpu.memory_space<vmem>>) target_semaphore(%arg17 : memref<!tpu.dma_semaphore, #tpu.memory_space<semaphore_mem>>)
      %dma_start3A_85 = arith.constant 0 : i32
      %dma_start3A_86 = arith.constant 0 : i32
      %dma_start3A_87 = tpu.memref_slice %arg3[%arg0, %dma_start3A_85, %dma_start3A_86] : memref<2x800000x32xf32, #tpu.memory_space<hbm>> -> memref<1x800000x32xf32, #tpu.memory_space<hbm>>
      %dma_start3A_88 = tpu.memref_squeeze %dma_start3A_87 : memref<1x800000x32xf32, #tpu.memory_space<hbm>> -> memref<800000x32xf32, #tpu.memory_space<hbm>>
      %dma_start3A_89 = arith.constant 0 : i32
      %dma_start3A_90 = tpu.memref_slice %dma_start3A_88[%add3A_80, %dma_start3A_89] : memref<800000x32xf32, #tpu.memory_space<hbm>> -> memref<200x32xf32, #tpu.memory_space<hbm>>
      %dma_start3A_91 = arith.constant 0 : i32
      %dma_start3A_92 = arith.constant 0 : i32
      %dma_start3A_93 = tpu.memref_slice %arg3[%arg0, %dma_start3A_91, %dma_start3A_92] : memref<2x800000x32xf32, #tpu.memory_space<hbm>> -> memref<1x800000x32xf32, #tpu.memory_space<hbm>>
      %dma_start3A_94 = tpu.memref_squeeze %dma_start3A_93 : memref<1x800000x32xf32, #tpu.memory_space<hbm>> -> memref<800000x32xf32, #tpu.memory_space<hbm>>
      %dma_start3A_95 = arith.constant 0 : i32
      %dma_start3A_96 = tpu.memref_slice %dma_start3A_94[%add3A_80, %dma_start3A_95] : memref<800000x32xf32, #tpu.memory_space<hbm>> -> memref<200x32xf32, #tpu.memory_space<hbm>>
      tpu.enqueue_dma source(%dma_start3A_96 : memref<200x32xf32, #tpu.memory_space<hbm>>) target(%arg14 : memref<200x32xf32, #tpu.memory_space<vmem>>) target_semaphore(%arg17 : memref<!tpu.dma_semaphore, #tpu.memory_space<semaphore_mem>>)
      %dma_wait3A_97 = arith.constant 0 : i32
      %dma_wait3A_98 = arith.constant 0 : i32
      %dma_wait3A_99 = tpu.memref_slice %arg2[%arg0, %dma_wait3A_97, %dma_wait3A_98] : memref<2x51200x32xf32, #tpu.memory_space<hbm>> -> memref<1x51200x32xf32, #tpu.memory_space<hbm>>
      %dma_wait3A_100 = tpu.memref_squeeze %dma_wait3A_99 : memref<1x51200x32xf32, #tpu.memory_space<hbm>> -> memref<51200x32xf32, #tpu.memory_space<hbm>>
      %dma_wait3A_101 = arith.constant 0 : i32
      %dma_wait3A_102 = arith.constant 0 : i32
      %dma_wait3A_103 = tpu.memref_slice %dma_wait3A_100[%dma_wait3A_101, %dma_wait3A_102] : memref<51200x32xf32, #tpu.memory_space<hbm>> -> memref<51200x32xf32, #tpu.memory_space<hbm>>
      tpu.wait_indirect_dma semaphore(%arg18 : memref<!tpu.dma_semaphore, #tpu.memory_space<semaphore_mem>>) src(%dma_wait3A_103 : memref<51200x32xf32, #tpu.memory_space<hbm>>) dst(%arg9 : memref<200x32xf32, #tpu.memory_space<vmem>>)
      %dma_wait3A_104 = arith.constant 0 : i32
      %dma_wait3A_105 = tpu.memref_slice %arg4[%dma_wait3A_104] : memref<800000xi32, #tpu.memory_space<hbm>> -> memref<200xi32, #tpu.memory_space<hbm>>
      %dma_wait3A_106 = arith.constant 0 : i32
      %dma_wait3A_107 = tpu.memref_slice %arg4[%dma_wait3A_106] : memref<800000xi32, #tpu.memory_space<hbm>> -> memref<200xi32, #tpu.memory_space<hbm>>
      tpu.wait_dma2 semaphore(%arg17 : memref<!tpu.dma_semaphore, #tpu.memory_space<semaphore_mem>>) src(%dma_wait3A_107 : memref<200xi32, #tpu.memory_space<hbm>>) dst(%arg11 : memref<200xi32, #tpu.memory_space<vmem>>)
      %dma_wait3A_108 = arith.constant 0 : i32
      %dma_wait3A_109 = tpu.memref_slice %arg5[%dma_wait3A_108] : memref<800000xi32, #tpu.memory_space<hbm>> -> memref<200xi32, #tpu.memory_space<hbm>>
      %dma_wait3A_110 = arith.constant 0 : i32
      %dma_wait3A_111 = tpu.memref_slice %arg5[%dma_wait3A_110] : memref<800000xi32, #tpu.memory_space<hbm>> -> memref<200xi32, #tpu.memory_space<hbm>>
      tpu.wait_dma2 semaphore(%arg17 : memref<!tpu.dma_semaphore, #tpu.memory_space<semaphore_mem>>) src(%dma_wait3A_111 : memref<200xi32, #tpu.memory_space<hbm>>) dst(%arg12 : memref<200xi32, #tpu.memory_space<vmem>>)
      %dma_wait3A_112 = arith.constant 0 : i32
      %dma_wait3A_113 = arith.constant 0 : i32
      %dma_wait3A_114 = tpu.memref_slice %arg3[%arg0, %dma_wait3A_112, %dma_wait3A_113] : memref<2x800000x32xf32, #tpu.memory_space<hbm>> -> memref<1x800000x32xf32, #tpu.memory_space<hbm>>
      %dma_wait3A_115 = tpu.memref_squeeze %dma_wait3A_114 : memref<1x800000x32xf32, #tpu.memory_space<hbm>> -> memref<800000x32xf32, #tpu.memory_space<hbm>>
      %dma_wait3A_116 = arith.constant 0 : i32
      %dma_wait3A_117 = arith.constant 0 : i32
      %dma_wait3A_118 = tpu.memref_slice %dma_wait3A_115[%dma_wait3A_116, %dma_wait3A_117] : memref<800000x32xf32, #tpu.memory_space<hbm>> -> memref<200x32xf32, #tpu.memory_space<hbm>>
      %dma_wait3A_119 = arith.constant 0 : i32
      %dma_wait3A_120 = arith.constant 0 : i32
      %dma_wait3A_121 = tpu.memref_slice %arg3[%arg0, %dma_wait3A_119, %dma_wait3A_120] : memref<2x800000x32xf32, #tpu.memory_space<hbm>> -> memref<1x800000x32xf32, #tpu.memory_space<hbm>>
      %dma_wait3A_122 = tpu.memref_squeeze %dma_wait3A_121 : memref<1x800000x32xf32, #tpu.memory_space<hbm>> -> memref<800000x32xf32, #tpu.memory_space<hbm>>
      %dma_wait3A_123 = arith.constant 0 : i32
      %dma_wait3A_124 = arith.constant 0 : i32
      %dma_wait3A_125 = tpu.memref_slice %dma_wait3A_122[%dma_wait3A_123, %dma_wait3A_124] : memref<800000x32xf32, #tpu.memory_space<hbm>> -> memref<200x32xf32, #tpu.memory_space<hbm>>
      tpu.wait_dma2 semaphore(%arg17 : memref<!tpu.dma_semaphore, #tpu.memory_space<semaphore_mem>>) src(%dma_wait3A_125 : memref<200x32xf32, #tpu.memory_space<hbm>>) dst(%arg14 : memref<200x32xf32, #tpu.memory_space<vmem>>)
      %dma_start3A_126 = arith.constant 0 : i32
      %dma_start3A_127 = arith.constant 0 : i32
      %dma_start3A_128 = tpu.memref_slice %arg2[%arg0, %dma_start3A_126, %dma_start3A_127] : memref<2x51200x32xf32, #tpu.memory_space<hbm>> -> memref<1x51200x32xf32, #tpu.memory_space<hbm>>
      %dma_start3A_129 = tpu.memref_squeeze %dma_start3A_128 : memref<1x51200x32xf32, #tpu.memory_space<hbm>> -> memref<51200x32xf32, #tpu.memory_space<hbm>>
      %dma_start3A_130 = arith.constant 0 : i32
      %dma_start3A_131 = arith.constant 0 : i32
      %dma_start3A_132 = tpu.memref_slice %dma_start3A_129[%dma_start3A_130, %dma_start3A_131] : memref<51200x32xf32, #tpu.memory_space<hbm>> -> memref<51200x32xf32, #tpu.memory_space<hbm>>
      tpu.enqueue_indirect_dma source(%dma_start3A_132 : memref<51200x32xf32, #tpu.memory_space<hbm>>) target(%arg13 : memref<200x32xf32, #tpu.memory_space<vmem>>) offsets(%arg11 : memref<200xi32, #tpu.memory_space<vmem>>) semaphore(%arg19 : memref<!tpu.dma_semaphore, #tpu.memory_space<semaphore_mem>>)
      %parallel_loop3A = arith.constant 0 : i32
      %parallel_loop3A_133 = arith.constant 200 : i32
      %parallel_loop3A_134 = arith.constant 1 : i32
      scf.for %parallel_loop3A_141 = %parallel_loop3A to %parallel_loop3A_133 step %parallel_loop3A_134  : i32 {
        %parallel_loop3A_142 = arith.index_cast %parallel_loop3A_141 : i32 to index
        %parallel_loop3A_143 = arith.constant 0 : index
        %parallel_loop3A_144 = tpu.vector_load %arg9[%parallel_loop3A_142, %parallel_loop3A_143] {strides = array<i32>} : memref<200x32xf32, #tpu.memory_space<vmem>>, vector<1x16xf32>,
        %parallel_loop3A_145 = vector.shape_cast %parallel_loop3A_144 : vector<1x16xf32> to vector<16xf32>
        %parallel_loop3A_146 = arith.index_cast %parallel_loop3A_141 : i32 to index
        %parallel_loop3A_147 = arith.constant 0 : index
        %parallel_loop3A_148 = tpu.vector_load %arg10[%parallel_loop3A_146, %parallel_loop3A_147] {strides = array<i32>} : memref<200x32xf32, #tpu.memory_space<vmem>>, vector<1x16xf32>,
        %parallel_loop3A_149 = vector.shape_cast %parallel_loop3A_148 : vector<1x16xf32> to vector<16xf32>
        %parallel_loop3A_150 = arith.mulf %parallel_loop3A_145, %parallel_loop3A_149 : vector<16xf32>
        %parallel_loop3A_151 = arith.index_cast %parallel_loop3A_141 : i32 to index
        %parallel_loop3A_152 = arith.constant 0 : index
        %parallel_loop3A_153 = tpu.vector_load %arg9[%parallel_loop3A_151, %parallel_loop3A_152] {strides = array<i32>} : memref<200x32xf32, #tpu.memory_space<vmem>>, vector<1x16xf32>,
        %parallel_loop3A_154 = vector.shape_cast %parallel_loop3A_153 : vector<1x16xf32> to vector<16xf32>
        %parallel_loop3A_155 = vector.shape_cast %parallel_loop3A_150 : vector<16xf32> to vector<1x16xf32>
        tpu.vector_store %arg9[%parallel_loop3A_151, %parallel_loop3A_152], %parallel_loop3A_155 {strides = array<i32>} : memref<200x32xf32, #tpu.memory_space<vmem>>, vector<1x16xf32>,
        %parallel_loop3A_156 = arith.index_cast %parallel_loop3A_141 : i32 to index
        %parallel_loop3A_157 = arith.constant 16 : index
        %parallel_loop3A_158 = tpu.vector_load %arg9[%parallel_loop3A_156, %parallel_loop3A_157] {strides = array<i32>} : memref<200x32xf32, #tpu.memory_space<vmem>>, vector<1x16xf32>,
        %parallel_loop3A_159 = vector.shape_cast %parallel_loop3A_158 : vector<1x16xf32> to vector<16xf32>
        %parallel_loop3A_160 = arith.index_cast %parallel_loop3A_141 : i32 to index
        %parallel_loop3A_161 = arith.constant 16 : index
        %parallel_loop3A_162 = tpu.vector_load %arg10[%parallel_loop3A_160, %parallel_loop3A_161] {strides = array<i32>} : memref<200x32xf32, #tpu.memory_space<vmem>>, vector<1x16xf32>,
        %parallel_loop3A_163 = vector.shape_cast %parallel_loop3A_162 : vector<1x16xf32> to vector<16xf32>
        %parallel_loop3A_164 = arith.mulf %parallel_loop3A_159, %parallel_loop3A_163 : vector<16xf32>
        %parallel_loop3A_165 = arith.index_cast %parallel_loop3A_141 : i32 to index
        %parallel_loop3A_166 = arith.constant 16 : index
        %parallel_loop3A_167 = tpu.vector_load %arg9[%parallel_loop3A_165, %parallel_loop3A_166] {strides = array<i32>} : memref<200x32xf32, #tpu.memory_space<vmem>>, vector<1x16xf32>,
        %parallel_loop3A_168 = vector.shape_cast %parallel_loop3A_167 : vector<1x16xf32> to vector<16xf32>
        %parallel_loop3A_169 = vector.shape_cast %parallel_loop3A_164 : vector<16xf32> to vector<1x16xf32>
        tpu.vector_store %arg9[%parallel_loop3A_165, %parallel_loop3A_166], %parallel_loop3A_169 {strides = array<i32>} : memref<200x32xf32, #tpu.memory_space<vmem>>, vector<1x16xf32>,
      } {sc.loop_unroll_factor = 4 : i64, sc.parallel_access}
      "tpu.region"() ({
        %run_scoped3A = tpu.sem_alloc : memref<!tpu.dma_semaphore, #tpu.memory_space<semaphore_mem>>
        %dma_start3A_141 = arith.constant 0 : i32
        %dma_start3A_142 = arith.constant 0 : i32
        %dma_start3A_143 = tpu.memref_slice %arg15[%dma_start3A_141, %dma_start3A_142] : memref<51200x32xf32, #tpu.memory_space<vmem_shared>> -> memref<51200x32xf32, #tpu.memory_space<vmem_shared>>
        tpu.enqueue_indirect_dma source(%arg9 : memref<200x32xf32, #tpu.memory_space<vmem>>) target(%dma_start3A_143 : memref<51200x32xf32, #tpu.memory_space<vmem_shared>>) offsets(%arg8 : memref<200xi32, #tpu.memory_space<vmem>>) semaphore(%run_scoped3A : memref<!tpu.dma_semaphore, #tpu.memory_space<semaphore_mem>>) {add = true}
        %dma_wait3A_144 = arith.constant 0 : i32
        %dma_wait3A_145 = arith.constant 0 : i32
        %dma_wait3A_146 = tpu.memref_slice %arg15[%dma_wait3A_144, %dma_wait3A_145] : memref<51200x32xf32, #tpu.memory_space<vmem_shared>> -> memref<51200x32xf32, #tpu.memory_space<vmem_shared>>
        tpu.wait_indirect_dma semaphore(%run_scoped3A : memref<!tpu.dma_semaphore, #tpu.memory_space<semaphore_mem>>) src(%arg9 : memref<200x32xf32, #tpu.memory_space<vmem>>) dst(%dma_wait3A_146 : memref<51200x32xf32, #tpu.memory_space<vmem_shared>>)
        tpu.yield
      }) : () -> ()
      %lt3A = arith.constant 124 : i32
      %lt3A_135 = arith.cmpi slt, %scan3A_71, %lt3A : i32
      %convert_element_type3A = arith.extui %lt3A_135 : i1 to i32
      %cond3A = arith.constant 0 : i32
      %cond3A_136 = arith.cmpi ne, %convert_element_type3A, %cond3A : i32
      scf.if %cond3A_136 {
        %mul3A_141 = arith.constant 2 : i32
        %mul3A_142 = arith.muli %mul3A_141, %scan3A_71 : i32
        %add3A_143 = arith.constant 1 : i32
        %add3A_144 = arith.addi %mul3A_142, %add3A_143 : i32
        %mul3A_145 = arith.constant 2 : i32
        %mul3A_146 = arith.muli %mul3A_145, %scan3A_71 : i32
        %add3A_147 = arith.constant 2 : i32
        %add3A_148 = arith.addi %mul3A_146, %add3A_147 : i32
        %mul3A_149 = arith.constant 200 : i32
        %mul3A_150 = arith.muli %add3A_148, %mul3A_149 : i32
        %add3A_151 = arith.addi %mul3A_0, %mul3A_150 : i32
        %dma_start3A_152 = tpu.memref_slice %arg4[%add3A_151] : memref<800000xi32, #tpu.memory_space<hbm>> -> memref<200xi32, #tpu.memory_space<hbm>>
        %dma_start3A_153 = tpu.memref_slice %arg4[%add3A_151] : memref<800000xi32, #tpu.memory_space<hbm>> -> memref<200xi32, #tpu.memory_space<hbm>>
        tpu.enqueue_dma source(%dma_start3A_153 : memref<200xi32, #tpu.memory_space<hbm>>) target(%arg7 : memref<200xi32, #tpu.memory_space<vmem>>) target_semaphore(%arg16 : memref<!tpu.dma_semaphore, #tpu.memory_space<semaphore_mem>>)
        %dma_start3A_154 = tpu.memref_slice %arg5[%add3A_151] : memref<800000xi32, #tpu.memory_space<hbm>> -> memref<200xi32, #tpu.memory_space<hbm>>
        %dma_start3A_155 = tpu.memref_slice %arg5[%add3A_151] : memref<800000xi32, #tpu.memory_space<hbm>> -> memref<200xi32, #tpu.memory_space<hbm>>
        tpu.enqueue_dma source(%dma_start3A_155 : memref<200xi32, #tpu.memory_space<hbm>>) target(%arg8 : memref<200xi32, #tpu.memory_space<vmem>>) target_semaphore(%arg16 : memref<!tpu.dma_semaphore, #tpu.memory_space<semaphore_mem>>)
        %dma_start3A_156 = arith.constant 0 : i32
        %dma_start3A_157 = arith.constant 0 : i32
        %dma_start3A_158 = tpu.memref_slice %arg3[%arg0, %dma_start3A_156, %dma_start3A_157] : memref<2x800000x32xf32, #tpu.memory_space<hbm>> -> memref<1x800000x32xf32, #tpu.memory_space<hbm>>
        %dma_start3A_159 = tpu.memref_squeeze %dma_start3A_158 : memref<1x800000x32xf32, #tpu.memory_space<hbm>> -> memref<800000x32xf32, #tpu.memory_space<hbm>>
        %dma_start3A_160 = arith.constant 0 : i32
        %dma_start3A_161 = tpu.memref_slice %dma_start3A_159[%add3A_151, %dma_start3A_160] : memref<800000x32xf32, #tpu.memory_space<hbm>> -> memref<200x32xf32, #tpu.memory_space<hbm>>
        %dma_start3A_162 = arith.constant 0 : i32
        %dma_start3A_163 = arith.constant 0 : i32
        %dma_start3A_164 = tpu.memref_slice %arg3[%arg0, %dma_start3A_162, %dma_start3A_163] : memref<2x800000x32xf32, #tpu.memory_space<hbm>> -> memref<1x800000x32xf32, #tpu.memory_space<hbm>>
        %dma_start3A_165 = tpu.memref_squeeze %dma_start3A_164 : memref<1x800000x32xf32, #tpu.memory_space<hbm>> -> memref<800000x32xf32, #tpu.memory_space<hbm>>
        %dma_start3A_166 = arith.constant 0 : i32
        %dma_start3A_167 = tpu.memref_slice %dma_start3A_165[%add3A_151, %dma_start3A_166] : memref<800000x32xf32, #tpu.memory_space<hbm>> -> memref<200x32xf32, #tpu.memory_space<hbm>>
        tpu.enqueue_dma source(%dma_start3A_167 : memref<200x32xf32, #tpu.memory_space<hbm>>) target(%arg10 : memref<200x32xf32, #tpu.memory_space<vmem>>) target_semaphore(%arg16 : memref<!tpu.dma_semaphore, #tpu.memory_space<semaphore_mem>>)
        %dma_wait3A_168 = arith.constant 0 : i32
        %dma_wait3A_169 = arith.constant 0 : i32
        %dma_wait3A_170 = tpu.memref_slice %arg2[%arg0, %dma_wait3A_168, %dma_wait3A_169] : memref<2x51200x32xf32, #tpu.memory_space<hbm>> -> memref<1x51200x32xf32, #tpu.memory_space<hbm>>
        %dma_wait3A_171 = tpu.memref_squeeze %dma_wait3A_170 : memref<1x51200x32xf32, #tpu.memory_space<hbm>> -> memref<51200x32xf32, #tpu.memory_space<hbm>>
        %dma_wait3A_172 = arith.constant 0 : i32
        %dma_wait3A_173 = arith.constant 0 : i32
        %dma_wait3A_174 = tpu.memref_slice %dma_wait3A_171[%dma_wait3A_172, %dma_wait3A_173] : memref<51200x32xf32, #tpu.memory_space<hbm>> -> memref<51200x32xf32, #tpu.memory_space<hbm>>
        tpu.wait_indirect_dma semaphore(%arg19 : memref<!tpu.dma_semaphore, #tpu.memory_space<semaphore_mem>>) src(%dma_wait3A_174 : memref<51200x32xf32, #tpu.memory_space<hbm>>) dst(%arg13 : memref<200x32xf32, #tpu.memory_space<vmem>>)
        %dma_wait3A_175 = arith.constant 0 : i32
        %dma_wait3A_176 = tpu.memref_slice %arg4[%dma_wait3A_175] : memref<800000xi32, #tpu.memory_space<hbm>> -> memref<200xi32, #tpu.memory_space<hbm>>
        %dma_wait3A_177 = arith.constant 0 : i32
        %dma_wait3A_178 = tpu.memref_slice %arg4[%dma_wait3A_177] : memref<800000xi32, #tpu.memory_space<hbm>> -> memref<200xi32, #tpu.memory_space<hbm>>
        tpu.wait_dma2 semaphore(%arg16 : memref<!tpu.dma_semaphore, #tpu.memory_space<semaphore_mem>>) src(%dma_wait3A_178 : memref<200xi32, #tpu.memory_space<hbm>>) dst(%arg7 : memref<200xi32, #tpu.memory_space<vmem>>)
        %dma_wait3A_179 = arith.constant 0 : i32
        %dma_wait3A_180 = tpu.memref_slice %arg5[%dma_wait3A_179] : memref<800000xi32, #tpu.memory_space<hbm>> -> memref<200xi32, #tpu.memory_space<hbm>>
        %dma_wait3A_181 = arith.constant 0 : i32
        %dma_wait3A_182 = tpu.memref_slice %arg5[%dma_wait3A_181] : memref<800000xi32, #tpu.memory_space<hbm>> -> memref<200xi32, #tpu.memory_space<hbm>>
        tpu.wait_dma2 semaphore(%arg16 : memref<!tpu.dma_semaphore, #tpu.memory_space<semaphore_mem>>) src(%dma_wait3A_182 : memref<200xi32, #tpu.memory_space<hbm>>) dst(%arg8 : memref<200xi32, #tpu.memory_space<vmem>>)
        %dma_wait3A_183 = arith.constant 0 : i32
        %dma_wait3A_184 = arith.constant 0 : i32
        %dma_wait3A_185 = tpu.memref_slice %arg3[%arg0, %dma_wait3A_183, %dma_wait3A_184] : memref<2x800000x32xf32, #tpu.memory_space<hbm>> -> memref<1x800000x32xf32, #tpu.memory_space<hbm>>
        %dma_wait3A_186 = tpu.memref_squeeze %dma_wait3A_185 : memref<1x800000x32xf32, #tpu.memory_space<hbm>> -> memref<800000x32xf32, #tpu.memory_space<hbm>>
        %dma_wait3A_187 = arith.constant 0 : i32
        %dma_wait3A_188 = arith.constant 0 : i32
        %dma_wait3A_189 = tpu.memref_slice %dma_wait3A_186[%dma_wait3A_187, %dma_wait3A_188] : memref<800000x32xf32, #tpu.memory_space<hbm>> -> memref<200x32xf32, #tpu.memory_space<hbm>>
        %dma_wait3A_190 = arith.constant 0 : i32
        %dma_wait3A_191 = arith.constant 0 : i32
        %dma_wait3A_192 = tpu.memref_slice %arg3[%arg0, %dma_wait3A_190, %dma_wait3A_191] : memref<2x800000x32xf32, #tpu.memory_space<hbm>> -> memref<1x800000x32xf32, #tpu.memory_space<hbm>>
        %dma_wait3A_193 = tpu.memref_squeeze %dma_wait3A_192 : memref<1x800000x32xf32, #tpu.memory_space<hbm>> -> memref<800000x32xf32, #tpu.memory_space<hbm>>
        %dma_wait3A_194 = arith.constant 0 : i32
        %dma_wait3A_195 = arith.constant 0 : i32
        %dma_wait3A_196 = tpu.memref_slice %dma_wait3A_193[%dma_wait3A_194, %dma_wait3A_195] : memref<800000x32xf32, #tpu.memory_space<hbm>> -> memref<200x32xf32, #tpu.memory_space<hbm>>
        tpu.wait_dma2 semaphore(%arg16 : memref<!tpu.dma_semaphore, #tpu.memory_space<semaphore_mem>>) src(%dma_wait3A_196 : memref<200x32xf32, #tpu.memory_space<hbm>>) dst(%arg10 : memref<200x32xf32, #tpu.memory_space<vmem>>)
        %dma_start3A_197 = arith.constant 0 : i32
        %dma_start3A_198 = arith.constant 0 : i32
        %dma_start3A_199 = tpu.memref_slice %arg2[%arg0, %dma_start3A_197, %dma_start3A_198] : memref<2x51200x32xf32, #tpu.memory_space<hbm>> -> memref<1x51200x32xf32, #tpu.memory_space<hbm>>
        %dma_start3A_200 = tpu.memref_squeeze %dma_start3A_199 : memref<1x51200x32xf32, #tpu.memory_space<hbm>> -> memref<51200x32xf32, #tpu.memory_space<hbm>>
        %dma_start3A_201 = arith.constant 0 : i32
        %dma_start3A_202 = arith.constant 0 : i32
        %dma_start3A_203 = tpu.memref_slice %dma_start3A_200[%dma_start3A_201, %dma_start3A_202] : memref<51200x32xf32, #tpu.memory_space<hbm>> -> memref<51200x32xf32, #tpu.memory_space<hbm>>
        tpu.enqueue_indirect_dma source(%dma_start3A_203 : memref<51200x32xf32, #tpu.memory_space<hbm>>) target(%arg9 : memref<200x32xf32, #tpu.memory_space<vmem>>) offsets(%arg7 : memref<200xi32, #tpu.memory_space<vmem>>) semaphore(%arg18 : memref<!tpu.dma_semaphore, #tpu.memory_space<semaphore_mem>>)
        %parallel_loop3A_204 = arith.constant 0 : i32
        %parallel_loop3A_205 = arith.constant 200 : i32
        %parallel_loop3A_206 = arith.constant 1 : i32
        scf.for %parallel_loop3A_207 = %parallel_loop3A_204 to %parallel_loop3A_205 step %parallel_loop3A_206  : i32 {
          %parallel_loop3A_208 = arith.index_cast %parallel_loop3A_207 : i32 to index
          %parallel_loop3A_209 = arith.constant 0 : index
          %parallel_loop3A_210 = tpu.vector_load %arg13[%parallel_loop3A_208, %parallel_loop3A_209] {strides = array<i32>} : memref<200x32xf32, #tpu.memory_space<vmem>>, vector<1x16xf32>,
          %parallel_loop3A_211 = vector.shape_cast %parallel_loop3A_210 : vector<1x16xf32> to vector<16xf32>
          %parallel_loop3A_212 = arith.index_cast %parallel_loop3A_207 : i32 to index
          %parallel_loop3A_213 = arith.constant 0 : index
          %parallel_loop3A_214 = tpu.vector_load %arg14[%parallel_loop3A_212, %parallel_loop3A_213] {strides = array<i32>} : memref<200x32xf32, #tpu.memory_space<vmem>>, vector<1x16xf32>,
          %parallel_loop3A_215 = vector.shape_cast %parallel_loop3A_214 : vector<1x16xf32> to vector<16xf32>
          %parallel_loop3A_216 = arith.mulf %parallel_loop3A_211, %parallel_loop3A_215 : vector<16xf32>
          %parallel_loop3A_217 = arith.index_cast %parallel_loop3A_207 : i32 to index
          %parallel_loop3A_218 = arith.constant 0 : index
          %parallel_loop3A_219 = tpu.vector_load %arg13[%parallel_loop3A_217, %parallel_loop3A_218] {strides = array<i32>} : memref<200x32xf32, #tpu.memory_space<vmem>>, vector<1x16xf32>,
          %parallel_loop3A_220 = vector.shape_cast %parallel_loop3A_219 : vector<1x16xf32> to vector<16xf32>
          %parallel_loop3A_221 = vector.shape_cast %parallel_loop3A_216 : vector<16xf32> to vector<1x16xf32>
          tpu.vector_store %arg13[%parallel_loop3A_217, %parallel_loop3A_218], %parallel_loop3A_221 {strides = array<i32>} : memref<200x32xf32, #tpu.memory_space<vmem>>, vector<1x16xf32>,
          %parallel_loop3A_222 = arith.index_cast %parallel_loop3A_207 : i32 to index
          %parallel_loop3A_223 = arith.constant 16 : index
          %parallel_loop3A_224 = tpu.vector_load %arg13[%parallel_loop3A_222, %parallel_loop3A_223] {strides = array<i32>} : memref<200x32xf32, #tpu.memory_space<vmem>>, vector<1x16xf32>,
          %parallel_loop3A_225 = vector.shape_cast %parallel_loop3A_224 : vector<1x16xf32> to vector<16xf32>
          %parallel_loop3A_226 = arith.index_cast %parallel_loop3A_207 : i32 to index
          %parallel_loop3A_227 = arith.constant 16 : index
          %parallel_loop3A_228 = tpu.vector_load %arg14[%parallel_loop3A_226, %parallel_loop3A_227] {strides = array<i32>} : memref<200x32xf32, #tpu.memory_space<vmem>>, vector<1x16xf32>,
          %parallel_loop3A_229 = vector.shape_cast %parallel_loop3A_228 : vector<1x16xf32> to vector<16xf32>
          %parallel_loop3A_230 = arith.mulf %parallel_loop3A_225, %parallel_loop3A_229 : vector<16xf32>
          %parallel_loop3A_231 = arith.index_cast %parallel_loop3A_207 : i32 to index
          %parallel_loop3A_232 = arith.constant 16 : index
          %parallel_loop3A_233 = tpu.vector_load %arg13[%parallel_loop3A_231, %parallel_loop3A_232] {strides = array<i32>} : memref<200x32xf32, #tpu.memory_space<vmem>>, vector<1x16xf32>,
          %parallel_loop3A_234 = vector.shape_cast %parallel_loop3A_233 : vector<1x16xf32> to vector<16xf32>
          %parallel_loop3A_235 = vector.shape_cast %parallel_loop3A_230 : vector<16xf32> to vector<1x16xf32>
          tpu.vector_store %arg13[%parallel_loop3A_231, %parallel_loop3A_232], %parallel_loop3A_235 {strides = array<i32>} : memref<200x32xf32, #tpu.memory_space<vmem>>, vector<1x16xf32>,
        } {sc.loop_unroll_factor = 4 : i64, sc.parallel_access}
        "tpu.region"() ({
          %run_scoped3A = tpu.sem_alloc : memref<!tpu.dma_semaphore, #tpu.memory_space<semaphore_mem>>
          %dma_start3A_207 = arith.constant 0 : i32
          %dma_start3A_208 = arith.constant 0 : i32
          %dma_start3A_209 = tpu.memref_slice %arg15[%dma_start3A_207, %dma_start3A_208] : memref<51200x32xf32, #tpu.memory_space<vmem_shared>> -> memref<51200x32xf32, #tpu.memory_space<vmem_shared>>
          tpu.enqueue_indirect_dma source(%arg13 : memref<200x32xf32, #tpu.memory_space<vmem>>) target(%dma_start3A_209 : memref<51200x32xf32, #tpu.memory_space<vmem_shared>>) offsets(%arg12 : memref<200xi32, #tpu.memory_space<vmem>>) semaphore(%run_scoped3A : memref<!tpu.dma_semaphore, #tpu.memory_space<semaphore_mem>>) {add = true}
          %dma_wait3A_210 = arith.constant 0 : i32
          %dma_wait3A_211 = arith.constant 0 : i32
          %dma_wait3A_212 = tpu.memref_slice %arg15[%dma_wait3A_210, %dma_wait3A_211] : memref<51200x32xf32, #tpu.memory_space<vmem_shared>> -> memref<51200x32xf32, #tpu.memory_space<vmem_shared>>
          tpu.wait_indirect_dma semaphore(%run_scoped3A : memref<!tpu.dma_semaphore, #tpu.memory_space<semaphore_mem>>) src(%arg13 : memref<200x32xf32, #tpu.memory_space<vmem>>) dst(%dma_wait3A_212 : memref<51200x32xf32, #tpu.memory_space<vmem_shared>>)
          tpu.yield
        }) : () -> ()
      } else {
      }
      %eq3A = arith.constant 124 : i32
      %eq3A_137 = arith.cmpi eq, %scan3A_71, %eq3A : i32
      %convert_element_type3A_138 = arith.extui %eq3A_137 : i1 to i32
      %cond3A_139 = arith.constant 0 : i32
      %cond3A_140 = arith.cmpi ne, %convert_element_type3A_138, %cond3A_139 : i32
      scf.if %cond3A_140 {
        %dma_wait3A_141 = arith.constant 0 : i32
        %dma_wait3A_142 = arith.constant 0 : i32
        %dma_wait3A_143 = tpu.memref_slice %arg2[%arg0, %dma_wait3A_141, %dma_wait3A_142] : memref<2x51200x32xf32, #tpu.memory_space<hbm>> -> memref<1x51200x32xf32, #tpu.memory_space<hbm>>
        %dma_wait3A_144 = tpu.memref_squeeze %dma_wait3A_143 : memref<1x51200x32xf32, #tpu.memory_space<hbm>> -> memref<51200x32xf32, #tpu.memory_space<hbm>>
        %dma_wait3A_145 = arith.constant 0 : i32
        %dma_wait3A_146 = arith.constant 0 : i32
        %dma_wait3A_147 = tpu.memref_slice %dma_wait3A_144[%dma_wait3A_145, %dma_wait3A_146] : memref<51200x32xf32, #tpu.memory_space<hbm>> -> memref<51200x32xf32, #tpu.memory_space<hbm>>
        tpu.wait_indirect_dma semaphore(%arg19 : memref<!tpu.dma_semaphore, #tpu.memory_space<semaphore_mem>>) src(%dma_wait3A_147 : memref<51200x32xf32, #tpu.memory_space<hbm>>) dst(%arg13 : memref<200x32xf32, #tpu.memory_space<vmem>>)
        %parallel_loop3A_148 = arith.constant 0 : i32
        %parallel_loop3A_149 = arith.constant 200 : i32
        %parallel_loop3A_150 = arith.constant 1 : i32
        scf.for %parallel_loop3A_151 = %parallel_loop3A_148 to %parallel_loop3A_149 step %parallel_loop3A_150  : i32 {
          %parallel_loop3A_152 = arith.index_cast %parallel_loop3A_151 : i32 to index
          %parallel_loop3A_153 = arith.constant 0 : index
          %parallel_loop3A_154 = tpu.vector_load %arg13[%parallel_loop3A_152, %parallel_loop3A_153] {strides = array<i32>} : memref<200x32xf32, #tpu.memory_space<vmem>>, vector<1x16xf32>,
          %parallel_loop3A_155 = vector.shape_cast %parallel_loop3A_154 : vector<1x16xf32> to vector<16xf32>
          %parallel_loop3A_156 = arith.index_cast %parallel_loop3A_151 : i32 to index
          %parallel_loop3A_157 = arith.constant 0 : index
          %parallel_loop3A_158 = tpu.vector_load %arg14[%parallel_loop3A_156, %parallel_loop3A_157] {strides = array<i32>} : memref<200x32xf32, #tpu.memory_space<vmem>>, vector<1x16xf32>,
          %parallel_loop3A_159 = vector.shape_cast %parallel_loop3A_158 : vector<1x16xf32> to vector<16xf32>
          %parallel_loop3A_160 = arith.mulf %parallel_loop3A_155, %parallel_loop3A_159 : vector<16xf32>
          %parallel_loop3A_161 = arith.index_cast %parallel_loop3A_151 : i32 to index
          %parallel_loop3A_162 = arith.constant 0 : index
          %parallel_loop3A_163 = tpu.vector_load %arg13[%parallel_loop3A_161, %parallel_loop3A_162] {strides = array<i32>} : memref<200x32xf32, #tpu.memory_space<vmem>>, vector<1x16xf32>,
          %parallel_loop3A_164 = vector.shape_cast %parallel_loop3A_163 : vector<1x16xf32> to vector<16xf32>
          %parallel_loop3A_165 = vector.shape_cast %parallel_loop3A_160 : vector<16xf32> to vector<1x16xf32>
          tpu.vector_store %arg13[%parallel_loop3A_161, %parallel_loop3A_162], %parallel_loop3A_165 {strides = array<i32>} : memref<200x32xf32, #tpu.memory_space<vmem>>, vector<1x16xf32>,
          %parallel_loop3A_166 = arith.index_cast %parallel_loop3A_151 : i32 to index
          %parallel_loop3A_167 = arith.constant 16 : index
          %parallel_loop3A_168 = tpu.vector_load %arg13[%parallel_loop3A_166, %parallel_loop3A_167] {strides = array<i32>} : memref<200x32xf32, #tpu.memory_space<vmem>>, vector<1x16xf32>,
          %parallel_loop3A_169 = vector.shape_cast %parallel_loop3A_168 : vector<1x16xf32> to vector<16xf32>
          %parallel_loop3A_170 = arith.index_cast %parallel_loop3A_151 : i32 to index
          %parallel_loop3A_171 = arith.constant 16 : index
          %parallel_loop3A_172 = tpu.vector_load %arg14[%parallel_loop3A_170, %parallel_loop3A_171] {strides = array<i32>} : memref<200x32xf32, #tpu.memory_space<vmem>>, vector<1x16xf32>,
          %parallel_loop3A_173 = vector.shape_cast %parallel_loop3A_172 : vector<1x16xf32> to vector<16xf32>
          %parallel_loop3A_174 = arith.mulf %parallel_loop3A_169, %parallel_loop3A_173 : vector<16xf32>
          %parallel_loop3A_175 = arith.index_cast %parallel_loop3A_151 : i32 to index
          %parallel_loop3A_176 = arith.constant 16 : index
          %parallel_loop3A_177 = tpu.vector_load %arg13[%parallel_loop3A_175, %parallel_loop3A_176] {strides = array<i32>} : memref<200x32xf32, #tpu.memory_space<vmem>>, vector<1x16xf32>,
          %parallel_loop3A_178 = vector.shape_cast %parallel_loop3A_177 : vector<1x16xf32> to vector<16xf32>
          %parallel_loop3A_179 = vector.shape_cast %parallel_loop3A_174 : vector<16xf32> to vector<1x16xf32>
          tpu.vector_store %arg13[%parallel_loop3A_175, %parallel_loop3A_176], %parallel_loop3A_179 {strides = array<i32>} : memref<200x32xf32, #tpu.memory_space<vmem>>, vector<1x16xf32>,
        } {sc.loop_unroll_factor = 4 : i64, sc.parallel_access}
        "tpu.region"() ({
          %run_scoped3A = tpu.sem_alloc : memref<!tpu.dma_semaphore, #tpu.memory_space<semaphore_mem>>
          %dma_start3A_151 = arith.constant 0 : i32
          %dma_start3A_152 = arith.constant 0 : i32
          %dma_start3A_153 = tpu.memref_slice %arg15[%dma_start3A_151, %dma_start3A_152] : memref<51200x32xf32, #tpu.memory_space<vmem_shared>> -> memref<51200x32xf32, #tpu.memory_space<vmem_shared>>
          tpu.enqueue_indirect_dma source(%arg13 : memref<200x32xf32, #tpu.memory_space<vmem>>) target(%dma_start3A_153 : memref<51200x32xf32, #tpu.memory_space<vmem_shared>>) offsets(%arg12 : memref<200xi32, #tpu.memory_space<vmem>>) semaphore(%run_scoped3A : memref<!tpu.dma_semaphore, #tpu.memory_space<semaphore_mem>>) {add = true}
          %dma_wait3A_154 = arith.constant 0 : i32
          %dma_wait3A_155 = arith.constant 0 : i32
          %dma_wait3A_156 = tpu.memref_slice %arg15[%dma_wait3A_154, %dma_wait3A_155] : memref<51200x32xf32, #tpu.memory_space<vmem_shared>> -> memref<51200x32xf32, #tpu.memory_space<vmem_shared>>
          tpu.wait_indirect_dma semaphore(%run_scoped3A : memref<!tpu.dma_semaphore, #tpu.memory_space<semaphore_mem>>) src(%arg13 : memref<200x32xf32, #tpu.memory_space<vmem>>) dst(%dma_wait3A_156 : memref<51200x32xf32, #tpu.memory_space<vmem_shared>>)
          tpu.yield
        }) : () -> ()
      } else {
      }
    }
    %scan3A_63 = arith.constant 125 : i32
    %barrier3A_64 = arith.constant 0 : index
    tpu.barrier barrier_id(%barrier3A_64)
    %scan3A_65 = arith.constant 0 : i32
    %scan3A_66 = arith.constant 0 : i32
    %scan3A_67 = arith.constant 16 : i32
    %scan3A_68 = arith.addi %scan3A_66, %scan3A_67 : i32
    %scan3A_69 = arith.constant 1 : i32
    scf.for %scan3A_71 = %scan3A_66 to %scan3A_68 step %scan3A_69  : i32 {
      %mul3A_72 = arith.constant 200 : i32
      %mul3A_73 = arith.muli %scan3A_71, %mul3A_72 : i32
      %add3A_74 = arith.addi %mul3A_2, %mul3A_73 : i32
      "tpu.region"() ({
        %run_scoped3A = tpu.sem_alloc : memref<!tpu.dma_semaphore, #tpu.memory_space<semaphore_mem>>
        %dma_start3A_75 = arith.constant 0 : i32
        %dma_start3A_76 = arith.constant 0 : i32
        %dma_start3A_77 = tpu.memref_slice %arg6[%arg0, %dma_start3A_75, %dma_start3A_76] : memref<2x51200x32xf32, #tpu.memory_space<hbm>> -> memref<1x51200x32xf32, #tpu.memory_space<hbm>>
        %dma_start3A_78 = tpu.memref_squeeze %dma_start3A_77 : memref<1x51200x32xf32, #tpu.memory_space<hbm>> -> memref<51200x32xf32, #tpu.memory_space<hbm>>
        %dma_start3A_79 = arith.constant 0 : i32
        %dma_start3A_80 = tpu.memref_slice %dma_start3A_78[%add3A_74, %dma_start3A_79] : memref<51200x32xf32, #tpu.memory_space<hbm>> -> memref<200x32xf32, #tpu.memory_space<hbm>>
        %dma_start3A_81 = arith.constant 0 : i32
        %dma_start3A_82 = tpu.memref_slice %arg15[%add3A_74, %dma_start3A_81] : memref<51200x32xf32, #tpu.memory_space<vmem_shared>> -> memref<200x32xf32, #tpu.memory_space<vmem_shared>>
        tpu.enqueue_dma source(%dma_start3A_82 : memref<200x32xf32, #tpu.memory_space<vmem_shared>>) target(%dma_start3A_80 : memref<200x32xf32, #tpu.memory_space<hbm>>) target_semaphore(%run_scoped3A : memref<!tpu.dma_semaphore, #tpu.memory_space<semaphore_mem>>)
        %dma_wait3A_83 = arith.constant 0 : i32
        %dma_wait3A_84 = arith.constant 0 : i32
        %dma_wait3A_85 = tpu.memref_slice %arg6[%arg0, %dma_wait3A_83, %dma_wait3A_84] : memref<2x51200x32xf32, #tpu.memory_space<hbm>> -> memref<1x51200x32xf32, #tpu.memory_space<hbm>>
        %dma_wait3A_86 = tpu.memref_squeeze %dma_wait3A_85 : memref<1x51200x32xf32, #tpu.memory_space<hbm>> -> memref<51200x32xf32, #tpu.memory_space<hbm>>
        %dma_wait3A_87 = arith.constant 0 : i32
        %dma_wait3A_88 = tpu.memref_slice %dma_wait3A_86[%add3A_74, %dma_wait3A_87] : memref<51200x32xf32, #tpu.memory_space<hbm>> -> memref<200x32xf32, #tpu.memory_space<hbm>>
        %dma_wait3A_89 = arith.constant 0 : i32
        %dma_wait3A_90 = tpu.memref_slice %arg15[%add3A_74, %dma_wait3A_89] : memref<51200x32xf32, #tpu.memory_space<vmem_shared>> -> memref<200x32xf32, #tpu.memory_space<vmem_shared>>
        tpu.wait_dma2 semaphore(%run_scoped3A : memref<!tpu.dma_semaphore, #tpu.memory_space<semaphore_mem>>) src(%dma_wait3A_90 : memref<200x32xf32, #tpu.memory_space<vmem_shared>>) dst(%dma_wait3A_88 : memref<200x32xf32, #tpu.memory_space<hbm>>)
        tpu.yield
      }) : () -> ()
    }
    %scan3A_70 = arith.constant 16 : i32
    return
  }
}

#map = affine_map<(d0, d1) -> (0, 0, 0)>
#map1 = affine_map<(d0, d1) -> (0)>
module attributes {stable_mosaic.version = 14 : i64} {
  func.func @_sc_body(%arg0: i32, %arg1: i32, %arg2: memref<2x51200x32xf32, #tpu.memory_space<hbm>>, %arg3: memref<2x800000x32xf32, #tpu.memory_space<hbm>>, %arg4: memref<800000xi32, #tpu.memory_space<hbm>>, %arg5: memref<800000xi32, #tpu.memory_space<hbm>>, %arg6: memref<2x51200x32xf32, #tpu.memory_space<hbm>>, %arg7: memref<200xi32, #tpu.memory_space<vmem>>, %arg8: memref<200xi32, #tpu.memory_space<vmem>>, %arg9: memref<200x32xf32, #tpu.memory_space<vmem>>, %arg10: memref<200x32xf32, #tpu.memory_space<vmem>>, %arg11: memref<200xi32, #tpu.memory_space<vmem>>, %arg12: memref<200xi32, #tpu.memory_space<vmem>>, %arg13: memref<200x32xf32, #tpu.memory_space<vmem>>, %arg14: memref<200x32xf32, #tpu.memory_space<vmem>>, %arg15: memref<51200x32xf32, #tpu.memory_space<vmem_shared>>, %arg16: memref<!tpu.dma_semaphore, #tpu.memory_space<semaphore_mem>>, %arg17: memref<!tpu.dma_semaphore, #tpu.memory_space<semaphore_mem>>, %arg18: memref<!tpu.dma_semaphore, #tpu.memory_space<semaphore_mem>>, %arg19: memref<!tpu.dma_semaphore, #tpu.memory_space<semaphore_mem>>) attributes {dimension_semantics = [#tpu.dimension_semantics<core_parallel>, #tpu.dimension_semantics<subcore_parallel>], iteration_bounds = array<i64: 2, 16>, scalar_prefetch = 0 : i64, scratch_operands = 13 : i64, tpu.core_type = #tpu.core_type<sc_vector_subcore>, window_params = [{transform_indices = #map}, {transform_indices = #map}, {transform_indices = #map1}, {transform_indices = #map1}, {transform_indices = #map}]} {
    %mul3A = arith.constant 50000 : i32
    %mul3A_0 = arith.muli %arg1, %mul3A : i32
    %mul3A_1 = arith.constant 3200 : i32
    %mul3A_2 = arith.muli %arg1, %mul3A_1 : i32
    %scan3A = arith.constant 0 : i32
    %scan3A_3 = arith.constant 0 : i32
    %scan3A_4 = arith.constant 200 : i32
    %scan3A_5 = arith.addi %scan3A_3, %scan3A_4 : i32
    %scan3A_6 = arith.constant 1 : i32
    scf.for %scan3A_71 = %scan3A_3 to %scan3A_5 step %scan3A_6  : i32 {
      %broadcast_in_dim3A = arith.constant 0.000000e+00 : f32
      %broadcast_in_dim3A_72 = vector.broadcast %broadcast_in_dim3A : f32 to vector<16xf32>
      %swap3A = arith.index_cast %scan3A_71 : i32 to index
      %swap3A_73 = arith.constant 0 : index
      %swap3A_74 = tpu.vector_load %arg9[%swap3A, %swap3A_73] {strides = array<i32>} : memref<200x32xf32, #tpu.memory_space<vmem>>, vector<1x16xf32>,
      %swap3A_75 = vector.shape_cast %swap3A_74 : vector<1x16xf32> to vector<16xf32>
      %swap3A_76 = vector.shape_cast %broadcast_in_dim3A_72 : vector<16xf32> to vector<1x16xf32>
      tpu.vector_store %arg9[%swap3A, %swap3A_73], %swap3A_76 {strides = array<i32>} : memref<200x32xf32, #tpu.memory_space<vmem>>, vector<1x16xf32>,
      %broadcast_in_dim3A_77 = arith.constant 0.000000e+00 : f32
      %broadcast_in_dim3A_78 = vector.broadcast %broadcast_in_dim3A_77 : f32 to vector<16xf32>
      %swap3A_79 = arith.index_cast %scan3A_71 : i32 to index
      %swap3A_80 = arith.constant 16 : index
      %swap3A_81 = tpu.vector_load %arg9[%swap3A_79, %swap3A_80] {strides = array<i32>} : memref<200x32xf32, #tpu.memory_space<vmem>>, vector<1x16xf32>,
      %swap3A_82 = vector.shape_cast %swap3A_81 : vector<1x16xf32> to vector<16xf32>
      %swap3A_83 = vector.shape_cast %broadcast_in_dim3A_78 : vector<16xf32> to vector<1x16xf32>
      tpu.vector_store %arg9[%swap3A_79, %swap3A_80], %swap3A_83 {strides = array<i32>} : memref<200x32xf32, #tpu.memory_space<vmem>>, vector<1x16xf32>,
    }
    %scan3A_7 = arith.constant 200 : i32
    %scan3A_8 = arith.constant 0 : i32
    %scan3A_9 = arith.constant 0 : i32
    %scan3A_10 = arith.constant 16 : i32
    %scan3A_11 = arith.addi %scan3A_9, %scan3A_10 : i32
    %scan3A_12 = arith.constant 1 : i32
    scf.for %scan3A_71 = %scan3A_9 to %scan3A_11 step %scan3A_12  : i32 {
      %mul3A_72 = arith.constant 200 : i32
      %mul3A_73 = arith.muli %scan3A_71, %mul3A_72 : i32
      %add3A_74 = arith.addi %mul3A_2, %mul3A_73 : i32
      "tpu.region"() ({
        %run_scoped3A = tpu.sem_alloc : memref<!tpu.dma_semaphore, #tpu.memory_space<semaphore_mem>>
        %dma_start3A_75 = arith.constant 0 : i32
        %dma_start3A_76 = arith.constant 0 : i32
        %dma_start3A_77 = tpu.memref_slice %arg9[%dma_start3A_75, %dma_start3A_76] : memref<200x32xf32, #tpu.memory_space<vmem>> -> memref<200x32xf32, #tpu.memory_space<vmem>>
        %dma_start3A_78 = arith.constant 0 : i32
        %dma_start3A_79 = tpu.memref_slice %arg15[%add3A_74, %dma_start3A_78] : memref<51200x32xf32, #tpu.memory_space<vmem_shared>> -> memref<200x32xf32, #tpu.memory_space<vmem_shared>>
        %dma_start3A_80 = arith.constant 0 : i32
        %dma_start3A_81 = tpu.memref_slice %arg15[%add3A_74, %dma_start3A_80] : memref<51200x32xf32, #tpu.memory_space<vmem_shared>> -> memref<200x32xf32, #tpu.memory_space<vmem_shared>>
        %dma_start3A_82 = arith.constant 0 : i32
        %dma_start3A_83 = arith.constant 0 : i32
        %dma_start3A_84 = tpu.memref_slice %arg9[%dma_start3A_82, %dma_start3A_83] : memref<200x32xf32, #tpu.memory_space<vmem>> -> memref<200x32xf32, #tpu.memory_space<vmem>>
        tpu.enqueue_dma source(%dma_start3A_84 : memref<200x32xf32, #tpu.memory_space<vmem>>) target(%dma_start3A_81 : memref<200x32xf32, #tpu.memory_space<vmem_shared>>) target_semaphore(%run_scoped3A : memref<!tpu.dma_semaphore, #tpu.memory_space<semaphore_mem>>)
        %dma_wait3A_85 = arith.constant 0 : i32
        %dma_wait3A_86 = arith.constant 0 : i32
        %dma_wait3A_87 = tpu.memref_slice %arg9[%dma_wait3A_85, %dma_wait3A_86] : memref<200x32xf32, #tpu.memory_space<vmem>> -> memref<200x32xf32, #tpu.memory_space<vmem>>
        %dma_wait3A_88 = arith.constant 0 : i32
        %dma_wait3A_89 = tpu.memref_slice %arg15[%add3A_74, %dma_wait3A_88] : memref<51200x32xf32, #tpu.memory_space<vmem_shared>> -> memref<200x32xf32, #tpu.memory_space<vmem_shared>>
        %dma_wait3A_90 = arith.constant 0 : i32
        %dma_wait3A_91 = tpu.memref_slice %arg15[%add3A_74, %dma_wait3A_90] : memref<51200x32xf32, #tpu.memory_space<vmem_shared>> -> memref<200x32xf32, #tpu.memory_space<vmem_shared>>
        %dma_wait3A_92 = arith.constant 0 : i32
        %dma_wait3A_93 = arith.constant 0 : i32
        %dma_wait3A_94 = tpu.memref_slice %arg9[%dma_wait3A_92, %dma_wait3A_93] : memref<200x32xf32, #tpu.memory_space<vmem>> -> memref<200x32xf32, #tpu.memory_space<vmem>>
        tpu.wait_dma2 semaphore(%run_scoped3A : memref<!tpu.dma_semaphore, #tpu.memory_space<semaphore_mem>>) src(%dma_wait3A_94 : memref<200x32xf32, #tpu.memory_space<vmem>>) dst(%dma_wait3A_91 : memref<200x32xf32, #tpu.memory_space<vmem_shared>>)
        tpu.yield
      }) : () -> ()
    }
    %scan3A_13 = arith.constant 16 : i32
    %barrier3A = arith.constant 0 : index
    tpu.barrier barrier_id(%barrier3A)
    %add3A = arith.constant 0 : i32
    %add3A_14 = arith.addi %mul3A_0, %add3A : i32
    %dma_start3A = tpu.memref_slice %arg4[%add3A_14] : memref<800000xi32, #tpu.memory_space<hbm>> -> memref<200xi32, #tpu.memory_space<hbm>>
    %dma_start3A_15 = tpu.memref_slice %arg4[%add3A_14] : memref<800000xi32, #tpu.memory_space<hbm>> -> memref<200xi32, #tpu.memory_space<hbm>>
    tpu.enqueue_dma source(%dma_start3A_15 : memref<200xi32, #tpu.memory_space<hbm>>) target(%arg7 : memref<200xi32, #tpu.memory_space<vmem>>) target_semaphore(%arg16 : memref<!tpu.dma_semaphore, #tpu.memory_space<semaphore_mem>>)
    %dma_start3A_16 = tpu.memref_slice %arg5[%add3A_14] : memref<800000xi32, #tpu.memory_space<hbm>> -> memref<200xi32, #tpu.memory_space<hbm>>
    %dma_start3A_17 = tpu.memref_slice %arg5[%add3A_14] : memref<800000xi32, #tpu.memory_space<hbm>> -> memref<200xi32, #tpu.memory_space<hbm>>
    tpu.enqueue_dma source(%dma_start3A_17 : memref<200xi32, #tpu.memory_space<hbm>>) target(%arg8 : memref<200xi32, #tpu.memory_space<vmem>>) target_semaphore(%arg16 : memref<!tpu.dma_semaphore, #tpu.memory_space<semaphore_mem>>)
    %dma_start3A_18 = arith.constant 0 : i32
    %dma_start3A_19 = arith.constant 0 : i32
    %dma_start3A_20 = tpu.memref_slice %arg3[%arg0, %dma_start3A_18, %dma_start3A_19] : memref<2x800000x32xf32, #tpu.memory_space<hbm>> -> memref<1x800000x32xf32, #tpu.memory_space<hbm>>
    %dma_start3A_21 = tpu.memref_squeeze %dma_start3A_20 : memref<1x800000x32xf32, #tpu.memory_space<hbm>> -> memref<800000x32xf32, #tpu.memory_space<hbm>>
    %dma_start3A_22 = arith.constant 0 : i32
    %dma_start3A_23 = tpu.memref_slice %dma_start3A_21[%add3A_14, %dma_start3A_22] : memref<800000x32xf32, #tpu.memory_space<hbm>> -> memref<200x32xf32, #tpu.memory_space<hbm>>
    %dma_start3A_24 = arith.constant 0 : i32
    %dma_start3A_25 = arith.constant 0 : i32
    %dma_start3A_26 = tpu.memref_slice %arg3[%arg0, %dma_start3A_24, %dma_start3A_25] : memref<2x800000x32xf32, #tpu.memory_space<hbm>> -> memref<1x800000x32xf32, #tpu.memory_space<hbm>>
    %dma_start3A_27 = tpu.memref_squeeze %dma_start3A_26 : memref<1x800000x32xf32, #tpu.memory_space<hbm>> -> memref<800000x32xf32, #tpu.memory_space<hbm>>
    %dma_start3A_28 = arith.constant 0 : i32
    %dma_start3A_29 = tpu.memref_slice %dma_start3A_27[%add3A_14, %dma_start3A_28] : memref<800000x32xf32, #tpu.memory_space<hbm>> -> memref<200x32xf32, #tpu.memory_space<hbm>>
    tpu.enqueue_dma source(%dma_start3A_29 : memref<200x32xf32, #tpu.memory_space<hbm>>) target(%arg10 : memref<200x32xf32, #tpu.memory_space<vmem>>) target_semaphore(%arg16 : memref<!tpu.dma_semaphore, #tpu.memory_space<semaphore_mem>>)
    %dma_wait3A = arith.constant 0 : i32
    %dma_wait3A_30 = tpu.memref_slice %arg4[%dma_wait3A] : memref<800000xi32, #tpu.memory_space<hbm>> -> memref<200xi32, #tpu.memory_space<hbm>>
    %dma_wait3A_31 = arith.constant 0 : i32
    %dma_wait3A_32 = tpu.memref_slice %arg4[%dma_wait3A_31] : memref<800000xi32, #tpu.memory_space<hbm>> -> memref<200xi32, #tpu.memory_space<hbm>>
    tpu.wait_dma2 semaphore(%arg16 : memref<!tpu.dma_semaphore, #tpu.memory_space<semaphore_mem>>) src(%dma_wait3A_32 : memref<200xi32, #tpu.memory_space<hbm>>) dst(%arg7 : memref<200xi32, #tpu.memory_space<vmem>>)
    %dma_wait3A_33 = arith.constant 0 : i32
    %dma_wait3A_34 = tpu.memref_slice %arg5[%dma_wait3A_33] : memref<800000xi32, #tpu.memory_space<hbm>> -> memref<200xi32, #tpu.memory_space<hbm>>
    %dma_wait3A_35 = arith.constant 0 : i32
    %dma_wait3A_36 = tpu.memref_slice %arg5[%dma_wait3A_35] : memref<800000xi32, #tpu.memory_space<hbm>> -> memref<200xi32, #tpu.memory_space<hbm>>
    tpu.wait_dma2 semaphore(%arg16 : memref<!tpu.dma_semaphore, #tpu.memory_space<semaphore_mem>>) src(%dma_wait3A_36 : memref<200xi32, #tpu.memory_space<hbm>>) dst(%arg8 : memref<200xi32, #tpu.memory_space<vmem>>)
    %dma_wait3A_37 = arith.constant 0 : i32
    %dma_wait3A_38 = arith.constant 0 : i32
    %dma_wait3A_39 = tpu.memref_slice %arg3[%arg0, %dma_wait3A_37, %dma_wait3A_38] : memref<2x800000x32xf32, #tpu.memory_space<hbm>> -> memref<1x800000x32xf32, #tpu.memory_space<hbm>>
    %dma_wait3A_40 = tpu.memref_squeeze %dma_wait3A_39 : memref<1x800000x32xf32, #tpu.memory_space<hbm>> -> memref<800000x32xf32, #tpu.memory_space<hbm>>
    %dma_wait3A_41 = arith.constant 0 : i32
    %dma_wait3A_42 = arith.constant 0 : i32
    %dma_wait3A_43 = tpu.memref_slice %dma_wait3A_40[%dma_wait3A_41, %dma_wait3A_42] : memref<800000x32xf32, #tpu.memory_space<hbm>> -> memref<200x32xf32, #tpu.memory_space<hbm>>
    %dma_wait3A_44 = arith.constant 0 : i32
    %dma_wait3A_45 = arith.constant 0 : i32
    %dma_wait3A_46 = tpu.memref_slice %arg3[%arg0, %dma_wait3A_44, %dma_wait3A_45] : memref<2x800000x32xf32, #tpu.memory_space<hbm>> -> memref<1x800000x32xf32, #tpu.memory_space<hbm>>
    %dma_wait3A_47 = tpu.memref_squeeze %dma_wait3A_46 : memref<1x800000x32xf32, #tpu.memory_space<hbm>> -> memref<800000x32xf32, #tpu.memory_space<hbm>>
    %dma_wait3A_48 = arith.constant 0 : i32
    %dma_wait3A_49 = arith.constant 0 : i32
    %dma_wait3A_50 = tpu.memref_slice %dma_wait3A_47[%dma_wait3A_48, %dma_wait3A_49] : memref<800000x32xf32, #tpu.memory_space<hbm>> -> memref<200x32xf32, #tpu.memory_space<hbm>>
    tpu.wait_dma2 semaphore(%arg16 : memref<!tpu.dma_semaphore, #tpu.memory_space<semaphore_mem>>) src(%dma_wait3A_50 : memref<200x32xf32, #tpu.memory_space<hbm>>) dst(%arg10 : memref<200x32xf32, #tpu.memory_space<vmem>>)
    %dma_start3A_51 = arith.constant 0 : i32
    %dma_start3A_52 = arith.constant 0 : i32
    %dma_start3A_53 = tpu.memref_slice %arg2[%arg0, %dma_start3A_51, %dma_start3A_52] : memref<2x51200x32xf32, #tpu.memory_space<hbm>> -> memref<1x51200x32xf32, #tpu.memory_space<hbm>>
    %dma_start3A_54 = tpu.memref_squeeze %dma_start3A_53 : memref<1x51200x32xf32, #tpu.memory_space<hbm>> -> memref<51200x32xf32, #tpu.memory_space<hbm>>
    %dma_start3A_55 = arith.constant 0 : i32
    %dma_start3A_56 = arith.constant 0 : i32
    %dma_start3A_57 = tpu.memref_slice %dma_start3A_54[%dma_start3A_55, %dma_start3A_56] : memref<51200x32xf32, #tpu.memory_space<hbm>> -> memref<51200x32xf32, #tpu.memory_space<hbm>>
    tpu.enqueue_indirect_dma source(%dma_start3A_57 : memref<51200x32xf32, #tpu.memory_space<hbm>>) target(%arg9 : memref<200x32xf32, #tpu.memory_space<vmem>>) offsets(%arg7 : memref<200xi32, #tpu.memory_space<vmem>>) semaphore(%arg18 : memref<!tpu.dma_semaphore, #tpu.memory_space<semaphore_mem>>)
    %scan3A_58 = arith.constant 0 : i32
    %scan3A_59 = arith.constant 0 : i32
    %scan3A_60 = arith.constant 125 : i32
    %scan3A_61 = arith.addi %scan3A_59, %scan3A_60 : i32
    %scan3A_62 = arith.constant 1 : i32
    scf.for %scan3A_71 = %scan3A_59 to %scan3A_61 step %scan3A_62  : i32 {
      %mul3A_72 = arith.constant 2 : i32
      %mul3A_73 = arith.muli %mul3A_72, %scan3A_71 : i32
      %mul3A_74 = arith.constant 2 : i32
      %mul3A_75 = arith.muli %mul3A_74, %scan3A_71 : i32
      %add3A_76 = arith.constant 1 : i32
      %add3A_77 = arith.addi %mul3A_75, %add3A_76 : i32
      %mul3A_78 = arith.constant 200 : i32
      %mul3A_79 = arith.muli %add3A_77, %mul3A_78 : i32
      %add3A_80 = arith.addi %mul3A_0, %mul3A_79 : i32
      %dma_start3A_81 = tpu.memref_slice %arg4[%add3A_80] : memref<800000xi32, #tpu.memory_space<hbm>> -> memref<200xi32, #tpu.memory_space<hbm>>
      %dma_start3A_82 = tpu.memref_slice %arg4[%add3A_80] : memref<800000xi32, #tpu.memory_space<hbm>> -> memref<200xi32, #tpu.memory_space<hbm>>
      tpu.enqueue_dma source(%dma_start3A_82 : memref<200xi32, #tpu.memory_space<hbm>>) target(%arg11 : memref<200xi32, #tpu.memory_space<vmem>>) target_semaphore(%arg17 : memref<!tpu.dma_semaphore, #tpu.memory_space<semaphore_mem>>)
      %dma_start3A_83 = tpu.memref_slice %arg5[%add3A_80] : memref<800000xi32, #tpu.memory_space<hbm>> -> memref<200xi32, #tpu.memory_space<hbm>>
      %dma_start3A_84 = tpu.memref_slice %arg5[%add3A_80] : memref<800000xi32, #tpu.memory_space<hbm>> -> memref<200xi32, #tpu.memory_space<hbm>>
      tpu.enqueue_dma source(%dma_start3A_84 : memref<200xi32, #tpu.memory_space<hbm>>) target(%arg12 : memref<200xi32, #tpu.memory_space<vmem>>) target_semaphore(%arg17 : memref<!tpu.dma_semaphore, #tpu.memory_space<semaphore_mem>>)
      %dma_start3A_85 = arith.constant 0 : i32
      %dma_start3A_86 = arith.constant 0 : i32
      %dma_start3A_87 = tpu.memref_slice %arg3[%arg0, %dma_start3A_85, %dma_start3A_86] : memref<2x800000x32xf32, #tpu.memory_space<hbm>> -> memref<1x800000x32xf32, #tpu.memory_space<hbm>>
      %dma_start3A_88 = tpu.memref_squeeze %dma_start3A_87 : memref<1x800000x32xf32, #tpu.memory_space<hbm>> -> memref<800000x32xf32, #tpu.memory_space<hbm>>
      %dma_start3A_89 = arith.constant 0 : i32
      %dma_start3A_90 = tpu.memref_slice %dma_start3A_88[%add3A_80, %dma_start3A_89] : memref<800000x32xf32, #tpu.memory_space<hbm>> -> memref<200x32xf32, #tpu.memory_space<hbm>>
      %dma_start3A_91 = arith.constant 0 : i32
      %dma_start3A_92 = arith.constant 0 : i32
      %dma_start3A_93 = tpu.memref_slice %arg3[%arg0, %dma_start3A_91, %dma_start3A_92] : memref<2x800000x32xf32, #tpu.memory_space<hbm>> -> memref<1x800000x32xf32, #tpu.memory_space<hbm>>
      %dma_start3A_94 = tpu.memref_squeeze %dma_start3A_93 : memref<1x800000x32xf32, #tpu.memory_space<hbm>> -> memref<800000x32xf32, #tpu.memory_space<hbm>>
      %dma_start3A_95 = arith.constant 0 : i32
      %dma_start3A_96 = tpu.memref_slice %dma_start3A_94[%add3A_80, %dma_start3A_95] : memref<800000x32xf32, #tpu.memory_space<hbm>> -> memref<200x32xf32, #tpu.memory_space<hbm>>
      tpu.enqueue_dma source(%dma_start3A_96 : memref<200x32xf32, #tpu.memory_space<hbm>>) target(%arg14 : memref<200x32xf32, #tpu.memory_space<vmem>>) target_semaphore(%arg17 : memref<!tpu.dma_semaphore, #tpu.memory_space<semaphore_mem>>)
      %dma_wait3A_97 = arith.constant 0 : i32
      %dma_wait3A_98 = arith.constant 0 : i32
      %dma_wait3A_99 = tpu.memref_slice %arg2[%arg0, %dma_wait3A_97, %dma_wait3A_98] : memref<2x51200x32xf32, #tpu.memory_space<hbm>> -> memref<1x51200x32xf32, #tpu.memory_space<hbm>>
      %dma_wait3A_100 = tpu.memref_squeeze %dma_wait3A_99 : memref<1x51200x32xf32, #tpu.memory_space<hbm>> -> memref<51200x32xf32, #tpu.memory_space<hbm>>
      %dma_wait3A_101 = arith.constant 0 : i32
      %dma_wait3A_102 = arith.constant 0 : i32
      %dma_wait3A_103 = tpu.memref_slice %dma_wait3A_100[%dma_wait3A_101, %dma_wait3A_102] : memref<51200x32xf32, #tpu.memory_space<hbm>> -> memref<51200x32xf32, #tpu.memory_space<hbm>>
      tpu.wait_indirect_dma semaphore(%arg18 : memref<!tpu.dma_semaphore, #tpu.memory_space<semaphore_mem>>) src(%dma_wait3A_103 : memref<51200x32xf32, #tpu.memory_space<hbm>>) dst(%arg9 : memref<200x32xf32, #tpu.memory_space<vmem>>)
      %dma_wait3A_104 = arith.constant 0 : i32
      %dma_wait3A_105 = tpu.memref_slice %arg4[%dma_wait3A_104] : memref<800000xi32, #tpu.memory_space<hbm>> -> memref<200xi32, #tpu.memory_space<hbm>>
      %dma_wait3A_106 = arith.constant 0 : i32
      %dma_wait3A_107 = tpu.memref_slice %arg4[%dma_wait3A_106] : memref<800000xi32, #tpu.memory_space<hbm>> -> memref<200xi32, #tpu.memory_space<hbm>>
      tpu.wait_dma2 semaphore(%arg17 : memref<!tpu.dma_semaphore, #tpu.memory_space<semaphore_mem>>) src(%dma_wait3A_107 : memref<200xi32, #tpu.memory_space<hbm>>) dst(%arg11 : memref<200xi32, #tpu.memory_space<vmem>>)
      %dma_wait3A_108 = arith.constant 0 : i32
      %dma_wait3A_109 = tpu.memref_slice %arg5[%dma_wait3A_108] : memref<800000xi32, #tpu.memory_space<hbm>> -> memref<200xi32, #tpu.memory_space<hbm>>
      %dma_wait3A_110 = arith.constant 0 : i32
      %dma_wait3A_111 = tpu.memref_slice %arg5[%dma_wait3A_110] : memref<800000xi32, #tpu.memory_space<hbm>> -> memref<200xi32, #tpu.memory_space<hbm>>
      tpu.wait_dma2 semaphore(%arg17 : memref<!tpu.dma_semaphore, #tpu.memory_space<semaphore_mem>>) src(%dma_wait3A_111 : memref<200xi32, #tpu.memory_space<hbm>>) dst(%arg12 : memref<200xi32, #tpu.memory_space<vmem>>)
      %dma_wait3A_112 = arith.constant 0 : i32
      %dma_wait3A_113 = arith.constant 0 : i32
      %dma_wait3A_114 = tpu.memref_slice %arg3[%arg0, %dma_wait3A_112, %dma_wait3A_113] : memref<2x800000x32xf32, #tpu.memory_space<hbm>> -> memref<1x800000x32xf32, #tpu.memory_space<hbm>>
      %dma_wait3A_115 = tpu.memref_squeeze %dma_wait3A_114 : memref<1x800000x32xf32, #tpu.memory_space<hbm>> -> memref<800000x32xf32, #tpu.memory_space<hbm>>
      %dma_wait3A_116 = arith.constant 0 : i32
      %dma_wait3A_117 = arith.constant 0 : i32
      %dma_wait3A_118 = tpu.memref_slice %dma_wait3A_115[%dma_wait3A_116, %dma_wait3A_117] : memref<800000x32xf32, #tpu.memory_space<hbm>> -> memref<200x32xf32, #tpu.memory_space<hbm>>
      %dma_wait3A_119 = arith.constant 0 : i32
      %dma_wait3A_120 = arith.constant 0 : i32
      %dma_wait3A_121 = tpu.memref_slice %arg3[%arg0, %dma_wait3A_119, %dma_wait3A_120] : memref<2x800000x32xf32, #tpu.memory_space<hbm>> -> memref<1x800000x32xf32, #tpu.memory_space<hbm>>
      %dma_wait3A_122 = tpu.memref_squeeze %dma_wait3A_121 : memref<1x800000x32xf32, #tpu.memory_space<hbm>> -> memref<800000x32xf32, #tpu.memory_space<hbm>>
      %dma_wait3A_123 = arith.constant 0 : i32
      %dma_wait3A_124 = arith.constant 0 : i32
      %dma_wait3A_125 = tpu.memref_slice %dma_wait3A_122[%dma_wait3A_123, %dma_wait3A_124] : memref<800000x32xf32, #tpu.memory_space<hbm>> -> memref<200x32xf32, #tpu.memory_space<hbm>>
      tpu.wait_dma2 semaphore(%arg17 : memref<!tpu.dma_semaphore, #tpu.memory_space<semaphore_mem>>) src(%dma_wait3A_125 : memref<200x32xf32, #tpu.memory_space<hbm>>) dst(%arg14 : memref<200x32xf32, #tpu.memory_space<vmem>>)
      %dma_start3A_126 = arith.constant 0 : i32
      %dma_start3A_127 = arith.constant 0 : i32
      %dma_start3A_128 = tpu.memref_slice %arg2[%arg0, %dma_start3A_126, %dma_start3A_127] : memref<2x51200x32xf32, #tpu.memory_space<hbm>> -> memref<1x51200x32xf32, #tpu.memory_space<hbm>>
      %dma_start3A_129 = tpu.memref_squeeze %dma_start3A_128 : memref<1x51200x32xf32, #tpu.memory_space<hbm>> -> memref<51200x32xf32, #tpu.memory_space<hbm>>
      %dma_start3A_130 = arith.constant 0 : i32
      %dma_start3A_131 = arith.constant 0 : i32
      %dma_start3A_132 = tpu.memref_slice %dma_start3A_129[%dma_start3A_130, %dma_start3A_131] : memref<51200x32xf32, #tpu.memory_space<hbm>> -> memref<51200x32xf32, #tpu.memory_space<hbm>>
      tpu.enqueue_indirect_dma source(%dma_start3A_132 : memref<51200x32xf32, #tpu.memory_space<hbm>>) target(%arg13 : memref<200x32xf32, #tpu.memory_space<vmem>>) offsets(%arg11 : memref<200xi32, #tpu.memory_space<vmem>>) semaphore(%arg19 : memref<!tpu.dma_semaphore, #tpu.memory_space<semaphore_mem>>)
      %parallel_loop3A = arith.constant 0 : i32
      %parallel_loop3A_133 = arith.constant 200 : i32
      %parallel_loop3A_134 = arith.constant 1 : i32
      scf.for %parallel_loop3A_141 = %parallel_loop3A to %parallel_loop3A_133 step %parallel_loop3A_134  : i32 {
        %parallel_loop3A_142 = arith.index_cast %parallel_loop3A_141 : i32 to index
        %parallel_loop3A_143 = arith.constant 0 : index
        %parallel_loop3A_144 = tpu.vector_load %arg9[%parallel_loop3A_142, %parallel_loop3A_143] {strides = array<i32>} : memref<200x32xf32, #tpu.memory_space<vmem>>, vector<1x16xf32>,
        %parallel_loop3A_145 = vector.shape_cast %parallel_loop3A_144 : vector<1x16xf32> to vector<16xf32>
        %parallel_loop3A_146 = arith.index_cast %parallel_loop3A_141 : i32 to index
        %parallel_loop3A_147 = arith.constant 0 : index
        %parallel_loop3A_148 = tpu.vector_load %arg10[%parallel_loop3A_146, %parallel_loop3A_147] {strides = array<i32>} : memref<200x32xf32, #tpu.memory_space<vmem>>, vector<1x16xf32>,
        %parallel_loop3A_149 = vector.shape_cast %parallel_loop3A_148 : vector<1x16xf32> to vector<16xf32>
        %parallel_loop3A_150 = arith.mulf %parallel_loop3A_145, %parallel_loop3A_149 : vector<16xf32>
        %parallel_loop3A_151 = arith.index_cast %parallel_loop3A_141 : i32 to index
        %parallel_loop3A_152 = arith.constant 0 : index
        %parallel_loop3A_153 = tpu.vector_load %arg9[%parallel_loop3A_151, %parallel_loop3A_152] {strides = array<i32>} : memref<200x32xf32, #tpu.memory_space<vmem>>, vector<1x16xf32>,
        %parallel_loop3A_154 = vector.shape_cast %parallel_loop3A_153 : vector<1x16xf32> to vector<16xf32>
        %parallel_loop3A_155 = vector.shape_cast %parallel_loop3A_150 : vector<16xf32> to vector<1x16xf32>
        tpu.vector_store %arg9[%parallel_loop3A_151, %parallel_loop3A_152], %parallel_loop3A_155 {strides = array<i32>} : memref<200x32xf32, #tpu.memory_space<vmem>>, vector<1x16xf32>,
        %parallel_loop3A_156 = arith.index_cast %parallel_loop3A_141 : i32 to index
        %parallel_loop3A_157 = arith.constant 16 : index
        %parallel_loop3A_158 = tpu.vector_load %arg9[%parallel_loop3A_156, %parallel_loop3A_157] {strides = array<i32>} : memref<200x32xf32, #tpu.memory_space<vmem>>, vector<1x16xf32>,
        %parallel_loop3A_159 = vector.shape_cast %parallel_loop3A_158 : vector<1x16xf32> to vector<16xf32>
        %parallel_loop3A_160 = arith.index_cast %parallel_loop3A_141 : i32 to index
        %parallel_loop3A_161 = arith.constant 16 : index
        %parallel_loop3A_162 = tpu.vector_load %arg10[%parallel_loop3A_160, %parallel_loop3A_161] {strides = array<i32>} : memref<200x32xf32, #tpu.memory_space<vmem>>, vector<1x16xf32>,
        %parallel_loop3A_163 = vector.shape_cast %parallel_loop3A_162 : vector<1x16xf32> to vector<16xf32>
        %parallel_loop3A_164 = arith.mulf %parallel_loop3A_159, %parallel_loop3A_163 : vector<16xf32>
        %parallel_loop3A_165 = arith.index_cast %parallel_loop3A_141 : i32 to index
        %parallel_loop3A_166 = arith.constant 16 : index
        %parallel_loop3A_167 = tpu.vector_load %arg9[%parallel_loop3A_165, %parallel_loop3A_166] {strides = array<i32>} : memref<200x32xf32, #tpu.memory_space<vmem>>, vector<1x16xf32>,
        %parallel_loop3A_168 = vector.shape_cast %parallel_loop3A_167 : vector<1x16xf32> to vector<16xf32>
        %parallel_loop3A_169 = vector.shape_cast %parallel_loop3A_164 : vector<16xf32> to vector<1x16xf32>
        tpu.vector_store %arg9[%parallel_loop3A_165, %parallel_loop3A_166], %parallel_loop3A_169 {strides = array<i32>} : memref<200x32xf32, #tpu.memory_space<vmem>>, vector<1x16xf32>,
      } {sc.loop_unroll_factor = 4 : i64, sc.parallel_access}
      "tpu.region"() ({
        %run_scoped3A = tpu.sem_alloc : memref<!tpu.dma_semaphore, #tpu.memory_space<semaphore_mem>>
        %dma_start3A_141 = arith.constant 0 : i32
        %dma_start3A_142 = arith.constant 0 : i32
        %dma_start3A_143 = tpu.memref_slice %arg15[%dma_start3A_141, %dma_start3A_142] : memref<51200x32xf32, #tpu.memory_space<vmem_shared>> -> memref<51200x32xf32, #tpu.memory_space<vmem_shared>>
        tpu.enqueue_indirect_dma source(%arg9 : memref<200x32xf32, #tpu.memory_space<vmem>>) target(%dma_start3A_143 : memref<51200x32xf32, #tpu.memory_space<vmem_shared>>) offsets(%arg8 : memref<200xi32, #tpu.memory_space<vmem>>) semaphore(%run_scoped3A : memref<!tpu.dma_semaphore, #tpu.memory_space<semaphore_mem>>) {add = true}
        %dma_wait3A_144 = arith.constant 0 : i32
        %dma_wait3A_145 = arith.constant 0 : i32
        %dma_wait3A_146 = tpu.memref_slice %arg15[%dma_wait3A_144, %dma_wait3A_145] : memref<51200x32xf32, #tpu.memory_space<vmem_shared>> -> memref<51200x32xf32, #tpu.memory_space<vmem_shared>>
        tpu.wait_indirect_dma semaphore(%run_scoped3A : memref<!tpu.dma_semaphore, #tpu.memory_space<semaphore_mem>>) src(%arg9 : memref<200x32xf32, #tpu.memory_space<vmem>>) dst(%dma_wait3A_146 : memref<51200x32xf32, #tpu.memory_space<vmem_shared>>)
        tpu.yield
      }) : () -> ()
      %lt3A = arith.constant 124 : i32
      %lt3A_135 = arith.cmpi slt, %scan3A_71, %lt3A : i32
      %convert_element_type3A = arith.extui %lt3A_135 : i1 to i32
      %cond3A = arith.constant 0 : i32
      %cond3A_136 = arith.cmpi ne, %convert_element_type3A, %cond3A : i32
      scf.if %cond3A_136 {
        %mul3A_141 = arith.constant 2 : i32
        %mul3A_142 = arith.muli %mul3A_141, %scan3A_71 : i32
        %add3A_143 = arith.constant 1 : i32
        %add3A_144 = arith.addi %mul3A_142, %add3A_143 : i32
        %mul3A_145 = arith.constant 2 : i32
        %mul3A_146 = arith.muli %mul3A_145, %scan3A_71 : i32
        %add3A_147 = arith.constant 2 : i32
        %add3A_148 = arith.addi %mul3A_146, %add3A_147 : i32
        %mul3A_149 = arith.constant 200 : i32
        %mul3A_150 = arith.muli %add3A_148, %mul3A_149 : i32
        %add3A_151 = arith.addi %mul3A_0, %mul3A_150 : i32
        %dma_start3A_152 = tpu.memref_slice %arg4[%add3A_151] : memref<800000xi32, #tpu.memory_space<hbm>> -> memref<200xi32, #tpu.memory_space<hbm>>
        %dma_start3A_153 = tpu.memref_slice %arg4[%add3A_151] : memref<800000xi32, #tpu.memory_space<hbm>> -> memref<200xi32, #tpu.memory_space<hbm>>
        tpu.enqueue_dma source(%dma_start3A_153 : memref<200xi32, #tpu.memory_space<hbm>>) target(%arg7 : memref<200xi32, #tpu.memory_space<vmem>>) target_semaphore(%arg16 : memref<!tpu.dma_semaphore, #tpu.memory_space<semaphore_mem>>)
        %dma_start3A_154 = tpu.memref_slice %arg5[%add3A_151] : memref<800000xi32, #tpu.memory_space<hbm>> -> memref<200xi32, #tpu.memory_space<hbm>>
        %dma_start3A_155 = tpu.memref_slice %arg5[%add3A_151] : memref<800000xi32, #tpu.memory_space<hbm>> -> memref<200xi32, #tpu.memory_space<hbm>>
        tpu.enqueue_dma source(%dma_start3A_155 : memref<200xi32, #tpu.memory_space<hbm>>) target(%arg8 : memref<200xi32, #tpu.memory_space<vmem>>) target_semaphore(%arg16 : memref<!tpu.dma_semaphore, #tpu.memory_space<semaphore_mem>>)
        %dma_start3A_156 = arith.constant 0 : i32
        %dma_start3A_157 = arith.constant 0 : i32
        %dma_start3A_158 = tpu.memref_slice %arg3[%arg0, %dma_start3A_156, %dma_start3A_157] : memref<2x800000x32xf32, #tpu.memory_space<hbm>> -> memref<1x800000x32xf32, #tpu.memory_space<hbm>>
        %dma_start3A_159 = tpu.memref_squeeze %dma_start3A_158 : memref<1x800000x32xf32, #tpu.memory_space<hbm>> -> memref<800000x32xf32, #tpu.memory_space<hbm>>
        %dma_start3A_160 = arith.constant 0 : i32
        %dma_start3A_161 = tpu.memref_slice %dma_start3A_159[%add3A_151, %dma_start3A_160] : memref<800000x32xf32, #tpu.memory_space<hbm>> -> memref<200x32xf32, #tpu.memory_space<hbm>>
        %dma_start3A_162 = arith.constant 0 : i32
        %dma_start3A_163 = arith.constant 0 : i32
        %dma_start3A_164 = tpu.memref_slice %arg3[%arg0, %dma_start3A_162, %dma_start3A_163] : memref<2x800000x32xf32, #tpu.memory_space<hbm>> -> memref<1x800000x32xf32, #tpu.memory_space<hbm>>
        %dma_start3A_165 = tpu.memref_squeeze %dma_start3A_164 : memref<1x800000x32xf32, #tpu.memory_space<hbm>> -> memref<800000x32xf32, #tpu.memory_space<hbm>>
        %dma_start3A_166 = arith.constant 0 : i32
        %dma_start3A_167 = tpu.memref_slice %dma_start3A_165[%add3A_151, %dma_start3A_166] : memref<800000x32xf32, #tpu.memory_space<hbm>> -> memref<200x32xf32, #tpu.memory_space<hbm>>
        tpu.enqueue_dma source(%dma_start3A_167 : memref<200x32xf32, #tpu.memory_space<hbm>>) target(%arg10 : memref<200x32xf32, #tpu.memory_space<vmem>>) target_semaphore(%arg16 : memref<!tpu.dma_semaphore, #tpu.memory_space<semaphore_mem>>)
        %dma_wait3A_168 = arith.constant 0 : i32
        %dma_wait3A_169 = arith.constant 0 : i32
        %dma_wait3A_170 = tpu.memref_slice %arg2[%arg0, %dma_wait3A_168, %dma_wait3A_169] : memref<2x51200x32xf32, #tpu.memory_space<hbm>> -> memref<1x51200x32xf32, #tpu.memory_space<hbm>>
        %dma_wait3A_171 = tpu.memref_squeeze %dma_wait3A_170 : memref<1x51200x32xf32, #tpu.memory_space<hbm>> -> memref<51200x32xf32, #tpu.memory_space<hbm>>
        %dma_wait3A_172 = arith.constant 0 : i32
        %dma_wait3A_173 = arith.constant 0 : i32
        %dma_wait3A_174 = tpu.memref_slice %dma_wait3A_171[%dma_wait3A_172, %dma_wait3A_173] : memref<51200x32xf32, #tpu.memory_space<hbm>> -> memref<51200x32xf32, #tpu.memory_space<hbm>>
        tpu.wait_indirect_dma semaphore(%arg19 : memref<!tpu.dma_semaphore, #tpu.memory_space<semaphore_mem>>) src(%dma_wait3A_174 : memref<51200x32xf32, #tpu.memory_space<hbm>>) dst(%arg13 : memref<200x32xf32, #tpu.memory_space<vmem>>)
        %dma_wait3A_175 = arith.constant 0 : i32
        %dma_wait3A_176 = tpu.memref_slice %arg4[%dma_wait3A_175] : memref<800000xi32, #tpu.memory_space<hbm>> -> memref<200xi32, #tpu.memory_space<hbm>>
        %dma_wait3A_177 = arith.constant 0 : i32
        %dma_wait3A_178 = tpu.memref_slice %arg4[%dma_wait3A_177] : memref<800000xi32, #tpu.memory_space<hbm>> -> memref<200xi32, #tpu.memory_space<hbm>>
        tpu.wait_dma2 semaphore(%arg16 : memref<!tpu.dma_semaphore, #tpu.memory_space<semaphore_mem>>) src(%dma_wait3A_178 : memref<200xi32, #tpu.memory_space<hbm>>) dst(%arg7 : memref<200xi32, #tpu.memory_space<vmem>>)
        %dma_wait3A_179 = arith.constant 0 : i32
        %dma_wait3A_180 = tpu.memref_slice %arg5[%dma_wait3A_179] : memref<800000xi32, #tpu.memory_space<hbm>> -> memref<200xi32, #tpu.memory_space<hbm>>
        %dma_wait3A_181 = arith.constant 0 : i32
        %dma_wait3A_182 = tpu.memref_slice %arg5[%dma_wait3A_181] : memref<800000xi32, #tpu.memory_space<hbm>> -> memref<200xi32, #tpu.memory_space<hbm>>
        tpu.wait_dma2 semaphore(%arg16 : memref<!tpu.dma_semaphore, #tpu.memory_space<semaphore_mem>>) src(%dma_wait3A_182 : memref<200xi32, #tpu.memory_space<hbm>>) dst(%arg8 : memref<200xi32, #tpu.memory_space<vmem>>)
        %dma_wait3A_183 = arith.constant 0 : i32
        %dma_wait3A_184 = arith.constant 0 : i32
        %dma_wait3A_185 = tpu.memref_slice %arg3[%arg0, %dma_wait3A_183, %dma_wait3A_184] : memref<2x800000x32xf32, #tpu.memory_space<hbm>> -> memref<1x800000x32xf32, #tpu.memory_space<hbm>>
        %dma_wait3A_186 = tpu.memref_squeeze %dma_wait3A_185 : memref<1x800000x32xf32, #tpu.memory_space<hbm>> -> memref<800000x32xf32, #tpu.memory_space<hbm>>
        %dma_wait3A_187 = arith.constant 0 : i32
        %dma_wait3A_188 = arith.constant 0 : i32
        %dma_wait3A_189 = tpu.memref_slice %dma_wait3A_186[%dma_wait3A_187, %dma_wait3A_188] : memref<800000x32xf32, #tpu.memory_space<hbm>> -> memref<200x32xf32, #tpu.memory_space<hbm>>
        %dma_wait3A_190 = arith.constant 0 : i32
        %dma_wait3A_191 = arith.constant 0 : i32
        %dma_wait3A_192 = tpu.memref_slice %arg3[%arg0, %dma_wait3A_190, %dma_wait3A_191] : memref<2x800000x32xf32, #tpu.memory_space<hbm>> -> memref<1x800000x32xf32, #tpu.memory_space<hbm>>
        %dma_wait3A_193 = tpu.memref_squeeze %dma_wait3A_192 : memref<1x800000x32xf32, #tpu.memory_space<hbm>> -> memref<800000x32xf32, #tpu.memory_space<hbm>>
        %dma_wait3A_194 = arith.constant 0 : i32
        %dma_wait3A_195 = arith.constant 0 : i32
        %dma_wait3A_196 = tpu.memref_slice %dma_wait3A_193[%dma_wait3A_194, %dma_wait3A_195] : memref<800000x32xf32, #tpu.memory_space<hbm>> -> memref<200x32xf32, #tpu.memory_space<hbm>>
        tpu.wait_dma2 semaphore(%arg16 : memref<!tpu.dma_semaphore, #tpu.memory_space<semaphore_mem>>) src(%dma_wait3A_196 : memref<200x32xf32, #tpu.memory_space<hbm>>) dst(%arg10 : memref<200x32xf32, #tpu.memory_space<vmem>>)
        %dma_start3A_197 = arith.constant 0 : i32
        %dma_start3A_198 = arith.constant 0 : i32
        %dma_start3A_199 = tpu.memref_slice %arg2[%arg0, %dma_start3A_197, %dma_start3A_198] : memref<2x51200x32xf32, #tpu.memory_space<hbm>> -> memref<1x51200x32xf32, #tpu.memory_space<hbm>>
        %dma_start3A_200 = tpu.memref_squeeze %dma_start3A_199 : memref<1x51200x32xf32, #tpu.memory_space<hbm>> -> memref<51200x32xf32, #tpu.memory_space<hbm>>
        %dma_start3A_201 = arith.constant 0 : i32
        %dma_start3A_202 = arith.constant 0 : i32
        %dma_start3A_203 = tpu.memref_slice %dma_start3A_200[%dma_start3A_201, %dma_start3A_202] : memref<51200x32xf32, #tpu.memory_space<hbm>> -> memref<51200x32xf32, #tpu.memory_space<hbm>>
        tpu.enqueue_indirect_dma source(%dma_start3A_203 : memref<51200x32xf32, #tpu.memory_space<hbm>>) target(%arg9 : memref<200x32xf32, #tpu.memory_space<vmem>>) offsets(%arg7 : memref<200xi32, #tpu.memory_space<vmem>>) semaphore(%arg18 : memref<!tpu.dma_semaphore, #tpu.memory_space<semaphore_mem>>)
        %parallel_loop3A_204 = arith.constant 0 : i32
        %parallel_loop3A_205 = arith.constant 200 : i32
        %parallel_loop3A_206 = arith.constant 1 : i32
        scf.for %parallel_loop3A_207 = %parallel_loop3A_204 to %parallel_loop3A_205 step %parallel_loop3A_206  : i32 {
          %parallel_loop3A_208 = arith.index_cast %parallel_loop3A_207 : i32 to index
          %parallel_loop3A_209 = arith.constant 0 : index
          %parallel_loop3A_210 = tpu.vector_load %arg13[%parallel_loop3A_208, %parallel_loop3A_209] {strides = array<i32>} : memref<200x32xf32, #tpu.memory_space<vmem>>, vector<1x16xf32>,
          %parallel_loop3A_211 = vector.shape_cast %parallel_loop3A_210 : vector<1x16xf32> to vector<16xf32>
          %parallel_loop3A_212 = arith.index_cast %parallel_loop3A_207 : i32 to index
          %parallel_loop3A_213 = arith.constant 0 : index
          %parallel_loop3A_214 = tpu.vector_load %arg14[%parallel_loop3A_212, %parallel_loop3A_213] {strides = array<i32>} : memref<200x32xf32, #tpu.memory_space<vmem>>, vector<1x16xf32>,
          %parallel_loop3A_215 = vector.shape_cast %parallel_loop3A_214 : vector<1x16xf32> to vector<16xf32>
          %parallel_loop3A_216 = arith.mulf %parallel_loop3A_211, %parallel_loop3A_215 : vector<16xf32>
          %parallel_loop3A_217 = arith.index_cast %parallel_loop3A_207 : i32 to index
          %parallel_loop3A_218 = arith.constant 0 : index
          %parallel_loop3A_219 = tpu.vector_load %arg13[%parallel_loop3A_217, %parallel_loop3A_218] {strides = array<i32>} : memref<200x32xf32, #tpu.memory_space<vmem>>, vector<1x16xf32>,
          %parallel_loop3A_220 = vector.shape_cast %parallel_loop3A_219 : vector<1x16xf32> to vector<16xf32>
          %parallel_loop3A_221 = vector.shape_cast %parallel_loop3A_216 : vector<16xf32> to vector<1x16xf32>
          tpu.vector_store %arg13[%parallel_loop3A_217, %parallel_loop3A_218], %parallel_loop3A_221 {strides = array<i32>} : memref<200x32xf32, #tpu.memory_space<vmem>>, vector<1x16xf32>,
          %parallel_loop3A_222 = arith.index_cast %parallel_loop3A_207 : i32 to index
          %parallel_loop3A_223 = arith.constant 16 : index
          %parallel_loop3A_224 = tpu.vector_load %arg13[%parallel_loop3A_222, %parallel_loop3A_223] {strides = array<i32>} : memref<200x32xf32, #tpu.memory_space<vmem>>, vector<1x16xf32>,
          %parallel_loop3A_225 = vector.shape_cast %parallel_loop3A_224 : vector<1x16xf32> to vector<16xf32>
          %parallel_loop3A_226 = arith.index_cast %parallel_loop3A_207 : i32 to index
          %parallel_loop3A_227 = arith.constant 16 : index
          %parallel_loop3A_228 = tpu.vector_load %arg14[%parallel_loop3A_226, %parallel_loop3A_227] {strides = array<i32>} : memref<200x32xf32, #tpu.memory_space<vmem>>, vector<1x16xf32>,
          %parallel_loop3A_229 = vector.shape_cast %parallel_loop3A_228 : vector<1x16xf32> to vector<16xf32>
          %parallel_loop3A_230 = arith.mulf %parallel_loop3A_225, %parallel_loop3A_229 : vector<16xf32>
          %parallel_loop3A_231 = arith.index_cast %parallel_loop3A_207 : i32 to index
          %parallel_loop3A_232 = arith.constant 16 : index
          %parallel_loop3A_233 = tpu.vector_load %arg13[%parallel_loop3A_231, %parallel_loop3A_232] {strides = array<i32>} : memref<200x32xf32, #tpu.memory_space<vmem>>, vector<1x16xf32>,
          %parallel_loop3A_234 = vector.shape_cast %parallel_loop3A_233 : vector<1x16xf32> to vector<16xf32>
          %parallel_loop3A_235 = vector.shape_cast %parallel_loop3A_230 : vector<16xf32> to vector<1x16xf32>
          tpu.vector_store %arg13[%parallel_loop3A_231, %parallel_loop3A_232], %parallel_loop3A_235 {strides = array<i32>} : memref<200x32xf32, #tpu.memory_space<vmem>>, vector<1x16xf32>,
        } {sc.loop_unroll_factor = 4 : i64, sc.parallel_access}
        "tpu.region"() ({
          %run_scoped3A = tpu.sem_alloc : memref<!tpu.dma_semaphore, #tpu.memory_space<semaphore_mem>>
          %dma_start3A_207 = arith.constant 0 : i32
          %dma_start3A_208 = arith.constant 0 : i32
          %dma_start3A_209 = tpu.memref_slice %arg15[%dma_start3A_207, %dma_start3A_208] : memref<51200x32xf32, #tpu.memory_space<vmem_shared>> -> memref<51200x32xf32, #tpu.memory_space<vmem_shared>>
          tpu.enqueue_indirect_dma source(%arg13 : memref<200x32xf32, #tpu.memory_space<vmem>>) target(%dma_start3A_209 : memref<51200x32xf32, #tpu.memory_space<vmem_shared>>) offsets(%arg12 : memref<200xi32, #tpu.memory_space<vmem>>) semaphore(%run_scoped3A : memref<!tpu.dma_semaphore, #tpu.memory_space<semaphore_mem>>) {add = true}
          %dma_wait3A_210 = arith.constant 0 : i32
          %dma_wait3A_211 = arith.constant 0 : i32
          %dma_wait3A_212 = tpu.memref_slice %arg15[%dma_wait3A_210, %dma_wait3A_211] : memref<51200x32xf32, #tpu.memory_space<vmem_shared>> -> memref<51200x32xf32, #tpu.memory_space<vmem_shared>>
          tpu.wait_indirect_dma semaphore(%run_scoped3A : memref<!tpu.dma_semaphore, #tpu.memory_space<semaphore_mem>>) src(%arg13 : memref<200x32xf32, #tpu.memory_space<vmem>>) dst(%dma_wait3A_212 : memref<51200x32xf32, #tpu.memory_space<vmem_shared>>)
          tpu.yield
        }) : () -> ()
      } else {
      }
      %eq3A = arith.constant 124 : i32
      %eq3A_137 = arith.cmpi eq, %scan3A_71, %eq3A : i32
      %convert_element_type3A_138 = arith.extui %eq3A_137 : i1 to i32
      %cond3A_139 = arith.constant 0 : i32
      %cond3A_140 = arith.cmpi ne, %convert_element_type3A_138, %cond3A_139 : i32
      scf.if %cond3A_140 {
        %dma_wait3A_141 = arith.constant 0 : i32
        %dma_wait3A_142 = arith.constant 0 : i32
        %dma_wait3A_143 = tpu.memref_slice %arg2[%arg0, %dma_wait3A_141, %dma_wait3A_142] : memref<2x51200x32xf32, #tpu.memory_space<hbm>> -> memref<1x51200x32xf32, #tpu.memory_space<hbm>>
        %dma_wait3A_144 = tpu.memref_squeeze %dma_wait3A_143 : memref<1x51200x32xf32, #tpu.memory_space<hbm>> -> memref<51200x32xf32, #tpu.memory_space<hbm>>
        %dma_wait3A_145 = arith.constant 0 : i32
        %dma_wait3A_146 = arith.constant 0 : i32
        %dma_wait3A_147 = tpu.memref_slice %dma_wait3A_144[%dma_wait3A_145, %dma_wait3A_146] : memref<51200x32xf32, #tpu.memory_space<hbm>> -> memref<51200x32xf32, #tpu.memory_space<hbm>>
        tpu.wait_indirect_dma semaphore(%arg19 : memref<!tpu.dma_semaphore, #tpu.memory_space<semaphore_mem>>) src(%dma_wait3A_147 : memref<51200x32xf32, #tpu.memory_space<hbm>>) dst(%arg13 : memref<200x32xf32, #tpu.memory_space<vmem>>)
        %parallel_loop3A_148 = arith.constant 0 : i32
        %parallel_loop3A_149 = arith.constant 200 : i32
        %parallel_loop3A_150 = arith.constant 1 : i32
        scf.for %parallel_loop3A_151 = %parallel_loop3A_148 to %parallel_loop3A_149 step %parallel_loop3A_150  : i32 {
          %parallel_loop3A_152 = arith.index_cast %parallel_loop3A_151 : i32 to index
          %parallel_loop3A_153 = arith.constant 0 : index
          %parallel_loop3A_154 = tpu.vector_load %arg13[%parallel_loop3A_152, %parallel_loop3A_153] {strides = array<i32>} : memref<200x32xf32, #tpu.memory_space<vmem>>, vector<1x16xf32>,
          %parallel_loop3A_155 = vector.shape_cast %parallel_loop3A_154 : vector<1x16xf32> to vector<16xf32>
          %parallel_loop3A_156 = arith.index_cast %parallel_loop3A_151 : i32 to index
          %parallel_loop3A_157 = arith.constant 0 : index
          %parallel_loop3A_158 = tpu.vector_load %arg14[%parallel_loop3A_156, %parallel_loop3A_157] {strides = array<i32>} : memref<200x32xf32, #tpu.memory_space<vmem>>, vector<1x16xf32>,
          %parallel_loop3A_159 = vector.shape_cast %parallel_loop3A_158 : vector<1x16xf32> to vector<16xf32>
          %parallel_loop3A_160 = arith.mulf %parallel_loop3A_155, %parallel_loop3A_159 : vector<16xf32>
          %parallel_loop3A_161 = arith.index_cast %parallel_loop3A_151 : i32 to index
          %parallel_loop3A_162 = arith.constant 0 : index
          %parallel_loop3A_163 = tpu.vector_load %arg13[%parallel_loop3A_161, %parallel_loop3A_162] {strides = array<i32>} : memref<200x32xf32, #tpu.memory_space<vmem>>, vector<1x16xf32>,
          %parallel_loop3A_164 = vector.shape_cast %parallel_loop3A_163 : vector<1x16xf32> to vector<16xf32>
          %parallel_loop3A_165 = vector.shape_cast %parallel_loop3A_160 : vector<16xf32> to vector<1x16xf32>
          tpu.vector_store %arg13[%parallel_loop3A_161, %parallel_loop3A_162], %parallel_loop3A_165 {strides = array<i32>} : memref<200x32xf32, #tpu.memory_space<vmem>>, vector<1x16xf32>,
          %parallel_loop3A_166 = arith.index_cast %parallel_loop3A_151 : i32 to index
          %parallel_loop3A_167 = arith.constant 16 : index
          %parallel_loop3A_168 = tpu.vector_load %arg13[%parallel_loop3A_166, %parallel_loop3A_167] {strides = array<i32>} : memref<200x32xf32, #tpu.memory_space<vmem>>, vector<1x16xf32>,
          %parallel_loop3A_169 = vector.shape_cast %parallel_loop3A_168 : vector<1x16xf32> to vector<16xf32>
          %parallel_loop3A_170 = arith.index_cast %parallel_loop3A_151 : i32 to index
          %parallel_loop3A_171 = arith.constant 16 : index
          %parallel_loop3A_172 = tpu.vector_load %arg14[%parallel_loop3A_170, %parallel_loop3A_171] {strides = array<i32>} : memref<200x32xf32, #tpu.memory_space<vmem>>, vector<1x16xf32>,
          %parallel_loop3A_173 = vector.shape_cast %parallel_loop3A_172 : vector<1x16xf32> to vector<16xf32>
          %parallel_loop3A_174 = arith.mulf %parallel_loop3A_169, %parallel_loop3A_173 : vector<16xf32>
          %parallel_loop3A_175 = arith.index_cast %parallel_loop3A_151 : i32 to index
          %parallel_loop3A_176 = arith.constant 16 : index
          %parallel_loop3A_177 = tpu.vector_load %arg13[%parallel_loop3A_175, %parallel_loop3A_176] {strides = array<i32>} : memref<200x32xf32, #tpu.memory_space<vmem>>, vector<1x16xf32>,
          %parallel_loop3A_178 = vector.shape_cast %parallel_loop3A_177 : vector<1x16xf32> to vector<16xf32>
          %parallel_loop3A_179 = vector.shape_cast %parallel_loop3A_174 : vector<16xf32> to vector<1x16xf32>
          tpu.vector_store %arg13[%parallel_loop3A_175, %parallel_loop3A_176], %parallel_loop3A_179 {strides = array<i32>} : memref<200x32xf32, #tpu.memory_space<vmem>>, vector<1x16xf32>,
        } {sc.loop_unroll_factor = 4 : i64, sc.parallel_access}
        "tpu.region"() ({
          %run_scoped3A = tpu.sem_alloc : memref<!tpu.dma_semaphore, #tpu.memory_space<semaphore_mem>>
          %dma_start3A_151 = arith.constant 0 : i32
          %dma_start3A_152 = arith.constant 0 : i32
          %dma_start3A_153 = tpu.memref_slice %arg15[%dma_start3A_151, %dma_start3A_152] : memref<51200x32xf32, #tpu.memory_space<vmem_shared>> -> memref<51200x32xf32, #tpu.memory_space<vmem_shared>>
          tpu.enqueue_indirect_dma source(%arg13 : memref<200x32xf32, #tpu.memory_space<vmem>>) target(%dma_start3A_153 : memref<51200x32xf32, #tpu.memory_space<vmem_shared>>) offsets(%arg12 : memref<200xi32, #tpu.memory_space<vmem>>) semaphore(%run_scoped3A : memref<!tpu.dma_semaphore, #tpu.memory_space<semaphore_mem>>) {add = true}
          %dma_wait3A_154 = arith.constant 0 : i32
          %dma_wait3A_155 = arith.constant 0 : i32
          %dma_wait3A_156 = tpu.memref_slice %arg15[%dma_wait3A_154, %dma_wait3A_155] : memref<51200x32xf32, #tpu.memory_space<vmem_shared>> -> memref<51200x32xf32, #tpu.memory_space<vmem_shared>>
          tpu.wait_indirect_dma semaphore(%run_scoped3A : memref<!tpu.dma_semaphore, #tpu.memory_space<semaphore_mem>>) src(%arg13 : memref<200x32xf32, #tpu.memory_space<vmem>>) dst(%dma_wait3A_156 : memref<51200x32xf32, #tpu.memory_space<vmem_shared>>)
          tpu.yield
        }) : () -> ()
      } else {
      }
    }
    %scan3A_63 = arith.constant 125 : i32
    %barrier3A_64 = arith.constant 0 : index
    tpu.barrier barrier_id(%barrier3A_64)
    %scan3A_65 = arith.constant 0 : i32
    %scan3A_66 = arith.constant 0 : i32
    %scan3A_67 = arith.constant 16 : i32
    %scan3A_68 = arith.addi %scan3A_66, %scan3A_67 : i32
    %scan3A_69 = arith.constant 1 : i32
    scf.for %scan3A_71 = %scan3A_66 to %scan3A_68 step %scan3A_69  : i32 {
      %mul3A_72 = arith.constant 200 : i32
      %mul3A_73 = arith.muli %scan3A_71, %mul3A_72 : i32
      %add3A_74 = arith.addi %mul3A_2, %mul3A_73 : i32
      "tpu.region"() ({
        %run_scoped3A = tpu.sem_alloc : memref<!tpu.dma_semaphore, #tpu.memory_space<semaphore_mem>>
        %dma_start3A_75 = arith.constant 0 : i32
        %dma_start3A_76 = arith.constant 0 : i32
        %dma_start3A_77 = tpu.memref_slice %arg6[%arg0, %dma_start3A_75, %dma_start3A_76] : memref<2x51200x32xf32, #tpu.memory_space<hbm>> -> memref<1x51200x32xf32, #tpu.memory_space<hbm>>
        %dma_start3A_78 = tpu.memref_squeeze %dma_start3A_77 : memref<1x51200x32xf32, #tpu.memory_space<hbm>> -> memref<51200x32xf32, #tpu.memory_space<hbm>>
        %dma_start3A_79 = arith.constant 0 : i32
        %dma_start3A_80 = tpu.memref_slice %dma_start3A_78[%add3A_74, %dma_start3A_79] : memref<51200x32xf32, #tpu.memory_space<hbm>> -> memref<200x32xf32, #tpu.memory_space<hbm>>
        %dma_start3A_81 = arith.constant 0 : i32
        %dma_start3A_82 = tpu.memref_slice %arg15[%add3A_74, %dma_start3A_81] : memref<51200x32xf32, #tpu.memory_space<vmem_shared>> -> memref<200x32xf32, #tpu.memory_space<vmem_shared>>
        tpu.enqueue_dma source(%dma_start3A_82 : memref<200x32xf32, #tpu.memory_space<vmem_shared>>) target(%dma_start3A_80 : memref<200x32xf32, #tpu.memory_space<hbm>>) target_semaphore(%run_scoped3A : memref<!tpu.dma_semaphore, #tpu.memory_space<semaphore_mem>>)
        %dma_wait3A_83 = arith.constant 0 : i32
        %dma_wait3A_84 = arith.constant 0 : i32
        %dma_wait3A_85 = tpu.memref_slice %arg6[%arg0, %dma_wait3A_83, %dma_wait3A_84] : memref<2x51200x32xf32, #tpu.memory_space<hbm>> -> memref<1x51200x32xf32, #tpu.memory_space<hbm>>
        %dma_wait3A_86 = tpu.memref_squeeze %dma_wait3A_85 : memref<1x51200x32xf32, #tpu.memory_space<hbm>> -> memref<51200x32xf32, #tpu.memory_space<hbm>>
        %dma_wait3A_87 = arith.constant 0 : i32
        %dma_wait3A_88 = tpu.memref_slice %dma_wait3A_86[%add3A_74, %dma_wait3A_87] : memref<51200x32xf32, #tpu.memory_space<hbm>> -> memref<200x32xf32, #tpu.memory_space<hbm>>
        %dma_wait3A_89 = arith.constant 0 : i32
        %dma_wait3A_90 = tpu.memref_slice %arg15[%add3A_74, %dma_wait3A_89] : memref<51200x32xf32, #tpu.memory_space<vmem_shared>> -> memref<200x32xf32, #tpu.memory_space<vmem_shared>>
        tpu.wait_dma2 semaphore(%run_scoped3A : memref<!tpu.dma_semaphore, #tpu.memory_space<semaphore_mem>>) src(%dma_wait3A_90 : memref<200x32xf32, #tpu.memory_space<vmem_shared>>) dst(%dma_wait3A_88 : memref<200x32xf32, #tpu.memory_space<hbm>>)
        tpu.yield
      }) : () -> ()
    }
    %scan3A_70 = arith.constant 16 : i32
    return
  }
}

#map = affine_map<(d0, d1) -> (0, 0, 0)>
#map1 = affine_map<(d0, d1) -> (0)>
module attributes {stable_mosaic.version = 14 : i64} {
  func.func @_sc_body(%arg0: i32, %arg1: i32, %arg2: memref<2x51200x32xf32, #tpu.memory_space<hbm>>, %arg3: memref<2x800000x32xf32, #tpu.memory_space<hbm>>, %arg4: memref<800000xi32, #tpu.memory_space<hbm>>, %arg5: memref<800000xi32, #tpu.memory_space<hbm>>, %arg6: memref<2x51200x32xf32, #tpu.memory_space<hbm>>, %arg7: memref<200xi32, #tpu.memory_space<vmem>>, %arg8: memref<200xi32, #tpu.memory_space<vmem>>, %arg9: memref<200x32xf32, #tpu.memory_space<vmem>>, %arg10: memref<200x32xf32, #tpu.memory_space<vmem>>, %arg11: memref<200xi32, #tpu.memory_space<vmem>>, %arg12: memref<200xi32, #tpu.memory_space<vmem>>, %arg13: memref<200x32xf32, #tpu.memory_space<vmem>>, %arg14: memref<200x32xf32, #tpu.memory_space<vmem>>, %arg15: memref<51200x32xf32, #tpu.memory_space<vmem_shared>>, %arg16: memref<!tpu.dma_semaphore, #tpu.memory_space<semaphore_mem>>, %arg17: memref<!tpu.dma_semaphore, #tpu.memory_space<semaphore_mem>>, %arg18: memref<!tpu.dma_semaphore, #tpu.memory_space<semaphore_mem>>, %arg19: memref<!tpu.dma_semaphore, #tpu.memory_space<semaphore_mem>>) attributes {dimension_semantics = [#tpu.dimension_semantics<core_parallel>, #tpu.dimension_semantics<subcore_parallel>], iteration_bounds = array<i64: 2, 16>, scalar_prefetch = 0 : i64, scratch_operands = 13 : i64, tpu.core_type = #tpu.core_type<sc_vector_subcore>, window_params = [{transform_indices = #map}, {transform_indices = #map}, {transform_indices = #map1}, {transform_indices = #map1}, {transform_indices = #map}]} {
    %mul3A = arith.constant 50000 : i32
    %mul3A_0 = arith.muli %arg1, %mul3A : i32
    %mul3A_1 = arith.constant 3200 : i32
    %mul3A_2 = arith.muli %arg1, %mul3A_1 : i32
    %scan3A = arith.constant 0 : i32
    %scan3A_3 = arith.constant 0 : i32
    %scan3A_4 = arith.constant 200 : i32
    %scan3A_5 = arith.addi %scan3A_3, %scan3A_4 : i32
    %scan3A_6 = arith.constant 1 : i32
    scf.for %scan3A_71 = %scan3A_3 to %scan3A_5 step %scan3A_6  : i32 {
      %broadcast_in_dim3A = arith.constant 0.000000e+00 : f32
      %broadcast_in_dim3A_72 = vector.broadcast %broadcast_in_dim3A : f32 to vector<16xf32>
      %swap3A = arith.index_cast %scan3A_71 : i32 to index
      %swap3A_73 = arith.constant 0 : index
      %swap3A_74 = tpu.vector_load %arg9[%swap3A, %swap3A_73] {strides = array<i32>} : memref<200x32xf32, #tpu.memory_space<vmem>>, vector<1x16xf32>,
      %swap3A_75 = vector.shape_cast %swap3A_74 : vector<1x16xf32> to vector<16xf32>
      %swap3A_76 = vector.shape_cast %broadcast_in_dim3A_72 : vector<16xf32> to vector<1x16xf32>
      tpu.vector_store %arg9[%swap3A, %swap3A_73], %swap3A_76 {strides = array<i32>} : memref<200x32xf32, #tpu.memory_space<vmem>>, vector<1x16xf32>,
      %broadcast_in_dim3A_77 = arith.constant 0.000000e+00 : f32
      %broadcast_in_dim3A_78 = vector.broadcast %broadcast_in_dim3A_77 : f32 to vector<16xf32>
      %swap3A_79 = arith.index_cast %scan3A_71 : i32 to index
      %swap3A_80 = arith.constant 16 : index
      %swap3A_81 = tpu.vector_load %arg9[%swap3A_79, %swap3A_80] {strides = array<i32>} : memref<200x32xf32, #tpu.memory_space<vmem>>, vector<1x16xf32>,
      %swap3A_82 = vector.shape_cast %swap3A_81 : vector<1x16xf32> to vector<16xf32>
      %swap3A_83 = vector.shape_cast %broadcast_in_dim3A_78 : vector<16xf32> to vector<1x16xf32>
      tpu.vector_store %arg9[%swap3A_79, %swap3A_80], %swap3A_83 {strides = array<i32>} : memref<200x32xf32, #tpu.memory_space<vmem>>, vector<1x16xf32>,
    }
    %scan3A_7 = arith.constant 200 : i32
    %scan3A_8 = arith.constant 0 : i32
    %scan3A_9 = arith.constant 0 : i32
    %scan3A_10 = arith.constant 16 : i32
    %scan3A_11 = arith.addi %scan3A_9, %scan3A_10 : i32
    %scan3A_12 = arith.constant 1 : i32
    scf.for %scan3A_71 = %scan3A_9 to %scan3A_11 step %scan3A_12  : i32 {
      %mul3A_72 = arith.constant 200 : i32
      %mul3A_73 = arith.muli %scan3A_71, %mul3A_72 : i32
      %add3A_74 = arith.addi %mul3A_2, %mul3A_73 : i32
      "tpu.region"() ({
        %run_scoped3A = tpu.sem_alloc : memref<!tpu.dma_semaphore, #tpu.memory_space<semaphore_mem>>
        %dma_start3A_75 = arith.constant 0 : i32
        %dma_start3A_76 = arith.constant 0 : i32
        %dma_start3A_77 = tpu.memref_slice %arg9[%dma_start3A_75, %dma_start3A_76] : memref<200x32xf32, #tpu.memory_space<vmem>> -> memref<200x32xf32, #tpu.memory_space<vmem>>
        %dma_start3A_78 = arith.constant 0 : i32
        %dma_start3A_79 = tpu.memref_slice %arg15[%add3A_74, %dma_start3A_78] : memref<51200x32xf32, #tpu.memory_space<vmem_shared>> -> memref<200x32xf32, #tpu.memory_space<vmem_shared>>
        %dma_start3A_80 = arith.constant 0 : i32
        %dma_start3A_81 = tpu.memref_slice %arg15[%add3A_74, %dma_start3A_80] : memref<51200x32xf32, #tpu.memory_space<vmem_shared>> -> memref<200x32xf32, #tpu.memory_space<vmem_shared>>
        %dma_start3A_82 = arith.constant 0 : i32
        %dma_start3A_83 = arith.constant 0 : i32
        %dma_start3A_84 = tpu.memref_slice %arg9[%dma_start3A_82, %dma_start3A_83] : memref<200x32xf32, #tpu.memory_space<vmem>> -> memref<200x32xf32, #tpu.memory_space<vmem>>
        tpu.enqueue_dma source(%dma_start3A_84 : memref<200x32xf32, #tpu.memory_space<vmem>>) target(%dma_start3A_81 : memref<200x32xf32, #tpu.memory_space<vmem_shared>>) target_semaphore(%run_scoped3A : memref<!tpu.dma_semaphore, #tpu.memory_space<semaphore_mem>>)
        %dma_wait3A_85 = arith.constant 0 : i32
        %dma_wait3A_86 = arith.constant 0 : i32
        %dma_wait3A_87 = tpu.memref_slice %arg9[%dma_wait3A_85, %dma_wait3A_86] : memref<200x32xf32, #tpu.memory_space<vmem>> -> memref<200x32xf32, #tpu.memory_space<vmem>>
        %dma_wait3A_88 = arith.constant 0 : i32
        %dma_wait3A_89 = tpu.memref_slice %arg15[%add3A_74, %dma_wait3A_88] : memref<51200x32xf32, #tpu.memory_space<vmem_shared>> -> memref<200x32xf32, #tpu.memory_space<vmem_shared>>
        %dma_wait3A_90 = arith.constant 0 : i32
        %dma_wait3A_91 = tpu.memref_slice %arg15[%add3A_74, %dma_wait3A_90] : memref<51200x32xf32, #tpu.memory_space<vmem_shared>> -> memref<200x32xf32, #tpu.memory_space<vmem_shared>>
        %dma_wait3A_92 = arith.constant 0 : i32
        %dma_wait3A_93 = arith.constant 0 : i32
        %dma_wait3A_94 = tpu.memref_slice %arg9[%dma_wait3A_92, %dma_wait3A_93] : memref<200x32xf32, #tpu.memory_space<vmem>> -> memref<200x32xf32, #tpu.memory_space<vmem>>
        tpu.wait_dma2 semaphore(%run_scoped3A : memref<!tpu.dma_semaphore, #tpu.memory_space<semaphore_mem>>) src(%dma_wait3A_94 : memref<200x32xf32, #tpu.memory_space<vmem>>) dst(%dma_wait3A_91 : memref<200x32xf32, #tpu.memory_space<vmem_shared>>)
        tpu.yield
      }) : () -> ()
    }
    %scan3A_13 = arith.constant 16 : i32
    %barrier3A = arith.constant 0 : index
    tpu.barrier barrier_id(%barrier3A)
    %add3A = arith.constant 0 : i32
    %add3A_14 = arith.addi %mul3A_0, %add3A : i32
    %dma_start3A = tpu.memref_slice %arg4[%add3A_14] : memref<800000xi32, #tpu.memory_space<hbm>> -> memref<200xi32, #tpu.memory_space<hbm>>
    %dma_start3A_15 = tpu.memref_slice %arg4[%add3A_14] : memref<800000xi32, #tpu.memory_space<hbm>> -> memref<200xi32, #tpu.memory_space<hbm>>
    tpu.enqueue_dma source(%dma_start3A_15 : memref<200xi32, #tpu.memory_space<hbm>>) target(%arg7 : memref<200xi32, #tpu.memory_space<vmem>>) target_semaphore(%arg16 : memref<!tpu.dma_semaphore, #tpu.memory_space<semaphore_mem>>)
    %dma_start3A_16 = tpu.memref_slice %arg5[%add3A_14] : memref<800000xi32, #tpu.memory_space<hbm>> -> memref<200xi32, #tpu.memory_space<hbm>>
    %dma_start3A_17 = tpu.memref_slice %arg5[%add3A_14] : memref<800000xi32, #tpu.memory_space<hbm>> -> memref<200xi32, #tpu.memory_space<hbm>>
    tpu.enqueue_dma source(%dma_start3A_17 : memref<200xi32, #tpu.memory_space<hbm>>) target(%arg8 : memref<200xi32, #tpu.memory_space<vmem>>) target_semaphore(%arg16 : memref<!tpu.dma_semaphore, #tpu.memory_space<semaphore_mem>>)
    %dma_start3A_18 = arith.constant 0 : i32
    %dma_start3A_19 = arith.constant 0 : i32
    %dma_start3A_20 = tpu.memref_slice %arg3[%arg0, %dma_start3A_18, %dma_start3A_19] : memref<2x800000x32xf32, #tpu.memory_space<hbm>> -> memref<1x800000x32xf32, #tpu.memory_space<hbm>>
    %dma_start3A_21 = tpu.memref_squeeze %dma_start3A_20 : memref<1x800000x32xf32, #tpu.memory_space<hbm>> -> memref<800000x32xf32, #tpu.memory_space<hbm>>
    %dma_start3A_22 = arith.constant 0 : i32
    %dma_start3A_23 = tpu.memref_slice %dma_start3A_21[%add3A_14, %dma_start3A_22] : memref<800000x32xf32, #tpu.memory_space<hbm>> -> memref<200x32xf32, #tpu.memory_space<hbm>>
    %dma_start3A_24 = arith.constant 0 : i32
    %dma_start3A_25 = arith.constant 0 : i32
    %dma_start3A_26 = tpu.memref_slice %arg3[%arg0, %dma_start3A_24, %dma_start3A_25] : memref<2x800000x32xf32, #tpu.memory_space<hbm>> -> memref<1x800000x32xf32, #tpu.memory_space<hbm>>
    %dma_start3A_27 = tpu.memref_squeeze %dma_start3A_26 : memref<1x800000x32xf32, #tpu.memory_space<hbm>> -> memref<800000x32xf32, #tpu.memory_space<hbm>>
    %dma_start3A_28 = arith.constant 0 : i32
    %dma_start3A_29 = tpu.memref_slice %dma_start3A_27[%add3A_14, %dma_start3A_28] : memref<800000x32xf32, #tpu.memory_space<hbm>> -> memref<200x32xf32, #tpu.memory_space<hbm>>
    tpu.enqueue_dma source(%dma_start3A_29 : memref<200x32xf32, #tpu.memory_space<hbm>>) target(%arg10 : memref<200x32xf32, #tpu.memory_space<vmem>>) target_semaphore(%arg16 : memref<!tpu.dma_semaphore, #tpu.memory_space<semaphore_mem>>)
    %dma_wait3A = arith.constant 0 : i32
    %dma_wait3A_30 = tpu.memref_slice %arg4[%dma_wait3A] : memref<800000xi32, #tpu.memory_space<hbm>> -> memref<200xi32, #tpu.memory_space<hbm>>
    %dma_wait3A_31 = arith.constant 0 : i32
    %dma_wait3A_32 = tpu.memref_slice %arg4[%dma_wait3A_31] : memref<800000xi32, #tpu.memory_space<hbm>> -> memref<200xi32, #tpu.memory_space<hbm>>
    tpu.wait_dma2 semaphore(%arg16 : memref<!tpu.dma_semaphore, #tpu.memory_space<semaphore_mem>>) src(%dma_wait3A_32 : memref<200xi32, #tpu.memory_space<hbm>>) dst(%arg7 : memref<200xi32, #tpu.memory_space<vmem>>)
    %dma_wait3A_33 = arith.constant 0 : i32
    %dma_wait3A_34 = tpu.memref_slice %arg5[%dma_wait3A_33] : memref<800000xi32, #tpu.memory_space<hbm>> -> memref<200xi32, #tpu.memory_space<hbm>>
    %dma_wait3A_35 = arith.constant 0 : i32
    %dma_wait3A_36 = tpu.memref_slice %arg5[%dma_wait3A_35] : memref<800000xi32, #tpu.memory_space<hbm>> -> memref<200xi32, #tpu.memory_space<hbm>>
    tpu.wait_dma2 semaphore(%arg16 : memref<!tpu.dma_semaphore, #tpu.memory_space<semaphore_mem>>) src(%dma_wait3A_36 : memref<200xi32, #tpu.memory_space<hbm>>) dst(%arg8 : memref<200xi32, #tpu.memory_space<vmem>>)
    %dma_wait3A_37 = arith.constant 0 : i32
    %dma_wait3A_38 = arith.constant 0 : i32
    %dma_wait3A_39 = tpu.memref_slice %arg3[%arg0, %dma_wait3A_37, %dma_wait3A_38] : memref<2x800000x32xf32, #tpu.memory_space<hbm>> -> memref<1x800000x32xf32, #tpu.memory_space<hbm>>
    %dma_wait3A_40 = tpu.memref_squeeze %dma_wait3A_39 : memref<1x800000x32xf32, #tpu.memory_space<hbm>> -> memref<800000x32xf32, #tpu.memory_space<hbm>>
    %dma_wait3A_41 = arith.constant 0 : i32
    %dma_wait3A_42 = arith.constant 0 : i32
    %dma_wait3A_43 = tpu.memref_slice %dma_wait3A_40[%dma_wait3A_41, %dma_wait3A_42] : memref<800000x32xf32, #tpu.memory_space<hbm>> -> memref<200x32xf32, #tpu.memory_space<hbm>>
    %dma_wait3A_44 = arith.constant 0 : i32
    %dma_wait3A_45 = arith.constant 0 : i32
    %dma_wait3A_46 = tpu.memref_slice %arg3[%arg0, %dma_wait3A_44, %dma_wait3A_45] : memref<2x800000x32xf32, #tpu.memory_space<hbm>> -> memref<1x800000x32xf32, #tpu.memory_space<hbm>>
    %dma_wait3A_47 = tpu.memref_squeeze %dma_wait3A_46 : memref<1x800000x32xf32, #tpu.memory_space<hbm>> -> memref<800000x32xf32, #tpu.memory_space<hbm>>
    %dma_wait3A_48 = arith.constant 0 : i32
    %dma_wait3A_49 = arith.constant 0 : i32
    %dma_wait3A_50 = tpu.memref_slice %dma_wait3A_47[%dma_wait3A_48, %dma_wait3A_49] : memref<800000x32xf32, #tpu.memory_space<hbm>> -> memref<200x32xf32, #tpu.memory_space<hbm>>
    tpu.wait_dma2 semaphore(%arg16 : memref<!tpu.dma_semaphore, #tpu.memory_space<semaphore_mem>>) src(%dma_wait3A_50 : memref<200x32xf32, #tpu.memory_space<hbm>>) dst(%arg10 : memref<200x32xf32, #tpu.memory_space<vmem>>)
    %dma_start3A_51 = arith.constant 0 : i32
    %dma_start3A_52 = arith.constant 0 : i32
    %dma_start3A_53 = tpu.memref_slice %arg2[%arg0, %dma_start3A_51, %dma_start3A_52] : memref<2x51200x32xf32, #tpu.memory_space<hbm>> -> memref<1x51200x32xf32, #tpu.memory_space<hbm>>
    %dma_start3A_54 = tpu.memref_squeeze %dma_start3A_53 : memref<1x51200x32xf32, #tpu.memory_space<hbm>> -> memref<51200x32xf32, #tpu.memory_space<hbm>>
    %dma_start3A_55 = arith.constant 0 : i32
    %dma_start3A_56 = arith.constant 0 : i32
    %dma_start3A_57 = tpu.memref_slice %dma_start3A_54[%dma_start3A_55, %dma_start3A_56] : memref<51200x32xf32, #tpu.memory_space<hbm>> -> memref<51200x32xf32, #tpu.memory_space<hbm>>
    tpu.enqueue_indirect_dma source(%dma_start3A_57 : memref<51200x32xf32, #tpu.memory_space<hbm>>) target(%arg9 : memref<200x32xf32, #tpu.memory_space<vmem>>) offsets(%arg7 : memref<200xi32, #tpu.memory_space<vmem>>) semaphore(%arg18 : memref<!tpu.dma_semaphore, #tpu.memory_space<semaphore_mem>>)
    %scan3A_58 = arith.constant 0 : i32
    %scan3A_59 = arith.constant 0 : i32
    %scan3A_60 = arith.constant 125 : i32
    %scan3A_61 = arith.addi %scan3A_59, %scan3A_60 : i32
    %scan3A_62 = arith.constant 1 : i32
    scf.for %scan3A_71 = %scan3A_59 to %scan3A_61 step %scan3A_62  : i32 {
      %mul3A_72 = arith.constant 2 : i32
      %mul3A_73 = arith.muli %mul3A_72, %scan3A_71 : i32
      %mul3A_74 = arith.constant 2 : i32
      %mul3A_75 = arith.muli %mul3A_74, %scan3A_71 : i32
      %add3A_76 = arith.constant 1 : i32
      %add3A_77 = arith.addi %mul3A_75, %add3A_76 : i32
      %mul3A_78 = arith.constant 200 : i32
      %mul3A_79 = arith.muli %add3A_77, %mul3A_78 : i32
      %add3A_80 = arith.addi %mul3A_0, %mul3A_79 : i32
      %dma_start3A_81 = tpu.memref_slice %arg4[%add3A_80] : memref<800000xi32, #tpu.memory_space<hbm>> -> memref<200xi32, #tpu.memory_space<hbm>>
      %dma_start3A_82 = tpu.memref_slice %arg4[%add3A_80] : memref<800000xi32, #tpu.memory_space<hbm>> -> memref<200xi32, #tpu.memory_space<hbm>>
      tpu.enqueue_dma source(%dma_start3A_82 : memref<200xi32, #tpu.memory_space<hbm>>) target(%arg11 : memref<200xi32, #tpu.memory_space<vmem>>) target_semaphore(%arg17 : memref<!tpu.dma_semaphore, #tpu.memory_space<semaphore_mem>>)
      %dma_start3A_83 = tpu.memref_slice %arg5[%add3A_80] : memref<800000xi32, #tpu.memory_space<hbm>> -> memref<200xi32, #tpu.memory_space<hbm>>
      %dma_start3A_84 = tpu.memref_slice %arg5[%add3A_80] : memref<800000xi32, #tpu.memory_space<hbm>> -> memref<200xi32, #tpu.memory_space<hbm>>
      tpu.enqueue_dma source(%dma_start3A_84 : memref<200xi32, #tpu.memory_space<hbm>>) target(%arg12 : memref<200xi32, #tpu.memory_space<vmem>>) target_semaphore(%arg17 : memref<!tpu.dma_semaphore, #tpu.memory_space<semaphore_mem>>)
      %dma_start3A_85 = arith.constant 0 : i32
      %dma_start3A_86 = arith.constant 0 : i32
      %dma_start3A_87 = tpu.memref_slice %arg3[%arg0, %dma_start3A_85, %dma_start3A_86] : memref<2x800000x32xf32, #tpu.memory_space<hbm>> -> memref<1x800000x32xf32, #tpu.memory_space<hbm>>
      %dma_start3A_88 = tpu.memref_squeeze %dma_start3A_87 : memref<1x800000x32xf32, #tpu.memory_space<hbm>> -> memref<800000x32xf32, #tpu.memory_space<hbm>>
      %dma_start3A_89 = arith.constant 0 : i32
      %dma_start3A_90 = tpu.memref_slice %dma_start3A_88[%add3A_80, %dma_start3A_89] : memref<800000x32xf32, #tpu.memory_space<hbm>> -> memref<200x32xf32, #tpu.memory_space<hbm>>
      %dma_start3A_91 = arith.constant 0 : i32
      %dma_start3A_92 = arith.constant 0 : i32
      %dma_start3A_93 = tpu.memref_slice %arg3[%arg0, %dma_start3A_91, %dma_start3A_92] : memref<2x800000x32xf32, #tpu.memory_space<hbm>> -> memref<1x800000x32xf32, #tpu.memory_space<hbm>>
      %dma_start3A_94 = tpu.memref_squeeze %dma_start3A_93 : memref<1x800000x32xf32, #tpu.memory_space<hbm>> -> memref<800000x32xf32, #tpu.memory_space<hbm>>
      %dma_start3A_95 = arith.constant 0 : i32
      %dma_start3A_96 = tpu.memref_slice %dma_start3A_94[%add3A_80, %dma_start3A_95] : memref<800000x32xf32, #tpu.memory_space<hbm>> -> memref<200x32xf32, #tpu.memory_space<hbm>>
      tpu.enqueue_dma source(%dma_start3A_96 : memref<200x32xf32, #tpu.memory_space<hbm>>) target(%arg14 : memref<200x32xf32, #tpu.memory_space<vmem>>) target_semaphore(%arg17 : memref<!tpu.dma_semaphore, #tpu.memory_space<semaphore_mem>>)
      %dma_wait3A_97 = arith.constant 0 : i32
      %dma_wait3A_98 = arith.constant 0 : i32
      %dma_wait3A_99 = tpu.memref_slice %arg2[%arg0, %dma_wait3A_97, %dma_wait3A_98] : memref<2x51200x32xf32, #tpu.memory_space<hbm>> -> memref<1x51200x32xf32, #tpu.memory_space<hbm>>
      %dma_wait3A_100 = tpu.memref_squeeze %dma_wait3A_99 : memref<1x51200x32xf32, #tpu.memory_space<hbm>> -> memref<51200x32xf32, #tpu.memory_space<hbm>>
      %dma_wait3A_101 = arith.constant 0 : i32
      %dma_wait3A_102 = arith.constant 0 : i32
      %dma_wait3A_103 = tpu.memref_slice %dma_wait3A_100[%dma_wait3A_101, %dma_wait3A_102] : memref<51200x32xf32, #tpu.memory_space<hbm>> -> memref<51200x32xf32, #tpu.memory_space<hbm>>
      tpu.wait_indirect_dma semaphore(%arg18 : memref<!tpu.dma_semaphore, #tpu.memory_space<semaphore_mem>>) src(%dma_wait3A_103 : memref<51200x32xf32, #tpu.memory_space<hbm>>) dst(%arg9 : memref<200x32xf32, #tpu.memory_space<vmem>>)
      %dma_wait3A_104 = arith.constant 0 : i32
      %dma_wait3A_105 = tpu.memref_slice %arg4[%dma_wait3A_104] : memref<800000xi32, #tpu.memory_space<hbm>> -> memref<200xi32, #tpu.memory_space<hbm>>
      %dma_wait3A_106 = arith.constant 0 : i32
      %dma_wait3A_107 = tpu.memref_slice %arg4[%dma_wait3A_106] : memref<800000xi32, #tpu.memory_space<hbm>> -> memref<200xi32, #tpu.memory_space<hbm>>
      tpu.wait_dma2 semaphore(%arg17 : memref<!tpu.dma_semaphore, #tpu.memory_space<semaphore_mem>>) src(%dma_wait3A_107 : memref<200xi32, #tpu.memory_space<hbm>>) dst(%arg11 : memref<200xi32, #tpu.memory_space<vmem>>)
      %dma_wait3A_108 = arith.constant 0 : i32
      %dma_wait3A_109 = tpu.memref_slice %arg5[%dma_wait3A_108] : memref<800000xi32, #tpu.memory_space<hbm>> -> memref<200xi32, #tpu.memory_space<hbm>>
      %dma_wait3A_110 = arith.constant 0 : i32
      %dma_wait3A_111 = tpu.memref_slice %arg5[%dma_wait3A_110] : memref<800000xi32, #tpu.memory_space<hbm>> -> memref<200xi32, #tpu.memory_space<hbm>>
      tpu.wait_dma2 semaphore(%arg17 : memref<!tpu.dma_semaphore, #tpu.memory_space<semaphore_mem>>) src(%dma_wait3A_111 : memref<200xi32, #tpu.memory_space<hbm>>) dst(%arg12 : memref<200xi32, #tpu.memory_space<vmem>>)
      %dma_wait3A_112 = arith.constant 0 : i32
      %dma_wait3A_113 = arith.constant 0 : i32
      %dma_wait3A_114 = tpu.memref_slice %arg3[%arg0, %dma_wait3A_112, %dma_wait3A_113] : memref<2x800000x32xf32, #tpu.memory_space<hbm>> -> memref<1x800000x32xf32, #tpu.memory_space<hbm>>
      %dma_wait3A_115 = tpu.memref_squeeze %dma_wait3A_114 : memref<1x800000x32xf32, #tpu.memory_space<hbm>> -> memref<800000x32xf32, #tpu.memory_space<hbm>>
      %dma_wait3A_116 = arith.constant 0 : i32
      %dma_wait3A_117 = arith.constant 0 : i32
      %dma_wait3A_118 = tpu.memref_slice %dma_wait3A_115[%dma_wait3A_116, %dma_wait3A_117] : memref<800000x32xf32, #tpu.memory_space<hbm>> -> memref<200x32xf32, #tpu.memory_space<hbm>>
      %dma_wait3A_119 = arith.constant 0 : i32
      %dma_wait3A_120 = arith.constant 0 : i32
      %dma_wait3A_121 = tpu.memref_slice %arg3[%arg0, %dma_wait3A_119, %dma_wait3A_120] : memref<2x800000x32xf32, #tpu.memory_space<hbm>> -> memref<1x800000x32xf32, #tpu.memory_space<hbm>>
      %dma_wait3A_122 = tpu.memref_squeeze %dma_wait3A_121 : memref<1x800000x32xf32, #tpu.memory_space<hbm>> -> memref<800000x32xf32, #tpu.memory_space<hbm>>
      %dma_wait3A_123 = arith.constant 0 : i32
      %dma_wait3A_124 = arith.constant 0 : i32
      %dma_wait3A_125 = tpu.memref_slice %dma_wait3A_122[%dma_wait3A_123, %dma_wait3A_124] : memref<800000x32xf32, #tpu.memory_space<hbm>> -> memref<200x32xf32, #tpu.memory_space<hbm>>
      tpu.wait_dma2 semaphore(%arg17 : memref<!tpu.dma_semaphore, #tpu.memory_space<semaphore_mem>>) src(%dma_wait3A_125 : memref<200x32xf32, #tpu.memory_space<hbm>>) dst(%arg14 : memref<200x32xf32, #tpu.memory_space<vmem>>)
      %dma_start3A_126 = arith.constant 0 : i32
      %dma_start3A_127 = arith.constant 0 : i32
      %dma_start3A_128 = tpu.memref_slice %arg2[%arg0, %dma_start3A_126, %dma_start3A_127] : memref<2x51200x32xf32, #tpu.memory_space<hbm>> -> memref<1x51200x32xf32, #tpu.memory_space<hbm>>
      %dma_start3A_129 = tpu.memref_squeeze %dma_start3A_128 : memref<1x51200x32xf32, #tpu.memory_space<hbm>> -> memref<51200x32xf32, #tpu.memory_space<hbm>>
      %dma_start3A_130 = arith.constant 0 : i32
      %dma_start3A_131 = arith.constant 0 : i32
      %dma_start3A_132 = tpu.memref_slice %dma_start3A_129[%dma_start3A_130, %dma_start3A_131] : memref<51200x32xf32, #tpu.memory_space<hbm>> -> memref<51200x32xf32, #tpu.memory_space<hbm>>
      tpu.enqueue_indirect_dma source(%dma_start3A_132 : memref<51200x32xf32, #tpu.memory_space<hbm>>) target(%arg13 : memref<200x32xf32, #tpu.memory_space<vmem>>) offsets(%arg11 : memref<200xi32, #tpu.memory_space<vmem>>) semaphore(%arg19 : memref<!tpu.dma_semaphore, #tpu.memory_space<semaphore_mem>>)
      %parallel_loop3A = arith.constant 0 : i32
      %parallel_loop3A_133 = arith.constant 200 : i32
      %parallel_loop3A_134 = arith.constant 1 : i32
      scf.for %parallel_loop3A_141 = %parallel_loop3A to %parallel_loop3A_133 step %parallel_loop3A_134  : i32 {
        %parallel_loop3A_142 = arith.index_cast %parallel_loop3A_141 : i32 to index
        %parallel_loop3A_143 = arith.constant 0 : index
        %parallel_loop3A_144 = tpu.vector_load %arg9[%parallel_loop3A_142, %parallel_loop3A_143] {strides = array<i32>} : memref<200x32xf32, #tpu.memory_space<vmem>>, vector<1x16xf32>,
        %parallel_loop3A_145 = vector.shape_cast %parallel_loop3A_144 : vector<1x16xf32> to vector<16xf32>
        %parallel_loop3A_146 = arith.index_cast %parallel_loop3A_141 : i32 to index
        %parallel_loop3A_147 = arith.constant 0 : index
        %parallel_loop3A_148 = tpu.vector_load %arg10[%parallel_loop3A_146, %parallel_loop3A_147] {strides = array<i32>} : memref<200x32xf32, #tpu.memory_space<vmem>>, vector<1x16xf32>,
        %parallel_loop3A_149 = vector.shape_cast %parallel_loop3A_148 : vector<1x16xf32> to vector<16xf32>
        %parallel_loop3A_150 = arith.mulf %parallel_loop3A_145, %parallel_loop3A_149 : vector<16xf32>
        %parallel_loop3A_151 = arith.index_cast %parallel_loop3A_141 : i32 to index
        %parallel_loop3A_152 = arith.constant 0 : index
        %parallel_loop3A_153 = tpu.vector_load %arg9[%parallel_loop3A_151, %parallel_loop3A_152] {strides = array<i32>} : memref<200x32xf32, #tpu.memory_space<vmem>>, vector<1x16xf32>,
        %parallel_loop3A_154 = vector.shape_cast %parallel_loop3A_153 : vector<1x16xf32> to vector<16xf32>
        %parallel_loop3A_155 = vector.shape_cast %parallel_loop3A_150 : vector<16xf32> to vector<1x16xf32>
        tpu.vector_store %arg9[%parallel_loop3A_151, %parallel_loop3A_152], %parallel_loop3A_155 {strides = array<i32>} : memref<200x32xf32, #tpu.memory_space<vmem>>, vector<1x16xf32>,
        %parallel_loop3A_156 = arith.index_cast %parallel_loop3A_141 : i32 to index
        %parallel_loop3A_157 = arith.constant 16 : index
        %parallel_loop3A_158 = tpu.vector_load %arg9[%parallel_loop3A_156, %parallel_loop3A_157] {strides = array<i32>} : memref<200x32xf32, #tpu.memory_space<vmem>>, vector<1x16xf32>,
        %parallel_loop3A_159 = vector.shape_cast %parallel_loop3A_158 : vector<1x16xf32> to vector<16xf32>
        %parallel_loop3A_160 = arith.index_cast %parallel_loop3A_141 : i32 to index
        %parallel_loop3A_161 = arith.constant 16 : index
        %parallel_loop3A_162 = tpu.vector_load %arg10[%parallel_loop3A_160, %parallel_loop3A_161] {strides = array<i32>} : memref<200x32xf32, #tpu.memory_space<vmem>>, vector<1x16xf32>,
        %parallel_loop3A_163 = vector.shape_cast %parallel_loop3A_162 : vector<1x16xf32> to vector<16xf32>
        %parallel_loop3A_164 = arith.mulf %parallel_loop3A_159, %parallel_loop3A_163 : vector<16xf32>
        %parallel_loop3A_165 = arith.index_cast %parallel_loop3A_141 : i32 to index
        %parallel_loop3A_166 = arith.constant 16 : index
        %parallel_loop3A_167 = tpu.vector_load %arg9[%parallel_loop3A_165, %parallel_loop3A_166] {strides = array<i32>} : memref<200x32xf32, #tpu.memory_space<vmem>>, vector<1x16xf32>,
        %parallel_loop3A_168 = vector.shape_cast %parallel_loop3A_167 : vector<1x16xf32> to vector<16xf32>
        %parallel_loop3A_169 = vector.shape_cast %parallel_loop3A_164 : vector<16xf32> to vector<1x16xf32>
        tpu.vector_store %arg9[%parallel_loop3A_165, %parallel_loop3A_166], %parallel_loop3A_169 {strides = array<i32>} : memref<200x32xf32, #tpu.memory_space<vmem>>, vector<1x16xf32>,
      } {sc.loop_unroll_factor = 4 : i64, sc.parallel_access}
      "tpu.region"() ({
        %run_scoped3A = tpu.sem_alloc : memref<!tpu.dma_semaphore, #tpu.memory_space<semaphore_mem>>
        %dma_start3A_141 = arith.constant 0 : i32
        %dma_start3A_142 = arith.constant 0 : i32
        %dma_start3A_143 = tpu.memref_slice %arg15[%dma_start3A_141, %dma_start3A_142] : memref<51200x32xf32, #tpu.memory_space<vmem_shared>> -> memref<51200x32xf32, #tpu.memory_space<vmem_shared>>
        tpu.enqueue_indirect_dma source(%arg9 : memref<200x32xf32, #tpu.memory_space<vmem>>) target(%dma_start3A_143 : memref<51200x32xf32, #tpu.memory_space<vmem_shared>>) offsets(%arg8 : memref<200xi32, #tpu.memory_space<vmem>>) semaphore(%run_scoped3A : memref<!tpu.dma_semaphore, #tpu.memory_space<semaphore_mem>>) {add = true}
        %dma_wait3A_144 = arith.constant 0 : i32
        %dma_wait3A_145 = arith.constant 0 : i32
        %dma_wait3A_146 = tpu.memref_slice %arg15[%dma_wait3A_144, %dma_wait3A_145] : memref<51200x32xf32, #tpu.memory_space<vmem_shared>> -> memref<51200x32xf32, #tpu.memory_space<vmem_shared>>
        tpu.wait_indirect_dma semaphore(%run_scoped3A : memref<!tpu.dma_semaphore, #tpu.memory_space<semaphore_mem>>) src(%arg9 : memref<200x32xf32, #tpu.memory_space<vmem>>) dst(%dma_wait3A_146 : memref<51200x32xf32, #tpu.memory_space<vmem_shared>>)
        tpu.yield
      }) : () -> ()
      %lt3A = arith.constant 124 : i32
      %lt3A_135 = arith.cmpi slt, %scan3A_71, %lt3A : i32
      %convert_element_type3A = arith.extui %lt3A_135 : i1 to i32
      %cond3A = arith.constant 0 : i32
      %cond3A_136 = arith.cmpi ne, %convert_element_type3A, %cond3A : i32
      scf.if %cond3A_136 {
        %mul3A_141 = arith.constant 2 : i32
        %mul3A_142 = arith.muli %mul3A_141, %scan3A_71 : i32
        %add3A_143 = arith.constant 1 : i32
        %add3A_144 = arith.addi %mul3A_142, %add3A_143 : i32
        %mul3A_145 = arith.constant 2 : i32
        %mul3A_146 = arith.muli %mul3A_145, %scan3A_71 : i32
        %add3A_147 = arith.constant 2 : i32
        %add3A_148 = arith.addi %mul3A_146, %add3A_147 : i32
        %mul3A_149 = arith.constant 200 : i32
        %mul3A_150 = arith.muli %add3A_148, %mul3A_149 : i32
        %add3A_151 = arith.addi %mul3A_0, %mul3A_150 : i32
        %dma_start3A_152 = tpu.memref_slice %arg4[%add3A_151] : memref<800000xi32, #tpu.memory_space<hbm>> -> memref<200xi32, #tpu.memory_space<hbm>>
        %dma_start3A_153 = tpu.memref_slice %arg4[%add3A_151] : memref<800000xi32, #tpu.memory_space<hbm>> -> memref<200xi32, #tpu.memory_space<hbm>>
        tpu.enqueue_dma source(%dma_start3A_153 : memref<200xi32, #tpu.memory_space<hbm>>) target(%arg7 : memref<200xi32, #tpu.memory_space<vmem>>) target_semaphore(%arg16 : memref<!tpu.dma_semaphore, #tpu.memory_space<semaphore_mem>>)
        %dma_start3A_154 = tpu.memref_slice %arg5[%add3A_151] : memref<800000xi32, #tpu.memory_space<hbm>> -> memref<200xi32, #tpu.memory_space<hbm>>
        %dma_start3A_155 = tpu.memref_slice %arg5[%add3A_151] : memref<800000xi32, #tpu.memory_space<hbm>> -> memref<200xi32, #tpu.memory_space<hbm>>
        tpu.enqueue_dma source(%dma_start3A_155 : memref<200xi32, #tpu.memory_space<hbm>>) target(%arg8 : memref<200xi32, #tpu.memory_space<vmem>>) target_semaphore(%arg16 : memref<!tpu.dma_semaphore, #tpu.memory_space<semaphore_mem>>)
        %dma_start3A_156 = arith.constant 0 : i32
        %dma_start3A_157 = arith.constant 0 : i32
        %dma_start3A_158 = tpu.memref_slice %arg3[%arg0, %dma_start3A_156, %dma_start3A_157] : memref<2x800000x32xf32, #tpu.memory_space<hbm>> -> memref<1x800000x32xf32, #tpu.memory_space<hbm>>
        %dma_start3A_159 = tpu.memref_squeeze %dma_start3A_158 : memref<1x800000x32xf32, #tpu.memory_space<hbm>> -> memref<800000x32xf32, #tpu.memory_space<hbm>>
        %dma_start3A_160 = arith.constant 0 : i32
        %dma_start3A_161 = tpu.memref_slice %dma_start3A_159[%add3A_151, %dma_start3A_160] : memref<800000x32xf32, #tpu.memory_space<hbm>> -> memref<200x32xf32, #tpu.memory_space<hbm>>
        %dma_start3A_162 = arith.constant 0 : i32
        %dma_start3A_163 = arith.constant 0 : i32
        %dma_start3A_164 = tpu.memref_slice %arg3[%arg0, %dma_start3A_162, %dma_start3A_163] : memref<2x800000x32xf32, #tpu.memory_space<hbm>> -> memref<1x800000x32xf32, #tpu.memory_space<hbm>>
        %dma_start3A_165 = tpu.memref_squeeze %dma_start3A_164 : memref<1x800000x32xf32, #tpu.memory_space<hbm>> -> memref<800000x32xf32, #tpu.memory_space<hbm>>
        %dma_start3A_166 = arith.constant 0 : i32
        %dma_start3A_167 = tpu.memref_slice %dma_start3A_165[%add3A_151, %dma_start3A_166] : memref<800000x32xf32, #tpu.memory_space<hbm>> -> memref<200x32xf32, #tpu.memory_space<hbm>>
        tpu.enqueue_dma source(%dma_start3A_167 : memref<200x32xf32, #tpu.memory_space<hbm>>) target(%arg10 : memref<200x32xf32, #tpu.memory_space<vmem>>) target_semaphore(%arg16 : memref<!tpu.dma_semaphore, #tpu.memory_space<semaphore_mem>>)
        %dma_wait3A_168 = arith.constant 0 : i32
        %dma_wait3A_169 = arith.constant 0 : i32
        %dma_wait3A_170 = tpu.memref_slice %arg2[%arg0, %dma_wait3A_168, %dma_wait3A_169] : memref<2x51200x32xf32, #tpu.memory_space<hbm>> -> memref<1x51200x32xf32, #tpu.memory_space<hbm>>
        %dma_wait3A_171 = tpu.memref_squeeze %dma_wait3A_170 : memref<1x51200x32xf32, #tpu.memory_space<hbm>> -> memref<51200x32xf32, #tpu.memory_space<hbm>>
        %dma_wait3A_172 = arith.constant 0 : i32
        %dma_wait3A_173 = arith.constant 0 : i32
        %dma_wait3A_174 = tpu.memref_slice %dma_wait3A_171[%dma_wait3A_172, %dma_wait3A_173] : memref<51200x32xf32, #tpu.memory_space<hbm>> -> memref<51200x32xf32, #tpu.memory_space<hbm>>
        tpu.wait_indirect_dma semaphore(%arg19 : memref<!tpu.dma_semaphore, #tpu.memory_space<semaphore_mem>>) src(%dma_wait3A_174 : memref<51200x32xf32, #tpu.memory_space<hbm>>) dst(%arg13 : memref<200x32xf32, #tpu.memory_space<vmem>>)
        %dma_wait3A_175 = arith.constant 0 : i32
        %dma_wait3A_176 = tpu.memref_slice %arg4[%dma_wait3A_175] : memref<800000xi32, #tpu.memory_space<hbm>> -> memref<200xi32, #tpu.memory_space<hbm>>
        %dma_wait3A_177 = arith.constant 0 : i32
        %dma_wait3A_178 = tpu.memref_slice %arg4[%dma_wait3A_177] : memref<800000xi32, #tpu.memory_space<hbm>> -> memref<200xi32, #tpu.memory_space<hbm>>
        tpu.wait_dma2 semaphore(%arg16 : memref<!tpu.dma_semaphore, #tpu.memory_space<semaphore_mem>>) src(%dma_wait3A_178 : memref<200xi32, #tpu.memory_space<hbm>>) dst(%arg7 : memref<200xi32, #tpu.memory_space<vmem>>)
        %dma_wait3A_179 = arith.constant 0 : i32
        %dma_wait3A_180 = tpu.memref_slice %arg5[%dma_wait3A_179] : memref<800000xi32, #tpu.memory_space<hbm>> -> memref<200xi32, #tpu.memory_space<hbm>>
        %dma_wait3A_181 = arith.constant 0 : i32
        %dma_wait3A_182 = tpu.memref_slice %arg5[%dma_wait3A_181] : memref<800000xi32, #tpu.memory_space<hbm>> -> memref<200xi32, #tpu.memory_space<hbm>>
        tpu.wait_dma2 semaphore(%arg16 : memref<!tpu.dma_semaphore, #tpu.memory_space<semaphore_mem>>) src(%dma_wait3A_182 : memref<200xi32, #tpu.memory_space<hbm>>) dst(%arg8 : memref<200xi32, #tpu.memory_space<vmem>>)
        %dma_wait3A_183 = arith.constant 0 : i32
        %dma_wait3A_184 = arith.constant 0 : i32
        %dma_wait3A_185 = tpu.memref_slice %arg3[%arg0, %dma_wait3A_183, %dma_wait3A_184] : memref<2x800000x32xf32, #tpu.memory_space<hbm>> -> memref<1x800000x32xf32, #tpu.memory_space<hbm>>
        %dma_wait3A_186 = tpu.memref_squeeze %dma_wait3A_185 : memref<1x800000x32xf32, #tpu.memory_space<hbm>> -> memref<800000x32xf32, #tpu.memory_space<hbm>>
        %dma_wait3A_187 = arith.constant 0 : i32
        %dma_wait3A_188 = arith.constant 0 : i32
        %dma_wait3A_189 = tpu.memref_slice %dma_wait3A_186[%dma_wait3A_187, %dma_wait3A_188] : memref<800000x32xf32, #tpu.memory_space<hbm>> -> memref<200x32xf32, #tpu.memory_space<hbm>>
        %dma_wait3A_190 = arith.constant 0 : i32
        %dma_wait3A_191 = arith.constant 0 : i32
        %dma_wait3A_192 = tpu.memref_slice %arg3[%arg0, %dma_wait3A_190, %dma_wait3A_191] : memref<2x800000x32xf32, #tpu.memory_space<hbm>> -> memref<1x800000x32xf32, #tpu.memory_space<hbm>>
        %dma_wait3A_193 = tpu.memref_squeeze %dma_wait3A_192 : memref<1x800000x32xf32, #tpu.memory_space<hbm>> -> memref<800000x32xf32, #tpu.memory_space<hbm>>
        %dma_wait3A_194 = arith.constant 0 : i32
        %dma_wait3A_195 = arith.constant 0 : i32
        %dma_wait3A_196 = tpu.memref_slice %dma_wait3A_193[%dma_wait3A_194, %dma_wait3A_195] : memref<800000x32xf32, #tpu.memory_space<hbm>> -> memref<200x32xf32, #tpu.memory_space<hbm>>
        tpu.wait_dma2 semaphore(%arg16 : memref<!tpu.dma_semaphore, #tpu.memory_space<semaphore_mem>>) src(%dma_wait3A_196 : memref<200x32xf32, #tpu.memory_space<hbm>>) dst(%arg10 : memref<200x32xf32, #tpu.memory_space<vmem>>)
        %dma_start3A_197 = arith.constant 0 : i32
        %dma_start3A_198 = arith.constant 0 : i32
        %dma_start3A_199 = tpu.memref_slice %arg2[%arg0, %dma_start3A_197, %dma_start3A_198] : memref<2x51200x32xf32, #tpu.memory_space<hbm>> -> memref<1x51200x32xf32, #tpu.memory_space<hbm>>
        %dma_start3A_200 = tpu.memref_squeeze %dma_start3A_199 : memref<1x51200x32xf32, #tpu.memory_space<hbm>> -> memref<51200x32xf32, #tpu.memory_space<hbm>>
        %dma_start3A_201 = arith.constant 0 : i32
        %dma_start3A_202 = arith.constant 0 : i32
        %dma_start3A_203 = tpu.memref_slice %dma_start3A_200[%dma_start3A_201, %dma_start3A_202] : memref<51200x32xf32, #tpu.memory_space<hbm>> -> memref<51200x32xf32, #tpu.memory_space<hbm>>
        tpu.enqueue_indirect_dma source(%dma_start3A_203 : memref<51200x32xf32, #tpu.memory_space<hbm>>) target(%arg9 : memref<200x32xf32, #tpu.memory_space<vmem>>) offsets(%arg7 : memref<200xi32, #tpu.memory_space<vmem>>) semaphore(%arg18 : memref<!tpu.dma_semaphore, #tpu.memory_space<semaphore_mem>>)
        %parallel_loop3A_204 = arith.constant 0 : i32
        %parallel_loop3A_205 = arith.constant 200 : i32
        %parallel_loop3A_206 = arith.constant 1 : i32
        scf.for %parallel_loop3A_207 = %parallel_loop3A_204 to %parallel_loop3A_205 step %parallel_loop3A_206  : i32 {
          %parallel_loop3A_208 = arith.index_cast %parallel_loop3A_207 : i32 to index
          %parallel_loop3A_209 = arith.constant 0 : index
          %parallel_loop3A_210 = tpu.vector_load %arg13[%parallel_loop3A_208, %parallel_loop3A_209] {strides = array<i32>} : memref<200x32xf32, #tpu.memory_space<vmem>>, vector<1x16xf32>,
          %parallel_loop3A_211 = vector.shape_cast %parallel_loop3A_210 : vector<1x16xf32> to vector<16xf32>
          %parallel_loop3A_212 = arith.index_cast %parallel_loop3A_207 : i32 to index
          %parallel_loop3A_213 = arith.constant 0 : index
          %parallel_loop3A_214 = tpu.vector_load %arg14[%parallel_loop3A_212, %parallel_loop3A_213] {strides = array<i32>} : memref<200x32xf32, #tpu.memory_space<vmem>>, vector<1x16xf32>,
          %parallel_loop3A_215 = vector.shape_cast %parallel_loop3A_214 : vector<1x16xf32> to vector<16xf32>
          %parallel_loop3A_216 = arith.mulf %parallel_loop3A_211, %parallel_loop3A_215 : vector<16xf32>
          %parallel_loop3A_217 = arith.index_cast %parallel_loop3A_207 : i32 to index
          %parallel_loop3A_218 = arith.constant 0 : index
          %parallel_loop3A_219 = tpu.vector_load %arg13[%parallel_loop3A_217, %parallel_loop3A_218] {strides = array<i32>} : memref<200x32xf32, #tpu.memory_space<vmem>>, vector<1x16xf32>,
          %parallel_loop3A_220 = vector.shape_cast %parallel_loop3A_219 : vector<1x16xf32> to vector<16xf32>
          %parallel_loop3A_221 = vector.shape_cast %parallel_loop3A_216 : vector<16xf32> to vector<1x16xf32>
          tpu.vector_store %arg13[%parallel_loop3A_217, %parallel_loop3A_218], %parallel_loop3A_221 {strides = array<i32>} : memref<200x32xf32, #tpu.memory_space<vmem>>, vector<1x16xf32>,
          %parallel_loop3A_222 = arith.index_cast %parallel_loop3A_207 : i32 to index
          %parallel_loop3A_223 = arith.constant 16 : index
          %parallel_loop3A_224 = tpu.vector_load %arg13[%parallel_loop3A_222, %parallel_loop3A_223] {strides = array<i32>} : memref<200x32xf32, #tpu.memory_space<vmem>>, vector<1x16xf32>,
          %parallel_loop3A_225 = vector.shape_cast %parallel_loop3A_224 : vector<1x16xf32> to vector<16xf32>
          %parallel_loop3A_226 = arith.index_cast %parallel_loop3A_207 : i32 to index
          %parallel_loop3A_227 = arith.constant 16 : index
          %parallel_loop3A_228 = tpu.vector_load %arg14[%parallel_loop3A_226, %parallel_loop3A_227] {strides = array<i32>} : memref<200x32xf32, #tpu.memory_space<vmem>>, vector<1x16xf32>,
          %parallel_loop3A_229 = vector.shape_cast %parallel_loop3A_228 : vector<1x16xf32> to vector<16xf32>
          %parallel_loop3A_230 = arith.mulf %parallel_loop3A_225, %parallel_loop3A_229 : vector<16xf32>
          %parallel_loop3A_231 = arith.index_cast %parallel_loop3A_207 : i32 to index
          %parallel_loop3A_232 = arith.constant 16 : index
          %parallel_loop3A_233 = tpu.vector_load %arg13[%parallel_loop3A_231, %parallel_loop3A_232] {strides = array<i32>} : memref<200x32xf32, #tpu.memory_space<vmem>>, vector<1x16xf32>,
          %parallel_loop3A_234 = vector.shape_cast %parallel_loop3A_233 : vector<1x16xf32> to vector<16xf32>
          %parallel_loop3A_235 = vector.shape_cast %parallel_loop3A_230 : vector<16xf32> to vector<1x16xf32>
          tpu.vector_store %arg13[%parallel_loop3A_231, %parallel_loop3A_232], %parallel_loop3A_235 {strides = array<i32>} : memref<200x32xf32, #tpu.memory_space<vmem>>, vector<1x16xf32>,
        } {sc.loop_unroll_factor = 4 : i64, sc.parallel_access}
        "tpu.region"() ({
          %run_scoped3A = tpu.sem_alloc : memref<!tpu.dma_semaphore, #tpu.memory_space<semaphore_mem>>
          %dma_start3A_207 = arith.constant 0 : i32
          %dma_start3A_208 = arith.constant 0 : i32
          %dma_start3A_209 = tpu.memref_slice %arg15[%dma_start3A_207, %dma_start3A_208] : memref<51200x32xf32, #tpu.memory_space<vmem_shared>> -> memref<51200x32xf32, #tpu.memory_space<vmem_shared>>
          tpu.enqueue_indirect_dma source(%arg13 : memref<200x32xf32, #tpu.memory_space<vmem>>) target(%dma_start3A_209 : memref<51200x32xf32, #tpu.memory_space<vmem_shared>>) offsets(%arg12 : memref<200xi32, #tpu.memory_space<vmem>>) semaphore(%run_scoped3A : memref<!tpu.dma_semaphore, #tpu.memory_space<semaphore_mem>>) {add = true}
          %dma_wait3A_210 = arith.constant 0 : i32
          %dma_wait3A_211 = arith.constant 0 : i32
          %dma_wait3A_212 = tpu.memref_slice %arg15[%dma_wait3A_210, %dma_wait3A_211] : memref<51200x32xf32, #tpu.memory_space<vmem_shared>> -> memref<51200x32xf32, #tpu.memory_space<vmem_shared>>
          tpu.wait_indirect_dma semaphore(%run_scoped3A : memref<!tpu.dma_semaphore, #tpu.memory_space<semaphore_mem>>) src(%arg13 : memref<200x32xf32, #tpu.memory_space<vmem>>) dst(%dma_wait3A_212 : memref<51200x32xf32, #tpu.memory_space<vmem_shared>>)
          tpu.yield
        }) : () -> ()
      } else {
      }
      %eq3A = arith.constant 124 : i32
      %eq3A_137 = arith.cmpi eq, %scan3A_71, %eq3A : i32
      %convert_element_type3A_138 = arith.extui %eq3A_137 : i1 to i32
      %cond3A_139 = arith.constant 0 : i32
      %cond3A_140 = arith.cmpi ne, %convert_element_type3A_138, %cond3A_139 : i32
      scf.if %cond3A_140 {
        %dma_wait3A_141 = arith.constant 0 : i32
        %dma_wait3A_142 = arith.constant 0 : i32
        %dma_wait3A_143 = tpu.memref_slice %arg2[%arg0, %dma_wait3A_141, %dma_wait3A_142] : memref<2x51200x32xf32, #tpu.memory_space<hbm>> -> memref<1x51200x32xf32, #tpu.memory_space<hbm>>
        %dma_wait3A_144 = tpu.memref_squeeze %dma_wait3A_143 : memref<1x51200x32xf32, #tpu.memory_space<hbm>> -> memref<51200x32xf32, #tpu.memory_space<hbm>>
        %dma_wait3A_145 = arith.constant 0 : i32
        %dma_wait3A_146 = arith.constant 0 : i32
        %dma_wait3A_147 = tpu.memref_slice %dma_wait3A_144[%dma_wait3A_145, %dma_wait3A_146] : memref<51200x32xf32, #tpu.memory_space<hbm>> -> memref<51200x32xf32, #tpu.memory_space<hbm>>
        tpu.wait_indirect_dma semaphore(%arg19 : memref<!tpu.dma_semaphore, #tpu.memory_space<semaphore_mem>>) src(%dma_wait3A_147 : memref<51200x32xf32, #tpu.memory_space<hbm>>) dst(%arg13 : memref<200x32xf32, #tpu.memory_space<vmem>>)
        %parallel_loop3A_148 = arith.constant 0 : i32
        %parallel_loop3A_149 = arith.constant 200 : i32
        %parallel_loop3A_150 = arith.constant 1 : i32
        scf.for %parallel_loop3A_151 = %parallel_loop3A_148 to %parallel_loop3A_149 step %parallel_loop3A_150  : i32 {
          %parallel_loop3A_152 = arith.index_cast %parallel_loop3A_151 : i32 to index
          %parallel_loop3A_153 = arith.constant 0 : index
          %parallel_loop3A_154 = tpu.vector_load %arg13[%parallel_loop3A_152, %parallel_loop3A_153] {strides = array<i32>} : memref<200x32xf32, #tpu.memory_space<vmem>>, vector<1x16xf32>,
          %parallel_loop3A_155 = vector.shape_cast %parallel_loop3A_154 : vector<1x16xf32> to vector<16xf32>
          %parallel_loop3A_156 = arith.index_cast %parallel_loop3A_151 : i32 to index
          %parallel_loop3A_157 = arith.constant 0 : index
          %parallel_loop3A_158 = tpu.vector_load %arg14[%parallel_loop3A_156, %parallel_loop3A_157] {strides = array<i32>} : memref<200x32xf32, #tpu.memory_space<vmem>>, vector<1x16xf32>,
          %parallel_loop3A_159 = vector.shape_cast %parallel_loop3A_158 : vector<1x16xf32> to vector<16xf32>
          %parallel_loop3A_160 = arith.mulf %parallel_loop3A_155, %parallel_loop3A_159 : vector<16xf32>
          %parallel_loop3A_161 = arith.index_cast %parallel_loop3A_151 : i32 to index
          %parallel_loop3A_162 = arith.constant 0 : index
          %parallel_loop3A_163 = tpu.vector_load %arg13[%parallel_loop3A_161, %parallel_loop3A_162] {strides = array<i32>} : memref<200x32xf32, #tpu.memory_space<vmem>>, vector<1x16xf32>,
          %parallel_loop3A_164 = vector.shape_cast %parallel_loop3A_163 : vector<1x16xf32> to vector<16xf32>
          %parallel_loop3A_165 = vector.shape_cast %parallel_loop3A_160 : vector<16xf32> to vector<1x16xf32>
          tpu.vector_store %arg13[%parallel_loop3A_161, %parallel_loop3A_162], %parallel_loop3A_165 {strides = array<i32>} : memref<200x32xf32, #tpu.memory_space<vmem>>, vector<1x16xf32>,
          %parallel_loop3A_166 = arith.index_cast %parallel_loop3A_151 : i32 to index
          %parallel_loop3A_167 = arith.constant 16 : index
          %parallel_loop3A_168 = tpu.vector_load %arg13[%parallel_loop3A_166, %parallel_loop3A_167] {strides = array<i32>} : memref<200x32xf32, #tpu.memory_space<vmem>>, vector<1x16xf32>,
          %parallel_loop3A_169 = vector.shape_cast %parallel_loop3A_168 : vector<1x16xf32> to vector<16xf32>
          %parallel_loop3A_170 = arith.index_cast %parallel_loop3A_151 : i32 to index
          %parallel_loop3A_171 = arith.constant 16 : index
          %parallel_loop3A_172 = tpu.vector_load %arg14[%parallel_loop3A_170, %parallel_loop3A_171] {strides = array<i32>} : memref<200x32xf32, #tpu.memory_space<vmem>>, vector<1x16xf32>,
          %parallel_loop3A_173 = vector.shape_cast %parallel_loop3A_172 : vector<1x16xf32> to vector<16xf32>
          %parallel_loop3A_174 = arith.mulf %parallel_loop3A_169, %parallel_loop3A_173 : vector<16xf32>
          %parallel_loop3A_175 = arith.index_cast %parallel_loop3A_151 : i32 to index
          %parallel_loop3A_176 = arith.constant 16 : index
          %parallel_loop3A_177 = tpu.vector_load %arg13[%parallel_loop3A_175, %parallel_loop3A_176] {strides = array<i32>} : memref<200x32xf32, #tpu.memory_space<vmem>>, vector<1x16xf32>,
          %parallel_loop3A_178 = vector.shape_cast %parallel_loop3A_177 : vector<1x16xf32> to vector<16xf32>
          %parallel_loop3A_179 = vector.shape_cast %parallel_loop3A_174 : vector<16xf32> to vector<1x16xf32>
          tpu.vector_store %arg13[%parallel_loop3A_175, %parallel_loop3A_176], %parallel_loop3A_179 {strides = array<i32>} : memref<200x32xf32, #tpu.memory_space<vmem>>, vector<1x16xf32>,
        } {sc.loop_unroll_factor = 4 : i64, sc.parallel_access}
        "tpu.region"() ({
          %run_scoped3A = tpu.sem_alloc : memref<!tpu.dma_semaphore, #tpu.memory_space<semaphore_mem>>
          %dma_start3A_151 = arith.constant 0 : i32
          %dma_start3A_152 = arith.constant 0 : i32
          %dma_start3A_153 = tpu.memref_slice %arg15[%dma_start3A_151, %dma_start3A_152] : memref<51200x32xf32, #tpu.memory_space<vmem_shared>> -> memref<51200x32xf32, #tpu.memory_space<vmem_shared>>
          tpu.enqueue_indirect_dma source(%arg13 : memref<200x32xf32, #tpu.memory_space<vmem>>) target(%dma_start3A_153 : memref<51200x32xf32, #tpu.memory_space<vmem_shared>>) offsets(%arg12 : memref<200xi32, #tpu.memory_space<vmem>>) semaphore(%run_scoped3A : memref<!tpu.dma_semaphore, #tpu.memory_space<semaphore_mem>>) {add = true}
          %dma_wait3A_154 = arith.constant 0 : i32
          %dma_wait3A_155 = arith.constant 0 : i32
          %dma_wait3A_156 = tpu.memref_slice %arg15[%dma_wait3A_154, %dma_wait3A_155] : memref<51200x32xf32, #tpu.memory_space<vmem_shared>> -> memref<51200x32xf32, #tpu.memory_space<vmem_shared>>
          tpu.wait_indirect_dma semaphore(%run_scoped3A : memref<!tpu.dma_semaphore, #tpu.memory_space<semaphore_mem>>) src(%arg13 : memref<200x32xf32, #tpu.memory_space<vmem>>) dst(%dma_wait3A_156 : memref<51200x32xf32, #tpu.memory_space<vmem_shared>>)
          tpu.yield
        }) : () -> ()
      } else {
      }
    }
    %scan3A_63 = arith.constant 125 : i32
    %barrier3A_64 = arith.constant 0 : index
    tpu.barrier barrier_id(%barrier3A_64)
    %scan3A_65 = arith.constant 0 : i32
    %scan3A_66 = arith.constant 0 : i32
    %scan3A_67 = arith.constant 16 : i32
    %scan3A_68 = arith.addi %scan3A_66, %scan3A_67 : i32
    %scan3A_69 = arith.constant 1 : i32
    scf.for %scan3A_71 = %scan3A_66 to %scan3A_68 step %scan3A_69  : i32 {
      %mul3A_72 = arith.constant 200 : i32
      %mul3A_73 = arith.muli %scan3A_71, %mul3A_72 : i32
      %add3A_74 = arith.addi %mul3A_2, %mul3A_73 : i32
      "tpu.region"() ({
        %run_scoped3A = tpu.sem_alloc : memref<!tpu.dma_semaphore, #tpu.memory_space<semaphore_mem>>
        %dma_start3A_75 = arith.constant 0 : i32
        %dma_start3A_76 = arith.constant 0 : i32
        %dma_start3A_77 = tpu.memref_slice %arg6[%arg0, %dma_start3A_75, %dma_start3A_76] : memref<2x51200x32xf32, #tpu.memory_space<hbm>> -> memref<1x51200x32xf32, #tpu.memory_space<hbm>>
        %dma_start3A_78 = tpu.memref_squeeze %dma_start3A_77 : memref<1x51200x32xf32, #tpu.memory_space<hbm>> -> memref<51200x32xf32, #tpu.memory_space<hbm>>
        %dma_start3A_79 = arith.constant 0 : i32
        %dma_start3A_80 = tpu.memref_slice %dma_start3A_78[%add3A_74, %dma_start3A_79] : memref<51200x32xf32, #tpu.memory_space<hbm>> -> memref<200x32xf32, #tpu.memory_space<hbm>>
        %dma_start3A_81 = arith.constant 0 : i32
        %dma_start3A_82 = tpu.memref_slice %arg15[%add3A_74, %dma_start3A_81] : memref<51200x32xf32, #tpu.memory_space<vmem_shared>> -> memref<200x32xf32, #tpu.memory_space<vmem_shared>>
        tpu.enqueue_dma source(%dma_start3A_82 : memref<200x32xf32, #tpu.memory_space<vmem_shared>>) target(%dma_start3A_80 : memref<200x32xf32, #tpu.memory_space<hbm>>) target_semaphore(%run_scoped3A : memref<!tpu.dma_semaphore, #tpu.memory_space<semaphore_mem>>)
        %dma_wait3A_83 = arith.constant 0 : i32
        %dma_wait3A_84 = arith.constant 0 : i32
        %dma_wait3A_85 = tpu.memref_slice %arg6[%arg0, %dma_wait3A_83, %dma_wait3A_84] : memref<2x51200x32xf32, #tpu.memory_space<hbm>> -> memref<1x51200x32xf32, #tpu.memory_space<hbm>>
        %dma_wait3A_86 = tpu.memref_squeeze %dma_wait3A_85 : memref<1x51200x32xf32, #tpu.memory_space<hbm>> -> memref<51200x32xf32, #tpu.memory_space<hbm>>
        %dma_wait3A_87 = arith.constant 0 : i32
        %dma_wait3A_88 = tpu.memref_slice %dma_wait3A_86[%add3A_74, %dma_wait3A_87] : memref<51200x32xf32, #tpu.memory_space<hbm>> -> memref<200x32xf32, #tpu.memory_space<hbm>>
        %dma_wait3A_89 = arith.constant 0 : i32
        %dma_wait3A_90 = tpu.memref_slice %arg15[%add3A_74, %dma_wait3A_89] : memref<51200x32xf32, #tpu.memory_space<vmem_shared>> -> memref<200x32xf32, #tpu.memory_space<vmem_shared>>
        tpu.wait_dma2 semaphore(%run_scoped3A : memref<!tpu.dma_semaphore, #tpu.memory_space<semaphore_mem>>) src(%dma_wait3A_90 : memref<200x32xf32, #tpu.memory_space<vmem_shared>>) dst(%dma_wait3A_88 : memref<200x32xf32, #tpu.memory_space<hbm>>)
        tpu.yield
      }) : () -> ()
    }
    %scan3A_70 = arith.constant 16 : i32
    return
  }
}

#map = affine_map<(d0, d1) -> (0, 0, 0)>
#map1 = affine_map<(d0, d1) -> (0)>
module attributes {stable_mosaic.version = 14 : i64} {
  func.func @_sc_body(%arg0: i32, %arg1: i32, %arg2: memref<2x51200x32xf32, #tpu.memory_space<hbm>>, %arg3: memref<2x800000x32xf32, #tpu.memory_space<hbm>>, %arg4: memref<800000xi32, #tpu.memory_space<hbm>>, %arg5: memref<800000xi32, #tpu.memory_space<hbm>>, %arg6: memref<2x51200x32xf32, #tpu.memory_space<hbm>>, %arg7: memref<200xi32, #tpu.memory_space<vmem>>, %arg8: memref<200xi32, #tpu.memory_space<vmem>>, %arg9: memref<200x32xf32, #tpu.memory_space<vmem>>, %arg10: memref<200x32xf32, #tpu.memory_space<vmem>>, %arg11: memref<200xi32, #tpu.memory_space<vmem>>, %arg12: memref<200xi32, #tpu.memory_space<vmem>>, %arg13: memref<200x32xf32, #tpu.memory_space<vmem>>, %arg14: memref<200x32xf32, #tpu.memory_space<vmem>>, %arg15: memref<51200x32xf32, #tpu.memory_space<vmem_shared>>, %arg16: memref<!tpu.dma_semaphore, #tpu.memory_space<semaphore_mem>>, %arg17: memref<!tpu.dma_semaphore, #tpu.memory_space<semaphore_mem>>, %arg18: memref<!tpu.dma_semaphore, #tpu.memory_space<semaphore_mem>>, %arg19: memref<!tpu.dma_semaphore, #tpu.memory_space<semaphore_mem>>) attributes {dimension_semantics = [#tpu.dimension_semantics<core_parallel>, #tpu.dimension_semantics<subcore_parallel>], iteration_bounds = array<i64: 2, 16>, scalar_prefetch = 0 : i64, scratch_operands = 13 : i64, tpu.core_type = #tpu.core_type<sc_vector_subcore>, window_params = [{transform_indices = #map}, {transform_indices = #map}, {transform_indices = #map1}, {transform_indices = #map1}, {transform_indices = #map}]} {
    %mul3A = arith.constant 50000 : i32
    %mul3A_0 = arith.muli %arg1, %mul3A : i32
    %mul3A_1 = arith.constant 3200 : i32
    %mul3A_2 = arith.muli %arg1, %mul3A_1 : i32
    %scan3A = arith.constant 0 : i32
    %scan3A_3 = arith.constant 0 : i32
    %scan3A_4 = arith.constant 200 : i32
    %scan3A_5 = arith.addi %scan3A_3, %scan3A_4 : i32
    %scan3A_6 = arith.constant 1 : i32
    scf.for %scan3A_71 = %scan3A_3 to %scan3A_5 step %scan3A_6  : i32 {
      %broadcast_in_dim3A = arith.constant 0.000000e+00 : f32
      %broadcast_in_dim3A_72 = vector.broadcast %broadcast_in_dim3A : f32 to vector<16xf32>
      %swap3A = arith.index_cast %scan3A_71 : i32 to index
      %swap3A_73 = arith.constant 0 : index
      %swap3A_74 = tpu.vector_load %arg9[%swap3A, %swap3A_73] {strides = array<i32>} : memref<200x32xf32, #tpu.memory_space<vmem>>, vector<1x16xf32>,
      %swap3A_75 = vector.shape_cast %swap3A_74 : vector<1x16xf32> to vector<16xf32>
      %swap3A_76 = vector.shape_cast %broadcast_in_dim3A_72 : vector<16xf32> to vector<1x16xf32>
      tpu.vector_store %arg9[%swap3A, %swap3A_73], %swap3A_76 {strides = array<i32>} : memref<200x32xf32, #tpu.memory_space<vmem>>, vector<1x16xf32>,
      %broadcast_in_dim3A_77 = arith.constant 0.000000e+00 : f32
      %broadcast_in_dim3A_78 = vector.broadcast %broadcast_in_dim3A_77 : f32 to vector<16xf32>
      %swap3A_79 = arith.index_cast %scan3A_71 : i32 to index
      %swap3A_80 = arith.constant 16 : index
      %swap3A_81 = tpu.vector_load %arg9[%swap3A_79, %swap3A_80] {strides = array<i32>} : memref<200x32xf32, #tpu.memory_space<vmem>>, vector<1x16xf32>,
      %swap3A_82 = vector.shape_cast %swap3A_81 : vector<1x16xf32> to vector<16xf32>
      %swap3A_83 = vector.shape_cast %broadcast_in_dim3A_78 : vector<16xf32> to vector<1x16xf32>
      tpu.vector_store %arg9[%swap3A_79, %swap3A_80], %swap3A_83 {strides = array<i32>} : memref<200x32xf32, #tpu.memory_space<vmem>>, vector<1x16xf32>,
    }
    %scan3A_7 = arith.constant 200 : i32
    %scan3A_8 = arith.constant 0 : i32
    %scan3A_9 = arith.constant 0 : i32
    %scan3A_10 = arith.constant 16 : i32
    %scan3A_11 = arith.addi %scan3A_9, %scan3A_10 : i32
    %scan3A_12 = arith.constant 1 : i32
    scf.for %scan3A_71 = %scan3A_9 to %scan3A_11 step %scan3A_12  : i32 {
      %mul3A_72 = arith.constant 200 : i32
      %mul3A_73 = arith.muli %scan3A_71, %mul3A_72 : i32
      %add3A_74 = arith.addi %mul3A_2, %mul3A_73 : i32
      "tpu.region"() ({
        %run_scoped3A = tpu.sem_alloc : memref<!tpu.dma_semaphore, #tpu.memory_space<semaphore_mem>>
        %dma_start3A_75 = arith.constant 0 : i32
        %dma_start3A_76 = arith.constant 0 : i32
        %dma_start3A_77 = tpu.memref_slice %arg9[%dma_start3A_75, %dma_start3A_76] : memref<200x32xf32, #tpu.memory_space<vmem>> -> memref<200x32xf32, #tpu.memory_space<vmem>>
        %dma_start3A_78 = arith.constant 0 : i32
        %dma_start3A_79 = tpu.memref_slice %arg15[%add3A_74, %dma_start3A_78] : memref<51200x32xf32, #tpu.memory_space<vmem_shared>> -> memref<200x32xf32, #tpu.memory_space<vmem_shared>>
        %dma_start3A_80 = arith.constant 0 : i32
        %dma_start3A_81 = tpu.memref_slice %arg15[%add3A_74, %dma_start3A_80] : memref<51200x32xf32, #tpu.memory_space<vmem_shared>> -> memref<200x32xf32, #tpu.memory_space<vmem_shared>>
        %dma_start3A_82 = arith.constant 0 : i32
        %dma_start3A_83 = arith.constant 0 : i32
        %dma_start3A_84 = tpu.memref_slice %arg9[%dma_start3A_82, %dma_start3A_83] : memref<200x32xf32, #tpu.memory_space<vmem>> -> memref<200x32xf32, #tpu.memory_space<vmem>>
        tpu.enqueue_dma source(%dma_start3A_84 : memref<200x32xf32, #tpu.memory_space<vmem>>) target(%dma_start3A_81 : memref<200x32xf32, #tpu.memory_space<vmem_shared>>) target_semaphore(%run_scoped3A : memref<!tpu.dma_semaphore, #tpu.memory_space<semaphore_mem>>)
        %dma_wait3A_85 = arith.constant 0 : i32
        %dma_wait3A_86 = arith.constant 0 : i32
        %dma_wait3A_87 = tpu.memref_slice %arg9[%dma_wait3A_85, %dma_wait3A_86] : memref<200x32xf32, #tpu.memory_space<vmem>> -> memref<200x32xf32, #tpu.memory_space<vmem>>
        %dma_wait3A_88 = arith.constant 0 : i32
        %dma_wait3A_89 = tpu.memref_slice %arg15[%add3A_74, %dma_wait3A_88] : memref<51200x32xf32, #tpu.memory_space<vmem_shared>> -> memref<200x32xf32, #tpu.memory_space<vmem_shared>>
        %dma_wait3A_90 = arith.constant 0 : i32
        %dma_wait3A_91 = tpu.memref_slice %arg15[%add3A_74, %dma_wait3A_90] : memref<51200x32xf32, #tpu.memory_space<vmem_shared>> -> memref<200x32xf32, #tpu.memory_space<vmem_shared>>
        %dma_wait3A_92 = arith.constant 0 : i32
        %dma_wait3A_93 = arith.constant 0 : i32
        %dma_wait3A_94 = tpu.memref_slice %arg9[%dma_wait3A_92, %dma_wait3A_93] : memref<200x32xf32, #tpu.memory_space<vmem>> -> memref<200x32xf32, #tpu.memory_space<vmem>>
        tpu.wait_dma2 semaphore(%run_scoped3A : memref<!tpu.dma_semaphore, #tpu.memory_space<semaphore_mem>>) src(%dma_wait3A_94 : memref<200x32xf32, #tpu.memory_space<vmem>>) dst(%dma_wait3A_91 : memref<200x32xf32, #tpu.memory_space<vmem_shared>>)
        tpu.yield
      }) : () -> ()
    }
    %scan3A_13 = arith.constant 16 : i32
    %barrier3A = arith.constant 0 : index
    tpu.barrier barrier_id(%barrier3A)
    %add3A = arith.constant 0 : i32
    %add3A_14 = arith.addi %mul3A_0, %add3A : i32
    %dma_start3A = tpu.memref_slice %arg4[%add3A_14] : memref<800000xi32, #tpu.memory_space<hbm>> -> memref<200xi32, #tpu.memory_space<hbm>>
    %dma_start3A_15 = tpu.memref_slice %arg4[%add3A_14] : memref<800000xi32, #tpu.memory_space<hbm>> -> memref<200xi32, #tpu.memory_space<hbm>>
    tpu.enqueue_dma source(%dma_start3A_15 : memref<200xi32, #tpu.memory_space<hbm>>) target(%arg7 : memref<200xi32, #tpu.memory_space<vmem>>) target_semaphore(%arg16 : memref<!tpu.dma_semaphore, #tpu.memory_space<semaphore_mem>>)
    %dma_start3A_16 = tpu.memref_slice %arg5[%add3A_14] : memref<800000xi32, #tpu.memory_space<hbm>> -> memref<200xi32, #tpu.memory_space<hbm>>
    %dma_start3A_17 = tpu.memref_slice %arg5[%add3A_14] : memref<800000xi32, #tpu.memory_space<hbm>> -> memref<200xi32, #tpu.memory_space<hbm>>
    tpu.enqueue_dma source(%dma_start3A_17 : memref<200xi32, #tpu.memory_space<hbm>>) target(%arg8 : memref<200xi32, #tpu.memory_space<vmem>>) target_semaphore(%arg16 : memref<!tpu.dma_semaphore, #tpu.memory_space<semaphore_mem>>)
    %dma_start3A_18 = arith.constant 0 : i32
    %dma_start3A_19 = arith.constant 0 : i32
    %dma_start3A_20 = tpu.memref_slice %arg3[%arg0, %dma_start3A_18, %dma_start3A_19] : memref<2x800000x32xf32, #tpu.memory_space<hbm>> -> memref<1x800000x32xf32, #tpu.memory_space<hbm>>
    %dma_start3A_21 = tpu.memref_squeeze %dma_start3A_20 : memref<1x800000x32xf32, #tpu.memory_space<hbm>> -> memref<800000x32xf32, #tpu.memory_space<hbm>>
    %dma_start3A_22 = arith.constant 0 : i32
    %dma_start3A_23 = tpu.memref_slice %dma_start3A_21[%add3A_14, %dma_start3A_22] : memref<800000x32xf32, #tpu.memory_space<hbm>> -> memref<200x32xf32, #tpu.memory_space<hbm>>
    %dma_start3A_24 = arith.constant 0 : i32
    %dma_start3A_25 = arith.constant 0 : i32
    %dma_start3A_26 = tpu.memref_slice %arg3[%arg0, %dma_start3A_24, %dma_start3A_25] : memref<2x800000x32xf32, #tpu.memory_space<hbm>> -> memref<1x800000x32xf32, #tpu.memory_space<hbm>>
    %dma_start3A_27 = tpu.memref_squeeze %dma_start3A_26 : memref<1x800000x32xf32, #tpu.memory_space<hbm>> -> memref<800000x32xf32, #tpu.memory_space<hbm>>
    %dma_start3A_28 = arith.constant 0 : i32
    %dma_start3A_29 = tpu.memref_slice %dma_start3A_27[%add3A_14, %dma_start3A_28] : memref<800000x32xf32, #tpu.memory_space<hbm>> -> memref<200x32xf32, #tpu.memory_space<hbm>>
    tpu.enqueue_dma source(%dma_start3A_29 : memref<200x32xf32, #tpu.memory_space<hbm>>) target(%arg10 : memref<200x32xf32, #tpu.memory_space<vmem>>) target_semaphore(%arg16 : memref<!tpu.dma_semaphore, #tpu.memory_space<semaphore_mem>>)
    %dma_wait3A = arith.constant 0 : i32
    %dma_wait3A_30 = tpu.memref_slice %arg4[%dma_wait3A] : memref<800000xi32, #tpu.memory_space<hbm>> -> memref<200xi32, #tpu.memory_space<hbm>>
    %dma_wait3A_31 = arith.constant 0 : i32
    %dma_wait3A_32 = tpu.memref_slice %arg4[%dma_wait3A_31] : memref<800000xi32, #tpu.memory_space<hbm>> -> memref<200xi32, #tpu.memory_space<hbm>>
    tpu.wait_dma2 semaphore(%arg16 : memref<!tpu.dma_semaphore, #tpu.memory_space<semaphore_mem>>) src(%dma_wait3A_32 : memref<200xi32, #tpu.memory_space<hbm>>) dst(%arg7 : memref<200xi32, #tpu.memory_space<vmem>>)
    %dma_wait3A_33 = arith.constant 0 : i32
    %dma_wait3A_34 = tpu.memref_slice %arg5[%dma_wait3A_33] : memref<800000xi32, #tpu.memory_space<hbm>> -> memref<200xi32, #tpu.memory_space<hbm>>
    %dma_wait3A_35 = arith.constant 0 : i32
    %dma_wait3A_36 = tpu.memref_slice %arg5[%dma_wait3A_35] : memref<800000xi32, #tpu.memory_space<hbm>> -> memref<200xi32, #tpu.memory_space<hbm>>
    tpu.wait_dma2 semaphore(%arg16 : memref<!tpu.dma_semaphore, #tpu.memory_space<semaphore_mem>>) src(%dma_wait3A_36 : memref<200xi32, #tpu.memory_space<hbm>>) dst(%arg8 : memref<200xi32, #tpu.memory_space<vmem>>)
    %dma_wait3A_37 = arith.constant 0 : i32
    %dma_wait3A_38 = arith.constant 0 : i32
    %dma_wait3A_39 = tpu.memref_slice %arg3[%arg0, %dma_wait3A_37, %dma_wait3A_38] : memref<2x800000x32xf32, #tpu.memory_space<hbm>> -> memref<1x800000x32xf32, #tpu.memory_space<hbm>>
    %dma_wait3A_40 = tpu.memref_squeeze %dma_wait3A_39 : memref<1x800000x32xf32, #tpu.memory_space<hbm>> -> memref<800000x32xf32, #tpu.memory_space<hbm>>
    %dma_wait3A_41 = arith.constant 0 : i32
    %dma_wait3A_42 = arith.constant 0 : i32
    %dma_wait3A_43 = tpu.memref_slice %dma_wait3A_40[%dma_wait3A_41, %dma_wait3A_42] : memref<800000x32xf32, #tpu.memory_space<hbm>> -> memref<200x32xf32, #tpu.memory_space<hbm>>
    %dma_wait3A_44 = arith.constant 0 : i32
    %dma_wait3A_45 = arith.constant 0 : i32
    %dma_wait3A_46 = tpu.memref_slice %arg3[%arg0, %dma_wait3A_44, %dma_wait3A_45] : memref<2x800000x32xf32, #tpu.memory_space<hbm>> -> memref<1x800000x32xf32, #tpu.memory_space<hbm>>
    %dma_wait3A_47 = tpu.memref_squeeze %dma_wait3A_46 : memref<1x800000x32xf32, #tpu.memory_space<hbm>> -> memref<800000x32xf32, #tpu.memory_space<hbm>>
    %dma_wait3A_48 = arith.constant 0 : i32
    %dma_wait3A_49 = arith.constant 0 : i32
    %dma_wait3A_50 = tpu.memref_slice %dma_wait3A_47[%dma_wait3A_48, %dma_wait3A_49] : memref<800000x32xf32, #tpu.memory_space<hbm>> -> memref<200x32xf32, #tpu.memory_space<hbm>>
    tpu.wait_dma2 semaphore(%arg16 : memref<!tpu.dma_semaphore, #tpu.memory_space<semaphore_mem>>) src(%dma_wait3A_50 : memref<200x32xf32, #tpu.memory_space<hbm>>) dst(%arg10 : memref<200x32xf32, #tpu.memory_space<vmem>>)
    %dma_start3A_51 = arith.constant 0 : i32
    %dma_start3A_52 = arith.constant 0 : i32
    %dma_start3A_53 = tpu.memref_slice %arg2[%arg0, %dma_start3A_51, %dma_start3A_52] : memref<2x51200x32xf32, #tpu.memory_space<hbm>> -> memref<1x51200x32xf32, #tpu.memory_space<hbm>>
    %dma_start3A_54 = tpu.memref_squeeze %dma_start3A_53 : memref<1x51200x32xf32, #tpu.memory_space<hbm>> -> memref<51200x32xf32, #tpu.memory_space<hbm>>
    %dma_start3A_55 = arith.constant 0 : i32
    %dma_start3A_56 = arith.constant 0 : i32
    %dma_start3A_57 = tpu.memref_slice %dma_start3A_54[%dma_start3A_55, %dma_start3A_56] : memref<51200x32xf32, #tpu.memory_space<hbm>> -> memref<51200x32xf32, #tpu.memory_space<hbm>>
    tpu.enqueue_indirect_dma source(%dma_start3A_57 : memref<51200x32xf32, #tpu.memory_space<hbm>>) target(%arg9 : memref<200x32xf32, #tpu.memory_space<vmem>>) offsets(%arg7 : memref<200xi32, #tpu.memory_space<vmem>>) semaphore(%arg18 : memref<!tpu.dma_semaphore, #tpu.memory_space<semaphore_mem>>)
    %scan3A_58 = arith.constant 0 : i32
    %scan3A_59 = arith.constant 0 : i32
    %scan3A_60 = arith.constant 125 : i32
    %scan3A_61 = arith.addi %scan3A_59, %scan3A_60 : i32
    %scan3A_62 = arith.constant 1 : i32
    scf.for %scan3A_71 = %scan3A_59 to %scan3A_61 step %scan3A_62  : i32 {
      %mul3A_72 = arith.constant 2 : i32
      %mul3A_73 = arith.muli %mul3A_72, %scan3A_71 : i32
      %mul3A_74 = arith.constant 2 : i32
      %mul3A_75 = arith.muli %mul3A_74, %scan3A_71 : i32
      %add3A_76 = arith.constant 1 : i32
      %add3A_77 = arith.addi %mul3A_75, %add3A_76 : i32
      %mul3A_78 = arith.constant 200 : i32
      %mul3A_79 = arith.muli %add3A_77, %mul3A_78 : i32
      %add3A_80 = arith.addi %mul3A_0, %mul3A_79 : i32
      %dma_start3A_81 = tpu.memref_slice %arg4[%add3A_80] : memref<800000xi32, #tpu.memory_space<hbm>> -> memref<200xi32, #tpu.memory_space<hbm>>
      %dma_start3A_82 = tpu.memref_slice %arg4[%add3A_80] : memref<800000xi32, #tpu.memory_space<hbm>> -> memref<200xi32, #tpu.memory_space<hbm>>
      tpu.enqueue_dma source(%dma_start3A_82 : memref<200xi32, #tpu.memory_space<hbm>>) target(%arg11 : memref<200xi32, #tpu.memory_space<vmem>>) target_semaphore(%arg17 : memref<!tpu.dma_semaphore, #tpu.memory_space<semaphore_mem>>)
      %dma_start3A_83 = tpu.memref_slice %arg5[%add3A_80] : memref<800000xi32, #tpu.memory_space<hbm>> -> memref<200xi32, #tpu.memory_space<hbm>>
      %dma_start3A_84 = tpu.memref_slice %arg5[%add3A_80] : memref<800000xi32, #tpu.memory_space<hbm>> -> memref<200xi32, #tpu.memory_space<hbm>>
      tpu.enqueue_dma source(%dma_start3A_84 : memref<200xi32, #tpu.memory_space<hbm>>) target(%arg12 : memref<200xi32, #tpu.memory_space<vmem>>) target_semaphore(%arg17 : memref<!tpu.dma_semaphore, #tpu.memory_space<semaphore_mem>>)
      %dma_start3A_85 = arith.constant 0 : i32
      %dma_start3A_86 = arith.constant 0 : i32
      %dma_start3A_87 = tpu.memref_slice %arg3[%arg0, %dma_start3A_85, %dma_start3A_86] : memref<2x800000x32xf32, #tpu.memory_space<hbm>> -> memref<1x800000x32xf32, #tpu.memory_space<hbm>>
      %dma_start3A_88 = tpu.memref_squeeze %dma_start3A_87 : memref<1x800000x32xf32, #tpu.memory_space<hbm>> -> memref<800000x32xf32, #tpu.memory_space<hbm>>
      %dma_start3A_89 = arith.constant 0 : i32
      %dma_start3A_90 = tpu.memref_slice %dma_start3A_88[%add3A_80, %dma_start3A_89] : memref<800000x32xf32, #tpu.memory_space<hbm>> -> memref<200x32xf32, #tpu.memory_space<hbm>>
      %dma_start3A_91 = arith.constant 0 : i32
      %dma_start3A_92 = arith.constant 0 : i32
      %dma_start3A_93 = tpu.memref_slice %arg3[%arg0, %dma_start3A_91, %dma_start3A_92] : memref<2x800000x32xf32, #tpu.memory_space<hbm>> -> memref<1x800000x32xf32, #tpu.memory_space<hbm>>
      %dma_start3A_94 = tpu.memref_squeeze %dma_start3A_93 : memref<1x800000x32xf32, #tpu.memory_space<hbm>> -> memref<800000x32xf32, #tpu.memory_space<hbm>>
      %dma_start3A_95 = arith.constant 0 : i32
      %dma_start3A_96 = tpu.memref_slice %dma_start3A_94[%add3A_80, %dma_start3A_95] : memref<800000x32xf32, #tpu.memory_space<hbm>> -> memref<200x32xf32, #tpu.memory_space<hbm>>
      tpu.enqueue_dma source(%dma_start3A_96 : memref<200x32xf32, #tpu.memory_space<hbm>>) target(%arg14 : memref<200x32xf32, #tpu.memory_space<vmem>>) target_semaphore(%arg17 : memref<!tpu.dma_semaphore, #tpu.memory_space<semaphore_mem>>)
      %dma_wait3A_97 = arith.constant 0 : i32
      %dma_wait3A_98 = arith.constant 0 : i32
      %dma_wait3A_99 = tpu.memref_slice %arg2[%arg0, %dma_wait3A_97, %dma_wait3A_98] : memref<2x51200x32xf32, #tpu.memory_space<hbm>> -> memref<1x51200x32xf32, #tpu.memory_space<hbm>>
      %dma_wait3A_100 = tpu.memref_squeeze %dma_wait3A_99 : memref<1x51200x32xf32, #tpu.memory_space<hbm>> -> memref<51200x32xf32, #tpu.memory_space<hbm>>
      %dma_wait3A_101 = arith.constant 0 : i32
      %dma_wait3A_102 = arith.constant 0 : i32
      %dma_wait3A_103 = tpu.memref_slice %dma_wait3A_100[%dma_wait3A_101, %dma_wait3A_102] : memref<51200x32xf32, #tpu.memory_space<hbm>> -> memref<51200x32xf32, #tpu.memory_space<hbm>>
      tpu.wait_indirect_dma semaphore(%arg18 : memref<!tpu.dma_semaphore, #tpu.memory_space<semaphore_mem>>) src(%dma_wait3A_103 : memref<51200x32xf32, #tpu.memory_space<hbm>>) dst(%arg9 : memref<200x32xf32, #tpu.memory_space<vmem>>)
      %dma_wait3A_104 = arith.constant 0 : i32
      %dma_wait3A_105 = tpu.memref_slice %arg4[%dma_wait3A_104] : memref<800000xi32, #tpu.memory_space<hbm>> -> memref<200xi32, #tpu.memory_space<hbm>>
      %dma_wait3A_106 = arith.constant 0 : i32
      %dma_wait3A_107 = tpu.memref_slice %arg4[%dma_wait3A_106] : memref<800000xi32, #tpu.memory_space<hbm>> -> memref<200xi32, #tpu.memory_space<hbm>>
      tpu.wait_dma2 semaphore(%arg17 : memref<!tpu.dma_semaphore, #tpu.memory_space<semaphore_mem>>) src(%dma_wait3A_107 : memref<200xi32, #tpu.memory_space<hbm>>) dst(%arg11 : memref<200xi32, #tpu.memory_space<vmem>>)
      %dma_wait3A_108 = arith.constant 0 : i32
      %dma_wait3A_109 = tpu.memref_slice %arg5[%dma_wait3A_108] : memref<800000xi32, #tpu.memory_space<hbm>> -> memref<200xi32, #tpu.memory_space<hbm>>
      %dma_wait3A_110 = arith.constant 0 : i32
      %dma_wait3A_111 = tpu.memref_slice %arg5[%dma_wait3A_110] : memref<800000xi32, #tpu.memory_space<hbm>> -> memref<200xi32, #tpu.memory_space<hbm>>
      tpu.wait_dma2 semaphore(%arg17 : memref<!tpu.dma_semaphore, #tpu.memory_space<semaphore_mem>>) src(%dma_wait3A_111 : memref<200xi32, #tpu.memory_space<hbm>>) dst(%arg12 : memref<200xi32, #tpu.memory_space<vmem>>)
      %dma_wait3A_112 = arith.constant 0 : i32
      %dma_wait3A_113 = arith.constant 0 : i32
      %dma_wait3A_114 = tpu.memref_slice %arg3[%arg0, %dma_wait3A_112, %dma_wait3A_113] : memref<2x800000x32xf32, #tpu.memory_space<hbm>> -> memref<1x800000x32xf32, #tpu.memory_space<hbm>>
      %dma_wait3A_115 = tpu.memref_squeeze %dma_wait3A_114 : memref<1x800000x32xf32, #tpu.memory_space<hbm>> -> memref<800000x32xf32, #tpu.memory_space<hbm>>
      %dma_wait3A_116 = arith.constant 0 : i32
      %dma_wait3A_117 = arith.constant 0 : i32
      %dma_wait3A_118 = tpu.memref_slice %dma_wait3A_115[%dma_wait3A_116, %dma_wait3A_117] : memref<800000x32xf32, #tpu.memory_space<hbm>> -> memref<200x32xf32, #tpu.memory_space<hbm>>
      %dma_wait3A_119 = arith.constant 0 : i32
      %dma_wait3A_120 = arith.constant 0 : i32
      %dma_wait3A_121 = tpu.memref_slice %arg3[%arg0, %dma_wait3A_119, %dma_wait3A_120] : memref<2x800000x32xf32, #tpu.memory_space<hbm>> -> memref<1x800000x32xf32, #tpu.memory_space<hbm>>
      %dma_wait3A_122 = tpu.memref_squeeze %dma_wait3A_121 : memref<1x800000x32xf32, #tpu.memory_space<hbm>> -> memref<800000x32xf32, #tpu.memory_space<hbm>>
      %dma_wait3A_123 = arith.constant 0 : i32
      %dma_wait3A_124 = arith.constant 0 : i32
      %dma_wait3A_125 = tpu.memref_slice %dma_wait3A_122[%dma_wait3A_123, %dma_wait3A_124] : memref<800000x32xf32, #tpu.memory_space<hbm>> -> memref<200x32xf32, #tpu.memory_space<hbm>>
      tpu.wait_dma2 semaphore(%arg17 : memref<!tpu.dma_semaphore, #tpu.memory_space<semaphore_mem>>) src(%dma_wait3A_125 : memref<200x32xf32, #tpu.memory_space<hbm>>) dst(%arg14 : memref<200x32xf32, #tpu.memory_space<vmem>>)
      %dma_start3A_126 = arith.constant 0 : i32
      %dma_start3A_127 = arith.constant 0 : i32
      %dma_start3A_128 = tpu.memref_slice %arg2[%arg0, %dma_start3A_126, %dma_start3A_127] : memref<2x51200x32xf32, #tpu.memory_space<hbm>> -> memref<1x51200x32xf32, #tpu.memory_space<hbm>>
      %dma_start3A_129 = tpu.memref_squeeze %dma_start3A_128 : memref<1x51200x32xf32, #tpu.memory_space<hbm>> -> memref<51200x32xf32, #tpu.memory_space<hbm>>
      %dma_start3A_130 = arith.constant 0 : i32
      %dma_start3A_131 = arith.constant 0 : i32
      %dma_start3A_132 = tpu.memref_slice %dma_start3A_129[%dma_start3A_130, %dma_start3A_131] : memref<51200x32xf32, #tpu.memory_space<hbm>> -> memref<51200x32xf32, #tpu.memory_space<hbm>>
      tpu.enqueue_indirect_dma source(%dma_start3A_132 : memref<51200x32xf32, #tpu.memory_space<hbm>>) target(%arg13 : memref<200x32xf32, #tpu.memory_space<vmem>>) offsets(%arg11 : memref<200xi32, #tpu.memory_space<vmem>>) semaphore(%arg19 : memref<!tpu.dma_semaphore, #tpu.memory_space<semaphore_mem>>)
      %parallel_loop3A = arith.constant 0 : i32
      %parallel_loop3A_133 = arith.constant 200 : i32
      %parallel_loop3A_134 = arith.constant 1 : i32
      scf.for %parallel_loop3A_141 = %parallel_loop3A to %parallel_loop3A_133 step %parallel_loop3A_134  : i32 {
        %parallel_loop3A_142 = arith.index_cast %parallel_loop3A_141 : i32 to index
        %parallel_loop3A_143 = arith.constant 0 : index
        %parallel_loop3A_144 = tpu.vector_load %arg9[%parallel_loop3A_142, %parallel_loop3A_143] {strides = array<i32>} : memref<200x32xf32, #tpu.memory_space<vmem>>, vector<1x16xf32>,
        %parallel_loop3A_145 = vector.shape_cast %parallel_loop3A_144 : vector<1x16xf32> to vector<16xf32>
        %parallel_loop3A_146 = arith.index_cast %parallel_loop3A_141 : i32 to index
        %parallel_loop3A_147 = arith.constant 0 : index
        %parallel_loop3A_148 = tpu.vector_load %arg10[%parallel_loop3A_146, %parallel_loop3A_147] {strides = array<i32>} : memref<200x32xf32, #tpu.memory_space<vmem>>, vector<1x16xf32>,
        %parallel_loop3A_149 = vector.shape_cast %parallel_loop3A_148 : vector<1x16xf32> to vector<16xf32>
        %parallel_loop3A_150 = arith.mulf %parallel_loop3A_145, %parallel_loop3A_149 : vector<16xf32>
        %parallel_loop3A_151 = arith.index_cast %parallel_loop3A_141 : i32 to index
        %parallel_loop3A_152 = arith.constant 0 : index
        %parallel_loop3A_153 = tpu.vector_load %arg9[%parallel_loop3A_151, %parallel_loop3A_152] {strides = array<i32>} : memref<200x32xf32, #tpu.memory_space<vmem>>, vector<1x16xf32>,
        %parallel_loop3A_154 = vector.shape_cast %parallel_loop3A_153 : vector<1x16xf32> to vector<16xf32>
        %parallel_loop3A_155 = vector.shape_cast %parallel_loop3A_150 : vector<16xf32> to vector<1x16xf32>
        tpu.vector_store %arg9[%parallel_loop3A_151, %parallel_loop3A_152], %parallel_loop3A_155 {strides = array<i32>} : memref<200x32xf32, #tpu.memory_space<vmem>>, vector<1x16xf32>,
        %parallel_loop3A_156 = arith.index_cast %parallel_loop3A_141 : i32 to index
        %parallel_loop3A_157 = arith.constant 16 : index
        %parallel_loop3A_158 = tpu.vector_load %arg9[%parallel_loop3A_156, %parallel_loop3A_157] {strides = array<i32>} : memref<200x32xf32, #tpu.memory_space<vmem>>, vector<1x16xf32>,
        %parallel_loop3A_159 = vector.shape_cast %parallel_loop3A_158 : vector<1x16xf32> to vector<16xf32>
        %parallel_loop3A_160 = arith.index_cast %parallel_loop3A_141 : i32 to index
        %parallel_loop3A_161 = arith.constant 16 : index
        %parallel_loop3A_162 = tpu.vector_load %arg10[%parallel_loop3A_160, %parallel_loop3A_161] {strides = array<i32>} : memref<200x32xf32, #tpu.memory_space<vmem>>, vector<1x16xf32>,
        %parallel_loop3A_163 = vector.shape_cast %parallel_loop3A_162 : vector<1x16xf32> to vector<16xf32>
        %parallel_loop3A_164 = arith.mulf %parallel_loop3A_159, %parallel_loop3A_163 : vector<16xf32>
        %parallel_loop3A_165 = arith.index_cast %parallel_loop3A_141 : i32 to index
        %parallel_loop3A_166 = arith.constant 16 : index
        %parallel_loop3A_167 = tpu.vector_load %arg9[%parallel_loop3A_165, %parallel_loop3A_166] {strides = array<i32>} : memref<200x32xf32, #tpu.memory_space<vmem>>, vector<1x16xf32>,
        %parallel_loop3A_168 = vector.shape_cast %parallel_loop3A_167 : vector<1x16xf32> to vector<16xf32>
        %parallel_loop3A_169 = vector.shape_cast %parallel_loop3A_164 : vector<16xf32> to vector<1x16xf32>
        tpu.vector_store %arg9[%parallel_loop3A_165, %parallel_loop3A_166], %parallel_loop3A_169 {strides = array<i32>} : memref<200x32xf32, #tpu.memory_space<vmem>>, vector<1x16xf32>,
      } {sc.loop_unroll_factor = 4 : i64, sc.parallel_access}
      "tpu.region"() ({
        %run_scoped3A = tpu.sem_alloc : memref<!tpu.dma_semaphore, #tpu.memory_space<semaphore_mem>>
        %dma_start3A_141 = arith.constant 0 : i32
        %dma_start3A_142 = arith.constant 0 : i32
        %dma_start3A_143 = tpu.memref_slice %arg15[%dma_start3A_141, %dma_start3A_142] : memref<51200x32xf32, #tpu.memory_space<vmem_shared>> -> memref<51200x32xf32, #tpu.memory_space<vmem_shared>>
        tpu.enqueue_indirect_dma source(%arg9 : memref<200x32xf32, #tpu.memory_space<vmem>>) target(%dma_start3A_143 : memref<51200x32xf32, #tpu.memory_space<vmem_shared>>) offsets(%arg8 : memref<200xi32, #tpu.memory_space<vmem>>) semaphore(%run_scoped3A : memref<!tpu.dma_semaphore, #tpu.memory_space<semaphore_mem>>) {add = true}
        %dma_wait3A_144 = arith.constant 0 : i32
        %dma_wait3A_145 = arith.constant 0 : i32
        %dma_wait3A_146 = tpu.memref_slice %arg15[%dma_wait3A_144, %dma_wait3A_145] : memref<51200x32xf32, #tpu.memory_space<vmem_shared>> -> memref<51200x32xf32, #tpu.memory_space<vmem_shared>>
        tpu.wait_indirect_dma semaphore(%run_scoped3A : memref<!tpu.dma_semaphore, #tpu.memory_space<semaphore_mem>>) src(%arg9 : memref<200x32xf32, #tpu.memory_space<vmem>>) dst(%dma_wait3A_146 : memref<51200x32xf32, #tpu.memory_space<vmem_shared>>)
        tpu.yield
      }) : () -> ()
      %lt3A = arith.constant 124 : i32
      %lt3A_135 = arith.cmpi slt, %scan3A_71, %lt3A : i32
      %convert_element_type3A = arith.extui %lt3A_135 : i1 to i32
      %cond3A = arith.constant 0 : i32
      %cond3A_136 = arith.cmpi ne, %convert_element_type3A, %cond3A : i32
      scf.if %cond3A_136 {
        %mul3A_141 = arith.constant 2 : i32
        %mul3A_142 = arith.muli %mul3A_141, %scan3A_71 : i32
        %add3A_143 = arith.constant 1 : i32
        %add3A_144 = arith.addi %mul3A_142, %add3A_143 : i32
        %mul3A_145 = arith.constant 2 : i32
        %mul3A_146 = arith.muli %mul3A_145, %scan3A_71 : i32
        %add3A_147 = arith.constant 2 : i32
        %add3A_148 = arith.addi %mul3A_146, %add3A_147 : i32
        %mul3A_149 = arith.constant 200 : i32
        %mul3A_150 = arith.muli %add3A_148, %mul3A_149 : i32
        %add3A_151 = arith.addi %mul3A_0, %mul3A_150 : i32
        %dma_start3A_152 = tpu.memref_slice %arg4[%add3A_151] : memref<800000xi32, #tpu.memory_space<hbm>> -> memref<200xi32, #tpu.memory_space<hbm>>
        %dma_start3A_153 = tpu.memref_slice %arg4[%add3A_151] : memref<800000xi32, #tpu.memory_space<hbm>> -> memref<200xi32, #tpu.memory_space<hbm>>
        tpu.enqueue_dma source(%dma_start3A_153 : memref<200xi32, #tpu.memory_space<hbm>>) target(%arg7 : memref<200xi32, #tpu.memory_space<vmem>>) target_semaphore(%arg16 : memref<!tpu.dma_semaphore, #tpu.memory_space<semaphore_mem>>)
        %dma_start3A_154 = tpu.memref_slice %arg5[%add3A_151] : memref<800000xi32, #tpu.memory_space<hbm>> -> memref<200xi32, #tpu.memory_space<hbm>>
        %dma_start3A_155 = tpu.memref_slice %arg5[%add3A_151] : memref<800000xi32, #tpu.memory_space<hbm>> -> memref<200xi32, #tpu.memory_space<hbm>>
        tpu.enqueue_dma source(%dma_start3A_155 : memref<200xi32, #tpu.memory_space<hbm>>) target(%arg8 : memref<200xi32, #tpu.memory_space<vmem>>) target_semaphore(%arg16 : memref<!tpu.dma_semaphore, #tpu.memory_space<semaphore_mem>>)
        %dma_start3A_156 = arith.constant 0 : i32
        %dma_start3A_157 = arith.constant 0 : i32
        %dma_start3A_158 = tpu.memref_slice %arg3[%arg0, %dma_start3A_156, %dma_start3A_157] : memref<2x800000x32xf32, #tpu.memory_space<hbm>> -> memref<1x800000x32xf32, #tpu.memory_space<hbm>>
        %dma_start3A_159 = tpu.memref_squeeze %dma_start3A_158 : memref<1x800000x32xf32, #tpu.memory_space<hbm>> -> memref<800000x32xf32, #tpu.memory_space<hbm>>
        %dma_start3A_160 = arith.constant 0 : i32
        %dma_start3A_161 = tpu.memref_slice %dma_start3A_159[%add3A_151, %dma_start3A_160] : memref<800000x32xf32, #tpu.memory_space<hbm>> -> memref<200x32xf32, #tpu.memory_space<hbm>>
        %dma_start3A_162 = arith.constant 0 : i32
        %dma_start3A_163 = arith.constant 0 : i32
        %dma_start3A_164 = tpu.memref_slice %arg3[%arg0, %dma_start3A_162, %dma_start3A_163] : memref<2x800000x32xf32, #tpu.memory_space<hbm>> -> memref<1x800000x32xf32, #tpu.memory_space<hbm>>
        %dma_start3A_165 = tpu.memref_squeeze %dma_start3A_164 : memref<1x800000x32xf32, #tpu.memory_space<hbm>> -> memref<800000x32xf32, #tpu.memory_space<hbm>>
        %dma_start3A_166 = arith.constant 0 : i32
        %dma_start3A_167 = tpu.memref_slice %dma_start3A_165[%add3A_151, %dma_start3A_166] : memref<800000x32xf32, #tpu.memory_space<hbm>> -> memref<200x32xf32, #tpu.memory_space<hbm>>
        tpu.enqueue_dma source(%dma_start3A_167 : memref<200x32xf32, #tpu.memory_space<hbm>>) target(%arg10 : memref<200x32xf32, #tpu.memory_space<vmem>>) target_semaphore(%arg16 : memref<!tpu.dma_semaphore, #tpu.memory_space<semaphore_mem>>)
        %dma_wait3A_168 = arith.constant 0 : i32
        %dma_wait3A_169 = arith.constant 0 : i32
        %dma_wait3A_170 = tpu.memref_slice %arg2[%arg0, %dma_wait3A_168, %dma_wait3A_169] : memref<2x51200x32xf32, #tpu.memory_space<hbm>> -> memref<1x51200x32xf32, #tpu.memory_space<hbm>>
        %dma_wait3A_171 = tpu.memref_squeeze %dma_wait3A_170 : memref<1x51200x32xf32, #tpu.memory_space<hbm>> -> memref<51200x32xf32, #tpu.memory_space<hbm>>
        %dma_wait3A_172 = arith.constant 0 : i32
        %dma_wait3A_173 = arith.constant 0 : i32
        %dma_wait3A_174 = tpu.memref_slice %dma_wait3A_171[%dma_wait3A_172, %dma_wait3A_173] : memref<51200x32xf32, #tpu.memory_space<hbm>> -> memref<51200x32xf32, #tpu.memory_space<hbm>>
        tpu.wait_indirect_dma semaphore(%arg19 : memref<!tpu.dma_semaphore, #tpu.memory_space<semaphore_mem>>) src(%dma_wait3A_174 : memref<51200x32xf32, #tpu.memory_space<hbm>>) dst(%arg13 : memref<200x32xf32, #tpu.memory_space<vmem>>)
        %dma_wait3A_175 = arith.constant 0 : i32
        %dma_wait3A_176 = tpu.memref_slice %arg4[%dma_wait3A_175] : memref<800000xi32, #tpu.memory_space<hbm>> -> memref<200xi32, #tpu.memory_space<hbm>>
        %dma_wait3A_177 = arith.constant 0 : i32
        %dma_wait3A_178 = tpu.memref_slice %arg4[%dma_wait3A_177] : memref<800000xi32, #tpu.memory_space<hbm>> -> memref<200xi32, #tpu.memory_space<hbm>>
        tpu.wait_dma2 semaphore(%arg16 : memref<!tpu.dma_semaphore, #tpu.memory_space<semaphore_mem>>) src(%dma_wait3A_178 : memref<200xi32, #tpu.memory_space<hbm>>) dst(%arg7 : memref<200xi32, #tpu.memory_space<vmem>>)
        %dma_wait3A_179 = arith.constant 0 : i32
        %dma_wait3A_180 = tpu.memref_slice %arg5[%dma_wait3A_179] : memref<800000xi32, #tpu.memory_space<hbm>> -> memref<200xi32, #tpu.memory_space<hbm>>
        %dma_wait3A_181 = arith.constant 0 : i32
        %dma_wait3A_182 = tpu.memref_slice %arg5[%dma_wait3A_181] : memref<800000xi32, #tpu.memory_space<hbm>> -> memref<200xi32, #tpu.memory_space<hbm>>
        tpu.wait_dma2 semaphore(%arg16 : memref<!tpu.dma_semaphore, #tpu.memory_space<semaphore_mem>>) src(%dma_wait3A_182 : memref<200xi32, #tpu.memory_space<hbm>>) dst(%arg8 : memref<200xi32, #tpu.memory_space<vmem>>)
        %dma_wait3A_183 = arith.constant 0 : i32
        %dma_wait3A_184 = arith.constant 0 : i32
        %dma_wait3A_185 = tpu.memref_slice %arg3[%arg0, %dma_wait3A_183, %dma_wait3A_184] : memref<2x800000x32xf32, #tpu.memory_space<hbm>> -> memref<1x800000x32xf32, #tpu.memory_space<hbm>>
        %dma_wait3A_186 = tpu.memref_squeeze %dma_wait3A_185 : memref<1x800000x32xf32, #tpu.memory_space<hbm>> -> memref<800000x32xf32, #tpu.memory_space<hbm>>
        %dma_wait3A_187 = arith.constant 0 : i32
        %dma_wait3A_188 = arith.constant 0 : i32
        %dma_wait3A_189 = tpu.memref_slice %dma_wait3A_186[%dma_wait3A_187, %dma_wait3A_188] : memref<800000x32xf32, #tpu.memory_space<hbm>> -> memref<200x32xf32, #tpu.memory_space<hbm>>
        %dma_wait3A_190 = arith.constant 0 : i32
        %dma_wait3A_191 = arith.constant 0 : i32
        %dma_wait3A_192 = tpu.memref_slice %arg3[%arg0, %dma_wait3A_190, %dma_wait3A_191] : memref<2x800000x32xf32, #tpu.memory_space<hbm>> -> memref<1x800000x32xf32, #tpu.memory_space<hbm>>
        %dma_wait3A_193 = tpu.memref_squeeze %dma_wait3A_192 : memref<1x800000x32xf32, #tpu.memory_space<hbm>> -> memref<800000x32xf32, #tpu.memory_space<hbm>>
        %dma_wait3A_194 = arith.constant 0 : i32
        %dma_wait3A_195 = arith.constant 0 : i32
        %dma_wait3A_196 = tpu.memref_slice %dma_wait3A_193[%dma_wait3A_194, %dma_wait3A_195] : memref<800000x32xf32, #tpu.memory_space<hbm>> -> memref<200x32xf32, #tpu.memory_space<hbm>>
        tpu.wait_dma2 semaphore(%arg16 : memref<!tpu.dma_semaphore, #tpu.memory_space<semaphore_mem>>) src(%dma_wait3A_196 : memref<200x32xf32, #tpu.memory_space<hbm>>) dst(%arg10 : memref<200x32xf32, #tpu.memory_space<vmem>>)
        %dma_start3A_197 = arith.constant 0 : i32
        %dma_start3A_198 = arith.constant 0 : i32
        %dma_start3A_199 = tpu.memref_slice %arg2[%arg0, %dma_start3A_197, %dma_start3A_198] : memref<2x51200x32xf32, #tpu.memory_space<hbm>> -> memref<1x51200x32xf32, #tpu.memory_space<hbm>>
        %dma_start3A_200 = tpu.memref_squeeze %dma_start3A_199 : memref<1x51200x32xf32, #tpu.memory_space<hbm>> -> memref<51200x32xf32, #tpu.memory_space<hbm>>
        %dma_start3A_201 = arith.constant 0 : i32
        %dma_start3A_202 = arith.constant 0 : i32
        %dma_start3A_203 = tpu.memref_slice %dma_start3A_200[%dma_start3A_201, %dma_start3A_202] : memref<51200x32xf32, #tpu.memory_space<hbm>> -> memref<51200x32xf32, #tpu.memory_space<hbm>>
        tpu.enqueue_indirect_dma source(%dma_start3A_203 : memref<51200x32xf32, #tpu.memory_space<hbm>>) target(%arg9 : memref<200x32xf32, #tpu.memory_space<vmem>>) offsets(%arg7 : memref<200xi32, #tpu.memory_space<vmem>>) semaphore(%arg18 : memref<!tpu.dma_semaphore, #tpu.memory_space<semaphore_mem>>)
        %parallel_loop3A_204 = arith.constant 0 : i32
        %parallel_loop3A_205 = arith.constant 200 : i32
        %parallel_loop3A_206 = arith.constant 1 : i32
        scf.for %parallel_loop3A_207 = %parallel_loop3A_204 to %parallel_loop3A_205 step %parallel_loop3A_206  : i32 {
          %parallel_loop3A_208 = arith.index_cast %parallel_loop3A_207 : i32 to index
          %parallel_loop3A_209 = arith.constant 0 : index
          %parallel_loop3A_210 = tpu.vector_load %arg13[%parallel_loop3A_208, %parallel_loop3A_209] {strides = array<i32>} : memref<200x32xf32, #tpu.memory_space<vmem>>, vector<1x16xf32>,
          %parallel_loop3A_211 = vector.shape_cast %parallel_loop3A_210 : vector<1x16xf32> to vector<16xf32>
          %parallel_loop3A_212 = arith.index_cast %parallel_loop3A_207 : i32 to index
          %parallel_loop3A_213 = arith.constant 0 : index
          %parallel_loop3A_214 = tpu.vector_load %arg14[%parallel_loop3A_212, %parallel_loop3A_213] {strides = array<i32>} : memref<200x32xf32, #tpu.memory_space<vmem>>, vector<1x16xf32>,
          %parallel_loop3A_215 = vector.shape_cast %parallel_loop3A_214 : vector<1x16xf32> to vector<16xf32>
          %parallel_loop3A_216 = arith.mulf %parallel_loop3A_211, %parallel_loop3A_215 : vector<16xf32>
          %parallel_loop3A_217 = arith.index_cast %parallel_loop3A_207 : i32 to index
          %parallel_loop3A_218 = arith.constant 0 : index
          %parallel_loop3A_219 = tpu.vector_load %arg13[%parallel_loop3A_217, %parallel_loop3A_218] {strides = array<i32>} : memref<200x32xf32, #tpu.memory_space<vmem>>, vector<1x16xf32>,
          %parallel_loop3A_220 = vector.shape_cast %parallel_loop3A_219 : vector<1x16xf32> to vector<16xf32>
          %parallel_loop3A_221 = vector.shape_cast %parallel_loop3A_216 : vector<16xf32> to vector<1x16xf32>
          tpu.vector_store %arg13[%parallel_loop3A_217, %parallel_loop3A_218], %parallel_loop3A_221 {strides = array<i32>} : memref<200x32xf32, #tpu.memory_space<vmem>>, vector<1x16xf32>,
          %parallel_loop3A_222 = arith.index_cast %parallel_loop3A_207 : i32 to index
          %parallel_loop3A_223 = arith.constant 16 : index
          %parallel_loop3A_224 = tpu.vector_load %arg13[%parallel_loop3A_222, %parallel_loop3A_223] {strides = array<i32>} : memref<200x32xf32, #tpu.memory_space<vmem>>, vector<1x16xf32>,
          %parallel_loop3A_225 = vector.shape_cast %parallel_loop3A_224 : vector<1x16xf32> to vector<16xf32>
          %parallel_loop3A_226 = arith.index_cast %parallel_loop3A_207 : i32 to index
          %parallel_loop3A_227 = arith.constant 16 : index
          %parallel_loop3A_228 = tpu.vector_load %arg14[%parallel_loop3A_226, %parallel_loop3A_227] {strides = array<i32>} : memref<200x32xf32, #tpu.memory_space<vmem>>, vector<1x16xf32>,
          %parallel_loop3A_229 = vector.shape_cast %parallel_loop3A_228 : vector<1x16xf32> to vector<16xf32>
          %parallel_loop3A_230 = arith.mulf %parallel_loop3A_225, %parallel_loop3A_229 : vector<16xf32>
          %parallel_loop3A_231 = arith.index_cast %parallel_loop3A_207 : i32 to index
          %parallel_loop3A_232 = arith.constant 16 : index
          %parallel_loop3A_233 = tpu.vector_load %arg13[%parallel_loop3A_231, %parallel_loop3A_232] {strides = array<i32>} : memref<200x32xf32, #tpu.memory_space<vmem>>, vector<1x16xf32>,
          %parallel_loop3A_234 = vector.shape_cast %parallel_loop3A_233 : vector<1x16xf32> to vector<16xf32>
          %parallel_loop3A_235 = vector.shape_cast %parallel_loop3A_230 : vector<16xf32> to vector<1x16xf32>
          tpu.vector_store %arg13[%parallel_loop3A_231, %parallel_loop3A_232], %parallel_loop3A_235 {strides = array<i32>} : memref<200x32xf32, #tpu.memory_space<vmem>>, vector<1x16xf32>,
        } {sc.loop_unroll_factor = 4 : i64, sc.parallel_access}
        "tpu.region"() ({
          %run_scoped3A = tpu.sem_alloc : memref<!tpu.dma_semaphore, #tpu.memory_space<semaphore_mem>>
          %dma_start3A_207 = arith.constant 0 : i32
          %dma_start3A_208 = arith.constant 0 : i32
          %dma_start3A_209 = tpu.memref_slice %arg15[%dma_start3A_207, %dma_start3A_208] : memref<51200x32xf32, #tpu.memory_space<vmem_shared>> -> memref<51200x32xf32, #tpu.memory_space<vmem_shared>>
          tpu.enqueue_indirect_dma source(%arg13 : memref<200x32xf32, #tpu.memory_space<vmem>>) target(%dma_start3A_209 : memref<51200x32xf32, #tpu.memory_space<vmem_shared>>) offsets(%arg12 : memref<200xi32, #tpu.memory_space<vmem>>) semaphore(%run_scoped3A : memref<!tpu.dma_semaphore, #tpu.memory_space<semaphore_mem>>) {add = true}
          %dma_wait3A_210 = arith.constant 0 : i32
          %dma_wait3A_211 = arith.constant 0 : i32
          %dma_wait3A_212 = tpu.memref_slice %arg15[%dma_wait3A_210, %dma_wait3A_211] : memref<51200x32xf32, #tpu.memory_space<vmem_shared>> -> memref<51200x32xf32, #tpu.memory_space<vmem_shared>>
          tpu.wait_indirect_dma semaphore(%run_scoped3A : memref<!tpu.dma_semaphore, #tpu.memory_space<semaphore_mem>>) src(%arg13 : memref<200x32xf32, #tpu.memory_space<vmem>>) dst(%dma_wait3A_212 : memref<51200x32xf32, #tpu.memory_space<vmem_shared>>)
          tpu.yield
        }) : () -> ()
      } else {
      }
      %eq3A = arith.constant 124 : i32
      %eq3A_137 = arith.cmpi eq, %scan3A_71, %eq3A : i32
      %convert_element_type3A_138 = arith.extui %eq3A_137 : i1 to i32
      %cond3A_139 = arith.constant 0 : i32
      %cond3A_140 = arith.cmpi ne, %convert_element_type3A_138, %cond3A_139 : i32
      scf.if %cond3A_140 {
        %dma_wait3A_141 = arith.constant 0 : i32
        %dma_wait3A_142 = arith.constant 0 : i32
        %dma_wait3A_143 = tpu.memref_slice %arg2[%arg0, %dma_wait3A_141, %dma_wait3A_142] : memref<2x51200x32xf32, #tpu.memory_space<hbm>> -> memref<1x51200x32xf32, #tpu.memory_space<hbm>>
        %dma_wait3A_144 = tpu.memref_squeeze %dma_wait3A_143 : memref<1x51200x32xf32, #tpu.memory_space<hbm>> -> memref<51200x32xf32, #tpu.memory_space<hbm>>
        %dma_wait3A_145 = arith.constant 0 : i32
        %dma_wait3A_146 = arith.constant 0 : i32
        %dma_wait3A_147 = tpu.memref_slice %dma_wait3A_144[%dma_wait3A_145, %dma_wait3A_146] : memref<51200x32xf32, #tpu.memory_space<hbm>> -> memref<51200x32xf32, #tpu.memory_space<hbm>>
        tpu.wait_indirect_dma semaphore(%arg19 : memref<!tpu.dma_semaphore, #tpu.memory_space<semaphore_mem>>) src(%dma_wait3A_147 : memref<51200x32xf32, #tpu.memory_space<hbm>>) dst(%arg13 : memref<200x32xf32, #tpu.memory_space<vmem>>)
        %parallel_loop3A_148 = arith.constant 0 : i32
        %parallel_loop3A_149 = arith.constant 200 : i32
        %parallel_loop3A_150 = arith.constant 1 : i32
        scf.for %parallel_loop3A_151 = %parallel_loop3A_148 to %parallel_loop3A_149 step %parallel_loop3A_150  : i32 {
          %parallel_loop3A_152 = arith.index_cast %parallel_loop3A_151 : i32 to index
          %parallel_loop3A_153 = arith.constant 0 : index
          %parallel_loop3A_154 = tpu.vector_load %arg13[%parallel_loop3A_152, %parallel_loop3A_153] {strides = array<i32>} : memref<200x32xf32, #tpu.memory_space<vmem>>, vector<1x16xf32>,
          %parallel_loop3A_155 = vector.shape_cast %parallel_loop3A_154 : vector<1x16xf32> to vector<16xf32>
          %parallel_loop3A_156 = arith.index_cast %parallel_loop3A_151 : i32 to index
          %parallel_loop3A_157 = arith.constant 0 : index
          %parallel_loop3A_158 = tpu.vector_load %arg14[%parallel_loop3A_156, %parallel_loop3A_157] {strides = array<i32>} : memref<200x32xf32, #tpu.memory_space<vmem>>, vector<1x16xf32>,
          %parallel_loop3A_159 = vector.shape_cast %parallel_loop3A_158 : vector<1x16xf32> to vector<16xf32>
          %parallel_loop3A_160 = arith.mulf %parallel_loop3A_155, %parallel_loop3A_159 : vector<16xf32>
          %parallel_loop3A_161 = arith.index_cast %parallel_loop3A_151 : i32 to index
          %parallel_loop3A_162 = arith.constant 0 : index
          %parallel_loop3A_163 = tpu.vector_load %arg13[%parallel_loop3A_161, %parallel_loop3A_162] {strides = array<i32>} : memref<200x32xf32, #tpu.memory_space<vmem>>, vector<1x16xf32>,
          %parallel_loop3A_164 = vector.shape_cast %parallel_loop3A_163 : vector<1x16xf32> to vector<16xf32>
          %parallel_loop3A_165 = vector.shape_cast %parallel_loop3A_160 : vector<16xf32> to vector<1x16xf32>
          tpu.vector_store %arg13[%parallel_loop3A_161, %parallel_loop3A_162], %parallel_loop3A_165 {strides = array<i32>} : memref<200x32xf32, #tpu.memory_space<vmem>>, vector<1x16xf32>,
          %parallel_loop3A_166 = arith.index_cast %parallel_loop3A_151 : i32 to index
          %parallel_loop3A_167 = arith.constant 16 : index
          %parallel_loop3A_168 = tpu.vector_load %arg13[%parallel_loop3A_166, %parallel_loop3A_167] {strides = array<i32>} : memref<200x32xf32, #tpu.memory_space<vmem>>, vector<1x16xf32>,
          %parallel_loop3A_169 = vector.shape_cast %parallel_loop3A_168 : vector<1x16xf32> to vector<16xf32>
          %parallel_loop3A_170 = arith.index_cast %parallel_loop3A_151 : i32 to index
          %parallel_loop3A_171 = arith.constant 16 : index
          %parallel_loop3A_172 = tpu.vector_load %arg14[%parallel_loop3A_170, %parallel_loop3A_171] {strides = array<i32>} : memref<200x32xf32, #tpu.memory_space<vmem>>, vector<1x16xf32>,
          %parallel_loop3A_173 = vector.shape_cast %parallel_loop3A_172 : vector<1x16xf32> to vector<16xf32>
          %parallel_loop3A_174 = arith.mulf %parallel_loop3A_169, %parallel_loop3A_173 : vector<16xf32>
          %parallel_loop3A_175 = arith.index_cast %parallel_loop3A_151 : i32 to index
          %parallel_loop3A_176 = arith.constant 16 : index
          %parallel_loop3A_177 = tpu.vector_load %arg13[%parallel_loop3A_175, %parallel_loop3A_176] {strides = array<i32>} : memref<200x32xf32, #tpu.memory_space<vmem>>, vector<1x16xf32>,
          %parallel_loop3A_178 = vector.shape_cast %parallel_loop3A_177 : vector<1x16xf32> to vector<16xf32>
          %parallel_loop3A_179 = vector.shape_cast %parallel_loop3A_174 : vector<16xf32> to vector<1x16xf32>
          tpu.vector_store %arg13[%parallel_loop3A_175, %parallel_loop3A_176], %parallel_loop3A_179 {strides = array<i32>} : memref<200x32xf32, #tpu.memory_space<vmem>>, vector<1x16xf32>,
        } {sc.loop_unroll_factor = 4 : i64, sc.parallel_access}
        "tpu.region"() ({
          %run_scoped3A = tpu.sem_alloc : memref<!tpu.dma_semaphore, #tpu.memory_space<semaphore_mem>>
          %dma_start3A_151 = arith.constant 0 : i32
          %dma_start3A_152 = arith.constant 0 : i32
          %dma_start3A_153 = tpu.memref_slice %arg15[%dma_start3A_151, %dma_start3A_152] : memref<51200x32xf32, #tpu.memory_space<vmem_shared>> -> memref<51200x32xf32, #tpu.memory_space<vmem_shared>>
          tpu.enqueue_indirect_dma source(%arg13 : memref<200x32xf32, #tpu.memory_space<vmem>>) target(%dma_start3A_153 : memref<51200x32xf32, #tpu.memory_space<vmem_shared>>) offsets(%arg12 : memref<200xi32, #tpu.memory_space<vmem>>) semaphore(%run_scoped3A : memref<!tpu.dma_semaphore, #tpu.memory_space<semaphore_mem>>) {add = true}
          %dma_wait3A_154 = arith.constant 0 : i32
          %dma_wait3A_155 = arith.constant 0 : i32
          %dma_wait3A_156 = tpu.memref_slice %arg15[%dma_wait3A_154, %dma_wait3A_155] : memref<51200x32xf32, #tpu.memory_space<vmem_shared>> -> memref<51200x32xf32, #tpu.memory_space<vmem_shared>>
          tpu.wait_indirect_dma semaphore(%run_scoped3A : memref<!tpu.dma_semaphore, #tpu.memory_space<semaphore_mem>>) src(%arg13 : memref<200x32xf32, #tpu.memory_space<vmem>>) dst(%dma_wait3A_156 : memref<51200x32xf32, #tpu.memory_space<vmem_shared>>)
          tpu.yield
        }) : () -> ()
      } else {
      }
    }
    %scan3A_63 = arith.constant 125 : i32
    %barrier3A_64 = arith.constant 0 : index
    tpu.barrier barrier_id(%barrier3A_64)
    %scan3A_65 = arith.constant 0 : i32
    %scan3A_66 = arith.constant 0 : i32
    %scan3A_67 = arith.constant 16 : i32
    %scan3A_68 = arith.addi %scan3A_66, %scan3A_67 : i32
    %scan3A_69 = arith.constant 1 : i32
    scf.for %scan3A_71 = %scan3A_66 to %scan3A_68 step %scan3A_69  : i32 {
      %mul3A_72 = arith.constant 200 : i32
      %mul3A_73 = arith.muli %scan3A_71, %mul3A_72 : i32
      %add3A_74 = arith.addi %mul3A_2, %mul3A_73 : i32
      "tpu.region"() ({
        %run_scoped3A = tpu.sem_alloc : memref<!tpu.dma_semaphore, #tpu.memory_space<semaphore_mem>>
        %dma_start3A_75 = arith.constant 0 : i32
        %dma_start3A_76 = arith.constant 0 : i32
        %dma_start3A_77 = tpu.memref_slice %arg6[%arg0, %dma_start3A_75, %dma_start3A_76] : memref<2x51200x32xf32, #tpu.memory_space<hbm>> -> memref<1x51200x32xf32, #tpu.memory_space<hbm>>
        %dma_start3A_78 = tpu.memref_squeeze %dma_start3A_77 : memref<1x51200x32xf32, #tpu.memory_space<hbm>> -> memref<51200x32xf32, #tpu.memory_space<hbm>>
        %dma_start3A_79 = arith.constant 0 : i32
        %dma_start3A_80 = tpu.memref_slice %dma_start3A_78[%add3A_74, %dma_start3A_79] : memref<51200x32xf32, #tpu.memory_space<hbm>> -> memref<200x32xf32, #tpu.memory_space<hbm>>
        %dma_start3A_81 = arith.constant 0 : i32
        %dma_start3A_82 = tpu.memref_slice %arg15[%add3A_74, %dma_start3A_81] : memref<51200x32xf32, #tpu.memory_space<vmem_shared>> -> memref<200x32xf32, #tpu.memory_space<vmem_shared>>
        tpu.enqueue_dma source(%dma_start3A_82 : memref<200x32xf32, #tpu.memory_space<vmem_shared>>) target(%dma_start3A_80 : memref<200x32xf32, #tpu.memory_space<hbm>>) target_semaphore(%run_scoped3A : memref<!tpu.dma_semaphore, #tpu.memory_space<semaphore_mem>>)
        %dma_wait3A_83 = arith.constant 0 : i32
        %dma_wait3A_84 = arith.constant 0 : i32
        %dma_wait3A_85 = tpu.memref_slice %arg6[%arg0, %dma_wait3A_83, %dma_wait3A_84] : memref<2x51200x32xf32, #tpu.memory_space<hbm>> -> memref<1x51200x32xf32, #tpu.memory_space<hbm>>
        %dma_wait3A_86 = tpu.memref_squeeze %dma_wait3A_85 : memref<1x51200x32xf32, #tpu.memory_space<hbm>> -> memref<51200x32xf32, #tpu.memory_space<hbm>>
        %dma_wait3A_87 = arith.constant 0 : i32
        %dma_wait3A_88 = tpu.memref_slice %dma_wait3A_86[%add3A_74, %dma_wait3A_87] : memref<51200x32xf32, #tpu.memory_space<hbm>> -> memref<200x32xf32, #tpu.memory_space<hbm>>
        %dma_wait3A_89 = arith.constant 0 : i32
        %dma_wait3A_90 = tpu.memref_slice %arg15[%add3A_74, %dma_wait3A_89] : memref<51200x32xf32, #tpu.memory_space<vmem_shared>> -> memref<200x32xf32, #tpu.memory_space<vmem_shared>>
        tpu.wait_dma2 semaphore(%run_scoped3A : memref<!tpu.dma_semaphore, #tpu.memory_space<semaphore_mem>>) src(%dma_wait3A_90 : memref<200x32xf32, #tpu.memory_space<vmem_shared>>) dst(%dma_wait3A_88 : memref<200x32xf32, #tpu.memory_space<hbm>>)
        tpu.yield
      }) : () -> ()
    }
    %scan3A_70 = arith.constant 16 : i32
    return
  }
}

#map = affine_map<(d0, d1) -> (0, 0, 0)>
#map1 = affine_map<(d0, d1) -> (0)>
module attributes {stable_mosaic.version = 14 : i64} {
  func.func @_sc_body(%arg0: i32, %arg1: i32, %arg2: memref<2x51200x32xf32, #tpu.memory_space<hbm>>, %arg3: memref<2x800000x32xf32, #tpu.memory_space<hbm>>, %arg4: memref<800000xi32, #tpu.memory_space<hbm>>, %arg5: memref<800000xi32, #tpu.memory_space<hbm>>, %arg6: memref<2x51200x32xf32, #tpu.memory_space<hbm>>, %arg7: memref<200xi32, #tpu.memory_space<vmem>>, %arg8: memref<200xi32, #tpu.memory_space<vmem>>, %arg9: memref<200x32xf32, #tpu.memory_space<vmem>>, %arg10: memref<200x32xf32, #tpu.memory_space<vmem>>, %arg11: memref<200xi32, #tpu.memory_space<vmem>>, %arg12: memref<200xi32, #tpu.memory_space<vmem>>, %arg13: memref<200x32xf32, #tpu.memory_space<vmem>>, %arg14: memref<200x32xf32, #tpu.memory_space<vmem>>, %arg15: memref<51200x32xf32, #tpu.memory_space<vmem_shared>>, %arg16: memref<!tpu.dma_semaphore, #tpu.memory_space<semaphore_mem>>, %arg17: memref<!tpu.dma_semaphore, #tpu.memory_space<semaphore_mem>>, %arg18: memref<!tpu.dma_semaphore, #tpu.memory_space<semaphore_mem>>, %arg19: memref<!tpu.dma_semaphore, #tpu.memory_space<semaphore_mem>>) attributes {dimension_semantics = [#tpu.dimension_semantics<core_parallel>, #tpu.dimension_semantics<subcore_parallel>], iteration_bounds = array<i64: 2, 16>, scalar_prefetch = 0 : i64, scratch_operands = 13 : i64, tpu.core_type = #tpu.core_type<sc_vector_subcore>, window_params = [{transform_indices = #map}, {transform_indices = #map}, {transform_indices = #map1}, {transform_indices = #map1}, {transform_indices = #map}]} {
    %mul3A = arith.constant 50000 : i32
    %mul3A_0 = arith.muli %arg1, %mul3A : i32
    %mul3A_1 = arith.constant 3200 : i32
    %mul3A_2 = arith.muli %arg1, %mul3A_1 : i32
    %scan3A = arith.constant 0 : i32
    %scan3A_3 = arith.constant 0 : i32
    %scan3A_4 = arith.constant 200 : i32
    %scan3A_5 = arith.addi %scan3A_3, %scan3A_4 : i32
    %scan3A_6 = arith.constant 1 : i32
    scf.for %scan3A_71 = %scan3A_3 to %scan3A_5 step %scan3A_6  : i32 {
      %broadcast_in_dim3A = arith.constant 0.000000e+00 : f32
      %broadcast_in_dim3A_72 = vector.broadcast %broadcast_in_dim3A : f32 to vector<16xf32>
      %swap3A = arith.index_cast %scan3A_71 : i32 to index
      %swap3A_73 = arith.constant 0 : index
      %swap3A_74 = tpu.vector_load %arg9[%swap3A, %swap3A_73] {strides = array<i32>} : memref<200x32xf32, #tpu.memory_space<vmem>>, vector<1x16xf32>,
      %swap3A_75 = vector.shape_cast %swap3A_74 : vector<1x16xf32> to vector<16xf32>
      %swap3A_76 = vector.shape_cast %broadcast_in_dim3A_72 : vector<16xf32> to vector<1x16xf32>
      tpu.vector_store %arg9[%swap3A, %swap3A_73], %swap3A_76 {strides = array<i32>} : memref<200x32xf32, #tpu.memory_space<vmem>>, vector<1x16xf32>,
      %broadcast_in_dim3A_77 = arith.constant 0.000000e+00 : f32
      %broadcast_in_dim3A_78 = vector.broadcast %broadcast_in_dim3A_77 : f32 to vector<16xf32>
      %swap3A_79 = arith.index_cast %scan3A_71 : i32 to index
      %swap3A_80 = arith.constant 16 : index
      %swap3A_81 = tpu.vector_load %arg9[%swap3A_79, %swap3A_80] {strides = array<i32>} : memref<200x32xf32, #tpu.memory_space<vmem>>, vector<1x16xf32>,
      %swap3A_82 = vector.shape_cast %swap3A_81 : vector<1x16xf32> to vector<16xf32>
      %swap3A_83 = vector.shape_cast %broadcast_in_dim3A_78 : vector<16xf32> to vector<1x16xf32>
      tpu.vector_store %arg9[%swap3A_79, %swap3A_80], %swap3A_83 {strides = array<i32>} : memref<200x32xf32, #tpu.memory_space<vmem>>, vector<1x16xf32>,
    }
    %scan3A_7 = arith.constant 200 : i32
    %scan3A_8 = arith.constant 0 : i32
    %scan3A_9 = arith.constant 0 : i32
    %scan3A_10 = arith.constant 16 : i32
    %scan3A_11 = arith.addi %scan3A_9, %scan3A_10 : i32
    %scan3A_12 = arith.constant 1 : i32
    scf.for %scan3A_71 = %scan3A_9 to %scan3A_11 step %scan3A_12  : i32 {
      %mul3A_72 = arith.constant 200 : i32
      %mul3A_73 = arith.muli %scan3A_71, %mul3A_72 : i32
      %add3A_74 = arith.addi %mul3A_2, %mul3A_73 : i32
      "tpu.region"() ({
        %run_scoped3A = tpu.sem_alloc : memref<!tpu.dma_semaphore, #tpu.memory_space<semaphore_mem>>
        %dma_start3A_75 = arith.constant 0 : i32
        %dma_start3A_76 = arith.constant 0 : i32
        %dma_start3A_77 = tpu.memref_slice %arg9[%dma_start3A_75, %dma_start3A_76] : memref<200x32xf32, #tpu.memory_space<vmem>> -> memref<200x32xf32, #tpu.memory_space<vmem>>
        %dma_start3A_78 = arith.constant 0 : i32
        %dma_start3A_79 = tpu.memref_slice %arg15[%add3A_74, %dma_start3A_78] : memref<51200x32xf32, #tpu.memory_space<vmem_shared>> -> memref<200x32xf32, #tpu.memory_space<vmem_shared>>
        %dma_start3A_80 = arith.constant 0 : i32
        %dma_start3A_81 = tpu.memref_slice %arg15[%add3A_74, %dma_start3A_80] : memref<51200x32xf32, #tpu.memory_space<vmem_shared>> -> memref<200x32xf32, #tpu.memory_space<vmem_shared>>
        %dma_start3A_82 = arith.constant 0 : i32
        %dma_start3A_83 = arith.constant 0 : i32
        %dma_start3A_84 = tpu.memref_slice %arg9[%dma_start3A_82, %dma_start3A_83] : memref<200x32xf32, #tpu.memory_space<vmem>> -> memref<200x32xf32, #tpu.memory_space<vmem>>
        tpu.enqueue_dma source(%dma_start3A_84 : memref<200x32xf32, #tpu.memory_space<vmem>>) target(%dma_start3A_81 : memref<200x32xf32, #tpu.memory_space<vmem_shared>>) target_semaphore(%run_scoped3A : memref<!tpu.dma_semaphore, #tpu.memory_space<semaphore_mem>>)
        %dma_wait3A_85 = arith.constant 0 : i32
        %dma_wait3A_86 = arith.constant 0 : i32
        %dma_wait3A_87 = tpu.memref_slice %arg9[%dma_wait3A_85, %dma_wait3A_86] : memref<200x32xf32, #tpu.memory_space<vmem>> -> memref<200x32xf32, #tpu.memory_space<vmem>>
        %dma_wait3A_88 = arith.constant 0 : i32
        %dma_wait3A_89 = tpu.memref_slice %arg15[%add3A_74, %dma_wait3A_88] : memref<51200x32xf32, #tpu.memory_space<vmem_shared>> -> memref<200x32xf32, #tpu.memory_space<vmem_shared>>
        %dma_wait3A_90 = arith.constant 0 : i32
        %dma_wait3A_91 = tpu.memref_slice %arg15[%add3A_74, %dma_wait3A_90] : memref<51200x32xf32, #tpu.memory_space<vmem_shared>> -> memref<200x32xf32, #tpu.memory_space<vmem_shared>>
        %dma_wait3A_92 = arith.constant 0 : i32
        %dma_wait3A_93 = arith.constant 0 : i32
        %dma_wait3A_94 = tpu.memref_slice %arg9[%dma_wait3A_92, %dma_wait3A_93] : memref<200x32xf32, #tpu.memory_space<vmem>> -> memref<200x32xf32, #tpu.memory_space<vmem>>
        tpu.wait_dma2 semaphore(%run_scoped3A : memref<!tpu.dma_semaphore, #tpu.memory_space<semaphore_mem>>) src(%dma_wait3A_94 : memref<200x32xf32, #tpu.memory_space<vmem>>) dst(%dma_wait3A_91 : memref<200x32xf32, #tpu.memory_space<vmem_shared>>)
        tpu.yield
      }) : () -> ()
    }
    %scan3A_13 = arith.constant 16 : i32
    %barrier3A = arith.constant 0 : index
    tpu.barrier barrier_id(%barrier3A)
    %add3A = arith.constant 0 : i32
    %add3A_14 = arith.addi %mul3A_0, %add3A : i32
    %dma_start3A = tpu.memref_slice %arg4[%add3A_14] : memref<800000xi32, #tpu.memory_space<hbm>> -> memref<200xi32, #tpu.memory_space<hbm>>
    %dma_start3A_15 = tpu.memref_slice %arg4[%add3A_14] : memref<800000xi32, #tpu.memory_space<hbm>> -> memref<200xi32, #tpu.memory_space<hbm>>
    tpu.enqueue_dma source(%dma_start3A_15 : memref<200xi32, #tpu.memory_space<hbm>>) target(%arg7 : memref<200xi32, #tpu.memory_space<vmem>>) target_semaphore(%arg16 : memref<!tpu.dma_semaphore, #tpu.memory_space<semaphore_mem>>)
    %dma_start3A_16 = tpu.memref_slice %arg5[%add3A_14] : memref<800000xi32, #tpu.memory_space<hbm>> -> memref<200xi32, #tpu.memory_space<hbm>>
    %dma_start3A_17 = tpu.memref_slice %arg5[%add3A_14] : memref<800000xi32, #tpu.memory_space<hbm>> -> memref<200xi32, #tpu.memory_space<hbm>>
    tpu.enqueue_dma source(%dma_start3A_17 : memref<200xi32, #tpu.memory_space<hbm>>) target(%arg8 : memref<200xi32, #tpu.memory_space<vmem>>) target_semaphore(%arg16 : memref<!tpu.dma_semaphore, #tpu.memory_space<semaphore_mem>>)
    %dma_start3A_18 = arith.constant 0 : i32
    %dma_start3A_19 = arith.constant 0 : i32
    %dma_start3A_20 = tpu.memref_slice %arg3[%arg0, %dma_start3A_18, %dma_start3A_19] : memref<2x800000x32xf32, #tpu.memory_space<hbm>> -> memref<1x800000x32xf32, #tpu.memory_space<hbm>>
    %dma_start3A_21 = tpu.memref_squeeze %dma_start3A_20 : memref<1x800000x32xf32, #tpu.memory_space<hbm>> -> memref<800000x32xf32, #tpu.memory_space<hbm>>
    %dma_start3A_22 = arith.constant 0 : i32
    %dma_start3A_23 = tpu.memref_slice %dma_start3A_21[%add3A_14, %dma_start3A_22] : memref<800000x32xf32, #tpu.memory_space<hbm>> -> memref<200x32xf32, #tpu.memory_space<hbm>>
    %dma_start3A_24 = arith.constant 0 : i32
    %dma_start3A_25 = arith.constant 0 : i32
    %dma_start3A_26 = tpu.memref_slice %arg3[%arg0, %dma_start3A_24, %dma_start3A_25] : memref<2x800000x32xf32, #tpu.memory_space<hbm>> -> memref<1x800000x32xf32, #tpu.memory_space<hbm>>
    %dma_start3A_27 = tpu.memref_squeeze %dma_start3A_26 : memref<1x800000x32xf32, #tpu.memory_space<hbm>> -> memref<800000x32xf32, #tpu.memory_space<hbm>>
    %dma_start3A_28 = arith.constant 0 : i32
    %dma_start3A_29 = tpu.memref_slice %dma_start3A_27[%add3A_14, %dma_start3A_28] : memref<800000x32xf32, #tpu.memory_space<hbm>> -> memref<200x32xf32, #tpu.memory_space<hbm>>
    tpu.enqueue_dma source(%dma_start3A_29 : memref<200x32xf32, #tpu.memory_space<hbm>>) target(%arg10 : memref<200x32xf32, #tpu.memory_space<vmem>>) target_semaphore(%arg16 : memref<!tpu.dma_semaphore, #tpu.memory_space<semaphore_mem>>)
    %dma_wait3A = arith.constant 0 : i32
    %dma_wait3A_30 = tpu.memref_slice %arg4[%dma_wait3A] : memref<800000xi32, #tpu.memory_space<hbm>> -> memref<200xi32, #tpu.memory_space<hbm>>
    %dma_wait3A_31 = arith.constant 0 : i32
    %dma_wait3A_32 = tpu.memref_slice %arg4[%dma_wait3A_31] : memref<800000xi32, #tpu.memory_space<hbm>> -> memref<200xi32, #tpu.memory_space<hbm>>
    tpu.wait_dma2 semaphore(%arg16 : memref<!tpu.dma_semaphore, #tpu.memory_space<semaphore_mem>>) src(%dma_wait3A_32 : memref<200xi32, #tpu.memory_space<hbm>>) dst(%arg7 : memref<200xi32, #tpu.memory_space<vmem>>)
    %dma_wait3A_33 = arith.constant 0 : i32
    %dma_wait3A_34 = tpu.memref_slice %arg5[%dma_wait3A_33] : memref<800000xi32, #tpu.memory_space<hbm>> -> memref<200xi32, #tpu.memory_space<hbm>>
    %dma_wait3A_35 = arith.constant 0 : i32
    %dma_wait3A_36 = tpu.memref_slice %arg5[%dma_wait3A_35] : memref<800000xi32, #tpu.memory_space<hbm>> -> memref<200xi32, #tpu.memory_space<hbm>>
    tpu.wait_dma2 semaphore(%arg16 : memref<!tpu.dma_semaphore, #tpu.memory_space<semaphore_mem>>) src(%dma_wait3A_36 : memref<200xi32, #tpu.memory_space<hbm>>) dst(%arg8 : memref<200xi32, #tpu.memory_space<vmem>>)
    %dma_wait3A_37 = arith.constant 0 : i32
    %dma_wait3A_38 = arith.constant 0 : i32
    %dma_wait3A_39 = tpu.memref_slice %arg3[%arg0, %dma_wait3A_37, %dma_wait3A_38] : memref<2x800000x32xf32, #tpu.memory_space<hbm>> -> memref<1x800000x32xf32, #tpu.memory_space<hbm>>
    %dma_wait3A_40 = tpu.memref_squeeze %dma_wait3A_39 : memref<1x800000x32xf32, #tpu.memory_space<hbm>> -> memref<800000x32xf32, #tpu.memory_space<hbm>>
    %dma_wait3A_41 = arith.constant 0 : i32
    %dma_wait3A_42 = arith.constant 0 : i32
    %dma_wait3A_43 = tpu.memref_slice %dma_wait3A_40[%dma_wait3A_41, %dma_wait3A_42] : memref<800000x32xf32, #tpu.memory_space<hbm>> -> memref<200x32xf32, #tpu.memory_space<hbm>>
    %dma_wait3A_44 = arith.constant 0 : i32
    %dma_wait3A_45 = arith.constant 0 : i32
    %dma_wait3A_46 = tpu.memref_slice %arg3[%arg0, %dma_wait3A_44, %dma_wait3A_45] : memref<2x800000x32xf32, #tpu.memory_space<hbm>> -> memref<1x800000x32xf32, #tpu.memory_space<hbm>>
    %dma_wait3A_47 = tpu.memref_squeeze %dma_wait3A_46 : memref<1x800000x32xf32, #tpu.memory_space<hbm>> -> memref<800000x32xf32, #tpu.memory_space<hbm>>
    %dma_wait3A_48 = arith.constant 0 : i32
    %dma_wait3A_49 = arith.constant 0 : i32
    %dma_wait3A_50 = tpu.memref_slice %dma_wait3A_47[%dma_wait3A_48, %dma_wait3A_49] : memref<800000x32xf32, #tpu.memory_space<hbm>> -> memref<200x32xf32, #tpu.memory_space<hbm>>
    tpu.wait_dma2 semaphore(%arg16 : memref<!tpu.dma_semaphore, #tpu.memory_space<semaphore_mem>>) src(%dma_wait3A_50 : memref<200x32xf32, #tpu.memory_space<hbm>>) dst(%arg10 : memref<200x32xf32, #tpu.memory_space<vmem>>)
    %dma_start3A_51 = arith.constant 0 : i32
    %dma_start3A_52 = arith.constant 0 : i32
    %dma_start3A_53 = tpu.memref_slice %arg2[%arg0, %dma_start3A_51, %dma_start3A_52] : memref<2x51200x32xf32, #tpu.memory_space<hbm>> -> memref<1x51200x32xf32, #tpu.memory_space<hbm>>
    %dma_start3A_54 = tpu.memref_squeeze %dma_start3A_53 : memref<1x51200x32xf32, #tpu.memory_space<hbm>> -> memref<51200x32xf32, #tpu.memory_space<hbm>>
    %dma_start3A_55 = arith.constant 0 : i32
    %dma_start3A_56 = arith.constant 0 : i32
    %dma_start3A_57 = tpu.memref_slice %dma_start3A_54[%dma_start3A_55, %dma_start3A_56] : memref<51200x32xf32, #tpu.memory_space<hbm>> -> memref<51200x32xf32, #tpu.memory_space<hbm>>
    tpu.enqueue_indirect_dma source(%dma_start3A_57 : memref<51200x32xf32, #tpu.memory_space<hbm>>) target(%arg9 : memref<200x32xf32, #tpu.memory_space<vmem>>) offsets(%arg7 : memref<200xi32, #tpu.memory_space<vmem>>) semaphore(%arg18 : memref<!tpu.dma_semaphore, #tpu.memory_space<semaphore_mem>>)
    %scan3A_58 = arith.constant 0 : i32
    %scan3A_59 = arith.constant 0 : i32
    %scan3A_60 = arith.constant 125 : i32
    %scan3A_61 = arith.addi %scan3A_59, %scan3A_60 : i32
    %scan3A_62 = arith.constant 1 : i32
    scf.for %scan3A_71 = %scan3A_59 to %scan3A_61 step %scan3A_62  : i32 {
      %mul3A_72 = arith.constant 2 : i32
      %mul3A_73 = arith.muli %mul3A_72, %scan3A_71 : i32
      %mul3A_74 = arith.constant 2 : i32
      %mul3A_75 = arith.muli %mul3A_74, %scan3A_71 : i32
      %add3A_76 = arith.constant 1 : i32
      %add3A_77 = arith.addi %mul3A_75, %add3A_76 : i32
      %mul3A_78 = arith.constant 200 : i32
      %mul3A_79 = arith.muli %add3A_77, %mul3A_78 : i32
      %add3A_80 = arith.addi %mul3A_0, %mul3A_79 : i32
      %dma_start3A_81 = tpu.memref_slice %arg4[%add3A_80] : memref<800000xi32, #tpu.memory_space<hbm>> -> memref<200xi32, #tpu.memory_space<hbm>>
      %dma_start3A_82 = tpu.memref_slice %arg4[%add3A_80] : memref<800000xi32, #tpu.memory_space<hbm>> -> memref<200xi32, #tpu.memory_space<hbm>>
      tpu.enqueue_dma source(%dma_start3A_82 : memref<200xi32, #tpu.memory_space<hbm>>) target(%arg11 : memref<200xi32, #tpu.memory_space<vmem>>) target_semaphore(%arg17 : memref<!tpu.dma_semaphore, #tpu.memory_space<semaphore_mem>>)
      %dma_start3A_83 = tpu.memref_slice %arg5[%add3A_80] : memref<800000xi32, #tpu.memory_space<hbm>> -> memref<200xi32, #tpu.memory_space<hbm>>
      %dma_start3A_84 = tpu.memref_slice %arg5[%add3A_80] : memref<800000xi32, #tpu.memory_space<hbm>> -> memref<200xi32, #tpu.memory_space<hbm>>
      tpu.enqueue_dma source(%dma_start3A_84 : memref<200xi32, #tpu.memory_space<hbm>>) target(%arg12 : memref<200xi32, #tpu.memory_space<vmem>>) target_semaphore(%arg17 : memref<!tpu.dma_semaphore, #tpu.memory_space<semaphore_mem>>)
      %dma_start3A_85 = arith.constant 0 : i32
      %dma_start3A_86 = arith.constant 0 : i32
      %dma_start3A_87 = tpu.memref_slice %arg3[%arg0, %dma_start3A_85, %dma_start3A_86] : memref<2x800000x32xf32, #tpu.memory_space<hbm>> -> memref<1x800000x32xf32, #tpu.memory_space<hbm>>
      %dma_start3A_88 = tpu.memref_squeeze %dma_start3A_87 : memref<1x800000x32xf32, #tpu.memory_space<hbm>> -> memref<800000x32xf32, #tpu.memory_space<hbm>>
      %dma_start3A_89 = arith.constant 0 : i32
      %dma_start3A_90 = tpu.memref_slice %dma_start3A_88[%add3A_80, %dma_start3A_89] : memref<800000x32xf32, #tpu.memory_space<hbm>> -> memref<200x32xf32, #tpu.memory_space<hbm>>
      %dma_start3A_91 = arith.constant 0 : i32
      %dma_start3A_92 = arith.constant 0 : i32
      %dma_start3A_93 = tpu.memref_slice %arg3[%arg0, %dma_start3A_91, %dma_start3A_92] : memref<2x800000x32xf32, #tpu.memory_space<hbm>> -> memref<1x800000x32xf32, #tpu.memory_space<hbm>>
      %dma_start3A_94 = tpu.memref_squeeze %dma_start3A_93 : memref<1x800000x32xf32, #tpu.memory_space<hbm>> -> memref<800000x32xf32, #tpu.memory_space<hbm>>
      %dma_start3A_95 = arith.constant 0 : i32
      %dma_start3A_96 = tpu.memref_slice %dma_start3A_94[%add3A_80, %dma_start3A_95] : memref<800000x32xf32, #tpu.memory_space<hbm>> -> memref<200x32xf32, #tpu.memory_space<hbm>>
      tpu.enqueue_dma source(%dma_start3A_96 : memref<200x32xf32, #tpu.memory_space<hbm>>) target(%arg14 : memref<200x32xf32, #tpu.memory_space<vmem>>) target_semaphore(%arg17 : memref<!tpu.dma_semaphore, #tpu.memory_space<semaphore_mem>>)
      %dma_wait3A_97 = arith.constant 0 : i32
      %dma_wait3A_98 = arith.constant 0 : i32
      %dma_wait3A_99 = tpu.memref_slice %arg2[%arg0, %dma_wait3A_97, %dma_wait3A_98] : memref<2x51200x32xf32, #tpu.memory_space<hbm>> -> memref<1x51200x32xf32, #tpu.memory_space<hbm>>
      %dma_wait3A_100 = tpu.memref_squeeze %dma_wait3A_99 : memref<1x51200x32xf32, #tpu.memory_space<hbm>> -> memref<51200x32xf32, #tpu.memory_space<hbm>>
      %dma_wait3A_101 = arith.constant 0 : i32
      %dma_wait3A_102 = arith.constant 0 : i32
      %dma_wait3A_103 = tpu.memref_slice %dma_wait3A_100[%dma_wait3A_101, %dma_wait3A_102] : memref<51200x32xf32, #tpu.memory_space<hbm>> -> memref<51200x32xf32, #tpu.memory_space<hbm>>
      tpu.wait_indirect_dma semaphore(%arg18 : memref<!tpu.dma_semaphore, #tpu.memory_space<semaphore_mem>>) src(%dma_wait3A_103 : memref<51200x32xf32, #tpu.memory_space<hbm>>) dst(%arg9 : memref<200x32xf32, #tpu.memory_space<vmem>>)
      %dma_wait3A_104 = arith.constant 0 : i32
      %dma_wait3A_105 = tpu.memref_slice %arg4[%dma_wait3A_104] : memref<800000xi32, #tpu.memory_space<hbm>> -> memref<200xi32, #tpu.memory_space<hbm>>
      %dma_wait3A_106 = arith.constant 0 : i32
      %dma_wait3A_107 = tpu.memref_slice %arg4[%dma_wait3A_106] : memref<800000xi32, #tpu.memory_space<hbm>> -> memref<200xi32, #tpu.memory_space<hbm>>
      tpu.wait_dma2 semaphore(%arg17 : memref<!tpu.dma_semaphore, #tpu.memory_space<semaphore_mem>>) src(%dma_wait3A_107 : memref<200xi32, #tpu.memory_space<hbm>>) dst(%arg11 : memref<200xi32, #tpu.memory_space<vmem>>)
      %dma_wait3A_108 = arith.constant 0 : i32
      %dma_wait3A_109 = tpu.memref_slice %arg5[%dma_wait3A_108] : memref<800000xi32, #tpu.memory_space<hbm>> -> memref<200xi32, #tpu.memory_space<hbm>>
      %dma_wait3A_110 = arith.constant 0 : i32
      %dma_wait3A_111 = tpu.memref_slice %arg5[%dma_wait3A_110] : memref<800000xi32, #tpu.memory_space<hbm>> -> memref<200xi32, #tpu.memory_space<hbm>>
      tpu.wait_dma2 semaphore(%arg17 : memref<!tpu.dma_semaphore, #tpu.memory_space<semaphore_mem>>) src(%dma_wait3A_111 : memref<200xi32, #tpu.memory_space<hbm>>) dst(%arg12 : memref<200xi32, #tpu.memory_space<vmem>>)
      %dma_wait3A_112 = arith.constant 0 : i32
      %dma_wait3A_113 = arith.constant 0 : i32
      %dma_wait3A_114 = tpu.memref_slice %arg3[%arg0, %dma_wait3A_112, %dma_wait3A_113] : memref<2x800000x32xf32, #tpu.memory_space<hbm>> -> memref<1x800000x32xf32, #tpu.memory_space<hbm>>
      %dma_wait3A_115 = tpu.memref_squeeze %dma_wait3A_114 : memref<1x800000x32xf32, #tpu.memory_space<hbm>> -> memref<800000x32xf32, #tpu.memory_space<hbm>>
      %dma_wait3A_116 = arith.constant 0 : i32
      %dma_wait3A_117 = arith.constant 0 : i32
      %dma_wait3A_118 = tpu.memref_slice %dma_wait3A_115[%dma_wait3A_116, %dma_wait3A_117] : memref<800000x32xf32, #tpu.memory_space<hbm>> -> memref<200x32xf32, #tpu.memory_space<hbm>>
      %dma_wait3A_119 = arith.constant 0 : i32
      %dma_wait3A_120 = arith.constant 0 : i32
      %dma_wait3A_121 = tpu.memref_slice %arg3[%arg0, %dma_wait3A_119, %dma_wait3A_120] : memref<2x800000x32xf32, #tpu.memory_space<hbm>> -> memref<1x800000x32xf32, #tpu.memory_space<hbm>>
      %dma_wait3A_122 = tpu.memref_squeeze %dma_wait3A_121 : memref<1x800000x32xf32, #tpu.memory_space<hbm>> -> memref<800000x32xf32, #tpu.memory_space<hbm>>
      %dma_wait3A_123 = arith.constant 0 : i32
      %dma_wait3A_124 = arith.constant 0 : i32
      %dma_wait3A_125 = tpu.memref_slice %dma_wait3A_122[%dma_wait3A_123, %dma_wait3A_124] : memref<800000x32xf32, #tpu.memory_space<hbm>> -> memref<200x32xf32, #tpu.memory_space<hbm>>
      tpu.wait_dma2 semaphore(%arg17 : memref<!tpu.dma_semaphore, #tpu.memory_space<semaphore_mem>>) src(%dma_wait3A_125 : memref<200x32xf32, #tpu.memory_space<hbm>>) dst(%arg14 : memref<200x32xf32, #tpu.memory_space<vmem>>)
      %dma_start3A_126 = arith.constant 0 : i32
      %dma_start3A_127 = arith.constant 0 : i32
      %dma_start3A_128 = tpu.memref_slice %arg2[%arg0, %dma_start3A_126, %dma_start3A_127] : memref<2x51200x32xf32, #tpu.memory_space<hbm>> -> memref<1x51200x32xf32, #tpu.memory_space<hbm>>
      %dma_start3A_129 = tpu.memref_squeeze %dma_start3A_128 : memref<1x51200x32xf32, #tpu.memory_space<hbm>> -> memref<51200x32xf32, #tpu.memory_space<hbm>>
      %dma_start3A_130 = arith.constant 0 : i32
      %dma_start3A_131 = arith.constant 0 : i32
      %dma_start3A_132 = tpu.memref_slice %dma_start3A_129[%dma_start3A_130, %dma_start3A_131] : memref<51200x32xf32, #tpu.memory_space<hbm>> -> memref<51200x32xf32, #tpu.memory_space<hbm>>
      tpu.enqueue_indirect_dma source(%dma_start3A_132 : memref<51200x32xf32, #tpu.memory_space<hbm>>) target(%arg13 : memref<200x32xf32, #tpu.memory_space<vmem>>) offsets(%arg11 : memref<200xi32, #tpu.memory_space<vmem>>) semaphore(%arg19 : memref<!tpu.dma_semaphore, #tpu.memory_space<semaphore_mem>>)
      %parallel_loop3A = arith.constant 0 : i32
      %parallel_loop3A_133 = arith.constant 200 : i32
      %parallel_loop3A_134 = arith.constant 1 : i32
      scf.for %parallel_loop3A_141 = %parallel_loop3A to %parallel_loop3A_133 step %parallel_loop3A_134  : i32 {
        %parallel_loop3A_142 = arith.index_cast %parallel_loop3A_141 : i32 to index
        %parallel_loop3A_143 = arith.constant 0 : index
        %parallel_loop3A_144 = tpu.vector_load %arg9[%parallel_loop3A_142, %parallel_loop3A_143] {strides = array<i32>} : memref<200x32xf32, #tpu.memory_space<vmem>>, vector<1x16xf32>,
        %parallel_loop3A_145 = vector.shape_cast %parallel_loop3A_144 : vector<1x16xf32> to vector<16xf32>
        %parallel_loop3A_146 = arith.index_cast %parallel_loop3A_141 : i32 to index
        %parallel_loop3A_147 = arith.constant 0 : index
        %parallel_loop3A_148 = tpu.vector_load %arg10[%parallel_loop3A_146, %parallel_loop3A_147] {strides = array<i32>} : memref<200x32xf32, #tpu.memory_space<vmem>>, vector<1x16xf32>,
        %parallel_loop3A_149 = vector.shape_cast %parallel_loop3A_148 : vector<1x16xf32> to vector<16xf32>
        %parallel_loop3A_150 = arith.mulf %parallel_loop3A_145, %parallel_loop3A_149 : vector<16xf32>
        %parallel_loop3A_151 = arith.index_cast %parallel_loop3A_141 : i32 to index
        %parallel_loop3A_152 = arith.constant 0 : index
        %parallel_loop3A_153 = tpu.vector_load %arg9[%parallel_loop3A_151, %parallel_loop3A_152] {strides = array<i32>} : memref<200x32xf32, #tpu.memory_space<vmem>>, vector<1x16xf32>,
        %parallel_loop3A_154 = vector.shape_cast %parallel_loop3A_153 : vector<1x16xf32> to vector<16xf32>
        %parallel_loop3A_155 = vector.shape_cast %parallel_loop3A_150 : vector<16xf32> to vector<1x16xf32>
        tpu.vector_store %arg9[%parallel_loop3A_151, %parallel_loop3A_152], %parallel_loop3A_155 {strides = array<i32>} : memref<200x32xf32, #tpu.memory_space<vmem>>, vector<1x16xf32>,
        %parallel_loop3A_156 = arith.index_cast %parallel_loop3A_141 : i32 to index
        %parallel_loop3A_157 = arith.constant 16 : index
        %parallel_loop3A_158 = tpu.vector_load %arg9[%parallel_loop3A_156, %parallel_loop3A_157] {strides = array<i32>} : memref<200x32xf32, #tpu.memory_space<vmem>>, vector<1x16xf32>,
        %parallel_loop3A_159 = vector.shape_cast %parallel_loop3A_158 : vector<1x16xf32> to vector<16xf32>
        %parallel_loop3A_160 = arith.index_cast %parallel_loop3A_141 : i32 to index
        %parallel_loop3A_161 = arith.constant 16 : index
        %parallel_loop3A_162 = tpu.vector_load %arg10[%parallel_loop3A_160, %parallel_loop3A_161] {strides = array<i32>} : memref<200x32xf32, #tpu.memory_space<vmem>>, vector<1x16xf32>,
        %parallel_loop3A_163 = vector.shape_cast %parallel_loop3A_162 : vector<1x16xf32> to vector<16xf32>
        %parallel_loop3A_164 = arith.mulf %parallel_loop3A_159, %parallel_loop3A_163 : vector<16xf32>
        %parallel_loop3A_165 = arith.index_cast %parallel_loop3A_141 : i32 to index
        %parallel_loop3A_166 = arith.constant 16 : index
        %parallel_loop3A_167 = tpu.vector_load %arg9[%parallel_loop3A_165, %parallel_loop3A_166] {strides = array<i32>} : memref<200x32xf32, #tpu.memory_space<vmem>>, vector<1x16xf32>,
        %parallel_loop3A_168 = vector.shape_cast %parallel_loop3A_167 : vector<1x16xf32> to vector<16xf32>
        %parallel_loop3A_169 = vector.shape_cast %parallel_loop3A_164 : vector<16xf32> to vector<1x16xf32>
        tpu.vector_store %arg9[%parallel_loop3A_165, %parallel_loop3A_166], %parallel_loop3A_169 {strides = array<i32>} : memref<200x32xf32, #tpu.memory_space<vmem>>, vector<1x16xf32>,
      } {sc.loop_unroll_factor = 4 : i64, sc.parallel_access}
      "tpu.region"() ({
        %run_scoped3A = tpu.sem_alloc : memref<!tpu.dma_semaphore, #tpu.memory_space<semaphore_mem>>
        %dma_start3A_141 = arith.constant 0 : i32
        %dma_start3A_142 = arith.constant 0 : i32
        %dma_start3A_143 = tpu.memref_slice %arg15[%dma_start3A_141, %dma_start3A_142] : memref<51200x32xf32, #tpu.memory_space<vmem_shared>> -> memref<51200x32xf32, #tpu.memory_space<vmem_shared>>
        tpu.enqueue_indirect_dma source(%arg9 : memref<200x32xf32, #tpu.memory_space<vmem>>) target(%dma_start3A_143 : memref<51200x32xf32, #tpu.memory_space<vmem_shared>>) offsets(%arg8 : memref<200xi32, #tpu.memory_space<vmem>>) semaphore(%run_scoped3A : memref<!tpu.dma_semaphore, #tpu.memory_space<semaphore_mem>>) {add = true}
        %dma_wait3A_144 = arith.constant 0 : i32
        %dma_wait3A_145 = arith.constant 0 : i32
        %dma_wait3A_146 = tpu.memref_slice %arg15[%dma_wait3A_144, %dma_wait3A_145] : memref<51200x32xf32, #tpu.memory_space<vmem_shared>> -> memref<51200x32xf32, #tpu.memory_space<vmem_shared>>
        tpu.wait_indirect_dma semaphore(%run_scoped3A : memref<!tpu.dma_semaphore, #tpu.memory_space<semaphore_mem>>) src(%arg9 : memref<200x32xf32, #tpu.memory_space<vmem>>) dst(%dma_wait3A_146 : memref<51200x32xf32, #tpu.memory_space<vmem_shared>>)
        tpu.yield
      }) : () -> ()
      %lt3A = arith.constant 124 : i32
      %lt3A_135 = arith.cmpi slt, %scan3A_71, %lt3A : i32
      %convert_element_type3A = arith.extui %lt3A_135 : i1 to i32
      %cond3A = arith.constant 0 : i32
      %cond3A_136 = arith.cmpi ne, %convert_element_type3A, %cond3A : i32
      scf.if %cond3A_136 {
        %mul3A_141 = arith.constant 2 : i32
        %mul3A_142 = arith.muli %mul3A_141, %scan3A_71 : i32
        %add3A_143 = arith.constant 1 : i32
        %add3A_144 = arith.addi %mul3A_142, %add3A_143 : i32
        %mul3A_145 = arith.constant 2 : i32
        %mul3A_146 = arith.muli %mul3A_145, %scan3A_71 : i32
        %add3A_147 = arith.constant 2 : i32
        %add3A_148 = arith.addi %mul3A_146, %add3A_147 : i32
        %mul3A_149 = arith.constant 200 : i32
        %mul3A_150 = arith.muli %add3A_148, %mul3A_149 : i32
        %add3A_151 = arith.addi %mul3A_0, %mul3A_150 : i32
        %dma_start3A_152 = tpu.memref_slice %arg4[%add3A_151] : memref<800000xi32, #tpu.memory_space<hbm>> -> memref<200xi32, #tpu.memory_space<hbm>>
        %dma_start3A_153 = tpu.memref_slice %arg4[%add3A_151] : memref<800000xi32, #tpu.memory_space<hbm>> -> memref<200xi32, #tpu.memory_space<hbm>>
        tpu.enqueue_dma source(%dma_start3A_153 : memref<200xi32, #tpu.memory_space<hbm>>) target(%arg7 : memref<200xi32, #tpu.memory_space<vmem>>) target_semaphore(%arg16 : memref<!tpu.dma_semaphore, #tpu.memory_space<semaphore_mem>>)
        %dma_start3A_154 = tpu.memref_slice %arg5[%add3A_151] : memref<800000xi32, #tpu.memory_space<hbm>> -> memref<200xi32, #tpu.memory_space<hbm>>
        %dma_start3A_155 = tpu.memref_slice %arg5[%add3A_151] : memref<800000xi32, #tpu.memory_space<hbm>> -> memref<200xi32, #tpu.memory_space<hbm>>
        tpu.enqueue_dma source(%dma_start3A_155 : memref<200xi32, #tpu.memory_space<hbm>>) target(%arg8 : memref<200xi32, #tpu.memory_space<vmem>>) target_semaphore(%arg16 : memref<!tpu.dma_semaphore, #tpu.memory_space<semaphore_mem>>)
        %dma_start3A_156 = arith.constant 0 : i32
        %dma_start3A_157 = arith.constant 0 : i32
        %dma_start3A_158 = tpu.memref_slice %arg3[%arg0, %dma_start3A_156, %dma_start3A_157] : memref<2x800000x32xf32, #tpu.memory_space<hbm>> -> memref<1x800000x32xf32, #tpu.memory_space<hbm>>
        %dma_start3A_159 = tpu.memref_squeeze %dma_start3A_158 : memref<1x800000x32xf32, #tpu.memory_space<hbm>> -> memref<800000x32xf32, #tpu.memory_space<hbm>>
        %dma_start3A_160 = arith.constant 0 : i32
        %dma_start3A_161 = tpu.memref_slice %dma_start3A_159[%add3A_151, %dma_start3A_160] : memref<800000x32xf32, #tpu.memory_space<hbm>> -> memref<200x32xf32, #tpu.memory_space<hbm>>
        %dma_start3A_162 = arith.constant 0 : i32
        %dma_start3A_163 = arith.constant 0 : i32
        %dma_start3A_164 = tpu.memref_slice %arg3[%arg0, %dma_start3A_162, %dma_start3A_163] : memref<2x800000x32xf32, #tpu.memory_space<hbm>> -> memref<1x800000x32xf32, #tpu.memory_space<hbm>>
        %dma_start3A_165 = tpu.memref_squeeze %dma_start3A_164 : memref<1x800000x32xf32, #tpu.memory_space<hbm>> -> memref<800000x32xf32, #tpu.memory_space<hbm>>
        %dma_start3A_166 = arith.constant 0 : i32
        %dma_start3A_167 = tpu.memref_slice %dma_start3A_165[%add3A_151, %dma_start3A_166] : memref<800000x32xf32, #tpu.memory_space<hbm>> -> memref<200x32xf32, #tpu.memory_space<hbm>>
        tpu.enqueue_dma source(%dma_start3A_167 : memref<200x32xf32, #tpu.memory_space<hbm>>) target(%arg10 : memref<200x32xf32, #tpu.memory_space<vmem>>) target_semaphore(%arg16 : memref<!tpu.dma_semaphore, #tpu.memory_space<semaphore_mem>>)
        %dma_wait3A_168 = arith.constant 0 : i32
        %dma_wait3A_169 = arith.constant 0 : i32
        %dma_wait3A_170 = tpu.memref_slice %arg2[%arg0, %dma_wait3A_168, %dma_wait3A_169] : memref<2x51200x32xf32, #tpu.memory_space<hbm>> -> memref<1x51200x32xf32, #tpu.memory_space<hbm>>
        %dma_wait3A_171 = tpu.memref_squeeze %dma_wait3A_170 : memref<1x51200x32xf32, #tpu.memory_space<hbm>> -> memref<51200x32xf32, #tpu.memory_space<hbm>>
        %dma_wait3A_172 = arith.constant 0 : i32
        %dma_wait3A_173 = arith.constant 0 : i32
        %dma_wait3A_174 = tpu.memref_slice %dma_wait3A_171[%dma_wait3A_172, %dma_wait3A_173] : memref<51200x32xf32, #tpu.memory_space<hbm>> -> memref<51200x32xf32, #tpu.memory_space<hbm>>
        tpu.wait_indirect_dma semaphore(%arg19 : memref<!tpu.dma_semaphore, #tpu.memory_space<semaphore_mem>>) src(%dma_wait3A_174 : memref<51200x32xf32, #tpu.memory_space<hbm>>) dst(%arg13 : memref<200x32xf32, #tpu.memory_space<vmem>>)
        %dma_wait3A_175 = arith.constant 0 : i32
        %dma_wait3A_176 = tpu.memref_slice %arg4[%dma_wait3A_175] : memref<800000xi32, #tpu.memory_space<hbm>> -> memref<200xi32, #tpu.memory_space<hbm>>
        %dma_wait3A_177 = arith.constant 0 : i32
        %dma_wait3A_178 = tpu.memref_slice %arg4[%dma_wait3A_177] : memref<800000xi32, #tpu.memory_space<hbm>> -> memref<200xi32, #tpu.memory_space<hbm>>
        tpu.wait_dma2 semaphore(%arg16 : memref<!tpu.dma_semaphore, #tpu.memory_space<semaphore_mem>>) src(%dma_wait3A_178 : memref<200xi32, #tpu.memory_space<hbm>>) dst(%arg7 : memref<200xi32, #tpu.memory_space<vmem>>)
        %dma_wait3A_179 = arith.constant 0 : i32
        %dma_wait3A_180 = tpu.memref_slice %arg5[%dma_wait3A_179] : memref<800000xi32, #tpu.memory_space<hbm>> -> memref<200xi32, #tpu.memory_space<hbm>>
        %dma_wait3A_181 = arith.constant 0 : i32
        %dma_wait3A_182 = tpu.memref_slice %arg5[%dma_wait3A_181] : memref<800000xi32, #tpu.memory_space<hbm>> -> memref<200xi32, #tpu.memory_space<hbm>>
        tpu.wait_dma2 semaphore(%arg16 : memref<!tpu.dma_semaphore, #tpu.memory_space<semaphore_mem>>) src(%dma_wait3A_182 : memref<200xi32, #tpu.memory_space<hbm>>) dst(%arg8 : memref<200xi32, #tpu.memory_space<vmem>>)
        %dma_wait3A_183 = arith.constant 0 : i32
        %dma_wait3A_184 = arith.constant 0 : i32
        %dma_wait3A_185 = tpu.memref_slice %arg3[%arg0, %dma_wait3A_183, %dma_wait3A_184] : memref<2x800000x32xf32, #tpu.memory_space<hbm>> -> memref<1x800000x32xf32, #tpu.memory_space<hbm>>
        %dma_wait3A_186 = tpu.memref_squeeze %dma_wait3A_185 : memref<1x800000x32xf32, #tpu.memory_space<hbm>> -> memref<800000x32xf32, #tpu.memory_space<hbm>>
        %dma_wait3A_187 = arith.constant 0 : i32
        %dma_wait3A_188 = arith.constant 0 : i32
        %dma_wait3A_189 = tpu.memref_slice %dma_wait3A_186[%dma_wait3A_187, %dma_wait3A_188] : memref<800000x32xf32, #tpu.memory_space<hbm>> -> memref<200x32xf32, #tpu.memory_space<hbm>>
        %dma_wait3A_190 = arith.constant 0 : i32
        %dma_wait3A_191 = arith.constant 0 : i32
        %dma_wait3A_192 = tpu.memref_slice %arg3[%arg0, %dma_wait3A_190, %dma_wait3A_191] : memref<2x800000x32xf32, #tpu.memory_space<hbm>> -> memref<1x800000x32xf32, #tpu.memory_space<hbm>>
        %dma_wait3A_193 = tpu.memref_squeeze %dma_wait3A_192 : memref<1x800000x32xf32, #tpu.memory_space<hbm>> -> memref<800000x32xf32, #tpu.memory_space<hbm>>
        %dma_wait3A_194 = arith.constant 0 : i32
        %dma_wait3A_195 = arith.constant 0 : i32
        %dma_wait3A_196 = tpu.memref_slice %dma_wait3A_193[%dma_wait3A_194, %dma_wait3A_195] : memref<800000x32xf32, #tpu.memory_space<hbm>> -> memref<200x32xf32, #tpu.memory_space<hbm>>
        tpu.wait_dma2 semaphore(%arg16 : memref<!tpu.dma_semaphore, #tpu.memory_space<semaphore_mem>>) src(%dma_wait3A_196 : memref<200x32xf32, #tpu.memory_space<hbm>>) dst(%arg10 : memref<200x32xf32, #tpu.memory_space<vmem>>)
        %dma_start3A_197 = arith.constant 0 : i32
        %dma_start3A_198 = arith.constant 0 : i32
        %dma_start3A_199 = tpu.memref_slice %arg2[%arg0, %dma_start3A_197, %dma_start3A_198] : memref<2x51200x32xf32, #tpu.memory_space<hbm>> -> memref<1x51200x32xf32, #tpu.memory_space<hbm>>
        %dma_start3A_200 = tpu.memref_squeeze %dma_start3A_199 : memref<1x51200x32xf32, #tpu.memory_space<hbm>> -> memref<51200x32xf32, #tpu.memory_space<hbm>>
        %dma_start3A_201 = arith.constant 0 : i32
        %dma_start3A_202 = arith.constant 0 : i32
        %dma_start3A_203 = tpu.memref_slice %dma_start3A_200[%dma_start3A_201, %dma_start3A_202] : memref<51200x32xf32, #tpu.memory_space<hbm>> -> memref<51200x32xf32, #tpu.memory_space<hbm>>
        tpu.enqueue_indirect_dma source(%dma_start3A_203 : memref<51200x32xf32, #tpu.memory_space<hbm>>) target(%arg9 : memref<200x32xf32, #tpu.memory_space<vmem>>) offsets(%arg7 : memref<200xi32, #tpu.memory_space<vmem>>) semaphore(%arg18 : memref<!tpu.dma_semaphore, #tpu.memory_space<semaphore_mem>>)
        %parallel_loop3A_204 = arith.constant 0 : i32
        %parallel_loop3A_205 = arith.constant 200 : i32
        %parallel_loop3A_206 = arith.constant 1 : i32
        scf.for %parallel_loop3A_207 = %parallel_loop3A_204 to %parallel_loop3A_205 step %parallel_loop3A_206  : i32 {
          %parallel_loop3A_208 = arith.index_cast %parallel_loop3A_207 : i32 to index
          %parallel_loop3A_209 = arith.constant 0 : index
          %parallel_loop3A_210 = tpu.vector_load %arg13[%parallel_loop3A_208, %parallel_loop3A_209] {strides = array<i32>} : memref<200x32xf32, #tpu.memory_space<vmem>>, vector<1x16xf32>,
          %parallel_loop3A_211 = vector.shape_cast %parallel_loop3A_210 : vector<1x16xf32> to vector<16xf32>
          %parallel_loop3A_212 = arith.index_cast %parallel_loop3A_207 : i32 to index
          %parallel_loop3A_213 = arith.constant 0 : index
          %parallel_loop3A_214 = tpu.vector_load %arg14[%parallel_loop3A_212, %parallel_loop3A_213] {strides = array<i32>} : memref<200x32xf32, #tpu.memory_space<vmem>>, vector<1x16xf32>,
          %parallel_loop3A_215 = vector.shape_cast %parallel_loop3A_214 : vector<1x16xf32> to vector<16xf32>
          %parallel_loop3A_216 = arith.mulf %parallel_loop3A_211, %parallel_loop3A_215 : vector<16xf32>
          %parallel_loop3A_217 = arith.index_cast %parallel_loop3A_207 : i32 to index
          %parallel_loop3A_218 = arith.constant 0 : index
          %parallel_loop3A_219 = tpu.vector_load %arg13[%parallel_loop3A_217, %parallel_loop3A_218] {strides = array<i32>} : memref<200x32xf32, #tpu.memory_space<vmem>>, vector<1x16xf32>,
          %parallel_loop3A_220 = vector.shape_cast %parallel_loop3A_219 : vector<1x16xf32> to vector<16xf32>
          %parallel_loop3A_221 = vector.shape_cast %parallel_loop3A_216 : vector<16xf32> to vector<1x16xf32>
          tpu.vector_store %arg13[%parallel_loop3A_217, %parallel_loop3A_218], %parallel_loop3A_221 {strides = array<i32>} : memref<200x32xf32, #tpu.memory_space<vmem>>, vector<1x16xf32>,
          %parallel_loop3A_222 = arith.index_cast %parallel_loop3A_207 : i32 to index
          %parallel_loop3A_223 = arith.constant 16 : index
          %parallel_loop3A_224 = tpu.vector_load %arg13[%parallel_loop3A_222, %parallel_loop3A_223] {strides = array<i32>} : memref<200x32xf32, #tpu.memory_space<vmem>>, vector<1x16xf32>,
          %parallel_loop3A_225 = vector.shape_cast %parallel_loop3A_224 : vector<1x16xf32> to vector<16xf32>
          %parallel_loop3A_226 = arith.index_cast %parallel_loop3A_207 : i32 to index
          %parallel_loop3A_227 = arith.constant 16 : index
          %parallel_loop3A_228 = tpu.vector_load %arg14[%parallel_loop3A_226, %parallel_loop3A_227] {strides = array<i32>} : memref<200x32xf32, #tpu.memory_space<vmem>>, vector<1x16xf32>,
          %parallel_loop3A_229 = vector.shape_cast %parallel_loop3A_228 : vector<1x16xf32> to vector<16xf32>
          %parallel_loop3A_230 = arith.mulf %parallel_loop3A_225, %parallel_loop3A_229 : vector<16xf32>
          %parallel_loop3A_231 = arith.index_cast %parallel_loop3A_207 : i32 to index
          %parallel_loop3A_232 = arith.constant 16 : index
          %parallel_loop3A_233 = tpu.vector_load %arg13[%parallel_loop3A_231, %parallel_loop3A_232] {strides = array<i32>} : memref<200x32xf32, #tpu.memory_space<vmem>>, vector<1x16xf32>,
          %parallel_loop3A_234 = vector.shape_cast %parallel_loop3A_233 : vector<1x16xf32> to vector<16xf32>
          %parallel_loop3A_235 = vector.shape_cast %parallel_loop3A_230 : vector<16xf32> to vector<1x16xf32>
          tpu.vector_store %arg13[%parallel_loop3A_231, %parallel_loop3A_232], %parallel_loop3A_235 {strides = array<i32>} : memref<200x32xf32, #tpu.memory_space<vmem>>, vector<1x16xf32>,
        } {sc.loop_unroll_factor = 4 : i64, sc.parallel_access}
        "tpu.region"() ({
          %run_scoped3A = tpu.sem_alloc : memref<!tpu.dma_semaphore, #tpu.memory_space<semaphore_mem>>
          %dma_start3A_207 = arith.constant 0 : i32
          %dma_start3A_208 = arith.constant 0 : i32
          %dma_start3A_209 = tpu.memref_slice %arg15[%dma_start3A_207, %dma_start3A_208] : memref<51200x32xf32, #tpu.memory_space<vmem_shared>> -> memref<51200x32xf32, #tpu.memory_space<vmem_shared>>
          tpu.enqueue_indirect_dma source(%arg13 : memref<200x32xf32, #tpu.memory_space<vmem>>) target(%dma_start3A_209 : memref<51200x32xf32, #tpu.memory_space<vmem_shared>>) offsets(%arg12 : memref<200xi32, #tpu.memory_space<vmem>>) semaphore(%run_scoped3A : memref<!tpu.dma_semaphore, #tpu.memory_space<semaphore_mem>>) {add = true}
          %dma_wait3A_210 = arith.constant 0 : i32
          %dma_wait3A_211 = arith.constant 0 : i32
          %dma_wait3A_212 = tpu.memref_slice %arg15[%dma_wait3A_210, %dma_wait3A_211] : memref<51200x32xf32, #tpu.memory_space<vmem_shared>> -> memref<51200x32xf32, #tpu.memory_space<vmem_shared>>
          tpu.wait_indirect_dma semaphore(%run_scoped3A : memref<!tpu.dma_semaphore, #tpu.memory_space<semaphore_mem>>) src(%arg13 : memref<200x32xf32, #tpu.memory_space<vmem>>) dst(%dma_wait3A_212 : memref<51200x32xf32, #tpu.memory_space<vmem_shared>>)
          tpu.yield
        }) : () -> ()
      } else {
      }
      %eq3A = arith.constant 124 : i32
      %eq3A_137 = arith.cmpi eq, %scan3A_71, %eq3A : i32
      %convert_element_type3A_138 = arith.extui %eq3A_137 : i1 to i32
      %cond3A_139 = arith.constant 0 : i32
      %cond3A_140 = arith.cmpi ne, %convert_element_type3A_138, %cond3A_139 : i32
      scf.if %cond3A_140 {
        %dma_wait3A_141 = arith.constant 0 : i32
        %dma_wait3A_142 = arith.constant 0 : i32
        %dma_wait3A_143 = tpu.memref_slice %arg2[%arg0, %dma_wait3A_141, %dma_wait3A_142] : memref<2x51200x32xf32, #tpu.memory_space<hbm>> -> memref<1x51200x32xf32, #tpu.memory_space<hbm>>
        %dma_wait3A_144 = tpu.memref_squeeze %dma_wait3A_143 : memref<1x51200x32xf32, #tpu.memory_space<hbm>> -> memref<51200x32xf32, #tpu.memory_space<hbm>>
        %dma_wait3A_145 = arith.constant 0 : i32
        %dma_wait3A_146 = arith.constant 0 : i32
        %dma_wait3A_147 = tpu.memref_slice %dma_wait3A_144[%dma_wait3A_145, %dma_wait3A_146] : memref<51200x32xf32, #tpu.memory_space<hbm>> -> memref<51200x32xf32, #tpu.memory_space<hbm>>
        tpu.wait_indirect_dma semaphore(%arg19 : memref<!tpu.dma_semaphore, #tpu.memory_space<semaphore_mem>>) src(%dma_wait3A_147 : memref<51200x32xf32, #tpu.memory_space<hbm>>) dst(%arg13 : memref<200x32xf32, #tpu.memory_space<vmem>>)
        %parallel_loop3A_148 = arith.constant 0 : i32
        %parallel_loop3A_149 = arith.constant 200 : i32
        %parallel_loop3A_150 = arith.constant 1 : i32
        scf.for %parallel_loop3A_151 = %parallel_loop3A_148 to %parallel_loop3A_149 step %parallel_loop3A_150  : i32 {
          %parallel_loop3A_152 = arith.index_cast %parallel_loop3A_151 : i32 to index
          %parallel_loop3A_153 = arith.constant 0 : index
          %parallel_loop3A_154 = tpu.vector_load %arg13[%parallel_loop3A_152, %parallel_loop3A_153] {strides = array<i32>} : memref<200x32xf32, #tpu.memory_space<vmem>>, vector<1x16xf32>,
          %parallel_loop3A_155 = vector.shape_cast %parallel_loop3A_154 : vector<1x16xf32> to vector<16xf32>
          %parallel_loop3A_156 = arith.index_cast %parallel_loop3A_151 : i32 to index
          %parallel_loop3A_157 = arith.constant 0 : index
          %parallel_loop3A_158 = tpu.vector_load %arg14[%parallel_loop3A_156, %parallel_loop3A_157] {strides = array<i32>} : memref<200x32xf32, #tpu.memory_space<vmem>>, vector<1x16xf32>,
          %parallel_loop3A_159 = vector.shape_cast %parallel_loop3A_158 : vector<1x16xf32> to vector<16xf32>
          %parallel_loop3A_160 = arith.mulf %parallel_loop3A_155, %parallel_loop3A_159 : vector<16xf32>
          %parallel_loop3A_161 = arith.index_cast %parallel_loop3A_151 : i32 to index
          %parallel_loop3A_162 = arith.constant 0 : index
          %parallel_loop3A_163 = tpu.vector_load %arg13[%parallel_loop3A_161, %parallel_loop3A_162] {strides = array<i32>} : memref<200x32xf32, #tpu.memory_space<vmem>>, vector<1x16xf32>,
          %parallel_loop3A_164 = vector.shape_cast %parallel_loop3A_163 : vector<1x16xf32> to vector<16xf32>
          %parallel_loop3A_165 = vector.shape_cast %parallel_loop3A_160 : vector<16xf32> to vector<1x16xf32>
          tpu.vector_store %arg13[%parallel_loop3A_161, %parallel_loop3A_162], %parallel_loop3A_165 {strides = array<i32>} : memref<200x32xf32, #tpu.memory_space<vmem>>, vector<1x16xf32>,
          %parallel_loop3A_166 = arith.index_cast %parallel_loop3A_151 : i32 to index
          %parallel_loop3A_167 = arith.constant 16 : index
          %parallel_loop3A_168 = tpu.vector_load %arg13[%parallel_loop3A_166, %parallel_loop3A_167] {strides = array<i32>} : memref<200x32xf32, #tpu.memory_space<vmem>>, vector<1x16xf32>,
          %parallel_loop3A_169 = vector.shape_cast %parallel_loop3A_168 : vector<1x16xf32> to vector<16xf32>
          %parallel_loop3A_170 = arith.index_cast %parallel_loop3A_151 : i32 to index
          %parallel_loop3A_171 = arith.constant 16 : index
          %parallel_loop3A_172 = tpu.vector_load %arg14[%parallel_loop3A_170, %parallel_loop3A_171] {strides = array<i32>} : memref<200x32xf32, #tpu.memory_space<vmem>>, vector<1x16xf32>,
          %parallel_loop3A_173 = vector.shape_cast %parallel_loop3A_172 : vector<1x16xf32> to vector<16xf32>
          %parallel_loop3A_174 = arith.mulf %parallel_loop3A_169, %parallel_loop3A_173 : vector<16xf32>
          %parallel_loop3A_175 = arith.index_cast %parallel_loop3A_151 : i32 to index
          %parallel_loop3A_176 = arith.constant 16 : index
          %parallel_loop3A_177 = tpu.vector_load %arg13[%parallel_loop3A_175, %parallel_loop3A_176] {strides = array<i32>} : memref<200x32xf32, #tpu.memory_space<vmem>>, vector<1x16xf32>,
          %parallel_loop3A_178 = vector.shape_cast %parallel_loop3A_177 : vector<1x16xf32> to vector<16xf32>
          %parallel_loop3A_179 = vector.shape_cast %parallel_loop3A_174 : vector<16xf32> to vector<1x16xf32>
          tpu.vector_store %arg13[%parallel_loop3A_175, %parallel_loop3A_176], %parallel_loop3A_179 {strides = array<i32>} : memref<200x32xf32, #tpu.memory_space<vmem>>, vector<1x16xf32>,
        } {sc.loop_unroll_factor = 4 : i64, sc.parallel_access}
        "tpu.region"() ({
          %run_scoped3A = tpu.sem_alloc : memref<!tpu.dma_semaphore, #tpu.memory_space<semaphore_mem>>
          %dma_start3A_151 = arith.constant 0 : i32
          %dma_start3A_152 = arith.constant 0 : i32
          %dma_start3A_153 = tpu.memref_slice %arg15[%dma_start3A_151, %dma_start3A_152] : memref<51200x32xf32, #tpu.memory_space<vmem_shared>> -> memref<51200x32xf32, #tpu.memory_space<vmem_shared>>
          tpu.enqueue_indirect_dma source(%arg13 : memref<200x32xf32, #tpu.memory_space<vmem>>) target(%dma_start3A_153 : memref<51200x32xf32, #tpu.memory_space<vmem_shared>>) offsets(%arg12 : memref<200xi32, #tpu.memory_space<vmem>>) semaphore(%run_scoped3A : memref<!tpu.dma_semaphore, #tpu.memory_space<semaphore_mem>>) {add = true}
          %dma_wait3A_154 = arith.constant 0 : i32
          %dma_wait3A_155 = arith.constant 0 : i32
          %dma_wait3A_156 = tpu.memref_slice %arg15[%dma_wait3A_154, %dma_wait3A_155] : memref<51200x32xf32, #tpu.memory_space<vmem_shared>> -> memref<51200x32xf32, #tpu.memory_space<vmem_shared>>
          tpu.wait_indirect_dma semaphore(%run_scoped3A : memref<!tpu.dma_semaphore, #tpu.memory_space<semaphore_mem>>) src(%arg13 : memref<200x32xf32, #tpu.memory_space<vmem>>) dst(%dma_wait3A_156 : memref<51200x32xf32, #tpu.memory_space<vmem_shared>>)
          tpu.yield
        }) : () -> ()
      } else {
      }
    }
    %scan3A_63 = arith.constant 125 : i32
    %barrier3A_64 = arith.constant 0 : index
    tpu.barrier barrier_id(%barrier3A_64)
    %scan3A_65 = arith.constant 0 : i32
    %scan3A_66 = arith.constant 0 : i32
    %scan3A_67 = arith.constant 16 : i32
    %scan3A_68 = arith.addi %scan3A_66, %scan3A_67 : i32
    %scan3A_69 = arith.constant 1 : i32
    scf.for %scan3A_71 = %scan3A_66 to %scan3A_68 step %scan3A_69  : i32 {
      %mul3A_72 = arith.constant 200 : i32
      %mul3A_73 = arith.muli %scan3A_71, %mul3A_72 : i32
      %add3A_74 = arith.addi %mul3A_2, %mul3A_73 : i32
      "tpu.region"() ({
        %run_scoped3A = tpu.sem_alloc : memref<!tpu.dma_semaphore, #tpu.memory_space<semaphore_mem>>
        %dma_start3A_75 = arith.constant 0 : i32
        %dma_start3A_76 = arith.constant 0 : i32
        %dma_start3A_77 = tpu.memref_slice %arg6[%arg0, %dma_start3A_75, %dma_start3A_76] : memref<2x51200x32xf32, #tpu.memory_space<hbm>> -> memref<1x51200x32xf32, #tpu.memory_space<hbm>>
        %dma_start3A_78 = tpu.memref_squeeze %dma_start3A_77 : memref<1x51200x32xf32, #tpu.memory_space<hbm>> -> memref<51200x32xf32, #tpu.memory_space<hbm>>
        %dma_start3A_79 = arith.constant 0 : i32
        %dma_start3A_80 = tpu.memref_slice %dma_start3A_78[%add3A_74, %dma_start3A_79] : memref<51200x32xf32, #tpu.memory_space<hbm>> -> memref<200x32xf32, #tpu.memory_space<hbm>>
        %dma_start3A_81 = arith.constant 0 : i32
        %dma_start3A_82 = tpu.memref_slice %arg15[%add3A_74, %dma_start3A_81] : memref<51200x32xf32, #tpu.memory_space<vmem_shared>> -> memref<200x32xf32, #tpu.memory_space<vmem_shared>>
        tpu.enqueue_dma source(%dma_start3A_82 : memref<200x32xf32, #tpu.memory_space<vmem_shared>>) target(%dma_start3A_80 : memref<200x32xf32, #tpu.memory_space<hbm>>) target_semaphore(%run_scoped3A : memref<!tpu.dma_semaphore, #tpu.memory_space<semaphore_mem>>)
        %dma_wait3A_83 = arith.constant 0 : i32
        %dma_wait3A_84 = arith.constant 0 : i32
        %dma_wait3A_85 = tpu.memref_slice %arg6[%arg0, %dma_wait3A_83, %dma_wait3A_84] : memref<2x51200x32xf32, #tpu.memory_space<hbm>> -> memref<1x51200x32xf32, #tpu.memory_space<hbm>>
        %dma_wait3A_86 = tpu.memref_squeeze %dma_wait3A_85 : memref<1x51200x32xf32, #tpu.memory_space<hbm>> -> memref<51200x32xf32, #tpu.memory_space<hbm>>
        %dma_wait3A_87 = arith.constant 0 : i32
        %dma_wait3A_88 = tpu.memref_slice %dma_wait3A_86[%add3A_74, %dma_wait3A_87] : memref<51200x32xf32, #tpu.memory_space<hbm>> -> memref<200x32xf32, #tpu.memory_space<hbm>>
        %dma_wait3A_89 = arith.constant 0 : i32
        %dma_wait3A_90 = tpu.memref_slice %arg15[%add3A_74, %dma_wait3A_89] : memref<51200x32xf32, #tpu.memory_space<vmem_shared>> -> memref<200x32xf32, #tpu.memory_space<vmem_shared>>
        tpu.wait_dma2 semaphore(%run_scoped3A : memref<!tpu.dma_semaphore, #tpu.memory_space<semaphore_mem>>) src(%dma_wait3A_90 : memref<200x32xf32, #tpu.memory_space<vmem_shared>>) dst(%dma_wait3A_88 : memref<200x32xf32, #tpu.memory_space<hbm>>)
        tpu.yield
      }) : () -> ()
    }
    %scan3A_70 = arith.constant 16 : i32
    return
  }
}

module attributes {stable_mosaic.version = 14 : i64} {
  func.func @_node_body(%arg0: i32, %arg1: memref<512x64xf32, #tpu.memory_space<vmem>>, %arg2: memref<512x8xf32, #tpu.memory_space<vmem>>, %arg3: memref<2x64x32xf32, #tpu.memory_space<vmem>>, %arg4: memref<64x64xf32, #tpu.memory_space<vmem>>, %arg5: memref<8x64xf32, #tpu.memory_space<vmem>>, %arg6: memref<2x512x32xf32, #tpu.memory_space<vmem>>, %arg7: memref<512x64xf32, #tpu.memory_space<vmem>>) attributes {dimension_semantics = [#tpu.dimension_semantics<arbitrary>], iteration_bounds = array<i64: 100>, scalar_prefetch = 0 : i64, scratch_operands = 0 : i64, tpu.core_type = #tpu.core_type<tc>, window_params = [{transform_indices = @transform_0, window_bounds = array<i64: 512, 64>}, {transform_indices = @transform_1, window_bounds = array<i64: 512, 8>}, {pipeline_mode = #tpu.pipeline_mode<synchronous>, transform_indices = @transform_2, window_bounds = array<i64: 2, 64, 32>}, {pipeline_mode = #tpu.pipeline_mode<synchronous>, transform_indices = @transform_3, window_bounds = array<i64: 64, 64>}, {pipeline_mode = #tpu.pipeline_mode<synchronous>, transform_indices = @transform_4, window_bounds = array<i64: 8, 64>}, {transform_indices = @transform_5, window_bounds = array<i64: 2, 512, 32>}, {transform_indices = @transform_6, window_bounds = array<i64: 512, 64>}]} {
    %get3A = arith.constant 0 : index
    %get3A_0 = arith.constant 0 : index
    %get3A_1 = vector.load %arg1[%get3A, %get3A_0] : memref<512x64xf32, #tpu.memory_space<vmem>>, vector<512x64xf32>
    %get3A_2 = arith.constant 0 : index
    %get3A_3 = arith.constant 0 : index
    %get3A_4 = arith.constant 0 : index
    %get3A_5 = vector.load %arg3[%get3A_2, %get3A_3, %get3A_4] : memref<2x64x32xf32, #tpu.memory_space<vmem>>, vector<1x64x32xf32>
    %get3A_6 = vector.shape_cast %get3A_5 : vector<1x64x32xf32> to vector<64x32xf32>
    %dot_general3A = arith.constant dense<0.000000e+00> : vector<512x32xf32>
    %dot_general3A_7 = tpu.matmul %get3A_1, %get3A_6, %dot_general3A {dimension_numbers = #tpu.dot_dimension_numbers<[1], [0], [0], [1], [0, 0, 1, 1], [], []>, transpose_lhs_hint = false} : vector<512x64xf32>, vector<64x32xf32>, vector<512x32xf32> -> vector<512x32xf32>
    %swap3A = arith.constant 0 : index
    %swap3A_8 = arith.constant 0 : index
    %swap3A_9 = arith.constant 0 : index
    %swap3A_10 = vector.load %arg6[%swap3A, %swap3A_8, %swap3A_9] : memref<2x512x32xf32, #tpu.memory_space<vmem>>, vector<1x512x32xf32>
    %swap3A_11 = vector.shape_cast %swap3A_10 : vector<1x512x32xf32> to vector<512x32xf32>
    %swap3A_12 = vector.shape_cast %dot_general3A_7 : vector<512x32xf32> to vector<1x512x32xf32>
    tpu.vector_store %arg6[%swap3A, %swap3A_8, %swap3A_9], %swap3A_12 {strides = array<i32>} : memref<2x512x32xf32, #tpu.memory_space<vmem>>, vector<1x512x32xf32>,
    %get3A_13 = arith.constant 1 : index
    %get3A_14 = arith.constant 0 : index
    %get3A_15 = arith.constant 0 : index
    %get3A_16 = vector.load %arg3[%get3A_13, %get3A_14, %get3A_15] : memref<2x64x32xf32, #tpu.memory_space<vmem>>, vector<1x64x32xf32>
    %get3A_17 = vector.shape_cast %get3A_16 : vector<1x64x32xf32> to vector<64x32xf32>
    %dot_general3A_18 = arith.constant dense<0.000000e+00> : vector<512x32xf32>
    %dot_general3A_19 = tpu.matmul %get3A_1, %get3A_17, %dot_general3A_18 {dimension_numbers = #tpu.dot_dimension_numbers<[1], [0], [0], [1], [0, 0, 1, 1], [], []>, transpose_lhs_hint = false} : vector<512x64xf32>, vector<64x32xf32>, vector<512x32xf32> -> vector<512x32xf32>
    %swap3A_20 = arith.constant 1 : index
    %swap3A_21 = arith.constant 0 : index
    %swap3A_22 = arith.constant 0 : index
    %swap3A_23 = vector.load %arg6[%swap3A_20, %swap3A_21, %swap3A_22] : memref<2x512x32xf32, #tpu.memory_space<vmem>>, vector<1x512x32xf32>
    %swap3A_24 = vector.shape_cast %swap3A_23 : vector<1x512x32xf32> to vector<512x32xf32>
    %swap3A_25 = vector.shape_cast %dot_general3A_19 : vector<512x32xf32> to vector<1x512x32xf32>
    tpu.vector_store %arg6[%swap3A_20, %swap3A_21, %swap3A_22], %swap3A_25 {strides = array<i32>} : memref<2x512x32xf32, #tpu.memory_space<vmem>>, vector<1x512x32xf32>,
    %get3A_26 = arith.constant 0 : index
    %get3A_27 = arith.constant 0 : index
    %get3A_28 = vector.load %arg4[%get3A_26, %get3A_27] : memref<64x64xf32, #tpu.memory_space<vmem>>, vector<64x64xf32>
    %dot_general3A_29 = arith.constant dense<0.000000e+00> : vector<512x64xf32>
    %dot_general3A_30 = tpu.matmul %get3A_1, %get3A_28, %dot_general3A_29 {dimension_numbers = #tpu.dot_dimension_numbers<[1], [0], [0], [1], [0, 0, 1, 1], [], []>, transpose_lhs_hint = false} : vector<512x64xf32>, vector<64x64xf32>, vector<512x64xf32> -> vector<512x64xf32>
    %get3A_31 = arith.constant 0 : index
    %get3A_32 = arith.constant 0 : index
    %get3A_33 = vector.load %arg2[%get3A_31, %get3A_32] : memref<512x8xf32, #tpu.memory_space<vmem>>, vector<512x8xf32>
    %get3A_34 = arith.constant 0 : index
    %get3A_35 = arith.constant 0 : index
    %get3A_36 = vector.load %arg5[%get3A_34, %get3A_35] : memref<8x64xf32, #tpu.memory_space<vmem>>, vector<8x64xf32>
    %dot_general3A_37 = arith.constant dense<0.000000e+00> : vector<512x64xf32>
    %dot_general3A_38 = tpu.matmul %get3A_33, %get3A_36, %dot_general3A_37 {dimension_numbers = #tpu.dot_dimension_numbers<[1], [0], [0], [1], [0, 0, 1, 1], [], []>, transpose_lhs_hint = false} : vector<512x8xf32>, vector<8x64xf32>, vector<512x64xf32> -> vector<512x64xf32>
    %add3A = arith.addf %dot_general3A_30, %dot_general3A_38 : vector<512x64xf32>
    %swap3A_39 = arith.constant 0 : index
    %swap3A_40 = arith.constant 0 : index
    %swap3A_41 = vector.load %arg7[%swap3A_39, %swap3A_40] : memref<512x64xf32, #tpu.memory_space<vmem>>, vector<512x64xf32>
    tpu.vector_store %arg7[%swap3A_39, %swap3A_40], %add3A {strides = array<i32>} : memref<512x64xf32, #tpu.memory_space<vmem>>, vector<512x64xf32>,
    return
  }
  func.func @transform_0(%arg0: i32) -> (i32, i32) {
    %c0_i32 = arith.constant 0 : i32
    %c0_i32_0 = arith.constant 0 : i32
    return %arg0, %c0_i32 : i32, i32
  }
  func.func @transform_1(%arg0: i32) -> (i32, i32) {
    %c0_i32 = arith.constant 0 : i32
    %c0_i32_0 = arith.constant 0 : i32
    return %arg0, %c0_i32 : i32, i32
  }
  func.func @transform_2(%arg0: i32) -> (i32, i32, i32) {
    %c0_i32 = arith.constant 0 : i32
    %c0_i32_0 = arith.constant 0 : i32
    %c0_i32_1 = arith.constant 0 : i32
    %c0_i32_2 = arith.constant 0 : i32
    return %c0_i32, %c0_i32_0, %c0_i32_1 : i32, i32, i32
  }
  func.func @transform_3(%arg0: i32) -> (i32, i32) {
    %c0_i32 = arith.constant 0 : i32
    %c0_i32_0 = arith.constant 0 : i32
    %c0_i32_1 = arith.constant 0 : i32
    return %c0_i32, %c0_i32_0 : i32, i32
  }
  func.func @transform_4(%arg0: i32) -> (i32, i32) {
    %c0_i32 = arith.constant 0 : i32
    %c0_i32_0 = arith.constant 0 : i32
    %c0_i32_1 = arith.constant 0 : i32
    return %c0_i32, %c0_i32_0 : i32, i32
  }
  func.func @transform_5(%arg0: i32) -> (i32, i32, i32) {
    %c0_i32 = arith.constant 0 : i32
    %c0_i32_0 = arith.constant 0 : i32
    %c0_i32_1 = arith.constant 0 : i32
    return %c0_i32, %arg0, %c0_i32_0 : i32, i32, i32
  }
  func.func @transform_6(%arg0: i32) -> (i32, i32) {
    %c0_i32 = arith.constant 0 : i32
    %c0_i32_0 = arith.constant 0 : i32
    return %arg0, %c0_i32 : i32, i32
  }
}

module attributes {stable_mosaic.version = 14 : i64} {
  func.func @_edge_body(%arg0: i32, %arg1: memref<2000x10xf32, #tpu.memory_space<vmem>>, %arg2: memref<2000x9xf32, #tpu.memory_space<vmem>>, %arg3: memref<10x8xf32, #tpu.memory_space<vmem>>, %arg4: memref<2x8x32xf32, #tpu.memory_space<vmem>>, %arg5: memref<2x9x32xf32, #tpu.memory_space<vmem>>, %arg6: memref<2x2000x32xf32, #tpu.memory_space<vmem>>) attributes {dimension_semantics = [#tpu.dimension_semantics<arbitrary>], iteration_bounds = array<i64: 400>, scalar_prefetch = 0 : i64, scratch_operands = 0 : i64, tpu.core_type = #tpu.core_type<tc>, window_params = [{transform_indices = @transform_0, window_bounds = array<i64: 2000, 10>}, {transform_indices = @transform_1, window_bounds = array<i64: 2000, 9>}, {pipeline_mode = #tpu.pipeline_mode<synchronous>, transform_indices = @transform_2, window_bounds = array<i64: 10, 8>}, {pipeline_mode = #tpu.pipeline_mode<synchronous>, transform_indices = @transform_3, window_bounds = array<i64: 2, 8, 32>}, {pipeline_mode = #tpu.pipeline_mode<synchronous>, transform_indices = @transform_4, window_bounds = array<i64: 2, 9, 32>}, {transform_indices = @transform_5, window_bounds = array<i64: 2, 2000, 32>}]} {
    %get3A = arith.constant 0 : index
    %get3A_0 = arith.constant 0 : index
    %get3A_1 = vector.load %arg1[%get3A, %get3A_0] : memref<2000x10xf32, #tpu.memory_space<vmem>>, vector<2000x10xf32>
    %get3A_2 = arith.constant 0 : index
    %get3A_3 = arith.constant 0 : index
    %get3A_4 = vector.load %arg3[%get3A_2, %get3A_3] : memref<10x8xf32, #tpu.memory_space<vmem>>, vector<10x8xf32>
    %dot_general3A = arith.constant dense<0.000000e+00> : vector<2000x8xf32>
    %dot_general3A_5 = tpu.matmul %get3A_1, %get3A_4, %dot_general3A {dimension_numbers = #tpu.dot_dimension_numbers<[1], [0], [0], [1], [0, 0, 1, 1], [], []>, transpose_lhs_hint = false} : vector<2000x10xf32>, vector<10x8xf32>, vector<2000x8xf32> -> vector<2000x8xf32>
    %max3A = arith.constant 0.000000e+00 : f32
    %max3A_6 = vector.broadcast %max3A : f32 to vector<2000x8xf32>
    %max3A_7 = arith.maximumf %dot_general3A_5, %max3A_6 : vector<2000x8xf32>
    %get3A_8 = arith.constant 0 : index
    %get3A_9 = arith.constant 0 : index
    %get3A_10 = arith.constant 0 : index
    %get3A_11 = vector.load %arg4[%get3A_8, %get3A_9, %get3A_10] : memref<2x8x32xf32, #tpu.memory_space<vmem>>, vector<1x8x32xf32>
    %get3A_12 = vector.shape_cast %get3A_11 : vector<1x8x32xf32> to vector<8x32xf32>
    %dot_general3A_13 = arith.constant dense<0.000000e+00> : vector<2000x32xf32>
    %dot_general3A_14 = tpu.matmul %max3A_7, %get3A_12, %dot_general3A_13 {dimension_numbers = #tpu.dot_dimension_numbers<[1], [0], [0], [1], [0, 0, 1, 1], [], []>, transpose_lhs_hint = false} : vector<2000x8xf32>, vector<8x32xf32>, vector<2000x32xf32> -> vector<2000x32xf32>
    %get3A_15 = arith.constant 0 : index
    %get3A_16 = arith.constant 0 : index
    %get3A_17 = vector.load %arg2[%get3A_15, %get3A_16] : memref<2000x9xf32, #tpu.memory_space<vmem>>, vector<2000x9xf32>
    %get3A_18 = arith.constant 0 : index
    %get3A_19 = arith.constant 0 : index
    %get3A_20 = arith.constant 0 : index
    %get3A_21 = vector.load %arg5[%get3A_18, %get3A_19, %get3A_20] : memref<2x9x32xf32, #tpu.memory_space<vmem>>, vector<1x9x32xf32>
    %get3A_22 = vector.shape_cast %get3A_21 : vector<1x9x32xf32> to vector<9x32xf32>
    %dot_general3A_23 = arith.constant dense<0.000000e+00> : vector<2000x32xf32>
    %dot_general3A_24 = tpu.matmul %get3A_17, %get3A_22, %dot_general3A_23 {dimension_numbers = #tpu.dot_dimension_numbers<[1], [0], [0], [1], [0, 0, 1, 1], [], []>, transpose_lhs_hint = false} : vector<2000x9xf32>, vector<9x32xf32>, vector<2000x32xf32> -> vector<2000x32xf32>
    %mul3A = arith.mulf %dot_general3A_14, %dot_general3A_24 : vector<2000x32xf32>
    %swap3A = arith.constant 0 : index
    %swap3A_25 = arith.constant 0 : index
    %swap3A_26 = arith.constant 0 : index
    %swap3A_27 = vector.load %arg6[%swap3A, %swap3A_25, %swap3A_26] : memref<2x2000x32xf32, #tpu.memory_space<vmem>>, vector<1x2000x32xf32>
    %swap3A_28 = vector.shape_cast %swap3A_27 : vector<1x2000x32xf32> to vector<2000x32xf32>
    %swap3A_29 = vector.shape_cast %mul3A : vector<2000x32xf32> to vector<1x2000x32xf32>
    tpu.vector_store %arg6[%swap3A, %swap3A_25, %swap3A_26], %swap3A_29 {strides = array<i32>} : memref<2x2000x32xf32, #tpu.memory_space<vmem>>, vector<1x2000x32xf32>,
    %get3A_30 = arith.constant 1 : index
    %get3A_31 = arith.constant 0 : index
    %get3A_32 = arith.constant 0 : index
    %get3A_33 = vector.load %arg4[%get3A_30, %get3A_31, %get3A_32] : memref<2x8x32xf32, #tpu.memory_space<vmem>>, vector<1x8x32xf32>
    %get3A_34 = vector.shape_cast %get3A_33 : vector<1x8x32xf32> to vector<8x32xf32>
    %dot_general3A_35 = arith.constant dense<0.000000e+00> : vector<2000x32xf32>
    %dot_general3A_36 = tpu.matmul %max3A_7, %get3A_34, %dot_general3A_35 {dimension_numbers = #tpu.dot_dimension_numbers<[1], [0], [0], [1], [0, 0, 1, 1], [], []>, transpose_lhs_hint = false} : vector<2000x8xf32>, vector<8x32xf32>, vector<2000x32xf32> -> vector<2000x32xf32>
    %get3A_37 = arith.constant 0 : index
    %get3A_38 = arith.constant 0 : index
    %get3A_39 = vector.load %arg2[%get3A_37, %get3A_38] : memref<2000x9xf32, #tpu.memory_space<vmem>>, vector<2000x9xf32>
    %get3A_40 = arith.constant 1 : index
    %get3A_41 = arith.constant 0 : index
    %get3A_42 = arith.constant 0 : index
    %get3A_43 = vector.load %arg5[%get3A_40, %get3A_41, %get3A_42] : memref<2x9x32xf32, #tpu.memory_space<vmem>>, vector<1x9x32xf32>
    %get3A_44 = vector.shape_cast %get3A_43 : vector<1x9x32xf32> to vector<9x32xf32>
    %dot_general3A_45 = arith.constant dense<0.000000e+00> : vector<2000x32xf32>
    %dot_general3A_46 = tpu.matmul %get3A_39, %get3A_44, %dot_general3A_45 {dimension_numbers = #tpu.dot_dimension_numbers<[1], [0], [0], [1], [0, 0, 1, 1], [], []>, transpose_lhs_hint = false} : vector<2000x9xf32>, vector<9x32xf32>, vector<2000x32xf32> -> vector<2000x32xf32>
    %mul3A_47 = arith.mulf %dot_general3A_36, %dot_general3A_46 : vector<2000x32xf32>
    %swap3A_48 = arith.constant 1 : index
    %swap3A_49 = arith.constant 0 : index
    %swap3A_50 = arith.constant 0 : index
    %swap3A_51 = vector.load %arg6[%swap3A_48, %swap3A_49, %swap3A_50] : memref<2x2000x32xf32, #tpu.memory_space<vmem>>, vector<1x2000x32xf32>
    %swap3A_52 = vector.shape_cast %swap3A_51 : vector<1x2000x32xf32> to vector<2000x32xf32>
    %swap3A_53 = vector.shape_cast %mul3A_47 : vector<2000x32xf32> to vector<1x2000x32xf32>
    tpu.vector_store %arg6[%swap3A_48, %swap3A_49, %swap3A_50], %swap3A_53 {strides = array<i32>} : memref<2x2000x32xf32, #tpu.memory_space<vmem>>, vector<1x2000x32xf32>,
    return
  }
  func.func @transform_0(%arg0: i32) -> (i32, i32) {
    %c0_i32 = arith.constant 0 : i32
    %c0_i32_0 = arith.constant 0 : i32
    return %arg0, %c0_i32 : i32, i32
  }
  func.func @transform_1(%arg0: i32) -> (i32, i32) {
    %c0_i32 = arith.constant 0 : i32
    %c0_i32_0 = arith.constant 0 : i32
    return %arg0, %c0_i32 : i32, i32
  }
  func.func @transform_2(%arg0: i32) -> (i32, i32) {
    %c0_i32 = arith.constant 0 : i32
    %c0_i32_0 = arith.constant 0 : i32
    %c0_i32_1 = arith.constant 0 : i32
    return %c0_i32, %c0_i32_0 : i32, i32
  }
  func.func @transform_3(%arg0: i32) -> (i32, i32, i32) {
    %c0_i32 = arith.constant 0 : i32
    %c0_i32_0 = arith.constant 0 : i32
    %c0_i32_1 = arith.constant 0 : i32
    %c0_i32_2 = arith.constant 0 : i32
    return %c0_i32, %c0_i32_0, %c0_i32_1 : i32, i32, i32
  }
  func.func @transform_4(%arg0: i32) -> (i32, i32, i32) {
    %c0_i32 = arith.constant 0 : i32
    %c0_i32_0 = arith.constant 0 : i32
    %c0_i32_1 = arith.constant 0 : i32
    %c0_i32_2 = arith.constant 0 : i32
    return %c0_i32, %c0_i32_0, %c0_i32_1 : i32, i32, i32
  }
  func.func @transform_5(%arg0: i32) -> (i32, i32, i32) {
    %c0_i32 = arith.constant 0 : i32
    %c0_i32_0 = arith.constant 0 : i32
    %c0_i32_1 = arith.constant 0 : i32
    return %c0_i32, %arg0, %c0_i32_0 : i32, i32, i32
  }
}

module attributes {stable_mosaic.version = 14 : i64} {
  func.func @_combine_body(%arg0: i32, %arg1: memref<512x64xf32, #tpu.memory_space<vmem>>, %arg2: memref<2x512x32xf32, #tpu.memory_space<vmem>>, %arg3: memref<512x64xf32, #tpu.memory_space<vmem>>) attributes {dimension_semantics = [#tpu.dimension_semantics<arbitrary>], iteration_bounds = array<i64: 100>, scalar_prefetch = 0 : i64, scratch_operands = 0 : i64, tpu.core_type = #tpu.core_type<tc>, window_params = [{transform_indices = @transform_0, window_bounds = array<i64: 512, 64>}, {transform_indices = @transform_1, window_bounds = array<i64: 2, 512, 32>}, {transform_indices = @transform_2, window_bounds = array<i64: 512, 64>}]} {
    %get3A = arith.constant 0 : index
    %get3A_0 = arith.constant 0 : index
    %get3A_1 = arith.constant 0 : index
    %get3A_2 = vector.load %arg2[%get3A, %get3A_0, %get3A_1] : memref<2x512x32xf32, #tpu.memory_space<vmem>>, vector<1x512x32xf32>
    %get3A_3 = vector.shape_cast %get3A_2 : vector<1x512x32xf32> to vector<512x32xf32>
    %get3A_4 = arith.constant 1 : index
    %get3A_5 = arith.constant 0 : index
    %get3A_6 = arith.constant 0 : index
    %get3A_7 = vector.load %arg2[%get3A_4, %get3A_5, %get3A_6] : memref<2x512x32xf32, #tpu.memory_space<vmem>>, vector<1x512x32xf32>
    %get3A_8 = vector.shape_cast %get3A_7 : vector<1x512x32xf32> to vector<512x32xf32>
    %concatenate3A = tpu.concatenate %get3A_3, %get3A_8 in 1 : vector<512x32xf32>, vector<512x32xf32> -> vector<512x64xf32>
    %get3A_9 = arith.constant 0 : index
    %get3A_10 = arith.constant 0 : index
    %get3A_11 = vector.load %arg1[%get3A_9, %get3A_10] : memref<512x64xf32, #tpu.memory_space<vmem>>, vector<512x64xf32>
    %mul3A = arith.constant 2.500000e-01 : f32
    %mul3A_12 = vector.broadcast %mul3A : f32 to vector<512x64xf32>
    %mul3A_13 = arith.mulf %concatenate3A, %mul3A_12 : vector<512x64xf32>
    %add3A = arith.addf %get3A_11, %mul3A_13 : vector<512x64xf32>
    %integer_pow3A = arith.mulf %add3A, %add3A : vector<512x64xf32>
    %integer_pow3A_14 = arith.mulf %add3A, %integer_pow3A : vector<512x64xf32>
    %mul3A_15 = arith.constant 4.471500e-02 : f32
    %mul3A_16 = vector.broadcast %mul3A_15 : f32 to vector<512x64xf32>
    %mul3A_17 = arith.mulf %mul3A_16, %integer_pow3A_14 : vector<512x64xf32>
    %add3A_18 = arith.addf %add3A, %mul3A_17 : vector<512x64xf32>
    %mul3A_19 = arith.constant 0.797884583 : f32
    %mul3A_20 = vector.broadcast %mul3A_19 : f32 to vector<512x64xf32>
    %mul3A_21 = arith.mulf %mul3A_20, %add3A_18 : vector<512x64xf32>
    %tanh3A = math.tanh %mul3A_21 : vector<512x64xf32>
    %add3A_22 = arith.constant 1.000000e+00 : f32
    %add3A_23 = vector.broadcast %add3A_22 : f32 to vector<512x64xf32>
    %add3A_24 = arith.addf %add3A_23, %tanh3A : vector<512x64xf32>
    %mul3A_25 = arith.constant 5.000000e-01 : f32
    %mul3A_26 = vector.broadcast %mul3A_25 : f32 to vector<512x64xf32>
    %mul3A_27 = arith.mulf %mul3A_26, %add3A_24 : vector<512x64xf32>
    %mul3A_28 = arith.mulf %add3A, %mul3A_27 : vector<512x64xf32>
    %swap3A = arith.constant 0 : index
    %swap3A_29 = arith.constant 0 : index
    %swap3A_30 = vector.load %arg3[%swap3A, %swap3A_29] : memref<512x64xf32, #tpu.memory_space<vmem>>, vector<512x64xf32>
    tpu.vector_store %arg3[%swap3A, %swap3A_29], %mul3A_28 {strides = array<i32>} : memref<512x64xf32, #tpu.memory_space<vmem>>, vector<512x64xf32>,
    return
  }
  func.func @transform_0(%arg0: i32) -> (i32, i32) {
    %c0_i32 = arith.constant 0 : i32
    %c0_i32_0 = arith.constant 0 : i32
    return %arg0, %c0_i32 : i32, i32
  }
  func.func @transform_1(%arg0: i32) -> (i32, i32, i32) {
    %c0_i32 = arith.constant 0 : i32
    %c0_i32_0 = arith.constant 0 : i32
    %c0_i32_1 = arith.constant 0 : i32
    return %c0_i32, %arg0, %c0_i32_0 : i32, i32, i32
  }
  func.func @transform_2(%arg0: i32) -> (i32, i32) {
    %c0_i32 = arith.constant 0 : i32
    %c0_i32_0 = arith.constant 0 : i32
    return %arg0, %c0_i32 : i32, i32
  }
}

module attributes {stable_mosaic.version = 14 : i64} {
  func.func @_combine_body(%arg0: i32, %arg1: memref<512x64xf32, #tpu.memory_space<vmem>>, %arg2: memref<2x512x32xf32, #tpu.memory_space<vmem>>, %arg3: memref<512x64xf32, #tpu.memory_space<vmem>>) attributes {dimension_semantics = [#tpu.dimension_semantics<arbitrary>], iteration_bounds = array<i64: 100>, scalar_prefetch = 0 : i64, scratch_operands = 0 : i64, tpu.core_type = #tpu.core_type<tc>, window_params = [{transform_indices = @transform_0, window_bounds = array<i64: 512, 64>}, {transform_indices = @transform_1, window_bounds = array<i64: 2, 512, 32>}, {transform_indices = @transform_2, window_bounds = array<i64: 512, 64>}]} {
    %get3A = arith.constant 0 : index
    %get3A_0 = arith.constant 0 : index
    %get3A_1 = arith.constant 0 : index
    %get3A_2 = vector.load %arg2[%get3A, %get3A_0, %get3A_1] : memref<2x512x32xf32, #tpu.memory_space<vmem>>, vector<1x512x32xf32>
    %get3A_3 = vector.shape_cast %get3A_2 : vector<1x512x32xf32> to vector<512x32xf32>
    %get3A_4 = arith.constant 1 : index
    %get3A_5 = arith.constant 0 : index
    %get3A_6 = arith.constant 0 : index
    %get3A_7 = vector.load %arg2[%get3A_4, %get3A_5, %get3A_6] : memref<2x512x32xf32, #tpu.memory_space<vmem>>, vector<1x512x32xf32>
    %get3A_8 = vector.shape_cast %get3A_7 : vector<1x512x32xf32> to vector<512x32xf32>
    %concatenate3A = tpu.concatenate %get3A_3, %get3A_8 in 1 : vector<512x32xf32>, vector<512x32xf32> -> vector<512x64xf32>
    %get3A_9 = arith.constant 0 : index
    %get3A_10 = arith.constant 0 : index
    %get3A_11 = vector.load %arg1[%get3A_9, %get3A_10] : memref<512x64xf32, #tpu.memory_space<vmem>>, vector<512x64xf32>
    %mul3A = arith.constant 2.500000e-01 : f32
    %mul3A_12 = vector.broadcast %mul3A : f32 to vector<512x64xf32>
    %mul3A_13 = arith.mulf %concatenate3A, %mul3A_12 : vector<512x64xf32>
    %add3A = arith.addf %get3A_11, %mul3A_13 : vector<512x64xf32>
    %swap3A = arith.constant 0 : index
    %swap3A_14 = arith.constant 0 : index
    %swap3A_15 = vector.load %arg3[%swap3A, %swap3A_14] : memref<512x64xf32, #tpu.memory_space<vmem>>, vector<512x64xf32>
    tpu.vector_store %arg3[%swap3A, %swap3A_14], %add3A {strides = array<i32>} : memref<512x64xf32, #tpu.memory_space<vmem>>, vector<512x64xf32>,
    return
  }
  func.func @transform_0(%arg0: i32) -> (i32, i32) {
    %c0_i32 = arith.constant 0 : i32
    %c0_i32_0 = arith.constant 0 : i32
    return %arg0, %c0_i32 : i32, i32
  }
  func.func @transform_1(%arg0: i32) -> (i32, i32, i32) {
    %c0_i32 = arith.constant 0 : i32
    %c0_i32_0 = arith.constant 0 : i32
    %c0_i32_1 = arith.constant 0 : i32
    return %c0_i32, %arg0, %c0_i32_0 : i32, i32, i32
  }
  func.func @transform_2(%arg0: i32) -> (i32, i32) {
    %c0_i32 = arith.constant 0 : i32
    %c0_i32_0 = arith.constant 0 : i32
    return %arg0, %c0_i32 : i32, i32
  }
}

module attributes {stable_mosaic.version = 14 : i64} {
  func.func @_pool_body(%arg0: i32, %arg1: memref<512x64xf32, #tpu.memory_space<vmem>>, %arg2: memref<1x1x512xi32, #tpu.memory_space<vmem>>, %arg3: memref<64x10xf32, #tpu.memory_space<vmem>>, %arg4: memref<64x10xf32, #tpu.memory_space<vmem>>, %arg5: memref<64x64xf32, #tpu.memory_space<vmem>>) attributes {dimension_semantics = [#tpu.dimension_semantics<arbitrary>], iteration_bounds = array<i64: 100>, scalar_prefetch = 0 : i64, scratch_operands = 1 : i64, tpu.core_type = #tpu.core_type<tc>, window_params = [{transform_indices = @transform_0, window_bounds = array<i64: 512, 64>}, {transform_indices = @transform_1, window_bounds = array<i64: 1, 1, 512>}, {pipeline_mode = #tpu.pipeline_mode<synchronous>, transform_indices = @transform_2, window_bounds = array<i64: 64, 10>}, {pipeline_mode = #tpu.pipeline_mode<synchronous>, transform_indices = @transform_3, window_bounds = array<i64: 64, 10>}]} {
    %eq3A = arith.constant 0 : i32
    %eq3A_0 = arith.cmpi eq, %arg0, %eq3A : i32
    %convert_element_type3A = arith.extui %eq3A_0 : i1 to i32
    %cond3A = arith.constant 0 : i32
    %cond3A_1 = arith.cmpi ne, %convert_element_type3A, %cond3A : i32
    scf.if %cond3A_1 {
      %broadcast_in_dim3A_24 = arith.constant 0.000000e+00 : f32
      %broadcast_in_dim3A_25 = vector.broadcast %broadcast_in_dim3A_24 : f32 to vector<64x64xf32>
      %swap3A_26 = arith.constant 0 : index
      %swap3A_27 = arith.constant 0 : index
      %swap3A_28 = vector.load %arg5[%swap3A_26, %swap3A_27] : memref<64x64xf32, #tpu.memory_space<vmem>>, vector<64x64xf32>
      tpu.vector_store %arg5[%swap3A_26, %swap3A_27], %broadcast_in_dim3A_25 {strides = array<i32>} : memref<64x64xf32, #tpu.memory_space<vmem>>, vector<64x64xf32>,
    } else {
    }
    %get3A = arith.constant 0 : index
    %get3A_2 = arith.constant 0 : index
    %get3A_3 = arith.constant 0 : index
    %get3A_4 = vector.load %arg2[%get3A, %get3A_2, %get3A_3] : memref<1x1x512xi32, #tpu.memory_space<vmem>>, vector<1x1x512xi32>
    %get3A_5 = vector.shape_cast %get3A_4 : vector<1x1x512xi32> to vector<512xi32>
    %iota3A = tpu.iota {dimensions = array<i32: 0>} : vector<64x512xi32>
    %broadcast_in_dim3A = vector.shape_cast %get3A_5 : vector<512xi32> to vector<1x512xi32>
    %eq3A_6 = vector.broadcast %broadcast_in_dim3A : vector<1x512xi32> to vector<64x512xi32>
    %eq3A_7 = arith.cmpi eq, %iota3A, %eq3A_6 : vector<64x512xi32>
    %get3A_8 = arith.constant 0 : index
    %get3A_9 = arith.constant 0 : index
    %get3A_10 = vector.load %arg5[%get3A_8, %get3A_9] : memref<64x64xf32, #tpu.memory_space<vmem>>, vector<64x64xf32>
    %convert_element_type3A_11 = arith.extui %eq3A_7 : vector<64x512xi1> to vector<64x512xi32>
    %convert_element_type3A_12 = arith.sitofp %convert_element_type3A_11 : vector<64x512xi32> to vector<64x512xf32>
    %get3A_13 = arith.constant 0 : index
    %get3A_14 = arith.constant 0 : index
    %get3A_15 = vector.load %arg1[%get3A_13, %get3A_14] : memref<512x64xf32, #tpu.memory_space<vmem>>, vector<512x64xf32>
    %dot_general3A = arith.constant dense<0.000000e+00> : vector<64x64xf32>
    %dot_general3A_16 = tpu.matmul %convert_element_type3A_12, %get3A_15, %dot_general3A {dimension_numbers = #tpu.dot_dimension_numbers<[1], [0], [0], [1], [0, 0, 1, 1], [], []>, transpose_lhs_hint = false} : vector<64x512xf32>, vector<512x64xf32>, vector<64x64xf32> -> vector<64x64xf32>
    %add3A = arith.addf %get3A_10, %dot_general3A_16 : vector<64x64xf32>
    %swap3A = arith.constant 0 : index
    %swap3A_17 = arith.constant 0 : index
    %swap3A_18 = vector.load %arg5[%swap3A, %swap3A_17] : memref<64x64xf32, #tpu.memory_space<vmem>>, vector<64x64xf32>
    tpu.vector_store %arg5[%swap3A, %swap3A_17], %add3A {strides = array<i32>} : memref<64x64xf32, #tpu.memory_space<vmem>>, vector<64x64xf32>,
    %eq3A_19 = arith.constant 99 : i32
    %eq3A_20 = arith.cmpi eq, %arg0, %eq3A_19 : i32
    %convert_element_type3A_21 = arith.extui %eq3A_20 : i1 to i32
    %cond3A_22 = arith.constant 0 : i32
    %cond3A_23 = arith.cmpi ne, %convert_element_type3A_21, %cond3A_22 : i32
    scf.if %cond3A_23 {
      %get3A_24 = arith.constant 0 : index
      %get3A_25 = arith.constant 0 : index
      %get3A_26 = vector.load %arg5[%get3A_24, %get3A_25] : memref<64x64xf32, #tpu.memory_space<vmem>>, vector<64x64xf32>
      %slice3A = vector.extract_strided_slice %get3A_26 {offsets = [0, 0], sizes = [64, 10], strides = [1, 1]} : vector<64x64xf32> to vector<64x10xf32>
      %get3A_27 = arith.constant 0 : index
      %get3A_28 = arith.constant 0 : index
      %get3A_29 = vector.load %arg3[%get3A_27, %get3A_28] : memref<64x10xf32, #tpu.memory_space<vmem>>, vector<64x10xf32>
      %add3A_30 = arith.addf %slice3A, %get3A_29 : vector<64x10xf32>
      %mul3A = arith.constant 0.00999999977 : f32
      %mul3A_31 = vector.broadcast %mul3A : f32 to vector<64x10xf32>
      %mul3A_32 = arith.mulf %add3A_30, %mul3A_31 : vector<64x10xf32>
      %reduce_max3A = arith.constant dense<0xFF800000> : vector<64xf32>
      %reduce_max3A_33 = vector.multi_reduction <maximumf>, %mul3A_32, %reduce_max3A [1] : vector<64x10xf32> to vector<64xf32>
      %broadcast_in_dim3A_34 = vector.shape_cast %reduce_max3A_33 : vector<64xf32> to vector<64x1xf32>
      %sub3A = vector.broadcast %broadcast_in_dim3A_34 : vector<64x1xf32> to vector<64x10xf32>
      %sub3A_35 = arith.subf %mul3A_32, %sub3A : vector<64x10xf32>
      %exp3A = math.exp %sub3A_35 : vector<64x10xf32>
      %reduce_sum3A = arith.constant dense<0.000000e+00> : vector<64xf32>
      %reduce_sum3A_36 = vector.multi_reduction <add>, %exp3A, %reduce_sum3A [1] : vector<64x10xf32> to vector<64xf32>
      %broadcast_in_dim3A_37 = vector.shape_cast %reduce_sum3A_36 : vector<64xf32> to vector<64x1xf32>
      %div3A = vector.broadcast %broadcast_in_dim3A_37 : vector<64x1xf32> to vector<64x10xf32>
      %div3A_38 = arith.divf %exp3A, %div3A : vector<64x10xf32>
      %swap3A_39 = arith.constant 0 : index
      %swap3A_40 = arith.constant 0 : index
      %swap3A_41 = vector.load %arg4[%swap3A_39, %swap3A_40] : memref<64x10xf32, #tpu.memory_space<vmem>>, vector<64x10xf32>
      tpu.vector_store %arg4[%swap3A_39, %swap3A_40], %div3A_38 {strides = array<i32>} : memref<64x10xf32, #tpu.memory_space<vmem>>, vector<64x10xf32>,
    } else {
    }
    return
  }
  func.func @transform_0(%arg0: i32) -> (i32, i32) {
    %c0_i32 = arith.constant 0 : i32
    %c0_i32_0 = arith.constant 0 : i32
    return %arg0, %c0_i32 : i32, i32
  }
  func.func @transform_1(%arg0: i32) -> (i32, i32, i32) {
    %c0_i32 = arith.constant 0 : i32
    %c0_i32_0 = arith.constant 0 : i32
    %c0_i32_1 = arith.constant 0 : i32
    return %arg0, %c0_i32, %c0_i32_0 : i32, i32, i32
  }
  func.func @transform_2(%arg0: i32) -> (i32, i32) {
    %c0_i32 = arith.constant 0 : i32
    %c0_i32_0 = arith.constant 0 : i32
    %c0_i32_1 = arith.constant 0 : i32
    return %c0_i32, %c0_i32_0 : i32, i32
  }
  func.func @transform_3(%arg0: i32) -> (i32, i32) {
    %c0_i32 = arith.constant 0 : i32
    %c0_i32_0 = arith.constant 0 : i32
    %c0_i32_1 = arith.constant 0 : i32
    return %c0_i32, %c0_i32_0 : i32, i32
  }
}

</mosaic_0001>

<sc_bundles>
// kernel: kernel.23.cloned.1.call-start
scs
__scs_entry_jumppad:
0x0: {  	(pc) =	sbr.rel $0x88, $3  }
0x1: {  	(tag) =	ssettag $0x0;
	lr =	simm.s32 $0x1  }
0x2: {  	[smem:$0x3F81] =	sst lr;
	_ =	strace $0xD0000000  }
0x3: {  	_ = 	snop  }
0x4: {  	_ = 	snop  }
0x5: {  	_ = 	snop  }
0x6: {  	_ = 	snop  }
0x7: {  	_ = 	snop  }
__scs_overlays_trampoline_lowered:
0x8: {  	[smem:$0x3F90] =	sst s0  }
0x9: {  	[smem:$0x3F91] =	sst s1  }
0xa: {  	[smem:$0x3F92] =	sst s2  }
0xb: {  	[smem:$0x3F93] =	sst s3  }
0xc: {  	[smem:$0x3F94] =	sst s4  }
0xd: {  	[smem:$0x3F95] =	sst s5  }
0xe: {  	[smem:$0x3F96] =	sst s6  }
0xf: {  	[smem:$0x3F97] =	sst s7  }
0x10: {  	[smem:$0x3F98] =	sst s8  }
0x11: {  	[smem:$0x3F99] =	sst s9;
	s0 =	simm.s32 @!p0 $0x0  }
0x12: {  	s1 =	sld [smem:$0x3F7F];
	s0 =	simm.s32 @p0 $0x1  }
0x13: {  	[smem:$0x3F9A] =	sst s0;
	s0 =	simm.s32 @!p1 $0x0  }
0x14: {  	s2 =	sld [smem:$0x3F7E];
	s0 =	simm.s32 @p1 $0x1  }
0x15: {  	[smem:$0x3F9B] =	sst s0;
	s0 =	simm.s32 @!p2 $0x0  }
0x16: {  	s3 =	sld [smem:$0x3FDB];
	s0 =	simm.s32 @p2 $0x1  }
0x17: {  	s4 =	simm.s32 $0x1BF5;
	[smem:$0x3F9D] =	sst s0  }
0x18: {  	s0 =	sld [smem:$0x3F80];
	_ =	swait.ge [sflag:s4], $0x0  }
0x19: {  	s7 =	sld [smem:$0x3F81]  }
0x1a: {  	s8 =	sadd.s32 $0xFFFFE003, lr  }
0x1b: {  	s9 =	sadd.s32 $0xFFFFFEF7, lr;
	s5 =	simm.s32 $0xFFFFFFFF;
	p2 =	slt.u32 s8, $0xFFFFF086  }
0x1c: {  	p1 =	slt.u32 s9, $0xF7A;
	s5 =	simm.s32 @!p2 $0x0  }
0x1d: {  	s5 =	simm.s32 @p1 $0x1;
	p0 =	seq.s32 s7, s2  }
0x1e: {  	s7 =	smul.u32 @!p0 $0xF7A, s2;
	p2 =	seq.s32 @!p0 s5, $0x0  }
0x1f: {  	s9 =	smul.u32 $0xF7A, s1;
	s8 =	simm.s32 @!p0 $0x1BF5;
	p2 =	por !p2, p0  }
0x20: {  	[sflag:s8] =	ssyncset.s32 @!p0 $0xFFFFF086;
	s6 =	sadd.s32 @!p0 s3, s7;
	s7 =	simm.s32 @!p0 $0x108  }
0x21: {  	s3 =	sadd.s32 s3, s9;
	s6 =	sadd.s32 @!p0 $0x88, s6;
	s7 =	simm.s32 @p2 $0x1082  }
0x22: {  	[simem:s7], [sflag:s8] =	dma.local @!p0 [hbm:s6], $0xF7A  }
0x23: {  	s9 =	sor.u32 $0xD0000000, s2;
	s6 =	simm.s32 $0x108;
	_ =	swait.ge @!p0 [sflag:s8], $0x0  }
0x24: {  	s3 =	sadd.s32 $0x88, s3;
	s6 =	simm.s32 @!p1 $0x1082;
	[sflag:s4] =	ssyncset.s32 $0xFFFFF086  }
0x25: {  	[simem:s6], [sflag:s4] =	dma.local [hbm:s3], $0xF7A  }
0x26: {  	[smem:$0x3F81] =	sst s1;
	(tag) =	ssettag s2;
	_ =	strace s9  }
0x27: {  	s1 =	sld [smem:$0x3F91]  }
0x28: {  	s2 =	sld [smem:$0x3F92]  }
0x29: {  	s4 =	sld [smem:$0x3F94]  }
0x2a: {  	p0 =	seq.s32 s5, $0x0;
	s5 =	sld [smem:$0x3F95]  }
0x2b: {  	s6 =	sld [smem:$0x3F96]  }
0x2c: {  	s7 =	sld [smem:$0x3F97]  }
0x2d: {  	s3 =	simm.s32 $0x108;
	s8 =	sld [smem:$0x3F98]  }
0x2e: {  	s3 =	simm.s32 @!p0 $0x1082;
	s9 =	sld [smem:$0x3F99]  }
0x2f: {  	lr =	sadd.s32 s0, s3;
	s0 =	sld [smem:$0x3F90]  }
0x30: {  	s3 =	sld [smem:$0x3F93]  }
0x31: {  	[smem:$0x3F9C] =	sst s10  }
0x32: {  	s10 =	sld [smem:$0x3F9A];
	_ =	sdelay $0x3  }
0x33: {  	p0 =	seq.s32 s10, $0x1;
	s10 =	sld [smem:$0x3F9C];
	_ =	sdelay $0x3  }
0x34: {  	[smem:$0x3F9C] =	sst s10  }
0x35: {  	s10 =	sld [smem:$0x3F9B];
	_ =	sdelay $0x3  }
0x36: {  	p1 =	seq.s32 s10, $0x1;
	s10 =	sld [smem:$0x3F9C];
	_ =	sdelay $0x3  }
0x37: {  	[smem:$0x3F9C] =	sst s10  }
0x38: {  	s10 =	sld [smem:$0x3F9D]  }
0x39: {  	_ = 	snop;
	(pc) =	sbr.ind lr, $3  }
0x3a: {  	_ = 	snop  }
0x3b: {  	_ = 	snop  }
0x3c: {  	p2 =	seq.s32 s10, $0x1;
	s10 =	sld [smem:$0x3F9C]  }
0x3d: {  	_ =	shalt  }
0x3e: {  	_ =	shalt  }
0x3f: {  	_ =	shalt  }
0x40: {  	_ =	shalt  }
0x41: {  	_ =	shalt  }
0x42: {  	_ =	shalt  }
0x43: {  	_ =	shalt  }
0x44: {  	_ =	shalt  }
0x45: {  	_ =	shalt  }
0x46: {  	_ =	shalt  }
0x47: {  	_ =	shalt  }
0x48: {  	_ =	shalt  }
0x49: {  	_ =	shalt  }
0x4a: {  	_ =	shalt  }
0x4b: {  	_ =	shalt  }
0x4c: {  	_ =	shalt  }
0x4d: {  	_ =	shalt  }
0x4e: {  	_ =	shalt  }
0x4f: {  	_ =	shalt  }
0x50: {  	_ =	shalt  }
0x51: {  	_ =	shalt  }
0x52: {  	_ =	shalt  }
0x53: {  	_ =	shalt  }
0x54: {  	_ =	shalt  }
0x55: {  	_ =	shalt  }
0x56: {  	_ =	shalt  }
0x57: {  	_ =	shalt  }
0x58: {  	_ =	shalt  }
0x59: {  	_ =	shalt  }
0x5a: {  	_ =	shalt  }
0x5b: {  	_ =	shalt  }
0x5c: {  	_ =	shalt  }
0x5d: {  	_ =	shalt  }
0x5e: {  	_ =	shalt  }
0x5f: {  	_ =	shalt  }
0x60: {  	_ =	shalt  }
0x61: {  	_ =	shalt  }
0x62: {  	_ =	shalt  }
0x63: {  	_ =	shalt  }
0x64: {  	_ =	shalt  }
0x65: {  	_ =	shalt  }
0x66: {  	_ =	shalt  }
0x67: {  	_ =	shalt  }
0x68: {  	_ =	shalt  }
0x69: {  	_ =	shalt  }
0x6a: {  	_ =	shalt  }
0x6b: {  	_ =	shalt  }
0x6c: {  	_ =	shalt  }
0x6d: {  	_ =	shalt  }
0x6e: {  	_ =	shalt  }
0x6f: {  	_ =	shalt  }
0x70: {  	_ =	shalt  }
0x71: {  	_ =	shalt  }
0x72: {  	_ =	shalt  }
0x73: {  	_ =	shalt  }
0x74: {  	_ =	shalt  }
0x75: {  	_ =	shalt  }
0x76: {  	_ =	shalt  }
0x77: {  	_ =	shalt  }
0x78: {  	_ =	shalt  }
0x79: {  	_ =	shalt  }
0x7a: {  	_ =	shalt  }
0x7b: {  	_ =	shalt  }
0x7c: {  	_ =	shalt  }
0x7d: {  	_ =	shalt  }
0x7e: {  	_ =	shalt  }
0x7f: {  	_ =	shalt  }
0x80: {  	_ =	shalt  }
0x81: {  	_ =	shalt  }
0x82: {  	_ =	shalt  }
0x83: {  	_ =	shalt  }
0x84: {  	_ =	shalt  }
0x85: {  	_ =	shalt  }
0x86: {  	_ =	shalt  }
0x87: {  	_ =	shalt  }
.Lfunc_end0:
.L_simem_size_0:
called_computation_lowered:
.L_overlay_start_0:
0x88: {  	s2 =	sld [smem:$0x3FD9]  }
0x89: {  	s3 =	sld [smem:$0x3FFE];
	_ =	sdelay $0x1  }
0x8a: {  	s1 =	srdreg.scid  }
0x8b: {  	s0 =	sand.u32 $0x1, s1  }
0x8c: {  	s17 =	sshll.u32 s0, $0xA;
	s2 =	sadd.s32 s3, s2  }
0x8d: {  	s2 =	sadd.s32 s2, s17  }
0x8e: {  	[smem:$0x3FA8] =	sst s2  }
0x8f: {  	_ = 	snop  }
0x90: {  	s2 =	sld [smem:$0x3FC7]  }
0x91: {  	s18 =	sld [smem:$0x3FC6];
	(tm) =	ssettm $0x1  }
0x92: {  	s4 =	sld [smem:$0x3FFB];
	_ =	sdelay $0x3  }
0x93: {  	_ =	strace s4  }
0x94: {  	s4 =	sld [smem:$0x3FFC];
	_ =	sdelay $0x3  }
0x95: {  	_ =	strace s4  }
0x96: {  	s4 =	sld [smem:$0x3FFD];
	_ =	sdelay $0x3  }
0x97: {  	_ =	strace s4  }
0x98: {  	_ =	strace $0x8FFFFFFF  }
0x99: {  	s19 =	sld [smem:$0x3FDB];
	_ =	sdelay $0x1  }
0x9a: {  	s5 =	simm.s32 $_scs_section_size  }
0x9b: {  	s6 =	simm.s32 $_size__tile_overlayer_lowered;
	s7 =	simm.s32 $_tile_overlayer_lowered  }
0x9c: {  	s22 =	simm.s32 $0x1BFF;
	s21 =	sshll.u32 s7, $0x1;
	s4 =	sadd.s32 s5, s19  }
0x9d: {  	s8 =	simm.s32 $0x0;
	s20 =	sshll.u32 s6, $0x1;
	s6 =	sadd.s32 s21, s4  }
0x9e: {  	[timem:s8], [sflag:s22] =	dma.local [hbm:s6], s20  }
0x9f: {  	_ =	swait.ge [sflag:s22], s20  }
0xa0: {  	s5 =	ssub.s32 $0x0, s20;
	[sflag:s22] =	ssyncset.done $0x0  }
0xa1: {  	[sflag:s22] =	ssyncadd.s32 s5;
	_ =	sdelay $0x1  }
0xa2: {  	s23 =	simm.s32 $0x1B8B  }
0xa3: {  	_ =	swait.ge [sflag:s23], $0x1  }
0xa4: {  	[sflag:s23] =	ssyncset.done $0x0  }
0xa5: {  	s25 =	simm.s32 $0x1B8E;
	s24 =	sld [smem:$0x3FFE];
	[sflag:s23] =	ssyncadd.s32 $0xFFFFFFFF  }
0xa6: {  	s26 =	simm.s32 $execute0_lowered;
	[smem:$0x3FD2] =	sst s25  }
0xa7: {  	s6 =	sshll.u32 s26, $0x1;
	_ =	strace $0x80000046;
	[dreg:$0x1] =	wrdreg $0xFFFFFFFF  }
0xa8: {  	s28 =	simm.s32 $_size_execute0_lowered;
	s4 =	sadd.s32 s4, s6;
	[dreg:$0x0] =	wrdreg $0x0  }
0xa9: {  	s6 =	sshll.u32 s28, $0x1;
	[dreg:$0x2] =	wrdreg s4  }
0xaa: {  	[dreg:$0x3] =	wrdreg s6  }
0xab: {  	[dreg:$0x4] =	wrdreg $0xC0  }
0xac: {  	_ =	task [dreg:s8], $0x5FFFF  }
0xad: {  	[dreg:$0x1] =	wrdreg $0xFFFFFFFF  }
0xae: {  	[dreg:$0x0] =	wrdreg $0x60  }
0xaf: {  	[dreg:$0x2] =	wrdreg s24  }
0xb0: {  	[dreg:$0x3] =	wrdreg s2  }
0xb1: {  	[dreg:$0x4] =	wrdreg s18  }
0xb2: {  	[dreg:$0x5] =	wrdreg $0x67200  }
0xb3: {  	[dreg:$0x6] =	wrdreg $0x9  }
0xb4: {  	_ =	task.clear_ibuf [dreg:s8], $0x7FFFF;
	_ =	strace $0x90000046  }
0xb5: {  	s29 =	simm.s32 $0x9;
	_ =	strace $0x80000048  }
0xb6: {  	_ =	swait.ge [sflag:s29], $0x1  }
0xb7: {  	[sflag:s29] =	ssyncadd.s32 $0xFFFFFFFF  }
0xb8: {  	_ =	strace $0x90000048  }
0xb9: {  	_ =	sfence  }
0xba: {  	s30 =	sld [smem:$0x0];
	_ =	sdelay $0x2  }
0xbb: {  	s31 =	sshll.u32 s1, $0xD;
	s1 =	sshrl.u32 s1, $0x2  }
0xbc: {  	s3 =	sand.u32 $0x4000, s31;
	s1 =	sadd.s32 s1, s30  }
0xbd: {  	s0 =	sor.u32 s3, s0;
	s1 =	sshll.u32 s1, $0x11  }
0xbe: {  	s0 =	sor.u32 s1, s0  }
0xbf: {  	s0 =	sadd.s32 $0x8F2B, s0  }
0xc0: {  	[sflag:s0] =	ssyncadd.remote.s32 $0x1  }
0xc1: {  	_ =	sfence.sel $0xFFFF  }
0xc2: {  	[dreg:$0x0] =	wrdreg $0xFFFFFFFF;
	(pc) =	sbr.abs _section_cstart, $3  }
0xc3: {  	[dreg:$0x1] =	wrdreg $0xFFFFFFFF  }
0xc4: {  	_ =	task.clear_ibuf [dreg:s8], $0x2FFFF;
	_ =	strace $0x9FFFFFFF  }
0xc5: {  	(tm) =	ssettm $0x7FFFFFFF  }
tec
execute0_lowered:
.L_overlay_start_1:
0x0: {  	(tag) =	ssettag $0x1  }
0x1: {  	s0 =	rddreg [dreg:$0x0]  }
0x2: {  	s1 =	rddreg [dreg:$0x1]  }
0x3: {  	s2 =	rddreg [dreg:$0x2]  }
0x4: {  	s4 =	srdreg.scid;
	s13 =	stileid.u32  }
0x5: {  	s3 =	rddreg [dreg:$0x3];
	s11 =	smul.u32 $0xC350, s13  }
0x6: {  	s5 =	simm.s32 $0x0;
	s4 =	sand.u32 $0x1, s4;
	s14 =	smul.u32 $0x64000, s13  }
0x7: {  	[smem:$0x7FF] =	sst s5;
	s6 =	smul.u32 $0x30D400, s4  }
0x8: {  	s7 =	smul.u32 $0x32000, s4;
	_ =	strace $0x80000047;
	s4 =	ssub.s32 $0x2, s4  }
0x9: {  	s10 =	sshrl.u32 s4, $0x1;
	s8 =	sshrl.u32 s11, $0x3;
	s6 =	sadd.s32 s6, s0  }
0xa: {  	s0 =	sadd.s32 s7, s0;
	s4 =	ssub.s32 s4, s10;
	s12 =	sadd.s32 s1, s8  }
0xb: {  	s8 =	sadd.s32 s2, s8;
	s7 =	sshrl.u32 s14, $0x2;
	[dreg:$0x5] =	wrdreg s12  }
0xc: {  	[dreg:$0x6] =	wrdreg s8;
	s12 =	sadd.s32 s7, s3;
	s4 =	smax.u32 s4, $0x1  }
0xd: {  	[dreg:$0x7] =	wrdreg s4;
	s16 =	sadd.s32 $0x3200, s12  }
0xe: {  	s17 =	sadd.s32 $0x4B00, s12;
	[dreg:$0x8] =	wrdreg s16  }
0xf: {  	s18 =	sadd.s32 $0x6400, s12;
	[dreg:$0x9] =	wrdreg s17  }
0x10: {  	s15 =	smul.u32 $0x30D40, s13;
	s7 =	sadd.s32 $0x7D00, s12;
	[dreg:$0xa] =	wrdreg s18  }
0x11: {  	s19 =	smul.u32 $0x3200, s13;
	s20 =	sadd.s32 $0x9600, s12;
	[dreg:$0xb] =	wrdreg s7  }
0x12: {  	s13 =	simm.s32 $0x1;
	s21 =	sadd.s32 $0xAF00, s12;
	[dreg:$0xc] =	wrdreg s20  }
0x13: {  	s10 =	sadd.s32 $0xC8, s11;
	s22 =	sadd.s32 $0xC800, s12;
	[dreg:$0xd] =	wrdreg s21  }
0x14: {  	s11 =	sadd.s32 $0x190, s11;
	s23 =	sadd.s32 $0xE100, s12;
	[dreg:$0xe] =	wrdreg s22  }
0x15: {  	s8 =	sadd.s32 $0x3586A00, s6;
	s24 =	sadd.s32 $0xFA00, s12;
	[dreg:$0xf] =	wrdreg s23  }
0x16: {  	s9 =	sadd.s32 $0x7400, s0;
	s25 =	sadd.s32 s15, s8;
	[dreg:$0x10] =	wrdreg s24  }
0x17: {  	s0 =	sadd.s32 $0x6B400, s0;
	s26 =	sadd.s32 $0x11300, s12;
	[dreg:$0x11] =	wrdreg s25  }
0x18: {  	s6 =	simm.s32 $0xC8;
	s28 =	sadd.s32 $0x12C00, s12;
	[dreg:$0x12] =	wrdreg s26  }
0x19: {  	s14 =	sadd.s32 $0x1900, s12;
	s29 =	sadd.s32 $0x14500, s12;
	[dreg:$0x13] =	wrdreg s28  }
0x1a: {  	s30 =	sadd.s32 $0x15E00, s12;
	s31 =	sadd.s32 $0x17700, s12;
	[dreg:$0x14] =	wrdreg s29  }
0x1b: {  	s4 =	simm.s32 $0x5;
	s15 =	simm.s32 $0x3390;
	[dreg:$0x15] =	wrdreg s30  }
0x1c: {  	s23 =	sadd.s32 s0, s19;
	[dreg:$0x16] =	wrdreg s31;
	s0 =	simm.s32 $0x190  }
0x1d: {  	s7 =	simm.s32 $0x1A90;
	s16 =	simm.s32 $0x3458;
	s17 =	simm.s32 $0x4E20  }
0x1e: {  	s18 =	simm.s32 $0x3;
	s19 =	simm.s32 $0x2;
	s20 =	simm.s32 $0x3520  }
0x1f: {  	v0 =	vimm.f32 $0.0e+00;
	s21 =	simm.s32 $0x6;
	s22 =	simm.s32 $0x4;
	s24 =	simm.s32 $0x0  }
.LBB2_1:
0x20: {  	s25 =	simm.s32 $0x80;
	s26 =	simm.s32 $0x0  }
.LBB2_2:
0x21: {  	p0 =	sne.s32 s25, $0x6380;
	[tilespmem:s26+$0x190] =	vst v0;
	s28 =	smov.u32 s25;
	s25 =	sadd.s32 $0x80, s25  }
.Ltmp0:
0x22: {  	[tilespmem:s26+$0x1A0] =	vst v0;
	(pc) =	sbr.rel @p0 .LBB2_2-.Ltmp0, $2  }
0x23: {  	_ =	sdelay $0x2  }
0x24: {  	s26 =	sshra.s32 s28, $0x2  }
0x25: {  	[tilespmem:s26+$0x190] =	vst v0  }
0x26: {  	[tilespmem:s26+$0x1A0] =	vst v0  }
0x27: {  	[spmem:s12] =	stream.linear.scatter [tilespmem:s0], [sflag:$0x5], $0x1900, $0x38;
	[tilespmem:$0x1F720] =	vst v63  }
0x28: {  	_ =	swait.ge [sflag:s4], $0x1900  }
0x29: {  	[sflag:s4] =	ssyncset.done $0x0  }
0x2a: {  	[sflag:s4] =	ssyncadd.s32 $0xFFFFE700  }
0x2b: {  	[spmem:s14] =	stream.linear.scatter [tilespmem:s0], [sflag:$0x5], $0x1900, $0x38;
	[tilespmem:$0x1F720] =	vst v63  }
0x2c: {  	_ =	swait.ge [sflag:s4], $0x1900  }
0x2d: {  	[sflag:s4] =	ssyncset.done $0x0  }
0x2e: {  	s25 =	rddreg [dreg:$0x8];
	[sflag:s4] =	ssyncadd.s32 $0xFFFFE700  }
0x2f: {  	[spmem:s25] =	stream.linear.scatter [tilespmem:s0], [sflag:$0x5], $0x1900, $0x38;
	[tilespmem:$0x1F720] =	vst v63  }
0x30: {  	_ =	swait.ge [sflag:s4], $0x1900  }
0x31: {  	[sflag:s4] =	ssyncset.done $0x0  }
0x32: {  	s31 =	rddreg [dreg:$0x9];
	[sflag:s4] =	ssyncadd.s32 $0xFFFFE700  }
0x33: {  	[spmem:s31] =	stream.linear.scatter [tilespmem:s0], [sflag:$0x5], $0x1900, $0x38;
	[tilespmem:$0x1F720] =	vst v63  }
0x34: {  	_ =	swait.ge [sflag:s4], $0x1900  }
0x35: {  	[sflag:s4] =	ssyncset.done $0x0  }
0x36: {  	s26 =	rddreg [dreg:$0xa];
	[sflag:s4] =	ssyncadd.s32 $0xFFFFE700  }
0x37: {  	[spmem:s26] =	stream.linear.scatter [tilespmem:s0], [sflag:$0x5], $0x1900, $0x38;
	[tilespmem:$0x1F720] =	vst v63  }
0x38: {  	_ =	swait.ge [sflag:s4], $0x1900  }
0x39: {  	[sflag:s4] =	ssyncset.done $0x0  }
0x3a: {  	s28 =	rddreg [dreg:$0xb];
	[sflag:s4] =	ssyncadd.s32 $0xFFFFE700  }
0x3b: {  	[spmem:s28] =	stream.linear.scatter [tilespmem:s0], [sflag:$0x5], $0x1900, $0x38;
	[tilespmem:$0x1F720] =	vst v63  }
0x3c: {  	_ =	swait.ge [sflag:s4], $0x1900  }
0x3d: {  	[sflag:s4] =	ssyncset.done $0x0  }
0x3e: {  	s29 =	rddreg [dreg:$0xc];
	[sflag:s4] =	ssyncadd.s32 $0xFFFFE700  }
0x3f: {  	[spmem:s29] =	stream.linear.scatter [tilespmem:s0], [sflag:$0x5], $0x1900, $0x38;
	[tilespmem:$0x1F720] =	vst v63  }
0x40: {  	_ =	swait.ge [sflag:s4], $0x1900  }
0x41: {  	[sflag:s4] =	ssyncset.done $0x0  }
0x42: {  	s30 =	rddreg [dreg:$0xd];
	[sflag:s4] =	ssyncadd.s32 $0xFFFFE700  }
0x43: {  	[spmem:s30] =	stream.linear.scatter [tilespmem:s0], [sflag:$0x5], $0x1900, $0x38;
	[tilespmem:$0x1F720] =	vst v63  }
0x44: {  	_ =	swait.ge [sflag:s4], $0x1900  }
0x45: {  	[sflag:s4] =	ssyncset.done $0x0  }
0x46: {  	s31 =	rddreg [dreg:$0xe];
	[sflag:s4] =	ssyncadd.s32 $0xFFFFE700  }
0x47: {  	[spmem:s31] =	stream.linear.scatter [tilespmem:s0], [sflag:$0x5], $0x1900, $0x38;
	[tilespmem:$0x1F720] =	vst v63  }
0x48: {  	_ =	swait.ge [sflag:s4], $0x1900  }
0x49: {  	[sflag:s4] =	ssyncset.done $0x0  }
0x4a: {  	s26 =	rddreg [dreg:$0xf];
	[sflag:s4] =	ssyncadd.s32 $0xFFFFE700  }
0x4b: {  	[spmem:s26] =	stream.linear.scatter [tilespmem:s0], [sflag:$0x5], $0x1900, $0x38;
	[tilespmem:$0x1F720] =	vst v63  }
0x4c: {  	_ =	swait.ge [sflag:s4], $0x1900  }
0x4d: {  	[sflag:s4] =	ssyncset.done $0x0  }
0x4e: {  	s28 =	rddreg [dreg:$0x10];
	[sflag:s4] =	ssyncadd.s32 $0xFFFFE700  }
0x4f: {  	[spmem:s28] =	stream.linear.scatter [tilespmem:s0], [sflag:$0x5], $0x1900, $0x38;
	[tilespmem:$0x1F720] =	vst v63  }
0x50: {  	_ =	swait.ge [sflag:s4], $0x1900  }
0x51: {  	[sflag:s4] =	ssyncset.done $0x0  }
0x52: {  	s29 =	rddreg [dreg:$0x12];
	[sflag:s4] =	ssyncadd.s32 $0xFFFFE700  }
0x53: {  	[spmem:s29] =	stream.linear.scatter [tilespmem:s0], [sflag:$0x5], $0x1900, $0x38;
	[tilespmem:$0x1F720] =	vst v63  }
0x54: {  	_ =	swait.ge [sflag:s4], $0x1900  }
0x55: {  	[sflag:s4] =	ssyncset.done $0x0  }
0x56: {  	s30 =	rddreg [dreg:$0x13];
	[sflag:s4] =	ssyncadd.s32 $0xFFFFE700  }
0x57: {  	[spmem:s30] =	stream.linear.scatter [tilespmem:s0], [sflag:$0x5], $0x1900, $0x38;
	[tilespmem:$0x1F720] =	vst v63  }
0x58: {  	_ =	swait.ge [sflag:s4], $0x1900  }
0x59: {  	[sflag:s4] =	ssyncset.done $0x0  }
0x5a: {  	s31 =	rddreg [dreg:$0x14];
	[sflag:s4] =	ssyncadd.s32 $0xFFFFE700  }
0x5b: {  	[spmem:s31] =	stream.linear.scatter [tilespmem:s0], [sflag:$0x5], $0x1900, $0x38;
	[tilespmem:$0x1F720] =	vst v63  }
0x5c: {  	_ =	swait.ge [sflag:s4], $0x1900  }
0x5d: {  	[sflag:s4] =	ssyncset.done $0x0  }
0x5e: {  	s26 =	rddreg [dreg:$0x15];
	[sflag:s4] =	ssyncadd.s32 $0xFFFFE700  }
0x5f: {  	[spmem:s26] =	stream.linear.scatter [tilespmem:s0], [sflag:$0x5], $0x1900, $0x38;
	[tilespmem:$0x1F720] =	vst v63  }
0x60: {  	_ =	swait.ge [sflag:s4], $0x1900  }
0x61: {  	[sflag:s4] =	ssyncset.done $0x0  }
0x62: {  	s28 =	rddreg [dreg:$0x16];
	[sflag:s4] =	ssyncadd.s32 $0xFFFFE700  }
0x63: {  	[spmem:s28] =	stream.linear.scatter [tilespmem:s0], [sflag:$0x5], $0x1900, $0x38;
	[tilespmem:$0x1F720] =	vst v63  }
0x64: {  	_ =	swait.ge [sflag:s4], $0x1900  }
0x65: {  	[sflag:s4] =	ssyncset.done $0x0  }
0x66: {  	[sflag:s4] =	ssyncadd.s32 $0xFFFFE700  }
0x67: {  	[bflag:$0x0] =	sbarrier.arrive $0xFFFF  }
0x68: {  	s25 =	simm.s32 $0x0;
	s29 =	rddreg [dreg:$0x5]  }
0x69: {  	[tilespmem:s25], [sflag:$0x1] =	stream.linear.gather [hbm4b:s29+s25], $0xC8, $0x38;
	[tilespmem:$0x1F720] =	vst v63  }
0x6a: {  	s30 =	rddreg [dreg:$0x6]  }
0x6b: {  	[tilespmem:s6], [sflag:$0x1] =	stream.linear.gather [hbm4b:s30+s25], $0xC8, $0x38;
	[tilespmem:$0x1F720] =	vst v63  }
0x6c: {  	s31 =	rddreg [dreg:$0x11]  }
0x6d: {  	[tilespmem:s7], [sflag:$0x1] =	stream.linear.gather [hbm4b:s31+s25], $0x1900, $0x38;
	[tilespmem:$0x1F720] =	vst v63  }
0x6e: {  	_ =	swait.ge [sflag:s13], $0xC8  }
0x6f: {  	[sflag:s13] =	ssyncset.done $0x0  }
0x70: {  	[sflag:s13] =	ssyncadd.s32 $0xFFFFFF38  }
0x71: {  	_ =	swait.ge [sflag:s13], $0xC8  }
0x72: {  	[sflag:s13] =	ssyncset.done $0x0  }
0x73: {  	[sflag:s13] =	ssyncadd.s32 $0xFFFFFF38  }
0x74: {  	_ =	swait.ge [sflag:s13], $0x1900  }
0x75: {  	[sflag:s13] =	ssyncset.done $0x0  }
0x76: {  	[sflag:s13] =	ssyncadd.s32 $0xFFFFE700  }
0x77: {  	[tilespmem:s0], [sflag:$0x3] =	stream.indirect.gather [hbm4b:s9+s6], $0x20, s25, s6, $0xb8;
	[tilespmem:$0x1F720] =	vst v63  }
.LBB2_4:
0x78: {  	s26 =	smul.u32 $0x190, s25;
	_ =	sdelay $0x1  }
0x79: {  	s28 =	sadd.s32 s26, s10  }
0x7a: {  	s29 =	sshrl.u32 s28, $0x3  }
0x7b: {  	s30 =	sadd.s32 s1, s29  }
0x7c: {  	[tilespmem:s15], [sflag:$0x2] =	stream.linear.gather [hbm4b:s30+s5], $0xC8, $0x38;
	[tilespmem:$0x1F720] =	vst v63  }
0x7d: {  	s28 =	sshll.u32 s28, $0x2;
	s29 =	sadd.s32 s2, s29  }
0x7e: {  	[tilespmem:s16], [sflag:$0x2] =	stream.linear.gather [hbm4b:s29+s5], $0xC8, $0x38;
	[tilespmem:$0x1F720] =	vst v63  }
0x7f: {  	s28 =	sadd.s32 s8, s28  }
0x80: {  	[tilespmem:s17], [sflag:$0x2] =	stream.linear.gather [hbm4b:s28+s5], $0x1900, $0x38;
	[tilespmem:$0x1F720] =	vst v63  }
0x81: {  	_ =	swait.ge [sflag:s18], $0x1900  }
0x82: {  	[sflag:s18] =	ssyncset.done $0x0  }
0x83: {  	[sflag:s18] =	ssyncadd.s32 $0xFFFFE700  }
0x84: {  	_ =	swait.ge [sflag:s19], $0xC8  }
0x85: {  	[sflag:s19] =	ssyncset.done $0x0  }
0x86: {  	[sflag:s19] =	ssyncadd.s32 $0xFFFFFF38  }
0x87: {  	_ =	swait.ge [sflag:s19], $0xC8  }
0x88: {  	[sflag:s19] =	ssyncset.done $0x0  }
0x89: {  	[sflag:s19] =	ssyncadd.s32 $0xFFFFFF38  }
0x8a: {  	_ =	swait.ge [sflag:s19], $0x1900  }
0x8b: {  	[sflag:s19] =	ssyncset.done $0x0  }
0x8c: {  	s28 =	simm.s32 $0x1D0;
	[sflag:s19] =	ssyncadd.s32 $0xFFFFE700  }
0x8d: {  	[tilespmem:s20], [sflag:$0x4] =	stream.indirect.gather [hbm4b:s9+s6], $0x20, s15, s6, $0xb8;
	[tilespmem:$0x1F720] =	vst v63  }
0x8e: {  	s29 =	simm.s32 $0x1AD0;
	v1 =	vld [tilespmem:s28+$0x20]  }
0x8f: {  	v2 =	vld [tilespmem:s29+$0x20]  }
0x90: {  	v3 =	vld [tilespmem:s28+$0xFFFFFFE0]  }
0x91: {  	v4 =	vld [tilespmem:s29+$0xFFFFFFE0]  }
0x92: {  	v5 =	vld [tilespmem:s28+$0x0]  }
0x93: {  	v6 =	vld [tilespmem:s29+$0x0]  }
0x94: {  	v7 =	vld [tilespmem:s29+$0xFFFFFFC0];
	v1 =	vmul.f32 v2, v1  }
0x95: {  	v8 =	vld [tilespmem:s28+$0xFFFFFFC0]  }
0x96: {  	v9 =	vld [tilespmem:s28+$0x30];
	[tilespmem:s28+$0x20] =	vst v1  }
0x97: {  	v2 =	vmul.f32 v4, v3;
	v10 =	vld [tilespmem:s29+$0x30]  }
0x98: {  	v1 =	vld [tilespmem:s28+$0xFFFFFFD0]  }
0x99: {  	v3 =	vmul.f32 v6, v5;
	[tilespmem:s28+$0xFFFFFFE0] =	vst v2;
	v2 =	vld [tilespmem:s28+$0xFFFFFFF0]  }
0x9a: {  	v5 =	vmul.f32 v7, v8;
	v4 =	vld [tilespmem:s29+$0xFFFFFFF0]  }
0x9b: {  	[tilespmem:s28+$0x0] =	vst v3;
	v3 =	vld [tilespmem:s28+$0x10]  }
0x9c: {  	[tilespmem:s28+$0xFFFFFFC0] =	vst v5;
	v5 =	vld [tilespmem:s29+$0x10];
	v7 =	vmul.f32 v10, v9  }
0x9d: {  	s31 =	simm.s32 $0x250;
	s30 =	simm.s32 $0x0;
	v6 =	vld [tilespmem:s29+$0xFFFFFFD0]  }
.LBB2_5:
0x9e: {  	v8 =	vld [tilespmem:s31+$0x20];
	[tilespmem:s28+$0x30] =	vst v7;
	s29 =	sadd.s32 $0x80, s29  }
0x9f: {  	s30 =	sadd.s32 $0x4, s30;
	v7 =	vld [tilespmem:s29+$0x20];
	v2 =	vmul.f32 v4, v2  }
0xa0: {  	p0 =	slt.u32 s30, $0xC4;
	v4 =	vld [tilespmem:s29+$0xFFFFFFC0]  }
0xa1: {  	v9 =	vld [tilespmem:s31+$0xFFFFFFE0];
	[tilespmem:s28+$0xFFFFFFF0] =	vst v2;
	v2 =	vmul.f32 v5, v3  }
0xa2: {  	v3 =	vld [tilespmem:s29+$0xFFFFFFE0];
	v1 =	vmul.f32 v6, v1  }
0xa3: {  	v5 =	vld [tilespmem:s31+$0x0];
	[tilespmem:s28+$0x10] =	vst v2  }
0xa4: {  	v6 =	vld [tilespmem:s29+$0x0];
	v2 =	vmul.f32 v7, v8;
	[tilespmem:s28+$0xFFFFFFD0] =	vst v1;
	s28 =	smov.u32 s31  }
0xa5: {  	v7 =	vld [tilespmem:s31+$0xFFFFFFC0]  }
0xa6: {  	[tilespmem:s31+$0x20] =	vst v2;
	v8 =	vld [tilespmem:s31+$0x30]  }
0xa7: {  	v2 =	vmul.f32 v3, v9;
	v9 =	vld [tilespmem:s29+$0x30]  }
0xa8: {  	v1 =	vld [tilespmem:s31+$0xFFFFFFD0]  }
.Ltmp1:
0xa9: {  	[tilespmem:s31+$0xFFFFFFE0] =	vst v2;
	v2 =	vld [tilespmem:s31+$0xFFFFFFF0];
	v3 =	vmul.f32 v6, v5;
	(pc) =	sbr.rel @p0 .LBB2_5-.Ltmp1, $4  }
0xaa: {  	v5 =	vmul.f32 v4, v7;
	v4 =	vld [tilespmem:s29+$0xFFFFFFF0]  }
0xab: {  	[tilespmem:s31+$0x0] =	vst v3;
	v3 =	vld [tilespmem:s31+$0x10]  }
0xac: {  	[tilespmem:s31+$0xFFFFFFC0] =	vst v5;
	v5 =	vld [tilespmem:s29+$0x10];
	v7 =	vmul.f32 v9, v8  }
0xad: {  	s31 =	sadd.s32 $0x80, s31;
	v6 =	vld [tilespmem:s29+$0xFFFFFFD0]  }
0xae: {  	_ =	sdelay $0x1  }
0xaf: {  	v2 =	vmul.f32 v4, v2  }
0xb0: {  	[tilespmem:s28+$0x30] =	vst v7;
	v3 =	vmul.f32 v5, v3  }
0xb1: {  	[tilespmem:s28+$0xFFFFFFF0] =	vst v2;
	v1 =	vmul.f32 v6, v1  }
0xb2: {  	p0 =	sne.s32 s25, $0x7C;
	[tilespmem:s28+$0x10] =	vst v3  }
.Ltmp2:
0xb3: {  	[tilespmem:s28+$0xFFFFFFD0] =	vst v1;
	(pc) =	sbr.rel @!p0 .LBB2_7-.Ltmp2, $4  }
0xb4: {  	[spmem:s3] =	stream.indirect.scatter.add.f32 [tilespmem:s0], [sflag:$0x6], $0x20, s6, s6, $0xb8;
	[tilespmem:$0x1F720] =	vst v63  }
0xb5: {  	_ =	swait.ge [sflag:s21], $0x1900  }
0xb6: {  	[sflag:s21] =	ssyncset.done $0x0  }
0xb7: {  	[sflag:s21] =	ssyncadd.s32 $0xFFFFE700  }
0xb8: {  	s26 =	sadd.s32 s26, s11  }
0xb9: {  	s28 =	sshrl.u32 s26, $0x3  }
0xba: {  	s29 =	sadd.s32 s1, s28  }
0xbb: {  	[tilespmem:s5], [sflag:$0x1] =	stream.linear.gather [hbm4b:s29+s5], $0xC8, $0x38;
	[tilespmem:$0x1F720] =	vst v63  }
0xbc: {  	s26 =	sshll.u32 s26, $0x2;
	s28 =	sadd.s32 s2, s28  }
0xbd: {  	[tilespmem:s6], [sflag:$0x1] =	stream.linear.gather [hbm4b:s28+s5], $0xC8, $0x38;
	[tilespmem:$0x1F720] =	vst v63  }
0xbe: {  	s26 =	sadd.s32 s8, s26  }
0xbf: {  	[tilespmem:s7], [sflag:$0x1] =	stream.linear.gather [hbm4b:s26+s5], $0x1900, $0x38;
	[tilespmem:$0x1F720] =	vst v63  }
0xc0: {  	_ =	swait.ge [sflag:s22], $0x1900  }
0xc1: {  	[sflag:s22] =	ssyncset.done $0x0  }
0xc2: {  	[sflag:s22] =	ssyncadd.s32 $0xFFFFE700  }
0xc3: {  	_ =	swait.ge [sflag:s13], $0xC8  }
0xc4: {  	[sflag:s13] =	ssyncset.done $0x0  }
0xc5: {  	[sflag:s13] =	ssyncadd.s32 $0xFFFFFF38  }
0xc6: {  	_ =	swait.ge [sflag:s13], $0xC8  }
0xc7: {  	[sflag:s13] =	ssyncset.done $0x0  }
0xc8: {  	[sflag:s13] =	ssyncadd.s32 $0xFFFFFF38  }
0xc9: {  	_ =	swait.ge [sflag:s13], $0x1900  }
0xca: {  	[sflag:s13] =	ssyncset.done $0x0  }
0xcb: {  	s26 =	simm.s32 $0x3560;
	[sflag:s13] =	ssyncadd.s32 $0xFFFFE700  }
0xcc: {  	[tilespmem:s0], [sflag:$0x3] =	stream.indirect.gather [hbm4b:s9+s6], $0x20, s5, s6, $0xb8;
	[tilespmem:$0x1F720] =	vst v63  }
0xcd: {  	s28 =	simm.s32 $0x4E60;
	v1 =	vld [tilespmem:s26+$0x20]  }
0xce: {  	v2 =	vld [tilespmem:s28+$0x20]  }
0xcf: {  	v3 =	vld [tilespmem:s26+$0xFFFFFFE0]  }
0xd0: {  	v4 =	vld [tilespmem:s28+$0xFFFFFFE0]  }
0xd1: {  	v5 =	vld [tilespmem:s26+$0x0]  }
0xd2: {  	v6 =	vld [tilespmem:s28+$0x0]  }
0xd3: {  	v7 =	vld [tilespmem:s28+$0xFFFFFFC0];
	v1 =	vmul.f32 v2, v1  }
0xd4: {  	v8 =	vld [tilespmem:s26+$0xFFFFFFC0]  }
0xd5: {  	v9 =	vld [tilespmem:s26+$0x30];
	[tilespmem:s26+$0x20] =	vst v1  }
0xd6: {  	v2 =	vmul.f32 v4, v3;
	v10 =	vld [tilespmem:s28+$0x30]  }
0xd7: {  	v1 =	vld [tilespmem:s26+$0xFFFFFFD0]  }
0xd8: {  	v3 =	vmul.f32 v6, v5;
	[tilespmem:s26+$0xFFFFFFE0] =	vst v2;
	v2 =	vld [tilespmem:s26+$0xFFFFFFF0]  }
0xd9: {  	v5 =	vmul.f32 v7, v8;
	v4 =	vld [tilespmem:s28+$0xFFFFFFF0]  }
0xda: {  	[tilespmem:s26+$0x0] =	vst v3;
	v3 =	vld [tilespmem:s26+$0x10]  }
0xdb: {  	[tilespmem:s26+$0xFFFFFFC0] =	vst v5;
	v5 =	vld [tilespmem:s28+$0x10];
	v7 =	vmul.f32 v10, v9  }
0xdc: {  	s30 =	simm.s32 $0x35E0;
	s29 =	simm.s32 $0x0;
	v6 =	vld [tilespmem:s28+$0xFFFFFFD0]  }
.LBB2_14:
0xdd: {  	v8 =	vld [tilespmem:s30+$0x20];
	[tilespmem:s26+$0x30] =	vst v7;
	s28 =	sadd.s32 $0x80, s28  }
0xde: {  	s29 =	sadd.s32 $0x4, s29;
	v7 =	vld [tilespmem:s28+$0x20];
	v2 =	vmul.f32 v4, v2  }
0xdf: {  	p0 =	slt.u32 s29, $0xC4;
	v4 =	vld [tilespmem:s28+$0xFFFFFFC0]  }
0xe0: {  	v9 =	vld [tilespmem:s30+$0xFFFFFFE0];
	[tilespmem:s26+$0xFFFFFFF0] =	vst v2;
	v2 =	vmul.f32 v5, v3  }
0xe1: {  	v3 =	vld [tilespmem:s28+$0xFFFFFFE0];
	v1 =	vmul.f32 v6, v1  }
0xe2: {  	v5 =	vld [tilespmem:s30+$0x0];
	[tilespmem:s26+$0x10] =	vst v2  }
0xe3: {  	v6 =	vld [tilespmem:s28+$0x0];
	v2 =	vmul.f32 v7, v8;
	[tilespmem:s26+$0xFFFFFFD0] =	vst v1;
	s26 =	smov.u32 s30  }
0xe4: {  	v7 =	vld [tilespmem:s30+$0xFFFFFFC0]  }
0xe5: {  	[tilespmem:s30+$0x20] =	vst v2;
	v8 =	vld [tilespmem:s30+$0x30]  }
0xe6: {  	v2 =	vmul.f32 v3, v9;
	v9 =	vld [tilespmem:s28+$0x30]  }
0xe7: {  	v1 =	vld [tilespmem:s30+$0xFFFFFFD0]  }
.Ltmp3:
0xe8: {  	[tilespmem:s30+$0xFFFFFFE0] =	vst v2;
	v2 =	vld [tilespmem:s30+$0xFFFFFFF0];
	v3 =	vmul.f32 v6, v5;
	(pc) =	sbr.rel @p0 .LBB2_14-.Ltmp3, $4  }
0xe9: {  	v5 =	vmul.f32 v4, v7;
	v4 =	vld [tilespmem:s28+$0xFFFFFFF0]  }
0xea: {  	[tilespmem:s30+$0x0] =	vst v3;
	v3 =	vld [tilespmem:s30+$0x10]  }
0xeb: {  	[tilespmem:s30+$0xFFFFFFC0] =	vst v5;
	v5 =	vld [tilespmem:s28+$0x10];
	v7 =	vmul.f32 v9, v8  }
0xec: {  	s30 =	sadd.s32 $0x80, s30;
	v6 =	vld [tilespmem:s28+$0xFFFFFFD0]  }
0xed: {  	_ =	sdelay $0x1  }
0xee: {  	v2 =	vmul.f32 v4, v2  }
0xef: {  	[tilespmem:s26+$0x30] =	vst v7;
	v3 =	vmul.f32 v5, v3  }
0xf0: {  	[tilespmem:s26+$0xFFFFFFF0] =	vst v2;
	v1 =	vmul.f32 v6, v1  }
0xf1: {  	[tilespmem:s26+$0x10] =	vst v3  }
.Ltmp4:
0xf2: {  	[tilespmem:s26+$0xFFFFFFD0] =	vst v1;
	(pc) =	sbr.rel .LBB2_4-.Ltmp4, $4  }
0xf3: {  	[spmem:s3] =	stream.indirect.scatter.add.f32 [tilespmem:s20], [sflag:$0x6], $0x20, s16, s6, $0xb8;
	[tilespmem:$0x1F720] =	vst v63  }
0xf4: {  	_ =	swait.ge [sflag:s21], $0x1900  }
0xf5: {  	[sflag:s21] =	ssyncset.done $0x0  }
0xf6: {  	s25 =	sadd.s32 $0x1, s25;
	[sflag:s21] =	ssyncadd.s32 $0xFFFFE700  }
.LBB2_7:
0xf7: {  	_ =	swait.ge [sflag:s22], $0x1900  }
0xf8: {  	[sflag:s22] =	ssyncset.done $0x0  }
0xf9: {  	s25 =	simm.s32 $0x3560;
	[sflag:s22] =	ssyncadd.s32 $0xFFFFE700  }
0xfa: {  	s26 =	simm.s32 $0x4E60;
	v1 =	vld [tilespmem:s25+$0x20]  }
0xfb: {  	v2 =	vld [tilespmem:s26+$0x20]  }
0xfc: {  	v3 =	vld [tilespmem:s25+$0xFFFFFFE0]  }
0xfd: {  	v4 =	vld [tilespmem:s26+$0xFFFFFFE0]  }
0xfe: {  	v5 =	vld [tilespmem:s25+$0x0]  }
0xff: {  	v6 =	vld [tilespmem:s26+$0x0]  }
0x100: {  	v7 =	vld [tilespmem:s26+$0xFFFFFFC0];
	v1 =	vmul.f32 v2, v1  }
0x101: {  	v8 =	vld [tilespmem:s25+$0xFFFFFFC0]  }
0x102: {  	v9 =	vld [tilespmem:s25+$0x30];
	[tilespmem:s25+$0x20] =	vst v1  }
0x103: {  	v2 =	vmul.f32 v4, v3;
	v10 =	vld [tilespmem:s26+$0x30]  }
0x104: {  	v1 =	vld [tilespmem:s25+$0xFFFFFFD0]  }
0x105: {  	v3 =	vmul.f32 v6, v5;
	[tilespmem:s25+$0xFFFFFFE0] =	vst v2;
	v2 =	vld [tilespmem:s25+$0xFFFFFFF0]  }
0x106: {  	v5 =	vmul.f32 v7, v8;
	v4 =	vld [tilespmem:s26+$0xFFFFFFF0]  }
0x107: {  	[tilespmem:s25+$0x0] =	vst v3;
	v3 =	vld [tilespmem:s25+$0x10]  }
0x108: {  	[tilespmem:s25+$0xFFFFFFC0] =	vst v5;
	v5 =	vld [tilespmem:s26+$0x10];
	v7 =	vmul.f32 v10, v9  }
0x109: {  	s28 =	simm.s32 $0x0;
	s29 =	simm.s32 $0x35E0;
	v6 =	vld [tilespmem:s26+$0xFFFFFFD0]  }
.LBB2_8:
0x10a: {  	v8 =	vld [tilespmem:s29+$0x20];
	[tilespmem:s25+$0x30] =	vst v7;
	s26 =	sadd.s32 $0x80, s26  }
0x10b: {  	s28 =	sadd.s32 $0x4, s28;
	v7 =	vld [tilespmem:s26+$0x20];
	v2 =	vmul.f32 v4, v2  }
0x10c: {  	p0 =	slt.u32 s28, $0xC4;
	v4 =	vld [tilespmem:s26+$0xFFFFFFC0]  }
0x10d: {  	v9 =	vld [tilespmem:s29+$0xFFFFFFE0];
	[tilespmem:s25+$0xFFFFFFF0] =	vst v2;
	v2 =	vmul.f32 v5, v3  }
0x10e: {  	v3 =	vld [tilespmem:s26+$0xFFFFFFE0];
	v1 =	vmul.f32 v6, v1  }
0x10f: {  	v5 =	vld [tilespmem:s29+$0x0];
	[tilespmem:s25+$0x10] =	vst v2  }
0x110: {  	v6 =	vld [tilespmem:s26+$0x0];
	v2 =	vmul.f32 v7, v8;
	[tilespmem:s25+$0xFFFFFFD0] =	vst v1;
	s25 =	smov.u32 s29  }
0x111: {  	v7 =	vld [tilespmem:s29+$0xFFFFFFC0]  }
0x112: {  	[tilespmem:s29+$0x20] =	vst v2;
	v8 =	vld [tilespmem:s29+$0x30]  }
0x113: {  	v2 =	vmul.f32 v3, v9;
	v9 =	vld [tilespmem:s26+$0x30]  }
0x114: {  	v1 =	vld [tilespmem:s29+$0xFFFFFFD0]  }
.Ltmp5:
0x115: {  	[tilespmem:s29+$0xFFFFFFE0] =	vst v2;
	v2 =	vld [tilespmem:s29+$0xFFFFFFF0];
	v3 =	vmul.f32 v6, v5;
	(pc) =	sbr.rel @p0 .LBB2_8-.Ltmp5, $4  }
0x116: {  	v5 =	vmul.f32 v4, v7;
	v4 =	vld [tilespmem:s26+$0xFFFFFFF0]  }
0x117: {  	[tilespmem:s29+$0x0] =	vst v3;
	v3 =	vld [tilespmem:s29+$0x10]  }
0x118: {  	[tilespmem:s29+$0xFFFFFFC0] =	vst v5;
	v5 =	vld [tilespmem:s26+$0x10];
	v7 =	vmul.f32 v9, v8  }
0x119: {  	s29 =	sadd.s32 $0x80, s29;
	v6 =	vld [tilespmem:s26+$0xFFFFFFD0]  }
0x11a: {  	_ =	sdelay $0x1  }
0x11b: {  	v2 =	vmul.f32 v4, v2  }
0x11c: {  	[tilespmem:s25+$0x30] =	vst v7;
	v3 =	vmul.f32 v5, v3  }
0x11d: {  	[tilespmem:s25+$0xFFFFFFF0] =	vst v2;
	v1 =	vmul.f32 v6, v1  }
0x11e: {  	[tilespmem:s25+$0x10] =	vst v3  }
0x11f: {  	[tilespmem:s25+$0xFFFFFFD0] =	vst v1  }
0x120: {  	[spmem:s3] =	stream.indirect.scatter.add.f32 [tilespmem:s20], [sflag:$0x5], $0x20, s16, s6, $0xb8;
	[tilespmem:$0x1F720] =	vst v63  }
0x121: {  	_ =	swait.ge [sflag:s4], $0x1900  }
0x122: {  	s31 =	stileid.u32;
	[sflag:s4] =	ssyncset.done $0x0  }
0x123: {  	s26 =	sadd.s32 $0x0, s23;
	s25 =	sshll.u32 s31, $0x6;
	[sflag:s4] =	ssyncadd.s32 $0xFFFFE700  }
0x124: {  	s28 =	sshrl.u32 s12, $0x3;
	s25 =	sor.u32 $0x1C05, s25;
	[bflag:$0x0] =	sbarrier.arrive $0xFFFF  }
0x125: {  	[hbm:s26], [sflag:s25] =	dma.local [spmem:s28], $0x320  }
0x126: {  	s26 =	simm.s32 $0x320;
	s28 =	smov.u32 s14;
	_ =	swait.ge [sflag:s4], $0x320  }
.LBB2_10:
0x127: {  	s29 =	sadd.s32 s26, s23;
	[sflag:s4] =	ssyncset.done $0x0;
	p0 =	sne.s32 s26, $0x2EE0  }
.Ltmp6:
0x128: {  	s30 =	sshrl.u32 s28, $0x3;
	[sflag:s4] =	ssyncadd.s32 $0xFFFFFCE0;
	(pc) =	sbr.rel @p0 .LBB2_10-.Ltmp6, $3  }
0x129: {  	[hbm:s29], [sflag:s25] =	dma.local [spmem:s30], $0x320  }
0x12a: {  	s26 =	sadd.s32 $0x320, s26;
	_ =	sdelay $0x1  }
0x12b: {  	s28 =	sadd.s32 $0x1900, s28;
	_ =	swait.ge [sflag:s4], $0x320  }
0x12c: {  	s24 =	sadd.s32 $0x1, s24;
	s25 =	rddreg [dreg:$0x7]  }
0x12d: {  	p0 =	sne.s32 s24, s25  }
.Ltmp7:
0x12e: {  	_ = 	snop;
	(pc) =	sbr.rel @p0 .LBB2_1-.Ltmp7, $3  }
0x12f: {  	_ =	sdelay $0x1  }
0x130: {  	[sflag:s4] =	ssyncset.done $0x0  }
0x131: {  	[sflag:s4] =	ssyncadd.s32 $0xFFFFFCE0  }
0x132: {  	_ =	sfence.sel $0x180000  }
0x133: {  	[bflag:$0x0] =	sbarrier.arrive $0xFFFF  }
0x134: {  	_ =	strace $0x90000047  }
0x135: {  	s0 =	stileid.u32;
	[bflag:$0x2] =	sbarrier.arrive $0xFFFF  }
0x136: {  	p0 =	sne.s32 s0, $0x0;
	s0 =	rddreg [dreg:$0x4]  }
0x137: {  	s0 =	sadd.s32 @!p0 $0x100000, s0  }
0x138: {  	[sflag:s0] =	ssyncadd.tile.s32 @!p0 $0x1;
	_ =	shalt  }
.Lfunc_end2:
_tile_overlayer_lowered:
.L_overlay_start_2:
0x139: {  	(tag) =	ssettag $0x2  }
0x13a: {  	s0 =	rddreg [dreg:$0x0];
	s2 =	stileid.u32  }
0x13b: {  	s1 =	rddreg [dreg:$0x1];
	p0 =	sne.s32 s2, $0x0  }
0x13c: {  	s3 =	rddreg [dreg:$0x2];
	[bflag:$0x3] =	sbarrier.arrive $0xFFFF;
	s2 =	simm.s32 @!p0 $0x1C05  }
0x13d: {  	[timem:s3], [sflag:s2] =	dma.local @!p0 [hbm:s0], s1  }
0x13e: {  	s0 =	simm.s32 @!p0 $0x5  }
0x13f: {  	_ =	swait.ge @!p0 [sflag:s0], s1  }
0x140: {  	s1 =	ssub.s32 @!p0 $0x0, s1;
	[sflag:s0] =	ssyncset.done @!p0 $0x0  }
0x141: {  	[sflag:s0] =	ssyncadd.s32 @!p0 s1  }
0x142: {  	[bflag:$0x3] =	sbarrier.arrive $0xFFFF  }
0x143: {  	_ =	shalt  }

// kernel: kernel.26.cloned.1.call-start
scs
__scs_entry_jumppad:
0x0: {  	(pc) =	sbr.rel $0x88, $3  }
0x1: {  	(tag) =	ssettag $0x0;
	lr =	simm.s32 $0x1  }
0x2: {  	[smem:$0x3F81] =	sst lr;
	_ =	strace $0xD0000000  }
0x3: {  	_ = 	snop  }
0x4: {  	_ = 	snop  }
0x5: {  	_ = 	snop  }
0x6: {  	_ = 	snop  }
0x7: {  	_ = 	snop  }
__scs_overlays_trampoline_lowered:
0x8: {  	[smem:$0x3F90] =	sst s0  }
0x9: {  	[smem:$0x3F91] =	sst s1  }
0xa: {  	[smem:$0x3F92] =	sst s2  }
0xb: {  	[smem:$0x3F93] =	sst s3  }
0xc: {  	[smem:$0x3F94] =	sst s4  }
0xd: {  	[smem:$0x3F95] =	sst s5  }
0xe: {  	[smem:$0x3F96] =	sst s6  }
0xf: {  	[smem:$0x3F97] =	sst s7  }
0x10: {  	[smem:$0x3F98] =	sst s8  }
0x11: {  	[smem:$0x3F99] =	sst s9;
	s0 =	simm.s32 @!p0 $0x0  }
0x12: {  	s1 =	sld [smem:$0x3F7F];
	s0 =	simm.s32 @p0 $0x1  }
0x13: {  	[smem:$0x3F9A] =	sst s0;
	s0 =	simm.s32 @!p1 $0x0  }
0x14: {  	s2 =	sld [smem:$0x3F7E];
	s0 =	simm.s32 @p1 $0x1  }
0x15: {  	[smem:$0x3F9B] =	sst s0;
	s0 =	simm.s32 @!p2 $0x0  }
0x16: {  	s3 =	sld [smem:$0x3FDB];
	s0 =	simm.s32 @p2 $0x1  }
0x17: {  	s4 =	simm.s32 $0x1BF5;
	[smem:$0x3F9D] =	sst s0  }
0x18: {  	s0 =	sld [smem:$0x3F80];
	_ =	swait.ge [sflag:s4], $0x0  }
0x19: {  	s7 =	sld [smem:$0x3F81]  }
0x1a: {  	s8 =	sadd.s32 $0xFFFFE003, lr  }
0x1b: {  	s9 =	sadd.s32 $0xFFFFFEF7, lr;
	s5 =	simm.s32 $0xFFFFFFFF;
	p2 =	slt.u32 s8, $0xFFFFF086  }
0x1c: {  	p1 =	slt.u32 s9, $0xF7A;
	s5 =	simm.s32 @!p2 $0x0  }
0x1d: {  	s5 =	simm.s32 @p1 $0x1;
	p0 =	seq.s32 s7, s2  }
0x1e: {  	s7 =	smul.u32 @!p0 $0xF7A, s2;
	p2 =	seq.s32 @!p0 s5, $0x0  }
0x1f: {  	s9 =	smul.u32 $0xF7A, s1;
	s8 =	simm.s32 @!p0 $0x1BF5;
	p2 =	por !p2, p0  }
0x20: {  	[sflag:s8] =	ssyncset.s32 @!p0 $0xFFFFF086;
	s6 =	sadd.s32 @!p0 s3, s7;
	s7 =	simm.s32 @!p0 $0x108  }
0x21: {  	s3 =	sadd.s32 s3, s9;
	s6 =	sadd.s32 @!p0 $0x88, s6;
	s7 =	simm.s32 @p2 $0x1082  }
0x22: {  	[simem:s7], [sflag:s8] =	dma.local @!p0 [hbm:s6], $0xF7A  }
0x23: {  	s9 =	sor.u32 $0xD0000000, s2;
	s6 =	simm.s32 $0x108;
	_ =	swait.ge @!p0 [sflag:s8], $0x0  }
0x24: {  	s3 =	sadd.s32 $0x88, s3;
	s6 =	simm.s32 @!p1 $0x1082;
	[sflag:s4] =	ssyncset.s32 $0xFFFFF086  }
0x25: {  	[simem:s6], [sflag:s4] =	dma.local [hbm:s3], $0xF7A  }
0x26: {  	[smem:$0x3F81] =	sst s1;
	(tag) =	ssettag s2;
	_ =	strace s9  }
0x27: {  	s1 =	sld [smem:$0x3F91]  }
0x28: {  	s2 =	sld [smem:$0x3F92]  }
0x29: {  	s4 =	sld [smem:$0x3F94]  }
0x2a: {  	p0 =	seq.s32 s5, $0x0;
	s5 =	sld [smem:$0x3F95]  }
0x2b: {  	s6 =	sld [smem:$0x3F96]  }
0x2c: {  	s7 =	sld [smem:$0x3F97]  }
0x2d: {  	s3 =	simm.s32 $0x108;
	s8 =	sld [smem:$0x3F98]  }
0x2e: {  	s3 =	simm.s32 @!p0 $0x1082;
	s9 =	sld [smem:$0x3F99]  }
0x2f: {  	lr =	sadd.s32 s0, s3;
	s0 =	sld [smem:$0x3F90]  }
0x30: {  	s3 =	sld [smem:$0x3F93]  }
0x31: {  	[smem:$0x3F9C] =	sst s10  }
0x32: {  	s10 =	sld [smem:$0x3F9A];
	_ =	sdelay $0x3  }
0x33: {  	p0 =	seq.s32 s10, $0x1;
	s10 =	sld [smem:$0x3F9C];
	_ =	sdelay $0x3  }
0x34: {  	[smem:$0x3F9C] =	sst s10  }
0x35: {  	s10 =	sld [smem:$0x3F9B];
	_ =	sdelay $0x3  }
0x36: {  	p1 =	seq.s32 s10, $0x1;
	s10 =	sld [smem:$0x3F9C];
	_ =	sdelay $0x3  }
0x37: {  	[smem:$0x3F9C] =	sst s10  }
0x38: {  	s10 =	sld [smem:$0x3F9D]  }
0x39: {  	_ = 	snop;
	(pc) =	sbr.ind lr, $3  }
0x3a: {  	_ = 	snop  }
0x3b: {  	_ = 	snop  }
0x3c: {  	p2 =	seq.s32 s10, $0x1;
	s10 =	sld [smem:$0x3F9C]  }
0x3d: {  	_ =	shalt  }
0x3e: {  	_ =	shalt  }
0x3f: {  	_ =	shalt  }
0x40: {  	_ =	shalt  }
0x41: {  	_ =	shalt  }
0x42: {  	_ =	shalt  }
0x43: {  	_ =	shalt  }
0x44: {  	_ =	shalt  }
0x45: {  	_ =	shalt  }
0x46: {  	_ =	shalt  }
0x47: {  	_ =	shalt  }
0x48: {  	_ =	shalt  }
0x49: {  	_ =	shalt  }
0x4a: {  	_ =	shalt  }
0x4b: {  	_ =	shalt  }
0x4c: {  	_ =	shalt  }
0x4d: {  	_ =	shalt  }
0x4e: {  	_ =	shalt  }
0x4f: {  	_ =	shalt  }
0x50: {  	_ =	shalt  }
0x51: {  	_ =	shalt  }
0x52: {  	_ =	shalt  }
0x53: {  	_ =	shalt  }
0x54: {  	_ =	shalt  }
0x55: {  	_ =	shalt  }
0x56: {  	_ =	shalt  }
0x57: {  	_ =	shalt  }
0x58: {  	_ =	shalt  }
0x59: {  	_ =	shalt  }
0x5a: {  	_ =	shalt  }
0x5b: {  	_ =	shalt  }
0x5c: {  	_ =	shalt  }
0x5d: {  	_ =	shalt  }
0x5e: {  	_ =	shalt  }
0x5f: {  	_ =	shalt  }
0x60: {  	_ =	shalt  }
0x61: {  	_ =	shalt  }
0x62: {  	_ =	shalt  }
0x63: {  	_ =	shalt  }
0x64: {  	_ =	shalt  }
0x65: {  	_ =	shalt  }
0x66: {  	_ =	shalt  }
0x67: {  	_ =	shalt  }
0x68: {  	_ =	shalt  }
0x69: {  	_ =	shalt  }
0x6a: {  	_ =	shalt  }
0x6b: {  	_ =	shalt  }
0x6c: {  	_ =	shalt  }
0x6d: {  	_ =	shalt  }
0x6e: {  	_ =	shalt  }
0x6f: {  	_ =	shalt  }
0x70: {  	_ =	shalt  }
0x71: {  	_ =	shalt  }
0x72: {  	_ =	shalt  }
0x73: {  	_ =	shalt  }
0x74: {  	_ =	shalt  }
0x75: {  	_ =	shalt  }
0x76: {  	_ =	shalt  }
0x77: {  	_ =	shalt  }
0x78: {  	_ =	shalt  }
0x79: {  	_ =	shalt  }
0x7a: {  	_ =	shalt  }
0x7b: {  	_ =	shalt  }
0x7c: {  	_ =	shalt  }
0x7d: {  	_ =	shalt  }
0x7e: {  	_ =	shalt  }
0x7f: {  	_ =	shalt  }
0x80: {  	_ =	shalt  }
0x81: {  	_ =	shalt  }
0x82: {  	_ =	shalt  }
0x83: {  	_ =	shalt  }
0x84: {  	_ =	shalt  }
0x85: {  	_ =	shalt  }
0x86: {  	_ =	shalt  }
0x87: {  	_ =	shalt  }
.Lfunc_end0:
.L_simem_size_0:
called_computation.1_lowered:
.L_overlay_start_0:
0x88: {  	s2 =	sld [smem:$0x3FD9]  }
0x89: {  	s3 =	sld [smem:$0x3FFE];
	_ =	sdelay $0x1  }
0x8a: {  	s1 =	srdreg.scid  }
0x8b: {  	s0 =	sand.u32 $0x1, s1  }
0x8c: {  	s17 =	sshll.u32 s0, $0xA;
	s2 =	sadd.s32 s3, s2  }
0x8d: {  	s2 =	sadd.s32 s2, s17  }
0x8e: {  	[smem:$0x3FA8] =	sst s2  }
0x8f: {  	_ = 	snop  }
0x90: {  	s2 =	sld [smem:$0x3FC7]  }
0x91: {  	s18 =	sld [smem:$0x3FC6];
	(tm) =	ssettm $0x1  }
0x92: {  	s4 =	sld [smem:$0x3FFB];
	_ =	sdelay $0x3  }
0x93: {  	_ =	strace s4  }
0x94: {  	s4 =	sld [smem:$0x3FFC];
	_ =	sdelay $0x3  }
0x95: {  	_ =	strace s4  }
0x96: {  	s4 =	sld [smem:$0x3FFD];
	_ =	sdelay $0x3  }
0x97: {  	_ =	strace s4  }
0x98: {  	_ =	strace $0x8FFFFFFF  }
0x99: {  	s19 =	sld [smem:$0x3FDB];
	_ =	sdelay $0x1  }
0x9a: {  	s5 =	simm.s32 $_scs_section_size  }
0x9b: {  	s6 =	simm.s32 $_size__tile_overlayer_lowered;
	s7 =	simm.s32 $_tile_overlayer_lowered  }
0x9c: {  	s22 =	simm.s32 $0x1BFF;
	s21 =	sshll.u32 s7, $0x1;
	s4 =	sadd.s32 s5, s19  }
0x9d: {  	s8 =	simm.s32 $0x0;
	s20 =	sshll.u32 s6, $0x1;
	s6 =	sadd.s32 s21, s4  }
0x9e: {  	[timem:s8], [sflag:s22] =	dma.local [hbm:s6], s20  }
0x9f: {  	_ =	swait.ge [sflag:s22], s20  }
0xa0: {  	s5 =	ssub.s32 $0x0, s20;
	[sflag:s22] =	ssyncset.done $0x0  }
0xa1: {  	[sflag:s22] =	ssyncadd.s32 s5;
	_ =	sdelay $0x1  }
0xa2: {  	s23 =	simm.s32 $0x1B8B  }
0xa3: {  	_ =	swait.ge [sflag:s23], $0x1  }
0xa4: {  	[sflag:s23] =	ssyncset.done $0x0  }
0xa5: {  	s25 =	simm.s32 $0x1B8E;
	s24 =	sld [smem:$0x3FFE];
	[sflag:s23] =	ssyncadd.s32 $0xFFFFFFFF  }
0xa6: {  	s26 =	simm.s32 $execute0_lowered;
	[smem:$0x3FD2] =	sst s25  }
0xa7: {  	s6 =	sshll.u32 s26, $0x1;
	_ =	strace $0x80000049;
	[dreg:$0x1] =	wrdreg $0xFFFFFFFF  }
0xa8: {  	s28 =	simm.s32 $_size_execute0_lowered;
	s4 =	sadd.s32 s4, s6;
	[dreg:$0x0] =	wrdreg $0x0  }
0xa9: {  	s6 =	sshll.u32 s28, $0x1;
	[dreg:$0x2] =	wrdreg s4  }
0xaa: {  	[dreg:$0x3] =	wrdreg s6  }
0xab: {  	[dreg:$0x4] =	wrdreg $0xC0  }
0xac: {  	_ =	task [dreg:s8], $0x5FFFF  }
0xad: {  	[dreg:$0x1] =	wrdreg $0xFFFFFFFF  }
0xae: {  	[dreg:$0x0] =	wrdreg $0x60  }
0xaf: {  	[dreg:$0x2] =	wrdreg s24  }
0xb0: {  	[dreg:$0x3] =	wrdreg s2  }
0xb1: {  	[dreg:$0x4] =	wrdreg s18  }
0xb2: {  	[dreg:$0x5] =	wrdreg $0x67200  }
0xb3: {  	[dreg:$0x6] =	wrdreg $0x9  }
0xb4: {  	_ =	task.clear_ibuf [dreg:s8], $0x7FFFF;
	_ =	strace $0x90000049  }
0xb5: {  	s29 =	simm.s32 $0x9;
	_ =	strace $0x8000004B  }
0xb6: {  	_ =	swait.ge [sflag:s29], $0x1  }
0xb7: {  	[sflag:s29] =	ssyncadd.s32 $0xFFFFFFFF  }
0xb8: {  	_ =	strace $0x9000004B  }
0xb9: {  	_ =	sfence  }
0xba: {  	s30 =	sld [smem:$0x0];
	_ =	sdelay $0x2  }
0xbb: {  	s31 =	sshll.u32 s1, $0xD;
	s1 =	sshrl.u32 s1, $0x2  }
0xbc: {  	s3 =	sand.u32 $0x4000, s31;
	s1 =	sadd.s32 s1, s30  }
0xbd: {  	s0 =	sor.u32 s3, s0;
	s1 =	sshll.u32 s1, $0x11  }
0xbe: {  	s0 =	sor.u32 s1, s0  }
0xbf: {  	s0 =	sadd.s32 $0x8F2B, s0  }
0xc0: {  	[sflag:s0] =	ssyncadd.remote.s32 $0x1  }
0xc1: {  	_ =	sfence.sel $0xFFFF  }
0xc2: {  	[dreg:$0x0] =	wrdreg $0xFFFFFFFF;
	(pc) =	sbr.abs _section_cstart, $3  }
0xc3: {  	[dreg:$0x1] =	wrdreg $0xFFFFFFFF  }
0xc4: {  	_ =	task.clear_ibuf [dreg:s8], $0x2FFFF;
	_ =	strace $0x9FFFFFFF  }
0xc5: {  	(tm) =	ssettm $0x7FFFFFFF  }
tec
execute0_lowered:
.L_overlay_start_1:
0x0: {  	(tag) =	ssettag $0x1  }
0x1: {  	s0 =	rddreg [dreg:$0x0]  }
0x2: {  	s1 =	rddreg [dreg:$0x1]  }
0x3: {  	s2 =	rddreg [dreg:$0x2]  }
0x4: {  	s4 =	srdreg.scid;
	s13 =	stileid.u32  }
0x5: {  	s3 =	rddreg [dreg:$0x3];
	s11 =	smul.u32 $0xC350, s13  }
0x6: {  	s5 =	simm.s32 $0x0;
	s4 =	sand.u32 $0x1, s4;
	s14 =	smul.u32 $0x64000, s13  }
0x7: {  	[smem:$0x7FF] =	sst s5;
	s6 =	smul.u32 $0x30D400, s4  }
0x8: {  	s7 =	smul.u32 $0x32000, s4;
	_ =	strace $0x8000004A;
	s4 =	ssub.s32 $0x2, s4  }
0x9: {  	s10 =	sshrl.u32 s4, $0x1;
	s8 =	sshrl.u32 s11, $0x3;
	s6 =	sadd.s32 s6, s0  }
0xa: {  	s0 =	sadd.s32 s7, s0;
	s4 =	ssub.s32 s4, s10;
	s12 =	sadd.s32 s1, s8  }
0xb: {  	s8 =	sadd.s32 s2, s8;
	s7 =	sshrl.u32 s14, $0x2;
	[dreg:$0x5] =	wrdreg s12  }
0xc: {  	[dreg:$0x6] =	wrdreg s8;
	s12 =	sadd.s32 s7, s3;
	s4 =	smax.u32 s4, $0x1  }
0xd: {  	[dreg:$0x7] =	wrdreg s4;
	s16 =	sadd.s32 $0x3200, s12  }
0xe: {  	s17 =	sadd.s32 $0x4B00, s12;
	[dreg:$0x8] =	wrdreg s16  }
0xf: {  	s18 =	sadd.s32 $0x6400, s12;
	[dreg:$0x9] =	wrdreg s17  }
0x10: {  	s15 =	smul.u32 $0x30D40, s13;
	s7 =	sadd.s32 $0x7D00, s12;
	[dreg:$0xa] =	wrdreg s18  }
0x11: {  	s19 =	smul.u32 $0x3200, s13;
	s20 =	sadd.s32 $0x9600, s12;
	[dreg:$0xb] =	wrdreg s7  }
0x12: {  	s13 =	simm.s32 $0x1;
	s21 =	sadd.s32 $0xAF00, s12;
	[dreg:$0xc] =	wrdreg s20  }
0x13: {  	s10 =	sadd.s32 $0xC8, s11;
	s22 =	sadd.s32 $0xC800, s12;
	[dreg:$0xd] =	wrdreg s21  }
0x14: {  	s11 =	sadd.s32 $0x190, s11;
	s23 =	sadd.s32 $0xE100, s12;
	[dreg:$0xe] =	wrdreg s22  }
0x15: {  	s8 =	sadd.s32 $0x3BA1200, s6;
	s24 =	sadd.s32 $0xFA00, s12;
	[dreg:$0xf] =	wrdreg s23  }
0x16: {  	s9 =	sadd.s32 $0x7400, s0;
	s25 =	sadd.s32 s15, s8;
	[dreg:$0x10] =	wrdreg s24  }
0x17: {  	s0 =	sadd.s32 $0x6B400, s0;
	s26 =	sadd.s32 $0x11300, s12;
	[dreg:$0x11] =	wrdreg s25  }
0x18: {  	s6 =	simm.s32 $0xC8;
	s28 =	sadd.s32 $0x12C00, s12;
	[dreg:$0x12] =	wrdreg s26  }
0x19: {  	s14 =	sadd.s32 $0x1900, s12;
	s29 =	sadd.s32 $0x14500, s12;
	[dreg:$0x13] =	wrdreg s28  }
0x1a: {  	s30 =	sadd.s32 $0x15E00, s12;
	s31 =	sadd.s32 $0x17700, s12;
	[dreg:$0x14] =	wrdreg s29  }
0x1b: {  	s4 =	simm.s32 $0x5;
	s15 =	simm.s32 $0x3390;
	[dreg:$0x15] =	wrdreg s30  }
0x1c: {  	s23 =	sadd.s32 s0, s19;
	[dreg:$0x16] =	wrdreg s31;
	s0 =	simm.s32 $0x190  }
0x1d: {  	s7 =	simm.s32 $0x1A90;
	s16 =	simm.s32 $0x3458;
	s17 =	simm.s32 $0x4E20  }
0x1e: {  	s18 =	simm.s32 $0x3;
	s19 =	simm.s32 $0x2;
	s20 =	simm.s32 $0x3520  }
0x1f: {  	v0 =	vimm.f32 $0.0e+00;
	s21 =	simm.s32 $0x6;
	s22 =	simm.s32 $0x4;
	s24 =	simm.s32 $0x0  }
.LBB2_1:
0x20: {  	s25 =	simm.s32 $0x80;
	s26 =	simm.s32 $0x0  }
.LBB2_2:
0x21: {  	p0 =	sne.s32 s25, $0x6380;
	[tilespmem:s26+$0x190] =	vst v0;
	s28 =	smov.u32 s25;
	s25 =	sadd.s32 $0x80, s25  }
.Ltmp0:
0x22: {  	[tilespmem:s26+$0x1A0] =	vst v0;
	(pc) =	sbr.rel @p0 .LBB2_2-.Ltmp0, $2  }
0x23: {  	_ =	sdelay $0x2  }
0x24: {  	s26 =	sshra.s32 s28, $0x2  }
0x25: {  	[tilespmem:s26+$0x190] =	vst v0  }
0x26: {  	[tilespmem:s26+$0x1A0] =	vst v0  }
0x27: {  	[spmem:s12] =	stream.linear.scatter [tilespmem:s0], [sflag:$0x5], $0x1900, $0x38;
	[tilespmem:$0x1F720] =	vst v63  }
0x28: {  	_ =	swait.ge [sflag:s4], $0x1900  }
0x29: {  	[sflag:s4] =	ssyncset.done $0x0  }
0x2a: {  	[sflag:s4] =	ssyncadd.s32 $0xFFFFE700  }
0x2b: {  	[spmem:s14] =	stream.linear.scatter [tilespmem:s0], [sflag:$0x5], $0x1900, $0x38;
	[tilespmem:$0x1F720] =	vst v63  }
0x2c: {  	_ =	swait.ge [sflag:s4], $0x1900  }
0x2d: {  	[sflag:s4] =	ssyncset.done $0x0  }
0x2e: {  	s25 =	rddreg [dreg:$0x8];
	[sflag:s4] =	ssyncadd.s32 $0xFFFFE700  }
0x2f: {  	[spmem:s25] =	stream.linear.scatter [tilespmem:s0], [sflag:$0x5], $0x1900, $0x38;
	[tilespmem:$0x1F720] =	vst v63  }
0x30: {  	_ =	swait.ge [sflag:s4], $0x1900  }
0x31: {  	[sflag:s4] =	ssyncset.done $0x0  }
0x32: {  	s31 =	rddreg [dreg:$0x9];
	[sflag:s4] =	ssyncadd.s32 $0xFFFFE700  }
0x33: {  	[spmem:s31] =	stream.linear.scatter [tilespmem:s0], [sflag:$0x5], $0x1900, $0x38;
	[tilespmem:$0x1F720] =	vst v63  }
0x34: {  	_ =	swait.ge [sflag:s4], $0x1900  }
0x35: {  	[sflag:s4] =	ssyncset.done $0x0  }
0x36: {  	s26 =	rddreg [dreg:$0xa];
	[sflag:s4] =	ssyncadd.s32 $0xFFFFE700  }
0x37: {  	[spmem:s26] =	stream.linear.scatter [tilespmem:s0], [sflag:$0x5], $0x1900, $0x38;
	[tilespmem:$0x1F720] =	vst v63  }
0x38: {  	_ =	swait.ge [sflag:s4], $0x1900  }
0x39: {  	[sflag:s4] =	ssyncset.done $0x0  }
0x3a: {  	s28 =	rddreg [dreg:$0xb];
	[sflag:s4] =	ssyncadd.s32 $0xFFFFE700  }
0x3b: {  	[spmem:s28] =	stream.linear.scatter [tilespmem:s0], [sflag:$0x5], $0x1900, $0x38;
	[tilespmem:$0x1F720] =	vst v63  }
0x3c: {  	_ =	swait.ge [sflag:s4], $0x1900  }
0x3d: {  	[sflag:s4] =	ssyncset.done $0x0  }
0x3e: {  	s29 =	rddreg [dreg:$0xc];
	[sflag:s4] =	ssyncadd.s32 $0xFFFFE700  }
0x3f: {  	[spmem:s29] =	stream.linear.scatter [tilespmem:s0], [sflag:$0x5], $0x1900, $0x38;
	[tilespmem:$0x1F720] =	vst v63  }
0x40: {  	_ =	swait.ge [sflag:s4], $0x1900  }
0x41: {  	[sflag:s4] =	ssyncset.done $0x0  }
0x42: {  	s30 =	rddreg [dreg:$0xd];
	[sflag:s4] =	ssyncadd.s32 $0xFFFFE700  }
0x43: {  	[spmem:s30] =	stream.linear.scatter [tilespmem:s0], [sflag:$0x5], $0x1900, $0x38;
	[tilespmem:$0x1F720] =	vst v63  }
0x44: {  	_ =	swait.ge [sflag:s4], $0x1900  }
0x45: {  	[sflag:s4] =	ssyncset.done $0x0  }
0x46: {  	s31 =	rddreg [dreg:$0xe];
	[sflag:s4] =	ssyncadd.s32 $0xFFFFE700  }
0x47: {  	[spmem:s31] =	stream.linear.scatter [tilespmem:s0], [sflag:$0x5], $0x1900, $0x38;
	[tilespmem:$0x1F720] =	vst v63  }
0x48: {  	_ =	swait.ge [sflag:s4], $0x1900  }
0x49: {  	[sflag:s4] =	ssyncset.done $0x0  }
0x4a: {  	s26 =	rddreg [dreg:$0xf];
	[sflag:s4] =	ssyncadd.s32 $0xFFFFE700  }
0x4b: {  	[spmem:s26] =	stream.linear.scatter [tilespmem:s0], [sflag:$0x5], $0x1900, $0x38;
	[tilespmem:$0x1F720] =	vst v63  }
0x4c: {  	_ =	swait.ge [sflag:s4], $0x1900  }
0x4d: {  	[sflag:s4] =	ssyncset.done $0x0  }
0x4e: {  	s28 =	rddreg [dreg:$0x10];
	[sflag:s4] =	ssyncadd.s32 $0xFFFFE700  }
0x4f: {  	[spmem:s28] =	stream.linear.scatter [tilespmem:s0], [sflag:$0x5], $0x1900, $0x38;
	[tilespmem:$0x1F720] =	vst v63  }
0x50: {  	_ =	swait.ge [sflag:s4], $0x1900  }
0x51: {  	[sflag:s4] =	ssyncset.done $0x0  }
0x52: {  	s29 =	rddreg [dreg:$0x12];
	[sflag:s4] =	ssyncadd.s32 $0xFFFFE700  }
0x53: {  	[spmem:s29] =	stream.linear.scatter [tilespmem:s0], [sflag:$0x5], $0x1900, $0x38;
	[tilespmem:$0x1F720] =	vst v63  }
0x54: {  	_ =	swait.ge [sflag:s4], $0x1900  }
0x55: {  	[sflag:s4] =	ssyncset.done $0x0  }
0x56: {  	s30 =	rddreg [dreg:$0x13];
	[sflag:s4] =	ssyncadd.s32 $0xFFFFE700  }
0x57: {  	[spmem:s30] =	stream.linear.scatter [tilespmem:s0], [sflag:$0x5], $0x1900, $0x38;
	[tilespmem:$0x1F720] =	vst v63  }
0x58: {  	_ =	swait.ge [sflag:s4], $0x1900  }
0x59: {  	[sflag:s4] =	ssyncset.done $0x0  }
0x5a: {  	s31 =	rddreg [dreg:$0x14];
	[sflag:s4] =	ssyncadd.s32 $0xFFFFE700  }
0x5b: {  	[spmem:s31] =	stream.linear.scatter [tilespmem:s0], [sflag:$0x5], $0x1900, $0x38;
	[tilespmem:$0x1F720] =	vst v63  }
0x5c: {  	_ =	swait.ge [sflag:s4], $0x1900  }
0x5d: {  	[sflag:s4] =	ssyncset.done $0x0  }
0x5e: {  	s26 =	rddreg [dreg:$0x15];
	[sflag:s4] =	ssyncadd.s32 $0xFFFFE700  }
0x5f: {  	[spmem:s26] =	stream.linear.scatter [tilespmem:s0], [sflag:$0x5], $0x1900, $0x38;
	[tilespmem:$0x1F720] =	vst v63  }
0x60: {  	_ =	swait.ge [sflag:s4], $0x1900  }
0x61: {  	[sflag:s4] =	ssyncset.done $0x0  }
0x62: {  	s28 =	rddreg [dreg:$0x16];
	[sflag:s4] =	ssyncadd.s32 $0xFFFFE700  }
0x63: {  	[spmem:s28] =	stream.linear.scatter [tilespmem:s0], [sflag:$0x5], $0x1900, $0x38;
	[tilespmem:$0x1F720] =	vst v63  }
0x64: {  	_ =	swait.ge [sflag:s4], $0x1900  }
0x65: {  	[sflag:s4] =	ssyncset.done $0x0  }
0x66: {  	[sflag:s4] =	ssyncadd.s32 $0xFFFFE700  }
0x67: {  	[bflag:$0x0] =	sbarrier.arrive $0xFFFF  }
0x68: {  	s25 =	simm.s32 $0x0;
	s29 =	rddreg [dreg:$0x5]  }
0x69: {  	[tilespmem:s25], [sflag:$0x1] =	stream.linear.gather [hbm4b:s29+s25], $0xC8, $0x38;
	[tilespmem:$0x1F720] =	vst v63  }
0x6a: {  	s30 =	rddreg [dreg:$0x6]  }
0x6b: {  	[tilespmem:s6], [sflag:$0x1] =	stream.linear.gather [hbm4b:s30+s25], $0xC8, $0x38;
	[tilespmem:$0x1F720] =	vst v63  }
0x6c: {  	s31 =	rddreg [dreg:$0x11]  }
0x6d: {  	[tilespmem:s7], [sflag:$0x1] =	stream.linear.gather [hbm4b:s31+s25], $0x1900, $0x38;
	[tilespmem:$0x1F720] =	vst v63  }
0x6e: {  	_ =	swait.ge [sflag:s13], $0xC8  }
0x6f: {  	[sflag:s13] =	ssyncset.done $0x0  }
0x70: {  	[sflag:s13] =	ssyncadd.s32 $0xFFFFFF38  }
0x71: {  	_ =	swait.ge [sflag:s13], $0xC8  }
0x72: {  	[sflag:s13] =	ssyncset.done $0x0  }
0x73: {  	[sflag:s13] =	ssyncadd.s32 $0xFFFFFF38  }
0x74: {  	_ =	swait.ge [sflag:s13], $0x1900  }
0x75: {  	[sflag:s13] =	ssyncset.done $0x0  }
0x76: {  	[sflag:s13] =	ssyncadd.s32 $0xFFFFE700  }
0x77: {  	[tilespmem:s0], [sflag:$0x3] =	stream.indirect.gather [hbm4b:s9+s6], $0x20, s25, s6, $0xb8;
	[tilespmem:$0x1F720] =	vst v63  }
.LBB2_4:
0x78: {  	s26 =	smul.u32 $0x190, s25;
	_ =	sdelay $0x1  }
0x79: {  	s28 =	sadd.s32 s26, s10  }
0x7a: {  	s29 =	sshrl.u32 s28, $0x3  }
0x7b: {  	s30 =	sadd.s32 s1, s29  }
0x7c: {  	[tilespmem:s15], [sflag:$0x2] =	stream.linear.gather [hbm4b:s30+s5], $0xC8, $0x38;
	[tilespmem:$0x1F720] =	vst v63  }
0x7d: {  	s28 =	sshll.u32 s28, $0x2;
	s29 =	sadd.s32 s2, s29  }
0x7e: {  	[tilespmem:s16], [sflag:$0x2] =	stream.linear.gather [hbm4b:s29+s5], $0xC8, $0x38;
	[tilespmem:$0x1F720] =	vst v63  }
0x7f: {  	s28 =	sadd.s32 s8, s28  }
0x80: {  	[tilespmem:s17], [sflag:$0x2] =	stream.linear.gather [hbm4b:s28+s5], $0x1900, $0x38;
	[tilespmem:$0x1F720] =	vst v63  }
0x81: {  	_ =	swait.ge [sflag:s18], $0x1900  }
0x82: {  	[sflag:s18] =	ssyncset.done $0x0  }
0x83: {  	[sflag:s18] =	ssyncadd.s32 $0xFFFFE700  }
0x84: {  	_ =	swait.ge [sflag:s19], $0xC8  }
0x85: {  	[sflag:s19] =	ssyncset.done $0x0  }
0x86: {  	[sflag:s19] =	ssyncadd.s32 $0xFFFFFF38  }
0x87: {  	_ =	swait.ge [sflag:s19], $0xC8  }
0x88: {  	[sflag:s19] =	ssyncset.done $0x0  }
0x89: {  	[sflag:s19] =	ssyncadd.s32 $0xFFFFFF38  }
0x8a: {  	_ =	swait.ge [sflag:s19], $0x1900  }
0x8b: {  	[sflag:s19] =	ssyncset.done $0x0  }
0x8c: {  	s28 =	simm.s32 $0x1D0;
	[sflag:s19] =	ssyncadd.s32 $0xFFFFE700  }
0x8d: {  	[tilespmem:s20], [sflag:$0x4] =	stream.indirect.gather [hbm4b:s9+s6], $0x20, s15, s6, $0xb8;
	[tilespmem:$0x1F720] =	vst v63  }
0x8e: {  	s29 =	simm.s32 $0x1AD0;
	v1 =	vld [tilespmem:s28+$0x20]  }
0x8f: {  	v2 =	vld [tilespmem:s29+$0x20]  }
0x90: {  	v3 =	vld [tilespmem:s28+$0xFFFFFFE0]  }
0x91: {  	v4 =	vld [tilespmem:s29+$0xFFFFFFE0]  }
0x92: {  	v5 =	vld [tilespmem:s28+$0x0]  }
0x93: {  	v6 =	vld [tilespmem:s29+$0x0]  }
0x94: {  	v7 =	vld [tilespmem:s29+$0xFFFFFFC0];
	v1 =	vmul.f32 v2, v1  }
0x95: {  	v8 =	vld [tilespmem:s28+$0xFFFFFFC0]  }
0x96: {  	v9 =	vld [tilespmem:s28+$0x30];
	[tilespmem:s28+$0x20] =	vst v1  }
0x97: {  	v2 =	vmul.f32 v4, v3;
	v10 =	vld [tilespmem:s29+$0x30]  }
0x98: {  	v1 =	vld [tilespmem:s28+$0xFFFFFFD0]  }
0x99: {  	v3 =	vmul.f32 v6, v5;
	[tilespmem:s28+$0xFFFFFFE0] =	vst v2;
	v2 =	vld [tilespmem:s28+$0xFFFFFFF0]  }
0x9a: {  	v5 =	vmul.f32 v7, v8;
	v4 =	vld [tilespmem:s29+$0xFFFFFFF0]  }
0x9b: {  	[tilespmem:s28+$0x0] =	vst v3;
	v3 =	vld [tilespmem:s28+$0x10]  }
0x9c: {  	[tilespmem:s28+$0xFFFFFFC0] =	vst v5;
	v5 =	vld [tilespmem:s29+$0x10];
	v7 =	vmul.f32 v10, v9  }
0x9d: {  	s31 =	simm.s32 $0x250;
	s30 =	simm.s32 $0x0;
	v6 =	vld [tilespmem:s29+$0xFFFFFFD0]  }
.LBB2_5:
0x9e: {  	v8 =	vld [tilespmem:s31+$0x20];
	[tilespmem:s28+$0x30] =	vst v7;
	s29 =	sadd.s32 $0x80, s29  }
0x9f: {  	s30 =	sadd.s32 $0x4, s30;
	v7 =	vld [tilespmem:s29+$0x20];
	v2 =	vmul.f32 v4, v2  }
0xa0: {  	p0 =	slt.u32 s30, $0xC4;
	v4 =	vld [tilespmem:s29+$0xFFFFFFC0]  }
0xa1: {  	v9 =	vld [tilespmem:s31+$0xFFFFFFE0];
	[tilespmem:s28+$0xFFFFFFF0] =	vst v2;
	v2 =	vmul.f32 v5, v3  }
0xa2: {  	v3 =	vld [tilespmem:s29+$0xFFFFFFE0];
	v1 =	vmul.f32 v6, v1  }
0xa3: {  	v5 =	vld [tilespmem:s31+$0x0];
	[tilespmem:s28+$0x10] =	vst v2  }
0xa4: {  	v6 =	vld [tilespmem:s29+$0x0];
	v2 =	vmul.f32 v7, v8;
	[tilespmem:s28+$0xFFFFFFD0] =	vst v1;
	s28 =	smov.u32 s31  }
0xa5: {  	v7 =	vld [tilespmem:s31+$0xFFFFFFC0]  }
0xa6: {  	[tilespmem:s31+$0x20] =	vst v2;
	v8 =	vld [tilespmem:s31+$0x30]  }
0xa7: {  	v2 =	vmul.f32 v3, v9;
	v9 =	vld [tilespmem:s29+$0x30]  }
0xa8: {  	v1 =	vld [tilespmem:s31+$0xFFFFFFD0]  }
.Ltmp1:
0xa9: {  	[tilespmem:s31+$0xFFFFFFE0] =	vst v2;
	v2 =	vld [tilespmem:s31+$0xFFFFFFF0];
	v3 =	vmul.f32 v6, v5;
	(pc) =	sbr.rel @p0 .LBB2_5-.Ltmp1, $4  }
0xaa: {  	v5 =	vmul.f32 v4, v7;
	v4 =	vld [tilespmem:s29+$0xFFFFFFF0]  }
0xab: {  	[tilespmem:s31+$0x0] =	vst v3;
	v3 =	vld [tilespmem:s31+$0x10]  }
0xac: {  	[tilespmem:s31+$0xFFFFFFC0] =	vst v5;
	v5 =	vld [tilespmem:s29+$0x10];
	v7 =	vmul.f32 v9, v8  }
0xad: {  	s31 =	sadd.s32 $0x80, s31;
	v6 =	vld [tilespmem:s29+$0xFFFFFFD0]  }
0xae: {  	_ =	sdelay $0x1  }
0xaf: {  	v2 =	vmul.f32 v4, v2  }
0xb0: {  	[tilespmem:s28+$0x30] =	vst v7;
	v3 =	vmul.f32 v5, v3  }
0xb1: {  	[tilespmem:s28+$0xFFFFFFF0] =	vst v2;
	v1 =	vmul.f32 v6, v1  }
0xb2: {  	p0 =	sne.s32 s25, $0x7C;
	[tilespmem:s28+$0x10] =	vst v3  }
.Ltmp2:
0xb3: {  	[tilespmem:s28+$0xFFFFFFD0] =	vst v1;
	(pc) =	sbr.rel @!p0 .LBB2_7-.Ltmp2, $4  }
0xb4: {  	[spmem:s3] =	stream.indirect.scatter.add.f32 [tilespmem:s0], [sflag:$0x6], $0x20, s6, s6, $0xb8;
	[tilespmem:$0x1F720] =	vst v63  }
0xb5: {  	_ =	swait.ge [sflag:s21], $0x1900  }
0xb6: {  	[sflag:s21] =	ssyncset.done $0x0  }
0xb7: {  	[sflag:s21] =	ssyncadd.s32 $0xFFFFE700  }
0xb8: {  	s26 =	sadd.s32 s26, s11  }
0xb9: {  	s28 =	sshrl.u32 s26, $0x3  }
0xba: {  	s29 =	sadd.s32 s1, s28  }
0xbb: {  	[tilespmem:s5], [sflag:$0x1] =	stream.linear.gather [hbm4b:s29+s5], $0xC8, $0x38;
	[tilespmem:$0x1F720] =	vst v63  }
0xbc: {  	s26 =	sshll.u32 s26, $0x2;
	s28 =	sadd.s32 s2, s28  }
0xbd: {  	[tilespmem:s6], [sflag:$0x1] =	stream.linear.gather [hbm4b:s28+s5], $0xC8, $0x38;
	[tilespmem:$0x1F720] =	vst v63  }
0xbe: {  	s26 =	sadd.s32 s8, s26  }
0xbf: {  	[tilespmem:s7], [sflag:$0x1] =	stream.linear.gather [hbm4b:s26+s5], $0x1900, $0x38;
	[tilespmem:$0x1F720] =	vst v63  }
0xc0: {  	_ =	swait.ge [sflag:s22], $0x1900  }
0xc1: {  	[sflag:s22] =	ssyncset.done $0x0  }
0xc2: {  	[sflag:s22] =	ssyncadd.s32 $0xFFFFE700  }
0xc3: {  	_ =	swait.ge [sflag:s13], $0xC8  }
0xc4: {  	[sflag:s13] =	ssyncset.done $0x0  }
0xc5: {  	[sflag:s13] =	ssyncadd.s32 $0xFFFFFF38  }
0xc6: {  	_ =	swait.ge [sflag:s13], $0xC8  }
0xc7: {  	[sflag:s13] =	ssyncset.done $0x0  }
0xc8: {  	[sflag:s13] =	ssyncadd.s32 $0xFFFFFF38  }
0xc9: {  	_ =	swait.ge [sflag:s13], $0x1900  }
0xca: {  	[sflag:s13] =	ssyncset.done $0x0  }
0xcb: {  	s26 =	simm.s32 $0x3560;
	[sflag:s13] =	ssyncadd.s32 $0xFFFFE700  }
0xcc: {  	[tilespmem:s0], [sflag:$0x3] =	stream.indirect.gather [hbm4b:s9+s6], $0x20, s5, s6, $0xb8;
	[tilespmem:$0x1F720] =	vst v63  }
0xcd: {  	s28 =	simm.s32 $0x4E60;
	v1 =	vld [tilespmem:s26+$0x20]  }
0xce: {  	v2 =	vld [tilespmem:s28+$0x20]  }
0xcf: {  	v3 =	vld [tilespmem:s26+$0xFFFFFFE0]  }
0xd0: {  	v4 =	vld [tilespmem:s28+$0xFFFFFFE0]  }
0xd1: {  	v5 =	vld [tilespmem:s26+$0x0]  }
0xd2: {  	v6 =	vld [tilespmem:s28+$0x0]  }
0xd3: {  	v7 =	vld [tilespmem:s28+$0xFFFFFFC0];
	v1 =	vmul.f32 v2, v1  }
0xd4: {  	v8 =	vld [tilespmem:s26+$0xFFFFFFC0]  }
0xd5: {  	v9 =	vld [tilespmem:s26+$0x30];
	[tilespmem:s26+$0x20] =	vst v1  }
0xd6: {  	v2 =	vmul.f32 v4, v3;
	v10 =	vld [tilespmem:s28+$0x30]  }
0xd7: {  	v1 =	vld [tilespmem:s26+$0xFFFFFFD0]  }
0xd8: {  	v3 =	vmul.f32 v6, v5;
	[tilespmem:s26+$0xFFFFFFE0] =	vst v2;
	v2 =	vld [tilespmem:s26+$0xFFFFFFF0]  }
0xd9: {  	v5 =	vmul.f32 v7, v8;
	v4 =	vld [tilespmem:s28+$0xFFFFFFF0]  }
0xda: {  	[tilespmem:s26+$0x0] =	vst v3;
	v3 =	vld [tilespmem:s26+$0x10]  }
0xdb: {  	[tilespmem:s26+$0xFFFFFFC0] =	vst v5;
	v5 =	vld [tilespmem:s28+$0x10];
	v7 =	vmul.f32 v10, v9  }
0xdc: {  	s30 =	simm.s32 $0x35E0;
	s29 =	simm.s32 $0x0;
	v6 =	vld [tilespmem:s28+$0xFFFFFFD0]  }
.LBB2_14:
0xdd: {  	v8 =	vld [tilespmem:s30+$0x20];
	[tilespmem:s26+$0x30] =	vst v7;
	s28 =	sadd.s32 $0x80, s28  }
0xde: {  	s29 =	sadd.s32 $0x4, s29;
	v7 =	vld [tilespmem:s28+$0x20];
	v2 =	vmul.f32 v4, v2  }
0xdf: {  	p0 =	slt.u32 s29, $0xC4;
	v4 =	vld [tilespmem:s28+$0xFFFFFFC0]  }
0xe0: {  	v9 =	vld [tilespmem:s30+$0xFFFFFFE0];
	[tilespmem:s26+$0xFFFFFFF0] =	vst v2;
	v2 =	vmul.f32 v5, v3  }
0xe1: {  	v3 =	vld [tilespmem:s28+$0xFFFFFFE0];
	v1 =	vmul.f32 v6, v1  }
0xe2: {  	v5 =	vld [tilespmem:s30+$0x0];
	[tilespmem:s26+$0x10] =	vst v2  }
0xe3: {  	v6 =	vld [tilespmem:s28+$0x0];
	v2 =	vmul.f32 v7, v8;
	[tilespmem:s26+$0xFFFFFFD0] =	vst v1;
	s26 =	smov.u32 s30  }
0xe4: {  	v7 =	vld [tilespmem:s30+$0xFFFFFFC0]  }
0xe5: {  	[tilespmem:s30+$0x20] =	vst v2;
	v8 =	vld [tilespmem:s30+$0x30]  }
0xe6: {  	v2 =	vmul.f32 v3, v9;
	v9 =	vld [tilespmem:s28+$0x30]  }
0xe7: {  	v1 =	vld [tilespmem:s30+$0xFFFFFFD0]  }
.Ltmp3:
0xe8: {  	[tilespmem:s30+$0xFFFFFFE0] =	vst v2;
	v2 =	vld [tilespmem:s30+$0xFFFFFFF0];
	v3 =	vmul.f32 v6, v5;
	(pc) =	sbr.rel @p0 .LBB2_14-.Ltmp3, $4  }
0xe9: {  	v5 =	vmul.f32 v4, v7;
	v4 =	vld [tilespmem:s28+$0xFFFFFFF0]  }
0xea: {  	[tilespmem:s30+$0x0] =	vst v3;
	v3 =	vld [tilespmem:s30+$0x10]  }
0xeb: {  	[tilespmem:s30+$0xFFFFFFC0] =	vst v5;
	v5 =	vld [tilespmem:s28+$0x10];
	v7 =	vmul.f32 v9, v8  }
0xec: {  	s30 =	sadd.s32 $0x80, s30;
	v6 =	vld [tilespmem:s28+$0xFFFFFFD0]  }
0xed: {  	_ =	sdelay $0x1  }
0xee: {  	v2 =	vmul.f32 v4, v2  }
0xef: {  	[tilespmem:s26+$0x30] =	vst v7;
	v3 =	vmul.f32 v5, v3  }
0xf0: {  	[tilespmem:s26+$0xFFFFFFF0] =	vst v2;
	v1 =	vmul.f32 v6, v1  }
0xf1: {  	[tilespmem:s26+$0x10] =	vst v3  }
.Ltmp4:
0xf2: {  	[tilespmem:s26+$0xFFFFFFD0] =	vst v1;
	(pc) =	sbr.rel .LBB2_4-.Ltmp4, $4  }
0xf3: {  	[spmem:s3] =	stream.indirect.scatter.add.f32 [tilespmem:s20], [sflag:$0x6], $0x20, s16, s6, $0xb8;
	[tilespmem:$0x1F720] =	vst v63  }
0xf4: {  	_ =	swait.ge [sflag:s21], $0x1900  }
0xf5: {  	[sflag:s21] =	ssyncset.done $0x0  }
0xf6: {  	s25 =	sadd.s32 $0x1, s25;
	[sflag:s21] =	ssyncadd.s32 $0xFFFFE700  }
.LBB2_7:
0xf7: {  	_ =	swait.ge [sflag:s22], $0x1900  }
0xf8: {  	[sflag:s22] =	ssyncset.done $0x0  }
0xf9: {  	s25 =	simm.s32 $0x3560;
	[sflag:s22] =	ssyncadd.s32 $0xFFFFE700  }
0xfa: {  	s26 =	simm.s32 $0x4E60;
	v1 =	vld [tilespmem:s25+$0x20]  }
0xfb: {  	v2 =	vld [tilespmem:s26+$0x20]  }
0xfc: {  	v3 =	vld [tilespmem:s25+$0xFFFFFFE0]  }
0xfd: {  	v4 =	vld [tilespmem:s26+$0xFFFFFFE0]  }
0xfe: {  	v5 =	vld [tilespmem:s25+$0x0]  }
0xff: {  	v6 =	vld [tilespmem:s26+$0x0]  }
0x100: {  	v7 =	vld [tilespmem:s26+$0xFFFFFFC0];
	v1 =	vmul.f32 v2, v1  }
0x101: {  	v8 =	vld [tilespmem:s25+$0xFFFFFFC0]  }
0x102: {  	v9 =	vld [tilespmem:s25+$0x30];
	[tilespmem:s25+$0x20] =	vst v1  }
0x103: {  	v2 =	vmul.f32 v4, v3;
	v10 =	vld [tilespmem:s26+$0x30]  }
0x104: {  	v1 =	vld [tilespmem:s25+$0xFFFFFFD0]  }
0x105: {  	v3 =	vmul.f32 v6, v5;
	[tilespmem:s25+$0xFFFFFFE0] =	vst v2;
	v2 =	vld [tilespmem:s25+$0xFFFFFFF0]  }
0x106: {  	v5 =	vmul.f32 v7, v8;
	v4 =	vld [tilespmem:s26+$0xFFFFFFF0]  }
0x107: {  	[tilespmem:s25+$0x0] =	vst v3;
	v3 =	vld [tilespmem:s25+$0x10]  }
0x108: {  	[tilespmem:s25+$0xFFFFFFC0] =	vst v5;
	v5 =	vld [tilespmem:s26+$0x10];
	v7 =	vmul.f32 v10, v9  }
0x109: {  	s28 =	simm.s32 $0x0;
	s29 =	simm.s32 $0x35E0;
	v6 =	vld [tilespmem:s26+$0xFFFFFFD0]  }
.LBB2_8:
0x10a: {  	v8 =	vld [tilespmem:s29+$0x20];
	[tilespmem:s25+$0x30] =	vst v7;
	s26 =	sadd.s32 $0x80, s26  }
0x10b: {  	s28 =	sadd.s32 $0x4, s28;
	v7 =	vld [tilespmem:s26+$0x20];
	v2 =	vmul.f32 v4, v2  }
0x10c: {  	p0 =	slt.u32 s28, $0xC4;
	v4 =	vld [tilespmem:s26+$0xFFFFFFC0]  }
0x10d: {  	v9 =	vld [tilespmem:s29+$0xFFFFFFE0];
	[tilespmem:s25+$0xFFFFFFF0] =	vst v2;
	v2 =	vmul.f32 v5, v3  }
0x10e: {  	v3 =	vld [tilespmem:s26+$0xFFFFFFE0];
	v1 =	vmul.f32 v6, v1  }
0x10f: {  	v5 =	vld [tilespmem:s29+$0x0];
	[tilespmem:s25+$0x10] =	vst v2  }
0x110: {  	v6 =	vld [tilespmem:s26+$0x0];
	v2 =	vmul.f32 v7, v8;
	[tilespmem:s25+$0xFFFFFFD0] =	vst v1;
	s25 =	smov.u32 s29  }
0x111: {  	v7 =	vld [tilespmem:s29+$0xFFFFFFC0]  }
0x112: {  	[tilespmem:s29+$0x20] =	vst v2;
	v8 =	vld [tilespmem:s29+$0x30]  }
0x113: {  	v2 =	vmul.f32 v3, v9;
	v9 =	vld [tilespmem:s26+$0x30]  }
0x114: {  	v1 =	vld [tilespmem:s29+$0xFFFFFFD0]  }
.Ltmp5:
0x115: {  	[tilespmem:s29+$0xFFFFFFE0] =	vst v2;
	v2 =	vld [tilespmem:s29+$0xFFFFFFF0];
	v3 =	vmul.f32 v6, v5;
	(pc) =	sbr.rel @p0 .LBB2_8-.Ltmp5, $4  }
0x116: {  	v5 =	vmul.f32 v4, v7;
	v4 =	vld [tilespmem:s26+$0xFFFFFFF0]  }
0x117: {  	[tilespmem:s29+$0x0] =	vst v3;
	v3 =	vld [tilespmem:s29+$0x10]  }
0x118: {  	[tilespmem:s29+$0xFFFFFFC0] =	vst v5;
	v5 =	vld [tilespmem:s26+$0x10];
	v7 =	vmul.f32 v9, v8  }
0x119: {  	s29 =	sadd.s32 $0x80, s29;
	v6 =	vld [tilespmem:s26+$0xFFFFFFD0]  }
0x11a: {  	_ =	sdelay $0x1  }
0x11b: {  	v2 =	vmul.f32 v4, v2  }
0x11c: {  	[tilespmem:s25+$0x30] =	vst v7;
	v3 =	vmul.f32 v5, v3  }
0x11d: {  	[tilespmem:s25+$0xFFFFFFF0] =	vst v2;
	v1 =	vmul.f32 v6, v1  }
0x11e: {  	[tilespmem:s25+$0x10] =	vst v3  }
0x11f: {  	[tilespmem:s25+$0xFFFFFFD0] =	vst v1  }
0x120: {  	[spmem:s3] =	stream.indirect.scatter.add.f32 [tilespmem:s20], [sflag:$0x5], $0x20, s16, s6, $0xb8;
	[tilespmem:$0x1F720] =	vst v63  }
0x121: {  	_ =	swait.ge [sflag:s4], $0x1900  }
0x122: {  	s31 =	stileid.u32;
	[sflag:s4] =	ssyncset.done $0x0  }
0x123: {  	s26 =	sadd.s32 $0x0, s23;
	s25 =	sshll.u32 s31, $0x6;
	[sflag:s4] =	ssyncadd.s32 $0xFFFFE700  }
0x124: {  	s28 =	sshrl.u32 s12, $0x3;
	s25 =	sor.u32 $0x1C05, s25;
	[bflag:$0x0] =	sbarrier.arrive $0xFFFF  }
0x125: {  	[hbm:s26], [sflag:s25] =	dma.local [spmem:s28], $0x320  }
0x126: {  	s26 =	simm.s32 $0x320;
	s28 =	smov.u32 s14;
	_ =	swait.ge [sflag:s4], $0x320  }
.LBB2_10:
0x127: {  	s29 =	sadd.s32 s26, s23;
	[sflag:s4] =	ssyncset.done $0x0;
	p0 =	sne.s32 s26, $0x2EE0  }
.Ltmp6:
0x128: {  	s30 =	sshrl.u32 s28, $0x3;
	[sflag:s4] =	ssyncadd.s32 $0xFFFFFCE0;
	(pc) =	sbr.rel @p0 .LBB2_10-.Ltmp6, $3  }
0x129: {  	[hbm:s29], [sflag:s25] =	dma.local [spmem:s30], $0x320  }
0x12a: {  	s26 =	sadd.s32 $0x320, s26;
	_ =	sdelay $0x1  }
0x12b: {  	s28 =	sadd.s32 $0x1900, s28;
	_ =	swait.ge [sflag:s4], $0x320  }
0x12c: {  	s24 =	sadd.s32 $0x1, s24;
	s25 =	rddreg [dreg:$0x7]  }
0x12d: {  	p0 =	sne.s32 s24, s25  }
.Ltmp7:
0x12e: {  	_ = 	snop;
	(pc) =	sbr.rel @p0 .LBB2_1-.Ltmp7, $3  }
0x12f: {  	_ =	sdelay $0x1  }
0x130: {  	[sflag:s4] =	ssyncset.done $0x0  }
0x131: {  	[sflag:s4] =	ssyncadd.s32 $0xFFFFFCE0  }
0x132: {  	_ =	sfence.sel $0x180000  }
0x133: {  	[bflag:$0x0] =	sbarrier.arrive $0xFFFF  }
0x134: {  	_ =	strace $0x9000004A  }
0x135: {  	s0 =	stileid.u32;
	[bflag:$0x2] =	sbarrier.arrive $0xFFFF  }
0x136: {  	p0 =	sne.s32 s0, $0x0;
	s0 =	rddreg [dreg:$0x4]  }
0x137: {  	s0 =	sadd.s32 @!p0 $0x100000, s0  }
0x138: {  	[sflag:s0] =	ssyncadd.tile.s32 @!p0 $0x1;
	_ =	shalt  }
.Lfunc_end2:
_tile_overlayer_lowered:
.L_overlay_start_2:
0x139: {  	(tag) =	ssettag $0x2  }
0x13a: {  	s0 =	rddreg [dreg:$0x0];
	s2 =	stileid.u32  }
0x13b: {  	s1 =	rddreg [dreg:$0x1];
	p0 =	sne.s32 s2, $0x0  }
0x13c: {  	s3 =	rddreg [dreg:$0x2];
	[bflag:$0x3] =	sbarrier.arrive $0xFFFF;
	s2 =	simm.s32 @!p0 $0x1C05  }
0x13d: {  	[timem:s3], [sflag:s2] =	dma.local @!p0 [hbm:s0], s1  }
0x13e: {  	s0 =	simm.s32 @!p0 $0x5  }
0x13f: {  	_ =	swait.ge @!p0 [sflag:s0], s1  }
0x140: {  	s1 =	ssub.s32 @!p0 $0x0, s1;
	[sflag:s0] =	ssyncset.done @!p0 $0x0  }
0x141: {  	[sflag:s0] =	ssyncadd.s32 @!p0 s1  }
0x142: {  	[bflag:$0x3] =	sbarrier.arrive $0xFFFF  }
0x143: {  	_ =	shalt  }

// kernel: kernel.29.cloned.1.call-start
scs
__scs_entry_jumppad:
0x0: {  	(pc) =	sbr.rel $0x88, $3  }
0x1: {  	(tag) =	ssettag $0x0;
	lr =	simm.s32 $0x1  }
0x2: {  	[smem:$0x3F81] =	sst lr;
	_ =	strace $0xD0000000  }
0x3: {  	_ = 	snop  }
0x4: {  	_ = 	snop  }
0x5: {  	_ = 	snop  }
0x6: {  	_ = 	snop  }
0x7: {  	_ = 	snop  }
__scs_overlays_trampoline_lowered:
0x8: {  	[smem:$0x3F90] =	sst s0  }
0x9: {  	[smem:$0x3F91] =	sst s1  }
0xa: {  	[smem:$0x3F92] =	sst s2  }
0xb: {  	[smem:$0x3F93] =	sst s3  }
0xc: {  	[smem:$0x3F94] =	sst s4  }
0xd: {  	[smem:$0x3F95] =	sst s5  }
0xe: {  	[smem:$0x3F96] =	sst s6  }
0xf: {  	[smem:$0x3F97] =	sst s7  }
0x10: {  	[smem:$0x3F98] =	sst s8  }
0x11: {  	[smem:$0x3F99] =	sst s9;
	s0 =	simm.s32 @!p0 $0x0  }
0x12: {  	s1 =	sld [smem:$0x3F7F];
	s0 =	simm.s32 @p0 $0x1  }
0x13: {  	[smem:$0x3F9A] =	sst s0;
	s0 =	simm.s32 @!p1 $0x0  }
0x14: {  	s2 =	sld [smem:$0x3F7E];
	s0 =	simm.s32 @p1 $0x1  }
0x15: {  	[smem:$0x3F9B] =	sst s0;
	s0 =	simm.s32 @!p2 $0x0  }
0x16: {  	s3 =	sld [smem:$0x3FDB];
	s0 =	simm.s32 @p2 $0x1  }
0x17: {  	s4 =	simm.s32 $0x1BF5;
	[smem:$0x3F9D] =	sst s0  }
0x18: {  	s0 =	sld [smem:$0x3F80];
	_ =	swait.ge [sflag:s4], $0x0  }
0x19: {  	s7 =	sld [smem:$0x3F81]  }
0x1a: {  	s8 =	sadd.s32 $0xFFFFE003, lr  }
0x1b: {  	s9 =	sadd.s32 $0xFFFFFEF7, lr;
	s5 =	simm.s32 $0xFFFFFFFF;
	p2 =	slt.u32 s8, $0xFFFFF086  }
0x1c: {  	p1 =	slt.u32 s9, $0xF7A;
	s5 =	simm.s32 @!p2 $0x0  }
0x1d: {  	s5 =	simm.s32 @p1 $0x1;
	p0 =	seq.s32 s7, s2  }
0x1e: {  	s7 =	smul.u32 @!p0 $0xF7A, s2;
	p2 =	seq.s32 @!p0 s5, $0x0  }
0x1f: {  	s9 =	smul.u32 $0xF7A, s1;
	s8 =	simm.s32 @!p0 $0x1BF5;
	p2 =	por !p2, p0  }
0x20: {  	[sflag:s8] =	ssyncset.s32 @!p0 $0xFFFFF086;
	s6 =	sadd.s32 @!p0 s3, s7;
	s7 =	simm.s32 @!p0 $0x108  }
0x21: {  	s3 =	sadd.s32 s3, s9;
	s6 =	sadd.s32 @!p0 $0x88, s6;
	s7 =	simm.s32 @p2 $0x1082  }
0x22: {  	[simem:s7], [sflag:s8] =	dma.local @!p0 [hbm:s6], $0xF7A  }
0x23: {  	s9 =	sor.u32 $0xD0000000, s2;
	s6 =	simm.s32 $0x108;
	_ =	swait.ge @!p0 [sflag:s8], $0x0  }
0x24: {  	s3 =	sadd.s32 $0x88, s3;
	s6 =	simm.s32 @!p1 $0x1082;
	[sflag:s4] =	ssyncset.s32 $0xFFFFF086  }
0x25: {  	[simem:s6], [sflag:s4] =	dma.local [hbm:s3], $0xF7A  }
0x26: {  	[smem:$0x3F81] =	sst s1;
	(tag) =	ssettag s2;
	_ =	strace s9  }
0x27: {  	s1 =	sld [smem:$0x3F91]  }
0x28: {  	s2 =	sld [smem:$0x3F92]  }
0x29: {  	s4 =	sld [smem:$0x3F94]  }
0x2a: {  	p0 =	seq.s32 s5, $0x0;
	s5 =	sld [smem:$0x3F95]  }
0x2b: {  	s6 =	sld [smem:$0x3F96]  }
0x2c: {  	s7 =	sld [smem:$0x3F97]  }
0x2d: {  	s3 =	simm.s32 $0x108;
	s8 =	sld [smem:$0x3F98]  }
0x2e: {  	s3 =	simm.s32 @!p0 $0x1082;
	s9 =	sld [smem:$0x3F99]  }
0x2f: {  	lr =	sadd.s32 s0, s3;
	s0 =	sld [smem:$0x3F90]  }
0x30: {  	s3 =	sld [smem:$0x3F93]  }
0x31: {  	[smem:$0x3F9C] =	sst s10  }
0x32: {  	s10 =	sld [smem:$0x3F9A];
	_ =	sdelay $0x3  }
0x33: {  	p0 =	seq.s32 s10, $0x1;
	s10 =	sld [smem:$0x3F9C];
	_ =	sdelay $0x3  }
0x34: {  	[smem:$0x3F9C] =	sst s10  }
0x35: {  	s10 =	sld [smem:$0x3F9B];
	_ =	sdelay $0x3  }
0x36: {  	p1 =	seq.s32 s10, $0x1;
	s10 =	sld [smem:$0x3F9C];
	_ =	sdelay $0x3  }
0x37: {  	[smem:$0x3F9C] =	sst s10  }
0x38: {  	s10 =	sld [smem:$0x3F9D]  }
0x39: {  	_ = 	snop;
	(pc) =	sbr.ind lr, $3  }
0x3a: {  	_ = 	snop  }
0x3b: {  	_ = 	snop  }
0x3c: {  	p2 =	seq.s32 s10, $0x1;
	s10 =	sld [smem:$0x3F9C]  }
0x3d: {  	_ =	shalt  }
0x3e: {  	_ =	shalt  }
0x3f: {  	_ =	shalt  }
0x40: {  	_ =	shalt  }
0x41: {  	_ =	shalt  }
0x42: {  	_ =	shalt  }
0x43: {  	_ =	shalt  }
0x44: {  	_ =	shalt  }
0x45: {  	_ =	shalt  }
0x46: {  	_ =	shalt  }
0x47: {  	_ =	shalt  }
0x48: {  	_ =	shalt  }
0x49: {  	_ =	shalt  }
0x4a: {  	_ =	shalt  }
0x4b: {  	_ =	shalt  }
0x4c: {  	_ =	shalt  }
0x4d: {  	_ =	shalt  }
0x4e: {  	_ =	shalt  }
0x4f: {  	_ =	shalt  }
0x50: {  	_ =	shalt  }
0x51: {  	_ =	shalt  }
0x52: {  	_ =	shalt  }
0x53: {  	_ =	shalt  }
0x54: {  	_ =	shalt  }
0x55: {  	_ =	shalt  }
0x56: {  	_ =	shalt  }
0x57: {  	_ =	shalt  }
0x58: {  	_ =	shalt  }
0x59: {  	_ =	shalt  }
0x5a: {  	_ =	shalt  }
0x5b: {  	_ =	shalt  }
0x5c: {  	_ =	shalt  }
0x5d: {  	_ =	shalt  }
0x5e: {  	_ =	shalt  }
0x5f: {  	_ =	shalt  }
0x60: {  	_ =	shalt  }
0x61: {  	_ =	shalt  }
0x62: {  	_ =	shalt  }
0x63: {  	_ =	shalt  }
0x64: {  	_ =	shalt  }
0x65: {  	_ =	shalt  }
0x66: {  	_ =	shalt  }
0x67: {  	_ =	shalt  }
0x68: {  	_ =	shalt  }
0x69: {  	_ =	shalt  }
0x6a: {  	_ =	shalt  }
0x6b: {  	_ =	shalt  }
0x6c: {  	_ =	shalt  }
0x6d: {  	_ =	shalt  }
0x6e: {  	_ =	shalt  }
0x6f: {  	_ =	shalt  }
0x70: {  	_ =	shalt  }
0x71: {  	_ =	shalt  }
0x72: {  	_ =	shalt  }
0x73: {  	_ =	shalt  }
0x74: {  	_ =	shalt  }
0x75: {  	_ =	shalt  }
0x76: {  	_ =	shalt  }
0x77: {  	_ =	shalt  }
0x78: {  	_ =	shalt  }
0x79: {  	_ =	shalt  }
0x7a: {  	_ =	shalt  }
0x7b: {  	_ =	shalt  }
0x7c: {  	_ =	shalt  }
0x7d: {  	_ =	shalt  }
0x7e: {  	_ =	shalt  }
0x7f: {  	_ =	shalt  }
0x80: {  	_ =	shalt  }
0x81: {  	_ =	shalt  }
0x82: {  	_ =	shalt  }
0x83: {  	_ =	shalt  }
0x84: {  	_ =	shalt  }
0x85: {  	_ =	shalt  }
0x86: {  	_ =	shalt  }
0x87: {  	_ =	shalt  }
.Lfunc_end0:
.L_simem_size_0:
called_computation.2_lowered:
.L_overlay_start_0:
0x88: {  	s2 =	sld [smem:$0x3FD9]  }
0x89: {  	s3 =	sld [smem:$0x3FFE];
	_ =	sdelay $0x1  }
0x8a: {  	s1 =	srdreg.scid  }
0x8b: {  	s0 =	sand.u32 $0x1, s1  }
0x8c: {  	s17 =	sshll.u32 s0, $0xA;
	s2 =	sadd.s32 s3, s2  }
0x8d: {  	s2 =	sadd.s32 s2, s17  }
0x8e: {  	[smem:$0x3FA8] =	sst s2  }
0x8f: {  	_ = 	snop  }
0x90: {  	s2 =	sld [smem:$0x3FC7]  }
0x91: {  	s18 =	sld [smem:$0x3FC6];
	(tm) =	ssettm $0x1  }
0x92: {  	s4 =	sld [smem:$0x3FFB];
	_ =	sdelay $0x3  }
0x93: {  	_ =	strace s4  }
0x94: {  	s4 =	sld [smem:$0x3FFC];
	_ =	sdelay $0x3  }
0x95: {  	_ =	strace s4  }
0x96: {  	s4 =	sld [smem:$0x3FFD];
	_ =	sdelay $0x3  }
0x97: {  	_ =	strace s4  }
0x98: {  	_ =	strace $0x8FFFFFFF  }
0x99: {  	s19 =	sld [smem:$0x3FDB];
	_ =	sdelay $0x1  }
0x9a: {  	s5 =	simm.s32 $_scs_section_size  }
0x9b: {  	s6 =	simm.s32 $_size__tile_overlayer_lowered;
	s7 =	simm.s32 $_tile_overlayer_lowered  }
0x9c: {  	s22 =	simm.s32 $0x1BFF;
	s21 =	sshll.u32 s7, $0x1;
	s4 =	sadd.s32 s5, s19  }
0x9d: {  	s8 =	simm.s32 $0x0;
	s20 =	sshll.u32 s6, $0x1;
	s6 =	sadd.s32 s21, s4  }
0x9e: {  	[timem:s8], [sflag:s22] =	dma.local [hbm:s6], s20  }
0x9f: {  	_ =	swait.ge [sflag:s22], s20  }
0xa0: {  	s5 =	ssub.s32 $0x0, s20;
	[sflag:s22] =	ssyncset.done $0x0  }
0xa1: {  	[sflag:s22] =	ssyncadd.s32 s5;
	_ =	sdelay $0x1  }
0xa2: {  	s23 =	simm.s32 $0x1B8B  }
0xa3: {  	_ =	swait.ge [sflag:s23], $0x1  }
0xa4: {  	[sflag:s23] =	ssyncset.done $0x0  }
0xa5: {  	s25 =	simm.s32 $0x1B8E;
	s24 =	sld [smem:$0x3FFE];
	[sflag:s23] =	ssyncadd.s32 $0xFFFFFFFF  }
0xa6: {  	s26 =	simm.s32 $execute0_lowered;
	[smem:$0x3FD2] =	sst s25  }
0xa7: {  	s6 =	sshll.u32 s26, $0x1;
	_ =	strace $0x8000004C;
	[dreg:$0x1] =	wrdreg $0xFFFFFFFF  }
0xa8: {  	s28 =	simm.s32 $_size_execute0_lowered;
	s4 =	sadd.s32 s4, s6;
	[dreg:$0x0] =	wrdreg $0x0  }
0xa9: {  	s6 =	sshll.u32 s28, $0x1;
	[dreg:$0x2] =	wrdreg s4  }
0xaa: {  	[dreg:$0x3] =	wrdreg s6  }
0xab: {  	[dreg:$0x4] =	wrdreg $0xC0  }
0xac: {  	_ =	task [dreg:s8], $0x5FFFF  }
0xad: {  	[dreg:$0x1] =	wrdreg $0xFFFFFFFF  }
0xae: {  	[dreg:$0x0] =	wrdreg $0x60  }
0xaf: {  	[dreg:$0x2] =	wrdreg s24  }
0xb0: {  	[dreg:$0x3] =	wrdreg s2  }
0xb1: {  	[dreg:$0x4] =	wrdreg s18  }
0xb2: {  	[dreg:$0x5] =	wrdreg $0x67200  }
0xb3: {  	[dreg:$0x6] =	wrdreg $0x9  }
0xb4: {  	_ =	task.clear_ibuf [dreg:s8], $0x7FFFF;
	_ =	strace $0x9000004C  }
0xb5: {  	s29 =	simm.s32 $0x9;
	_ =	strace $0x8000004E  }
0xb6: {  	_ =	swait.ge [sflag:s29], $0x1  }
0xb7: {  	[sflag:s29] =	ssyncadd.s32 $0xFFFFFFFF  }
0xb8: {  	_ =	strace $0x9000004E  }
0xb9: {  	_ =	sfence  }
0xba: {  	s30 =	sld [smem:$0x0];
	_ =	sdelay $0x2  }
0xbb: {  	s31 =	sshll.u32 s1, $0xD;
	s1 =	sshrl.u32 s1, $0x2  }
0xbc: {  	s3 =	sand.u32 $0x4000, s31;
	s1 =	sadd.s32 s1, s30  }
0xbd: {  	s0 =	sor.u32 s3, s0;
	s1 =	sshll.u32 s1, $0x11  }
0xbe: {  	s0 =	sor.u32 s1, s0  }
0xbf: {  	s0 =	sadd.s32 $0x8F2B, s0  }
0xc0: {  	[sflag:s0] =	ssyncadd.remote.s32 $0x1  }
0xc1: {  	_ =	sfence.sel $0xFFFF  }
0xc2: {  	[dreg:$0x0] =	wrdreg $0xFFFFFFFF;
	(pc) =	sbr.abs _section_cstart, $3  }
0xc3: {  	[dreg:$0x1] =	wrdreg $0xFFFFFFFF  }
0xc4: {  	_ =	task.clear_ibuf [dreg:s8], $0x2FFFF;
	_ =	strace $0x9FFFFFFF  }
0xc5: {  	(tm) =	ssettm $0x7FFFFFFF  }
tec
execute0_lowered:
.L_overlay_start_1:
0x0: {  	(tag) =	ssettag $0x1  }
0x1: {  	s0 =	rddreg [dreg:$0x0]  }
0x2: {  	s1 =	rddreg [dreg:$0x1]  }
0x3: {  	s2 =	rddreg [dreg:$0x2]  }
0x4: {  	s4 =	srdreg.scid;
	s13 =	stileid.u32  }
0x5: {  	s3 =	rddreg [dreg:$0x3];
	s11 =	smul.u32 $0xC350, s13  }
0x6: {  	s5 =	simm.s32 $0x0;
	s4 =	sand.u32 $0x1, s4;
	s14 =	smul.u32 $0x64000, s13  }
0x7: {  	[smem:$0x7FF] =	sst s5;
	s6 =	smul.u32 $0x30D400, s4  }
0x8: {  	s7 =	smul.u32 $0x32000, s4;
	_ =	strace $0x8000004D;
	s4 =	ssub.s32 $0x2, s4  }
0x9: {  	s10 =	sshrl.u32 s4, $0x1;
	s8 =	sshrl.u32 s11, $0x3;
	s6 =	sadd.s32 s6, s0  }
0xa: {  	s0 =	sadd.s32 s7, s0;
	s4 =	ssub.s32 s4, s10;
	s12 =	sadd.s32 s1, s8  }
0xb: {  	s8 =	sadd.s32 s2, s8;
	s7 =	sshrl.u32 s14, $0x2;
	[dreg:$0x5] =	wrdreg s12  }
0xc: {  	[dreg:$0x6] =	wrdreg s8;
	s12 =	sadd.s32 s7, s3;
	s4 =	smax.u32 s4, $0x1  }
0xd: {  	[dreg:$0x7] =	wrdreg s4;
	s16 =	sadd.s32 $0x3200, s12  }
0xe: {  	s17 =	sadd.s32 $0x4B00, s12;
	[dreg:$0x8] =	wrdreg s16  }
0xf: {  	s18 =	sadd.s32 $0x6400, s12;
	[dreg:$0x9] =	wrdreg s17  }
0x10: {  	s15 =	smul.u32 $0x30D40, s13;
	s7 =	sadd.s32 $0x7D00, s12;
	[dreg:$0xa] =	wrdreg s18  }
0x11: {  	s19 =	smul.u32 $0x3200, s13;
	s20 =	sadd.s32 $0x9600, s12;
	[dreg:$0xb] =	wrdreg s7  }
0x12: {  	s13 =	simm.s32 $0x1;
	s21 =	sadd.s32 $0xAF00, s12;
	[dreg:$0xc] =	wrdreg s20  }
0x13: {  	s10 =	sadd.s32 $0xC8, s11;
	s22 =	sadd.s32 $0xC800, s12;
	[dreg:$0xd] =	wrdreg s21  }
0x14: {  	s11 =	sadd.s32 $0x190, s11;
	s23 =	sadd.s32 $0xE100, s12;
	[dreg:$0xe] =	wrdreg s22  }
0x15: {  	s8 =	sadd.s32 $0x3586A00, s6;
	s24 =	sadd.s32 $0xFA00, s12;
	[dreg:$0xf] =	wrdreg s23  }
0x16: {  	s9 =	sadd.s32 $0x7400, s0;
	s25 =	sadd.s32 s15, s8;
	[dreg:$0x10] =	wrdreg s24  }
0x17: {  	s0 =	sadd.s32 $0x6B400, s0;
	s26 =	sadd.s32 $0x11300, s12;
	[dreg:$0x11] =	wrdreg s25  }
0x18: {  	s6 =	simm.s32 $0xC8;
	s28 =	sadd.s32 $0x12C00, s12;
	[dreg:$0x12] =	wrdreg s26  }
0x19: {  	s14 =	sadd.s32 $0x1900, s12;
	s29 =	sadd.s32 $0x14500, s12;
	[dreg:$0x13] =	wrdreg s28  }
0x1a: {  	s30 =	sadd.s32 $0x15E00, s12;
	s31 =	sadd.s32 $0x17700, s12;
	[dreg:$0x14] =	wrdreg s29  }
0x1b: {  	s4 =	simm.s32 $0x5;
	s15 =	simm.s32 $0x3390;
	[dreg:$0x15] =	wrdreg s30  }
0x1c: {  	s23 =	sadd.s32 s0, s19;
	[dreg:$0x16] =	wrdreg s31;
	s0 =	simm.s32 $0x190  }
0x1d: {  	s7 =	simm.s32 $0x1A90;
	s16 =	simm.s32 $0x3458;
	s17 =	simm.s32 $0x4E20  }
0x1e: {  	s18 =	simm.s32 $0x3;
	s19 =	simm.s32 $0x2;
	s20 =	simm.s32 $0x3520  }
0x1f: {  	v0 =	vimm.f32 $0.0e+00;
	s21 =	simm.s32 $0x6;
	s22 =	simm.s32 $0x4;
	s24 =	simm.s32 $0x0  }
.LBB2_1:
0x20: {  	s25 =	simm.s32 $0x80;
	s26 =	simm.s32 $0x0  }
.LBB2_2:
0x21: {  	p0 =	sne.s32 s25, $0x6380;
	[tilespmem:s26+$0x190] =	vst v0;
	s28 =	smov.u32 s25;
	s25 =	sadd.s32 $0x80, s25  }
.Ltmp0:
0x22: {  	[tilespmem:s26+$0x1A0] =	vst v0;
	(pc) =	sbr.rel @p0 .LBB2_2-.Ltmp0, $2  }
0x23: {  	_ =	sdelay $0x2  }
0x24: {  	s26 =	sshra.s32 s28, $0x2  }
0x25: {  	[tilespmem:s26+$0x190] =	vst v0  }
0x26: {  	[tilespmem:s26+$0x1A0] =	vst v0  }
0x27: {  	[spmem:s12] =	stream.linear.scatter [tilespmem:s0], [sflag:$0x5], $0x1900, $0x38;
	[tilespmem:$0x1F720] =	vst v63  }
0x28: {  	_ =	swait.ge [sflag:s4], $0x1900  }
0x29: {  	[sflag:s4] =	ssyncset.done $0x0  }
0x2a: {  	[sflag:s4] =	ssyncadd.s32 $0xFFFFE700  }
0x2b: {  	[spmem:s14] =	stream.linear.scatter [tilespmem:s0], [sflag:$0x5], $0x1900, $0x38;
	[tilespmem:$0x1F720] =	vst v63  }
0x2c: {  	_ =	swait.ge [sflag:s4], $0x1900  }
0x2d: {  	[sflag:s4] =	ssyncset.done $0x0  }
0x2e: {  	s25 =	rddreg [dreg:$0x8];
	[sflag:s4] =	ssyncadd.s32 $0xFFFFE700  }
0x2f: {  	[spmem:s25] =	stream.linear.scatter [tilespmem:s0], [sflag:$0x5], $0x1900, $0x38;
	[tilespmem:$0x1F720] =	vst v63  }
0x30: {  	_ =	swait.ge [sflag:s4], $0x1900  }
0x31: {  	[sflag:s4] =	ssyncset.done $0x0  }
0x32: {  	s31 =	rddreg [dreg:$0x9];
	[sflag:s4] =	ssyncadd.s32 $0xFFFFE700  }
0x33: {  	[spmem:s31] =	stream.linear.scatter [tilespmem:s0], [sflag:$0x5], $0x1900, $0x38;
	[tilespmem:$0x1F720] =	vst v63  }
0x34: {  	_ =	swait.ge [sflag:s4], $0x1900  }
0x35: {  	[sflag:s4] =	ssyncset.done $0x0  }
0x36: {  	s26 =	rddreg [dreg:$0xa];
	[sflag:s4] =	ssyncadd.s32 $0xFFFFE700  }
0x37: {  	[spmem:s26] =	stream.linear.scatter [tilespmem:s0], [sflag:$0x5], $0x1900, $0x38;
	[tilespmem:$0x1F720] =	vst v63  }
0x38: {  	_ =	swait.ge [sflag:s4], $0x1900  }
0x39: {  	[sflag:s4] =	ssyncset.done $0x0  }
0x3a: {  	s28 =	rddreg [dreg:$0xb];
	[sflag:s4] =	ssyncadd.s32 $0xFFFFE700  }
0x3b: {  	[spmem:s28] =	stream.linear.scatter [tilespmem:s0], [sflag:$0x5], $0x1900, $0x38;
	[tilespmem:$0x1F720] =	vst v63  }
0x3c: {  	_ =	swait.ge [sflag:s4], $0x1900  }
0x3d: {  	[sflag:s4] =	ssyncset.done $0x0  }
0x3e: {  	s29 =	rddreg [dreg:$0xc];
	[sflag:s4] =	ssyncadd.s32 $0xFFFFE700  }
0x3f: {  	[spmem:s29] =	stream.linear.scatter [tilespmem:s0], [sflag:$0x5], $0x1900, $0x38;
	[tilespmem:$0x1F720] =	vst v63  }
0x40: {  	_ =	swait.ge [sflag:s4], $0x1900  }
0x41: {  	[sflag:s4] =	ssyncset.done $0x0  }
0x42: {  	s30 =	rddreg [dreg:$0xd];
	[sflag:s4] =	ssyncadd.s32 $0xFFFFE700  }
0x43: {  	[spmem:s30] =	stream.linear.scatter [tilespmem:s0], [sflag:$0x5], $0x1900, $0x38;
	[tilespmem:$0x1F720] =	vst v63  }
0x44: {  	_ =	swait.ge [sflag:s4], $0x1900  }
0x45: {  	[sflag:s4] =	ssyncset.done $0x0  }
0x46: {  	s31 =	rddreg [dreg:$0xe];
	[sflag:s4] =	ssyncadd.s32 $0xFFFFE700  }
0x47: {  	[spmem:s31] =	stream.linear.scatter [tilespmem:s0], [sflag:$0x5], $0x1900, $0x38;
	[tilespmem:$0x1F720] =	vst v63  }
0x48: {  	_ =	swait.ge [sflag:s4], $0x1900  }
0x49: {  	[sflag:s4] =	ssyncset.done $0x0  }
0x4a: {  	s26 =	rddreg [dreg:$0xf];
	[sflag:s4] =	ssyncadd.s32 $0xFFFFE700  }
0x4b: {  	[spmem:s26] =	stream.linear.scatter [tilespmem:s0], [sflag:$0x5], $0x1900, $0x38;
	[tilespmem:$0x1F720] =	vst v63  }
0x4c: {  	_ =	swait.ge [sflag:s4], $0x1900  }
0x4d: {  	[sflag:s4] =	ssyncset.done $0x0  }
0x4e: {  	s28 =	rddreg [dreg:$0x10];
	[sflag:s4] =	ssyncadd.s32 $0xFFFFE700  }
0x4f: {  	[spmem:s28] =	stream.linear.scatter [tilespmem:s0], [sflag:$0x5], $0x1900, $0x38;
	[tilespmem:$0x1F720] =	vst v63  }
0x50: {  	_ =	swait.ge [sflag:s4], $0x1900  }
0x51: {  	[sflag:s4] =	ssyncset.done $0x0  }
0x52: {  	s29 =	rddreg [dreg:$0x12];
	[sflag:s4] =	ssyncadd.s32 $0xFFFFE700  }
0x53: {  	[spmem:s29] =	stream.linear.scatter [tilespmem:s0], [sflag:$0x5], $0x1900, $0x38;
	[tilespmem:$0x1F720] =	vst v63  }
0x54: {  	_ =	swait.ge [sflag:s4], $0x1900  }
0x55: {  	[sflag:s4] =	ssyncset.done $0x0  }
0x56: {  	s30 =	rddreg [dreg:$0x13];
	[sflag:s4] =	ssyncadd.s32 $0xFFFFE700  }
0x57: {  	[spmem:s30] =	stream.linear.scatter [tilespmem:s0], [sflag:$0x5], $0x1900, $0x38;
	[tilespmem:$0x1F720] =	vst v63  }
0x58: {  	_ =	swait.ge [sflag:s4], $0x1900  }
0x59: {  	[sflag:s4] =	ssyncset.done $0x0  }
0x5a: {  	s31 =	rddreg [dreg:$0x14];
	[sflag:s4] =	ssyncadd.s32 $0xFFFFE700  }
0x5b: {  	[spmem:s31] =	stream.linear.scatter [tilespmem:s0], [sflag:$0x5], $0x1900, $0x38;
	[tilespmem:$0x1F720] =	vst v63  }
0x5c: {  	_ =	swait.ge [sflag:s4], $0x1900  }
0x5d: {  	[sflag:s4] =	ssyncset.done $0x0  }
0x5e: {  	s26 =	rddreg [dreg:$0x15];
	[sflag:s4] =	ssyncadd.s32 $0xFFFFE700  }
0x5f: {  	[spmem:s26] =	stream.linear.scatter [tilespmem:s0], [sflag:$0x5], $0x1900, $0x38;
	[tilespmem:$0x1F720] =	vst v63  }
0x60: {  	_ =	swait.ge [sflag:s4], $0x1900  }
0x61: {  	[sflag:s4] =	ssyncset.done $0x0  }
0x62: {  	s28 =	rddreg [dreg:$0x16];
	[sflag:s4] =	ssyncadd.s32 $0xFFFFE700  }
0x63: {  	[spmem:s28] =	stream.linear.scatter [tilespmem:s0], [sflag:$0x5], $0x1900, $0x38;
	[tilespmem:$0x1F720] =	vst v63  }
0x64: {  	_ =	swait.ge [sflag:s4], $0x1900  }
0x65: {  	[sflag:s4] =	ssyncset.done $0x0  }
0x66: {  	[sflag:s4] =	ssyncadd.s32 $0xFFFFE700  }
0x67: {  	[bflag:$0x0] =	sbarrier.arrive $0xFFFF  }
0x68: {  	s25 =	simm.s32 $0x0;
	s29 =	rddreg [dreg:$0x5]  }
0x69: {  	[tilespmem:s25], [sflag:$0x1] =	stream.linear.gather [hbm4b:s29+s25], $0xC8, $0x38;
	[tilespmem:$0x1F720] =	vst v63  }
0x6a: {  	s30 =	rddreg [dreg:$0x6]  }
0x6b: {  	[tilespmem:s6], [sflag:$0x1] =	stream.linear.gather [hbm4b:s30+s25], $0xC8, $0x38;
	[tilespmem:$0x1F720] =	vst v63  }
0x6c: {  	s31 =	rddreg [dreg:$0x11]  }
0x6d: {  	[tilespmem:s7], [sflag:$0x1] =	stream.linear.gather [hbm4b:s31+s25], $0x1900, $0x38;
	[tilespmem:$0x1F720] =	vst v63  }
0x6e: {  	_ =	swait.ge [sflag:s13], $0xC8  }
0x6f: {  	[sflag:s13] =	ssyncset.done $0x0  }
0x70: {  	[sflag:s13] =	ssyncadd.s32 $0xFFFFFF38  }
0x71: {  	_ =	swait.ge [sflag:s13], $0xC8  }
0x72: {  	[sflag:s13] =	ssyncset.done $0x0  }
0x73: {  	[sflag:s13] =	ssyncadd.s32 $0xFFFFFF38  }
0x74: {  	_ =	swait.ge [sflag:s13], $0x1900  }
0x75: {  	[sflag:s13] =	ssyncset.done $0x0  }
0x76: {  	[sflag:s13] =	ssyncadd.s32 $0xFFFFE700  }
0x77: {  	[tilespmem:s0], [sflag:$0x3] =	stream.indirect.gather [hbm4b:s9+s6], $0x20, s25, s6, $0xb8;
	[tilespmem:$0x1F720] =	vst v63  }
.LBB2_4:
0x78: {  	s26 =	smul.u32 $0x190, s25;
	_ =	sdelay $0x1  }
0x79: {  	s28 =	sadd.s32 s26, s10  }
0x7a: {  	s29 =	sshrl.u32 s28, $0x3  }
0x7b: {  	s30 =	sadd.s32 s1, s29  }
0x7c: {  	[tilespmem:s15], [sflag:$0x2] =	stream.linear.gather [hbm4b:s30+s5], $0xC8, $0x38;
	[tilespmem:$0x1F720] =	vst v63  }
0x7d: {  	s28 =	sshll.u32 s28, $0x2;
	s29 =	sadd.s32 s2, s29  }
0x7e: {  	[tilespmem:s16], [sflag:$0x2] =	stream.linear.gather [hbm4b:s29+s5], $0xC8, $0x38;
	[tilespmem:$0x1F720] =	vst v63  }
0x7f: {  	s28 =	sadd.s32 s8, s28  }
0x80: {  	[tilespmem:s17], [sflag:$0x2] =	stream.linear.gather [hbm4b:s28+s5], $0x1900, $0x38;
	[tilespmem:$0x1F720] =	vst v63  }
0x81: {  	_ =	swait.ge [sflag:s18], $0x1900  }
0x82: {  	[sflag:s18] =	ssyncset.done $0x0  }
0x83: {  	[sflag:s18] =	ssyncadd.s32 $0xFFFFE700  }
0x84: {  	_ =	swait.ge [sflag:s19], $0xC8  }
0x85: {  	[sflag:s19] =	ssyncset.done $0x0  }
0x86: {  	[sflag:s19] =	ssyncadd.s32 $0xFFFFFF38  }
0x87: {  	_ =	swait.ge [sflag:s19], $0xC8  }
0x88: {  	[sflag:s19] =	ssyncset.done $0x0  }
0x89: {  	[sflag:s19] =	ssyncadd.s32 $0xFFFFFF38  }
0x8a: {  	_ =	swait.ge [sflag:s19], $0x1900  }
0x8b: {  	[sflag:s19] =	ssyncset.done $0x0  }
0x8c: {  	s28 =	simm.s32 $0x1D0;
	[sflag:s19] =	ssyncadd.s32 $0xFFFFE700  }
0x8d: {  	[tilespmem:s20], [sflag:$0x4] =	stream.indirect.gather [hbm4b:s9+s6], $0x20, s15, s6, $0xb8;
	[tilespmem:$0x1F720] =	vst v63  }
0x8e: {  	s29 =	simm.s32 $0x1AD0;
	v1 =	vld [tilespmem:s28+$0x20]  }
0x8f: {  	v2 =	vld [tilespmem:s29+$0x20]  }
0x90: {  	v3 =	vld [tilespmem:s28+$0xFFFFFFE0]  }
0x91: {  	v4 =	vld [tilespmem:s29+$0xFFFFFFE0]  }
0x92: {  	v5 =	vld [tilespmem:s28+$0x0]  }
0x93: {  	v6 =	vld [tilespmem:s29+$0x0]  }
0x94: {  	v7 =	vld [tilespmem:s29+$0xFFFFFFC0];
	v1 =	vmul.f32 v2, v1  }
0x95: {  	v8 =	vld [tilespmem:s28+$0xFFFFFFC0]  }
0x96: {  	v9 =	vld [tilespmem:s28+$0x30];
	[tilespmem:s28+$0x20] =	vst v1  }
0x97: {  	v2 =	vmul.f32 v4, v3;
	v10 =	vld [tilespmem:s29+$0x30]  }
0x98: {  	v1 =	vld [tilespmem:s28+$0xFFFFFFD0]  }
0x99: {  	v3 =	vmul.f32 v6, v5;
	[tilespmem:s28+$0xFFFFFFE0] =	vst v2;
	v2 =	vld [tilespmem:s28+$0xFFFFFFF0]  }
0x9a: {  	v5 =	vmul.f32 v7, v8;
	v4 =	vld [tilespmem:s29+$0xFFFFFFF0]  }
0x9b: {  	[tilespmem:s28+$0x0] =	vst v3;
	v3 =	vld [tilespmem:s28+$0x10]  }
0x9c: {  	[tilespmem:s28+$0xFFFFFFC0] =	vst v5;
	v5 =	vld [tilespmem:s29+$0x10];
	v7 =	vmul.f32 v10, v9  }
0x9d: {  	s31 =	simm.s32 $0x250;
	s30 =	simm.s32 $0x0;
	v6 =	vld [tilespmem:s29+$0xFFFFFFD0]  }
.LBB2_5:
0x9e: {  	v8 =	vld [tilespmem:s31+$0x20];
	[tilespmem:s28+$0x30] =	vst v7;
	s29 =	sadd.s32 $0x80, s29  }
0x9f: {  	s30 =	sadd.s32 $0x4, s30;
	v7 =	vld [tilespmem:s29+$0x20];
	v2 =	vmul.f32 v4, v2  }
0xa0: {  	p0 =	slt.u32 s30, $0xC4;
	v4 =	vld [tilespmem:s29+$0xFFFFFFC0]  }
0xa1: {  	v9 =	vld [tilespmem:s31+$0xFFFFFFE0];
	[tilespmem:s28+$0xFFFFFFF0] =	vst v2;
	v2 =	vmul.f32 v5, v3  }
0xa2: {  	v3 =	vld [tilespmem:s29+$0xFFFFFFE0];
	v1 =	vmul.f32 v6, v1  }
0xa3: {  	v5 =	vld [tilespmem:s31+$0x0];
	[tilespmem:s28+$0x10] =	vst v2  }
0xa4: {  	v6 =	vld [tilespmem:s29+$0x0];
	v2 =	vmul.f32 v7, v8;
	[tilespmem:s28+$0xFFFFFFD0] =	vst v1;
	s28 =	smov.u32 s31  }
0xa5: {  	v7 =	vld [tilespmem:s31+$0xFFFFFFC0]  }
0xa6: {  	[tilespmem:s31+$0x20] =	vst v2;
	v8 =	vld [tilespmem:s31+$0x30]  }
0xa7: {  	v2 =	vmul.f32 v3, v9;
	v9 =	vld [tilespmem:s29+$0x30]  }
0xa8: {  	v1 =	vld [tilespmem:s31+$0xFFFFFFD0]  }
.Ltmp1:
0xa9: {  	[tilespmem:s31+$0xFFFFFFE0] =	vst v2;
	v2 =	vld [tilespmem:s31+$0xFFFFFFF0];
	v3 =	vmul.f32 v6, v5;
	(pc) =	sbr.rel @p0 .LBB2_5-.Ltmp1, $4  }
0xaa: {  	v5 =	vmul.f32 v4, v7;
	v4 =	vld [tilespmem:s29+$0xFFFFFFF0]  }
0xab: {  	[tilespmem:s31+$0x0] =	vst v3;
	v3 =	vld [tilespmem:s31+$0x10]  }
0xac: {  	[tilespmem:s31+$0xFFFFFFC0] =	vst v5;
	v5 =	vld [tilespmem:s29+$0x10];
	v7 =	vmul.f32 v9, v8  }
0xad: {  	s31 =	sadd.s32 $0x80, s31;
	v6 =	vld [tilespmem:s29+$0xFFFFFFD0]  }
0xae: {  	_ =	sdelay $0x1  }
0xaf: {  	v2 =	vmul.f32 v4, v2  }
0xb0: {  	[tilespmem:s28+$0x30] =	vst v7;
	v3 =	vmul.f32 v5, v3  }
0xb1: {  	[tilespmem:s28+$0xFFFFFFF0] =	vst v2;
	v1 =	vmul.f32 v6, v1  }
0xb2: {  	p0 =	sne.s32 s25, $0x7C;
	[tilespmem:s28+$0x10] =	vst v3  }
.Ltmp2:
0xb3: {  	[tilespmem:s28+$0xFFFFFFD0] =	vst v1;
	(pc) =	sbr.rel @!p0 .LBB2_7-.Ltmp2, $4  }
0xb4: {  	[spmem:s3] =	stream.indirect.scatter.add.f32 [tilespmem:s0], [sflag:$0x6], $0x20, s6, s6, $0xb8;
	[tilespmem:$0x1F720] =	vst v63  }
0xb5: {  	_ =	swait.ge [sflag:s21], $0x1900  }
0xb6: {  	[sflag:s21] =	ssyncset.done $0x0  }
0xb7: {  	[sflag:s21] =	ssyncadd.s32 $0xFFFFE700  }
0xb8: {  	s26 =	sadd.s32 s26, s11  }
0xb9: {  	s28 =	sshrl.u32 s26, $0x3  }
0xba: {  	s29 =	sadd.s32 s1, s28  }
0xbb: {  	[tilespmem:s5], [sflag:$0x1] =	stream.linear.gather [hbm4b:s29+s5], $0xC8, $0x38;
	[tilespmem:$0x1F720] =	vst v63  }
0xbc: {  	s26 =	sshll.u32 s26, $0x2;
	s28 =	sadd.s32 s2, s28  }
0xbd: {  	[tilespmem:s6], [sflag:$0x1] =	stream.linear.gather [hbm4b:s28+s5], $0xC8, $0x38;
	[tilespmem:$0x1F720] =	vst v63  }
0xbe: {  	s26 =	sadd.s32 s8, s26  }
0xbf: {  	[tilespmem:s7], [sflag:$0x1] =	stream.linear.gather [hbm4b:s26+s5], $0x1900, $0x38;
	[tilespmem:$0x1F720] =	vst v63  }
0xc0: {  	_ =	swait.ge [sflag:s22], $0x1900  }
0xc1: {  	[sflag:s22] =	ssyncset.done $0x0  }
0xc2: {  	[sflag:s22] =	ssyncadd.s32 $0xFFFFE700  }
0xc3: {  	_ =	swait.ge [sflag:s13], $0xC8  }
0xc4: {  	[sflag:s13] =	ssyncset.done $0x0  }
0xc5: {  	[sflag:s13] =	ssyncadd.s32 $0xFFFFFF38  }
0xc6: {  	_ =	swait.ge [sflag:s13], $0xC8  }
0xc7: {  	[sflag:s13] =	ssyncset.done $0x0  }
0xc8: {  	[sflag:s13] =	ssyncadd.s32 $0xFFFFFF38  }
0xc9: {  	_ =	swait.ge [sflag:s13], $0x1900  }
0xca: {  	[sflag:s13] =	ssyncset.done $0x0  }
0xcb: {  	s26 =	simm.s32 $0x3560;
	[sflag:s13] =	ssyncadd.s32 $0xFFFFE700  }
0xcc: {  	[tilespmem:s0], [sflag:$0x3] =	stream.indirect.gather [hbm4b:s9+s6], $0x20, s5, s6, $0xb8;
	[tilespmem:$0x1F720] =	vst v63  }
0xcd: {  	s28 =	simm.s32 $0x4E60;
	v1 =	vld [tilespmem:s26+$0x20]  }
0xce: {  	v2 =	vld [tilespmem:s28+$0x20]  }
0xcf: {  	v3 =	vld [tilespmem:s26+$0xFFFFFFE0]  }
0xd0: {  	v4 =	vld [tilespmem:s28+$0xFFFFFFE0]  }
0xd1: {  	v5 =	vld [tilespmem:s26+$0x0]  }
0xd2: {  	v6 =	vld [tilespmem:s28+$0x0]  }
0xd3: {  	v7 =	vld [tilespmem:s28+$0xFFFFFFC0];
	v1 =	vmul.f32 v2, v1  }
0xd4: {  	v8 =	vld [tilespmem:s26+$0xFFFFFFC0]  }
0xd5: {  	v9 =	vld [tilespmem:s26+$0x30];
	[tilespmem:s26+$0x20] =	vst v1  }
0xd6: {  	v2 =	vmul.f32 v4, v3;
	v10 =	vld [tilespmem:s28+$0x30]  }
0xd7: {  	v1 =	vld [tilespmem:s26+$0xFFFFFFD0]  }
0xd8: {  	v3 =	vmul.f32 v6, v5;
	[tilespmem:s26+$0xFFFFFFE0] =	vst v2;
	v2 =	vld [tilespmem:s26+$0xFFFFFFF0]  }
0xd9: {  	v5 =	vmul.f32 v7, v8;
	v4 =	vld [tilespmem:s28+$0xFFFFFFF0]  }
0xda: {  	[tilespmem:s26+$0x0] =	vst v3;
	v3 =	vld [tilespmem:s26+$0x10]  }
0xdb: {  	[tilespmem:s26+$0xFFFFFFC0] =	vst v5;
	v5 =	vld [tilespmem:s28+$0x10];
	v7 =	vmul.f32 v10, v9  }
0xdc: {  	s30 =	simm.s32 $0x35E0;
	s29 =	simm.s32 $0x0;
	v6 =	vld [tilespmem:s28+$0xFFFFFFD0]  }
.LBB2_14:
0xdd: {  	v8 =	vld [tilespmem:s30+$0x20];
	[tilespmem:s26+$0x30] =	vst v7;
	s28 =	sadd.s32 $0x80, s28  }
0xde: {  	s29 =	sadd.s32 $0x4, s29;
	v7 =	vld [tilespmem:s28+$0x20];
	v2 =	vmul.f32 v4, v2  }
0xdf: {  	p0 =	slt.u32 s29, $0xC4;
	v4 =	vld [tilespmem:s28+$0xFFFFFFC0]  }
0xe0: {  	v9 =	vld [tilespmem:s30+$0xFFFFFFE0];
	[tilespmem:s26+$0xFFFFFFF0] =	vst v2;
	v2 =	vmul.f32 v5, v3  }
0xe1: {  	v3 =	vld [tilespmem:s28+$0xFFFFFFE0];
	v1 =	vmul.f32 v6, v1  }
0xe2: {  	v5 =	vld [tilespmem:s30+$0x0];
	[tilespmem:s26+$0x10] =	vst v2  }
0xe3: {  	v6 =	vld [tilespmem:s28+$0x0];
	v2 =	vmul.f32 v7, v8;
	[tilespmem:s26+$0xFFFFFFD0] =	vst v1;
	s26 =	smov.u32 s30  }
0xe4: {  	v7 =	vld [tilespmem:s30+$0xFFFFFFC0]  }
0xe5: {  	[tilespmem:s30+$0x20] =	vst v2;
	v8 =	vld [tilespmem:s30+$0x30]  }
0xe6: {  	v2 =	vmul.f32 v3, v9;
	v9 =	vld [tilespmem:s28+$0x30]  }
0xe7: {  	v1 =	vld [tilespmem:s30+$0xFFFFFFD0]  }
.Ltmp3:
0xe8: {  	[tilespmem:s30+$0xFFFFFFE0] =	vst v2;
	v2 =	vld [tilespmem:s30+$0xFFFFFFF0];
	v3 =	vmul.f32 v6, v5;
	(pc) =	sbr.rel @p0 .LBB2_14-.Ltmp3, $4  }
0xe9: {  	v5 =	vmul.f32 v4, v7;
	v4 =	vld [tilespmem:s28+$0xFFFFFFF0]  }
0xea: {  	[tilespmem:s30+$0x0] =	vst v3;
	v3 =	vld [tilespmem:s30+$0x10]  }
0xeb: {  	[tilespmem:s30+$0xFFFFFFC0] =	vst v5;
	v5 =	vld [tilespmem:s28+$0x10];
	v7 =	vmul.f32 v9, v8  }
0xec: {  	s30 =	sadd.s32 $0x80, s30;
	v6 =	vld [tilespmem:s28+$0xFFFFFFD0]  }
0xed: {  	_ =	sdelay $0x1  }
0xee: {  	v2 =	vmul.f32 v4, v2  }
0xef: {  	[tilespmem:s26+$0x30] =	vst v7;
	v3 =	vmul.f32 v5, v3  }
0xf0: {  	[tilespmem:s26+$0xFFFFFFF0] =	vst v2;
	v1 =	vmul.f32 v6, v1  }
0xf1: {  	[tilespmem:s26+$0x10] =	vst v3  }
.Ltmp4:
0xf2: {  	[tilespmem:s26+$0xFFFFFFD0] =	vst v1;
	(pc) =	sbr.rel .LBB2_4-.Ltmp4, $4  }
0xf3: {  	[spmem:s3] =	stream.indirect.scatter.add.f32 [tilespmem:s20], [sflag:$0x6], $0x20, s16, s6, $0xb8;
	[tilespmem:$0x1F720] =	vst v63  }
0xf4: {  	_ =	swait.ge [sflag:s21], $0x1900  }
0xf5: {  	[sflag:s21] =	ssyncset.done $0x0  }
0xf6: {  	s25 =	sadd.s32 $0x1, s25;
	[sflag:s21] =	ssyncadd.s32 $0xFFFFE700  }
.LBB2_7:
0xf7: {  	_ =	swait.ge [sflag:s22], $0x1900  }
0xf8: {  	[sflag:s22] =	ssyncset.done $0x0  }
0xf9: {  	s25 =	simm.s32 $0x3560;
	[sflag:s22] =	ssyncadd.s32 $0xFFFFE700  }
0xfa: {  	s26 =	simm.s32 $0x4E60;
	v1 =	vld [tilespmem:s25+$0x20]  }
0xfb: {  	v2 =	vld [tilespmem:s26+$0x20]  }
0xfc: {  	v3 =	vld [tilespmem:s25+$0xFFFFFFE0]  }
0xfd: {  	v4 =	vld [tilespmem:s26+$0xFFFFFFE0]  }
0xfe: {  	v5 =	vld [tilespmem:s25+$0x0]  }
0xff: {  	v6 =	vld [tilespmem:s26+$0x0]  }
0x100: {  	v7 =	vld [tilespmem:s26+$0xFFFFFFC0];
	v1 =	vmul.f32 v2, v1  }
0x101: {  	v8 =	vld [tilespmem:s25+$0xFFFFFFC0]  }
0x102: {  	v9 =	vld [tilespmem:s25+$0x30];
	[tilespmem:s25+$0x20] =	vst v1  }
0x103: {  	v2 =	vmul.f32 v4, v3;
	v10 =	vld [tilespmem:s26+$0x30]  }
0x104: {  	v1 =	vld [tilespmem:s25+$0xFFFFFFD0]  }
0x105: {  	v3 =	vmul.f32 v6, v5;
	[tilespmem:s25+$0xFFFFFFE0] =	vst v2;
	v2 =	vld [tilespmem:s25+$0xFFFFFFF0]  }
0x106: {  	v5 =	vmul.f32 v7, v8;
	v4 =	vld [tilespmem:s26+$0xFFFFFFF0]  }
0x107: {  	[tilespmem:s25+$0x0] =	vst v3;
	v3 =	vld [tilespmem:s25+$0x10]  }
0x108: {  	[tilespmem:s25+$0xFFFFFFC0] =	vst v5;
	v5 =	vld [tilespmem:s26+$0x10];
	v7 =	vmul.f32 v10, v9  }
0x109: {  	s28 =	simm.s32 $0x0;
	s29 =	simm.s32 $0x35E0;
	v6 =	vld [tilespmem:s26+$0xFFFFFFD0]  }
.LBB2_8:
0x10a: {  	v8 =	vld [tilespmem:s29+$0x20];
	[tilespmem:s25+$0x30] =	vst v7;
	s26 =	sadd.s32 $0x80, s26  }
0x10b: {  	s28 =	sadd.s32 $0x4, s28;
	v7 =	vld [tilespmem:s26+$0x20];
	v2 =	vmul.f32 v4, v2  }
0x10c: {  	p0 =	slt.u32 s28, $0xC4;
	v4 =	vld [tilespmem:s26+$0xFFFFFFC0]  }
0x10d: {  	v9 =	vld [tilespmem:s29+$0xFFFFFFE0];
	[tilespmem:s25+$0xFFFFFFF0] =	vst v2;
	v2 =	vmul.f32 v5, v3  }
0x10e: {  	v3 =	vld [tilespmem:s26+$0xFFFFFFE0];
	v1 =	vmul.f32 v6, v1  }
0x10f: {  	v5 =	vld [tilespmem:s29+$0x0];
	[tilespmem:s25+$0x10] =	vst v2  }
0x110: {  	v6 =	vld [tilespmem:s26+$0x0];
	v2 =	vmul.f32 v7, v8;
	[tilespmem:s25+$0xFFFFFFD0] =	vst v1;
	s25 =	smov.u32 s29  }
0x111: {  	v7 =	vld [tilespmem:s29+$0xFFFFFFC0]  }
0x112: {  	[tilespmem:s29+$0x20] =	vst v2;
	v8 =	vld [tilespmem:s29+$0x30]  }
0x113: {  	v2 =	vmul.f32 v3, v9;
	v9 =	vld [tilespmem:s26+$0x30]  }
0x114: {  	v1 =	vld [tilespmem:s29+$0xFFFFFFD0]  }
.Ltmp5:
0x115: {  	[tilespmem:s29+$0xFFFFFFE0] =	vst v2;
	v2 =	vld [tilespmem:s29+$0xFFFFFFF0];
	v3 =	vmul.f32 v6, v5;
	(pc) =	sbr.rel @p0 .LBB2_8-.Ltmp5, $4  }
0x116: {  	v5 =	vmul.f32 v4, v7;
	v4 =	vld [tilespmem:s26+$0xFFFFFFF0]  }
0x117: {  	[tilespmem:s29+$0x0] =	vst v3;
	v3 =	vld [tilespmem:s29+$0x10]  }
0x118: {  	[tilespmem:s29+$0xFFFFFFC0] =	vst v5;
	v5 =	vld [tilespmem:s26+$0x10];
	v7 =	vmul.f32 v9, v8  }
0x119: {  	s29 =	sadd.s32 $0x80, s29;
	v6 =	vld [tilespmem:s26+$0xFFFFFFD0]  }
0x11a: {  	_ =	sdelay $0x1  }
0x11b: {  	v2 =	vmul.f32 v4, v2  }
0x11c: {  	[tilespmem:s25+$0x30] =	vst v7;
	v3 =	vmul.f32 v5, v3  }
0x11d: {  	[tilespmem:s25+$0xFFFFFFF0] =	vst v2;
	v1 =	vmul.f32 v6, v1  }
0x11e: {  	[tilespmem:s25+$0x10] =	vst v3  }
0x11f: {  	[tilespmem:s25+$0xFFFFFFD0] =	vst v1  }
0x120: {  	[spmem:s3] =	stream.indirect.scatter.add.f32 [tilespmem:s20], [sflag:$0x5], $0x20, s16, s6, $0xb8;
	[tilespmem:$0x1F720] =	vst v63  }
0x121: {  	_ =	swait.ge [sflag:s4], $0x1900  }
0x122: {  	s31 =	stileid.u32;
	[sflag:s4] =	ssyncset.done $0x0  }
0x123: {  	s26 =	sadd.s32 $0x0, s23;
	s25 =	sshll.u32 s31, $0x6;
	[sflag:s4] =	ssyncadd.s32 $0xFFFFE700  }
0x124: {  	s28 =	sshrl.u32 s12, $0x3;
	s25 =	sor.u32 $0x1C05, s25;
	[bflag:$0x0] =	sbarrier.arrive $0xFFFF  }
0x125: {  	[hbm:s26], [sflag:s25] =	dma.local [spmem:s28], $0x320  }
0x126: {  	s26 =	simm.s32 $0x320;
	s28 =	smov.u32 s14;
	_ =	swait.ge [sflag:s4], $0x320  }
.LBB2_10:
0x127: {  	s29 =	sadd.s32 s26, s23;
	[sflag:s4] =	ssyncset.done $0x0;
	p0 =	sne.s32 s26, $0x2EE0  }
.Ltmp6:
0x128: {  	s30 =	sshrl.u32 s28, $0x3;
	[sflag:s4] =	ssyncadd.s32 $0xFFFFFCE0;
	(pc) =	sbr.rel @p0 .LBB2_10-.Ltmp6, $3  }
0x129: {  	[hbm:s29], [sflag:s25] =	dma.local [spmem:s30], $0x320  }
0x12a: {  	s26 =	sadd.s32 $0x320, s26;
	_ =	sdelay $0x1  }
0x12b: {  	s28 =	sadd.s32 $0x1900, s28;
	_ =	swait.ge [sflag:s4], $0x320  }
0x12c: {  	s24 =	sadd.s32 $0x1, s24;
	s25 =	rddreg [dreg:$0x7]  }
0x12d: {  	p0 =	sne.s32 s24, s25  }
.Ltmp7:
0x12e: {  	_ = 	snop;
	(pc) =	sbr.rel @p0 .LBB2_1-.Ltmp7, $3  }
0x12f: {  	_ =	sdelay $0x1  }
0x130: {  	[sflag:s4] =	ssyncset.done $0x0  }
0x131: {  	[sflag:s4] =	ssyncadd.s32 $0xFFFFFCE0  }
0x132: {  	_ =	sfence.sel $0x180000  }
0x133: {  	[bflag:$0x0] =	sbarrier.arrive $0xFFFF  }
0x134: {  	_ =	strace $0x9000004D  }
0x135: {  	s0 =	stileid.u32;
	[bflag:$0x2] =	sbarrier.arrive $0xFFFF  }
0x136: {  	p0 =	sne.s32 s0, $0x0;
	s0 =	rddreg [dreg:$0x4]  }
0x137: {  	s0 =	sadd.s32 @!p0 $0x100000, s0  }
0x138: {  	[sflag:s0] =	ssyncadd.tile.s32 @!p0 $0x1;
	_ =	shalt  }
.Lfunc_end2:
_tile_overlayer_lowered:
.L_overlay_start_2:
0x139: {  	(tag) =	ssettag $0x2  }
0x13a: {  	s0 =	rddreg [dreg:$0x0];
	s2 =	stileid.u32  }
0x13b: {  	s1 =	rddreg [dreg:$0x1];
	p0 =	sne.s32 s2, $0x0  }
0x13c: {  	s3 =	rddreg [dreg:$0x2];
	[bflag:$0x3] =	sbarrier.arrive $0xFFFF;
	s2 =	simm.s32 @!p0 $0x1C05  }
0x13d: {  	[timem:s3], [sflag:s2] =	dma.local @!p0 [hbm:s0], s1  }
0x13e: {  	s0 =	simm.s32 @!p0 $0x5  }
0x13f: {  	_ =	swait.ge @!p0 [sflag:s0], s1  }
0x140: {  	s1 =	ssub.s32 @!p0 $0x0, s1;
	[sflag:s0] =	ssyncset.done @!p0 $0x0  }
0x141: {  	[sflag:s0] =	ssyncadd.s32 @!p0 s1  }
0x142: {  	[bflag:$0x3] =	sbarrier.arrive $0xFFFF  }
0x143: {  	_ =	shalt  }

// kernel: kernel.32.cloned.1.call-start
scs
__scs_entry_jumppad:
0x0: {  	(pc) =	sbr.rel $0x88, $3  }
0x1: {  	(tag) =	ssettag $0x0;
	lr =	simm.s32 $0x1  }
0x2: {  	[smem:$0x3F81] =	sst lr;
	_ =	strace $0xD0000000  }
0x3: {  	_ = 	snop  }
0x4: {  	_ = 	snop  }
0x5: {  	_ = 	snop  }
0x6: {  	_ = 	snop  }
0x7: {  	_ = 	snop  }
__scs_overlays_trampoline_lowered:
0x8: {  	[smem:$0x3F90] =	sst s0  }
0x9: {  	[smem:$0x3F91] =	sst s1  }
0xa: {  	[smem:$0x3F92] =	sst s2  }
0xb: {  	[smem:$0x3F93] =	sst s3  }
0xc: {  	[smem:$0x3F94] =	sst s4  }
0xd: {  	[smem:$0x3F95] =	sst s5  }
0xe: {  	[smem:$0x3F96] =	sst s6  }
0xf: {  	[smem:$0x3F97] =	sst s7  }
0x10: {  	[smem:$0x3F98] =	sst s8  }
0x11: {  	[smem:$0x3F99] =	sst s9;
	s0 =	simm.s32 @!p0 $0x0  }
0x12: {  	s1 =	sld [smem:$0x3F7F];
	s0 =	simm.s32 @p0 $0x1  }
0x13: {  	[smem:$0x3F9A] =	sst s0;
	s0 =	simm.s32 @!p1 $0x0  }
0x14: {  	s2 =	sld [smem:$0x3F7E];
	s0 =	simm.s32 @p1 $0x1  }
0x15: {  	[smem:$0x3F9B] =	sst s0;
	s0 =	simm.s32 @!p2 $0x0  }
0x16: {  	s3 =	sld [smem:$0x3FDB];
	s0 =	simm.s32 @p2 $0x1  }
0x17: {  	s4 =	simm.s32 $0x1BF5;
	[smem:$0x3F9D] =	sst s0  }
0x18: {  	s0 =	sld [smem:$0x3F80];
	_ =	swait.ge [sflag:s4], $0x0  }
0x19: {  	s7 =	sld [smem:$0x3F81]  }
0x1a: {  	s8 =	sadd.s32 $0xFFFFE003, lr  }
0x1b: {  	s9 =	sadd.s32 $0xFFFFFEF7, lr;
	s5 =	simm.s32 $0xFFFFFFFF;
	p2 =	slt.u32 s8, $0xFFFFF086  }
0x1c: {  	p1 =	slt.u32 s9, $0xF7A;
	s5 =	simm.s32 @!p2 $0x0  }
0x1d: {  	s5 =	simm.s32 @p1 $0x1;
	p0 =	seq.s32 s7, s2  }
0x1e: {  	s7 =	smul.u32 @!p0 $0xF7A, s2;
	p2 =	seq.s32 @!p0 s5, $0x0  }
0x1f: {  	s9 =	smul.u32 $0xF7A, s1;
	s8 =	simm.s32 @!p0 $0x1BF5;
	p2 =	por !p2, p0  }
0x20: {  	[sflag:s8] =	ssyncset.s32 @!p0 $0xFFFFF086;
	s6 =	sadd.s32 @!p0 s3, s7;
	s7 =	simm.s32 @!p0 $0x108  }
0x21: {  	s3 =	sadd.s32 s3, s9;
	s6 =	sadd.s32 @!p0 $0x88, s6;
	s7 =	simm.s32 @p2 $0x1082  }
0x22: {  	[simem:s7], [sflag:s8] =	dma.local @!p0 [hbm:s6], $0xF7A  }
0x23: {  	s9 =	sor.u32 $0xD0000000, s2;
	s6 =	simm.s32 $0x108;
	_ =	swait.ge @!p0 [sflag:s8], $0x0  }
0x24: {  	s3 =	sadd.s32 $0x88, s3;
	s6 =	simm.s32 @!p1 $0x1082;
	[sflag:s4] =	ssyncset.s32 $0xFFFFF086  }
0x25: {  	[simem:s6], [sflag:s4] =	dma.local [hbm:s3], $0xF7A  }
0x26: {  	[smem:$0x3F81] =	sst s1;
	(tag) =	ssettag s2;
	_ =	strace s9  }
0x27: {  	s1 =	sld [smem:$0x3F91]  }
0x28: {  	s2 =	sld [smem:$0x3F92]  }
0x29: {  	s4 =	sld [smem:$0x3F94]  }
0x2a: {  	p0 =	seq.s32 s5, $0x0;
	s5 =	sld [smem:$0x3F95]  }
0x2b: {  	s6 =	sld [smem:$0x3F96]  }
0x2c: {  	s7 =	sld [smem:$0x3F97]  }
0x2d: {  	s3 =	simm.s32 $0x108;
	s8 =	sld [smem:$0x3F98]  }
0x2e: {  	s3 =	simm.s32 @!p0 $0x1082;
	s9 =	sld [smem:$0x3F99]  }
0x2f: {  	lr =	sadd.s32 s0, s3;
	s0 =	sld [smem:$0x3F90]  }
0x30: {  	s3 =	sld [smem:$0x3F93]  }
0x31: {  	[smem:$0x3F9C] =	sst s10  }
0x32: {  	s10 =	sld [smem:$0x3F9A];
	_ =	sdelay $0x3  }
0x33: {  	p0 =	seq.s32 s10, $0x1;
	s10 =	sld [smem:$0x3F9C];
	_ =	sdelay $0x3  }
0x34: {  	[smem:$0x3F9C] =	sst s10  }
0x35: {  	s10 =	sld [smem:$0x3F9B];
	_ =	sdelay $0x3  }
0x36: {  	p1 =	seq.s32 s10, $0x1;
	s10 =	sld [smem:$0x3F9C];
	_ =	sdelay $0x3  }
0x37: {  	[smem:$0x3F9C] =	sst s10  }
0x38: {  	s10 =	sld [smem:$0x3F9D]  }
0x39: {  	_ = 	snop;
	(pc) =	sbr.ind lr, $3  }
0x3a: {  	_ = 	snop  }
0x3b: {  	_ = 	snop  }
0x3c: {  	p2 =	seq.s32 s10, $0x1;
	s10 =	sld [smem:$0x3F9C]  }
0x3d: {  	_ =	shalt  }
0x3e: {  	_ =	shalt  }
0x3f: {  	_ =	shalt  }
0x40: {  	_ =	shalt  }
0x41: {  	_ =	shalt  }
0x42: {  	_ =	shalt  }
0x43: {  	_ =	shalt  }
0x44: {  	_ =	shalt  }
0x45: {  	_ =	shalt  }
0x46: {  	_ =	shalt  }
0x47: {  	_ =	shalt  }
0x48: {  	_ =	shalt  }
0x49: {  	_ =	shalt  }
0x4a: {  	_ =	shalt  }
0x4b: {  	_ =	shalt  }
0x4c: {  	_ =	shalt  }
0x4d: {  	_ =	shalt  }
0x4e: {  	_ =	shalt  }
0x4f: {  	_ =	shalt  }
0x50: {  	_ =	shalt  }
0x51: {  	_ =	shalt  }
0x52: {  	_ =	shalt  }
0x53: {  	_ =	shalt  }
0x54: {  	_ =	shalt  }
0x55: {  	_ =	shalt  }
0x56: {  	_ =	shalt  }
0x57: {  	_ =	shalt  }
0x58: {  	_ =	shalt  }
0x59: {  	_ =	shalt  }
0x5a: {  	_ =	shalt  }
0x5b: {  	_ =	shalt  }
0x5c: {  	_ =	shalt  }
0x5d: {  	_ =	shalt  }
0x5e: {  	_ =	shalt  }
0x5f: {  	_ =	shalt  }
0x60: {  	_ =	shalt  }
0x61: {  	_ =	shalt  }
0x62: {  	_ =	shalt  }
0x63: {  	_ =	shalt  }
0x64: {  	_ =	shalt  }
0x65: {  	_ =	shalt  }
0x66: {  	_ =	shalt  }
0x67: {  	_ =	shalt  }
0x68: {  	_ =	shalt  }
0x69: {  	_ =	shalt  }
0x6a: {  	_ =	shalt  }
0x6b: {  	_ =	shalt  }
0x6c: {  	_ =	shalt  }
0x6d: {  	_ =	shalt  }
0x6e: {  	_ =	shalt  }
0x6f: {  	_ =	shalt  }
0x70: {  	_ =	shalt  }
0x71: {  	_ =	shalt  }
0x72: {  	_ =	shalt  }
0x73: {  	_ =	shalt  }
0x74: {  	_ =	shalt  }
0x75: {  	_ =	shalt  }
0x76: {  	_ =	shalt  }
0x77: {  	_ =	shalt  }
0x78: {  	_ =	shalt  }
0x79: {  	_ =	shalt  }
0x7a: {  	_ =	shalt  }
0x7b: {  	_ =	shalt  }
0x7c: {  	_ =	shalt  }
0x7d: {  	_ =	shalt  }
0x7e: {  	_ =	shalt  }
0x7f: {  	_ =	shalt  }
0x80: {  	_ =	shalt  }
0x81: {  	_ =	shalt  }
0x82: {  	_ =	shalt  }
0x83: {  	_ =	shalt  }
0x84: {  	_ =	shalt  }
0x85: {  	_ =	shalt  }
0x86: {  	_ =	shalt  }
0x87: {  	_ =	shalt  }
.Lfunc_end0:
.L_simem_size_0:
called_computation.3_lowered:
.L_overlay_start_0:
0x88: {  	s2 =	sld [smem:$0x3FD9]  }
0x89: {  	s3 =	sld [smem:$0x3FFE];
	_ =	sdelay $0x1  }
0x8a: {  	s1 =	srdreg.scid  }
0x8b: {  	s0 =	sand.u32 $0x1, s1  }
0x8c: {  	s17 =	sshll.u32 s0, $0xA;
	s2 =	sadd.s32 s3, s2  }
0x8d: {  	s2 =	sadd.s32 s2, s17  }
0x8e: {  	[smem:$0x3FA8] =	sst s2  }
0x8f: {  	_ = 	snop  }
0x90: {  	s2 =	sld [smem:$0x3FC7]  }
0x91: {  	s18 =	sld [smem:$0x3FC6];
	(tm) =	ssettm $0x1  }
0x92: {  	s4 =	sld [smem:$0x3FFB];
	_ =	sdelay $0x3  }
0x93: {  	_ =	strace s4  }
0x94: {  	s4 =	sld [smem:$0x3FFC];
	_ =	sdelay $0x3  }
0x95: {  	_ =	strace s4  }
0x96: {  	s4 =	sld [smem:$0x3FFD];
	_ =	sdelay $0x3  }
0x97: {  	_ =	strace s4  }
0x98: {  	_ =	strace $0x8FFFFFFF  }
0x99: {  	s19 =	sld [smem:$0x3FDB];
	_ =	sdelay $0x1  }
0x9a: {  	s5 =	simm.s32 $_scs_section_size  }
0x9b: {  	s6 =	simm.s32 $_size__tile_overlayer_lowered;
	s7 =	simm.s32 $_tile_overlayer_lowered  }
0x9c: {  	s22 =	simm.s32 $0x1BFF;
	s21 =	sshll.u32 s7, $0x1;
	s4 =	sadd.s32 s5, s19  }
0x9d: {  	s8 =	simm.s32 $0x0;
	s20 =	sshll.u32 s6, $0x1;
	s6 =	sadd.s32 s21, s4  }
0x9e: {  	[timem:s8], [sflag:s22] =	dma.local [hbm:s6], s20  }
0x9f: {  	_ =	swait.ge [sflag:s22], s20  }
0xa0: {  	s5 =	ssub.s32 $0x0, s20;
	[sflag:s22] =	ssyncset.done $0x0  }
0xa1: {  	[sflag:s22] =	ssyncadd.s32 s5;
	_ =	sdelay $0x1  }
0xa2: {  	s23 =	simm.s32 $0x1B8B  }
0xa3: {  	_ =	swait.ge [sflag:s23], $0x1  }
0xa4: {  	[sflag:s23] =	ssyncset.done $0x0  }
0xa5: {  	s25 =	simm.s32 $0x1B8E;
	s24 =	sld [smem:$0x3FFE];
	[sflag:s23] =	ssyncadd.s32 $0xFFFFFFFF  }
0xa6: {  	s26 =	simm.s32 $execute0_lowered;
	[smem:$0x3FD2] =	sst s25  }
0xa7: {  	s6 =	sshll.u32 s26, $0x1;
	_ =	strace $0x8000004F;
	[dreg:$0x1] =	wrdreg $0xFFFFFFFF  }
0xa8: {  	s28 =	simm.s32 $_size_execute0_lowered;
	s4 =	sadd.s32 s4, s6;
	[dreg:$0x0] =	wrdreg $0x0  }
0xa9: {  	s6 =	sshll.u32 s28, $0x1;
	[dreg:$0x2] =	wrdreg s4  }
0xaa: {  	[dreg:$0x3] =	wrdreg s6  }
0xab: {  	[dreg:$0x4] =	wrdreg $0xC0  }
0xac: {  	_ =	task [dreg:s8], $0x5FFFF  }
0xad: {  	[dreg:$0x1] =	wrdreg $0xFFFFFFFF  }
0xae: {  	[dreg:$0x0] =	wrdreg $0x60  }
0xaf: {  	[dreg:$0x2] =	wrdreg s24  }
0xb0: {  	[dreg:$0x3] =	wrdreg s2  }
0xb1: {  	[dreg:$0x4] =	wrdreg s18  }
0xb2: {  	[dreg:$0x5] =	wrdreg $0x67200  }
0xb3: {  	[dreg:$0x6] =	wrdreg $0x9  }
0xb4: {  	_ =	task.clear_ibuf [dreg:s8], $0x7FFFF;
	_ =	strace $0x9000004F  }
0xb5: {  	s29 =	simm.s32 $0x9;
	_ =	strace $0x80000051  }
0xb6: {  	_ =	swait.ge [sflag:s29], $0x1  }
0xb7: {  	[sflag:s29] =	ssyncadd.s32 $0xFFFFFFFF  }
0xb8: {  	_ =	strace $0x90000051  }
0xb9: {  	_ =	sfence  }
0xba: {  	s30 =	sld [smem:$0x0];
	_ =	sdelay $0x2  }
0xbb: {  	s31 =	sshll.u32 s1, $0xD;
	s1 =	sshrl.u32 s1, $0x2  }
0xbc: {  	s3 =	sand.u32 $0x4000, s31;
	s1 =	sadd.s32 s1, s30  }
0xbd: {  	s0 =	sor.u32 s3, s0;
	s1 =	sshll.u32 s1, $0x11  }
0xbe: {  	s0 =	sor.u32 s1, s0  }
0xbf: {  	s0 =	sadd.s32 $0x8F2B, s0  }
0xc0: {  	[sflag:s0] =	ssyncadd.remote.s32 $0x1  }
0xc1: {  	_ =	sfence.sel $0xFFFF  }
0xc2: {  	[dreg:$0x0] =	wrdreg $0xFFFFFFFF;
	(pc) =	sbr.abs _section_cstart, $3  }
0xc3: {  	[dreg:$0x1] =	wrdreg $0xFFFFFFFF  }
0xc4: {  	_ =	task.clear_ibuf [dreg:s8], $0x2FFFF;
	_ =	strace $0x9FFFFFFF  }
0xc5: {  	(tm) =	ssettm $0x7FFFFFFF  }
tec
execute0_lowered:
.L_overlay_start_1:
0x0: {  	(tag) =	ssettag $0x1  }
0x1: {  	s0 =	rddreg [dreg:$0x0]  }
0x2: {  	s1 =	rddreg [dreg:$0x1]  }
0x3: {  	s2 =	rddreg [dreg:$0x2]  }
0x4: {  	s4 =	srdreg.scid;
	s13 =	stileid.u32  }
0x5: {  	s3 =	rddreg [dreg:$0x3];
	s11 =	smul.u32 $0xC350, s13  }
0x6: {  	s5 =	simm.s32 $0x0;
	s4 =	sand.u32 $0x1, s4;
	s14 =	smul.u32 $0x64000, s13  }
0x7: {  	[smem:$0x7FF] =	sst s5;
	s6 =	smul.u32 $0x30D400, s4  }
0x8: {  	s7 =	smul.u32 $0x32000, s4;
	_ =	strace $0x80000050;
	s4 =	ssub.s32 $0x2, s4  }
0x9: {  	s10 =	sshrl.u32 s4, $0x1;
	s8 =	sshrl.u32 s11, $0x3;
	s6 =	sadd.s32 s6, s0  }
0xa: {  	s0 =	sadd.s32 s7, s0;
	s4 =	ssub.s32 s4, s10;
	s12 =	sadd.s32 s1, s8  }
0xb: {  	s8 =	sadd.s32 s2, s8;
	s7 =	sshrl.u32 s14, $0x2;
	[dreg:$0x5] =	wrdreg s12  }
0xc: {  	[dreg:$0x6] =	wrdreg s8;
	s12 =	sadd.s32 s7, s3;
	s4 =	smax.u32 s4, $0x1  }
0xd: {  	[dreg:$0x7] =	wrdreg s4;
	s16 =	sadd.s32 $0x3200, s12  }
0xe: {  	s17 =	sadd.s32 $0x4B00, s12;
	[dreg:$0x8] =	wrdreg s16  }
0xf: {  	s18 =	sadd.s32 $0x6400, s12;
	[dreg:$0x9] =	wrdreg s17  }
0x10: {  	s15 =	smul.u32 $0x30D40, s13;
	s7 =	sadd.s32 $0x7D00, s12;
	[dreg:$0xa] =	wrdreg s18  }
0x11: {  	s19 =	smul.u32 $0x3200, s13;
	s20 =	sadd.s32 $0x9600, s12;
	[dreg:$0xb] =	wrdreg s7  }
0x12: {  	s13 =	simm.s32 $0x1;
	s21 =	sadd.s32 $0xAF00, s12;
	[dreg:$0xc] =	wrdreg s20  }
0x13: {  	s10 =	sadd.s32 $0xC8, s11;
	s22 =	sadd.s32 $0xC800, s12;
	[dreg:$0xd] =	wrdreg s21  }
0x14: {  	s11 =	sadd.s32 $0x190, s11;
	s23 =	sadd.s32 $0xE100, s12;
	[dreg:$0xe] =	wrdreg s22  }
0x15: {  	s8 =	sadd.s32 $0x3BA1200, s6;
	s24 =	sadd.s32 $0xFA00, s12;
	[dreg:$0xf] =	wrdreg s23  }
0x16: {  	s9 =	sadd.s32 $0x7400, s0;
	s25 =	sadd.s32 s15, s8;
	[dreg:$0x10] =	wrdreg s24  }
0x17: {  	s0 =	sadd.s32 $0x6B400, s0;
	s26 =	sadd.s32 $0x11300, s12;
	[dreg:$0x11] =	wrdreg s25  }
0x18: {  	s6 =	simm.s32 $0xC8;
	s28 =	sadd.s32 $0x12C00, s12;
	[dreg:$0x12] =	wrdreg s26  }
0x19: {  	s14 =	sadd.s32 $0x1900, s12;
	s29 =	sadd.s32 $0x14500, s12;
	[dreg:$0x13] =	wrdreg s28  }
0x1a: {  	s30 =	sadd.s32 $0x15E00, s12;
	s31 =	sadd.s32 $0x17700, s12;
	[dreg:$0x14] =	wrdreg s29  }
0x1b: {  	s4 =	simm.s32 $0x5;
	s15 =	simm.s32 $0x3390;
	[dreg:$0x15] =	wrdreg s30  }
0x1c: {  	s23 =	sadd.s32 s0, s19;
	[dreg:$0x16] =	wrdreg s31;
	s0 =	simm.s32 $0x190  }
0x1d: {  	s7 =	simm.s32 $0x1A90;
	s16 =	simm.s32 $0x3458;
	s17 =	simm.s32 $0x4E20  }
0x1e: {  	s18 =	simm.s32 $0x3;
	s19 =	simm.s32 $0x2;
	s20 =	simm.s32 $0x3520  }
0x1f: {  	v0 =	vimm.f32 $0.0e+00;
	s21 =	simm.s32 $0x6;
	s22 =	simm.s32 $0x4;
	s24 =	simm.s32 $0x0  }
.LBB2_1:
0x20: {  	s25 =	simm.s32 $0x80;
	s26 =	simm.s32 $0x0  }
.LBB2_2:
0x21: {  	p0 =	sne.s32 s25, $0x6380;
	[tilespmem:s26+$0x190] =	vst v0;
	s28 =	smov.u32 s25;
	s25 =	sadd.s32 $0x80, s25  }
.Ltmp0:
0x22: {  	[tilespmem:s26+$0x1A0] =	vst v0;
	(pc) =	sbr.rel @p0 .LBB2_2-.Ltmp0, $2  }
0x23: {  	_ =	sdelay $0x2  }
0x24: {  	s26 =	sshra.s32 s28, $0x2  }
0x25: {  	[tilespmem:s26+$0x190] =	vst v0  }
0x26: {  	[tilespmem:s26+$0x1A0] =	vst v0  }
0x27: {  	[spmem:s12] =	stream.linear.scatter [tilespmem:s0], [sflag:$0x5], $0x1900, $0x38;
	[tilespmem:$0x1F720] =	vst v63  }
0x28: {  	_ =	swait.ge [sflag:s4], $0x1900  }
0x29: {  	[sflag:s4] =	ssyncset.done $0x0  }
0x2a: {  	[sflag:s4] =	ssyncadd.s32 $0xFFFFE700  }
0x2b: {  	[spmem:s14] =	stream.linear.scatter [tilespmem:s0], [sflag:$0x5], $0x1900, $0x38;
	[tilespmem:$0x1F720] =	vst v63  }
0x2c: {  	_ =	swait.ge [sflag:s4], $0x1900  }
0x2d: {  	[sflag:s4] =	ssyncset.done $0x0  }
0x2e: {  	s25 =	rddreg [dreg:$0x8];
	[sflag:s4] =	ssyncadd.s32 $0xFFFFE700  }
0x2f: {  	[spmem:s25] =	stream.linear.scatter [tilespmem:s0], [sflag:$0x5], $0x1900, $0x38;
	[tilespmem:$0x1F720] =	vst v63  }
0x30: {  	_ =	swait.ge [sflag:s4], $0x1900  }
0x31: {  	[sflag:s4] =	ssyncset.done $0x0  }
0x32: {  	s31 =	rddreg [dreg:$0x9];
	[sflag:s4] =	ssyncadd.s32 $0xFFFFE700  }
0x33: {  	[spmem:s31] =	stream.linear.scatter [tilespmem:s0], [sflag:$0x5], $0x1900, $0x38;
	[tilespmem:$0x1F720] =	vst v63  }
0x34: {  	_ =	swait.ge [sflag:s4], $0x1900  }
0x35: {  	[sflag:s4] =	ssyncset.done $0x0  }
0x36: {  	s26 =	rddreg [dreg:$0xa];
	[sflag:s4] =	ssyncadd.s32 $0xFFFFE700  }
0x37: {  	[spmem:s26] =	stream.linear.scatter [tilespmem:s0], [sflag:$0x5], $0x1900, $0x38;
	[tilespmem:$0x1F720] =	vst v63  }
0x38: {  	_ =	swait.ge [sflag:s4], $0x1900  }
0x39: {  	[sflag:s4] =	ssyncset.done $0x0  }
0x3a: {  	s28 =	rddreg [dreg:$0xb];
	[sflag:s4] =	ssyncadd.s32 $0xFFFFE700  }
0x3b: {  	[spmem:s28] =	stream.linear.scatter [tilespmem:s0], [sflag:$0x5], $0x1900, $0x38;
	[tilespmem:$0x1F720] =	vst v63  }
0x3c: {  	_ =	swait.ge [sflag:s4], $0x1900  }
0x3d: {  	[sflag:s4] =	ssyncset.done $0x0  }
0x3e: {  	s29 =	rddreg [dreg:$0xc];
	[sflag:s4] =	ssyncadd.s32 $0xFFFFE700  }
0x3f: {  	[spmem:s29] =	stream.linear.scatter [tilespmem:s0], [sflag:$0x5], $0x1900, $0x38;
	[tilespmem:$0x1F720] =	vst v63  }
0x40: {  	_ =	swait.ge [sflag:s4], $0x1900  }
0x41: {  	[sflag:s4] =	ssyncset.done $0x0  }
0x42: {  	s30 =	rddreg [dreg:$0xd];
	[sflag:s4] =	ssyncadd.s32 $0xFFFFE700  }
0x43: {  	[spmem:s30] =	stream.linear.scatter [tilespmem:s0], [sflag:$0x5], $0x1900, $0x38;
	[tilespmem:$0x1F720] =	vst v63  }
0x44: {  	_ =	swait.ge [sflag:s4], $0x1900  }
0x45: {  	[sflag:s4] =	ssyncset.done $0x0  }
0x46: {  	s31 =	rddreg [dreg:$0xe];
	[sflag:s4] =	ssyncadd.s32 $0xFFFFE700  }
0x47: {  	[spmem:s31] =	stream.linear.scatter [tilespmem:s0], [sflag:$0x5], $0x1900, $0x38;
	[tilespmem:$0x1F720] =	vst v63  }
0x48: {  	_ =	swait.ge [sflag:s4], $0x1900  }
0x49: {  	[sflag:s4] =	ssyncset.done $0x0  }
0x4a: {  	s26 =	rddreg [dreg:$0xf];
	[sflag:s4] =	ssyncadd.s32 $0xFFFFE700  }
0x4b: {  	[spmem:s26] =	stream.linear.scatter [tilespmem:s0], [sflag:$0x5], $0x1900, $0x38;
	[tilespmem:$0x1F720] =	vst v63  }
0x4c: {  	_ =	swait.ge [sflag:s4], $0x1900  }
0x4d: {  	[sflag:s4] =	ssyncset.done $0x0  }
0x4e: {  	s28 =	rddreg [dreg:$0x10];
	[sflag:s4] =	ssyncadd.s32 $0xFFFFE700  }
0x4f: {  	[spmem:s28] =	stream.linear.scatter [tilespmem:s0], [sflag:$0x5], $0x1900, $0x38;
	[tilespmem:$0x1F720] =	vst v63  }
0x50: {  	_ =	swait.ge [sflag:s4], $0x1900  }
0x51: {  	[sflag:s4] =	ssyncset.done $0x0  }
0x52: {  	s29 =	rddreg [dreg:$0x12];
	[sflag:s4] =	ssyncadd.s32 $0xFFFFE700  }
0x53: {  	[spmem:s29] =	stream.linear.scatter [tilespmem:s0], [sflag:$0x5], $0x1900, $0x38;
	[tilespmem:$0x1F720] =	vst v63  }
0x54: {  	_ =	swait.ge [sflag:s4], $0x1900  }
0x55: {  	[sflag:s4] =	ssyncset.done $0x0  }
0x56: {  	s30 =	rddreg [dreg:$0x13];
	[sflag:s4] =	ssyncadd.s32 $0xFFFFE700  }
0x57: {  	[spmem:s30] =	stream.linear.scatter [tilespmem:s0], [sflag:$0x5], $0x1900, $0x38;
	[tilespmem:$0x1F720] =	vst v63  }
0x58: {  	_ =	swait.ge [sflag:s4], $0x1900  }
0x59: {  	[sflag:s4] =	ssyncset.done $0x0  }
0x5a: {  	s31 =	rddreg [dreg:$0x14];
	[sflag:s4] =	ssyncadd.s32 $0xFFFFE700  }
0x5b: {  	[spmem:s31] =	stream.linear.scatter [tilespmem:s0], [sflag:$0x5], $0x1900, $0x38;
	[tilespmem:$0x1F720] =	vst v63  }
0x5c: {  	_ =	swait.ge [sflag:s4], $0x1900  }
0x5d: {  	[sflag:s4] =	ssyncset.done $0x0  }
0x5e: {  	s26 =	rddreg [dreg:$0x15];
	[sflag:s4] =	ssyncadd.s32 $0xFFFFE700  }
0x5f: {  	[spmem:s26] =	stream.linear.scatter [tilespmem:s0], [sflag:$0x5], $0x1900, $0x38;
	[tilespmem:$0x1F720] =	vst v63  }
0x60: {  	_ =	swait.ge [sflag:s4], $0x1900  }
0x61: {  	[sflag:s4] =	ssyncset.done $0x0  }
0x62: {  	s28 =	rddreg [dreg:$0x16];
	[sflag:s4] =	ssyncadd.s32 $0xFFFFE700  }
0x63: {  	[spmem:s28] =	stream.linear.scatter [tilespmem:s0], [sflag:$0x5], $0x1900, $0x38;
	[tilespmem:$0x1F720] =	vst v63  }
0x64: {  	_ =	swait.ge [sflag:s4], $0x1900  }
0x65: {  	[sflag:s4] =	ssyncset.done $0x0  }
0x66: {  	[sflag:s4] =	ssyncadd.s32 $0xFFFFE700  }
0x67: {  	[bflag:$0x0] =	sbarrier.arrive $0xFFFF  }
0x68: {  	s25 =	simm.s32 $0x0;
	s29 =	rddreg [dreg:$0x5]  }
0x69: {  	[tilespmem:s25], [sflag:$0x1] =	stream.linear.gather [hbm4b:s29+s25], $0xC8, $0x38;
	[tilespmem:$0x1F720] =	vst v63  }
0x6a: {  	s30 =	rddreg [dreg:$0x6]  }
0x6b: {  	[tilespmem:s6], [sflag:$0x1] =	stream.linear.gather [hbm4b:s30+s25], $0xC8, $0x38;
	[tilespmem:$0x1F720] =	vst v63  }
0x6c: {  	s31 =	rddreg [dreg:$0x11]  }
0x6d: {  	[tilespmem:s7], [sflag:$0x1] =	stream.linear.gather [hbm4b:s31+s25], $0x1900, $0x38;
	[tilespmem:$0x1F720] =	vst v63  }
0x6e: {  	_ =	swait.ge [sflag:s13], $0xC8  }
0x6f: {  	[sflag:s13] =	ssyncset.done $0x0  }
0x70: {  	[sflag:s13] =	ssyncadd.s32 $0xFFFFFF38  }
0x71: {  	_ =	swait.ge [sflag:s13], $0xC8  }
0x72: {  	[sflag:s13] =	ssyncset.done $0x0  }
0x73: {  	[sflag:s13] =	ssyncadd.s32 $0xFFFFFF38  }
0x74: {  	_ =	swait.ge [sflag:s13], $0x1900  }
0x75: {  	[sflag:s13] =	ssyncset.done $0x0  }
0x76: {  	[sflag:s13] =	ssyncadd.s32 $0xFFFFE700  }
0x77: {  	[tilespmem:s0], [sflag:$0x3] =	stream.indirect.gather [hbm4b:s9+s6], $0x20, s25, s6, $0xb8;
	[tilespmem:$0x1F720] =	vst v63  }
.LBB2_4:
0x78: {  	s26 =	smul.u32 $0x190, s25;
	_ =	sdelay $0x1  }
0x79: {  	s28 =	sadd.s32 s26, s10  }
0x7a: {  	s29 =	sshrl.u32 s28, $0x3  }
0x7b: {  	s30 =	sadd.s32 s1, s29  }
0x7c: {  	[tilespmem:s15], [sflag:$0x2] =	stream.linear.gather [hbm4b:s30+s5], $0xC8, $0x38;
	[tilespmem:$0x1F720] =	vst v63  }
0x7d: {  	s28 =	sshll.u32 s28, $0x2;
	s29 =	sadd.s32 s2, s29  }
0x7e: {  	[tilespmem:s16], [sflag:$0x2] =	stream.linear.gather [hbm4b:s29+s5], $0xC8, $0x38;
	[tilespmem:$0x1F720] =	vst v63  }
0x7f: {  	s28 =	sadd.s32 s8, s28  }
0x80: {  	[tilespmem:s17], [sflag:$0x2] =	stream.linear.gather [hbm4b:s28+s5], $0x1900, $0x38;
	[tilespmem:$0x1F720] =	vst v63  }
0x81: {  	_ =	swait.ge [sflag:s18], $0x1900  }
0x82: {  	[sflag:s18] =	ssyncset.done $0x0  }
0x83: {  	[sflag:s18] =	ssyncadd.s32 $0xFFFFE700  }
0x84: {  	_ =	swait.ge [sflag:s19], $0xC8  }
0x85: {  	[sflag:s19] =	ssyncset.done $0x0  }
0x86: {  	[sflag:s19] =	ssyncadd.s32 $0xFFFFFF38  }
0x87: {  	_ =	swait.ge [sflag:s19], $0xC8  }
0x88: {  	[sflag:s19] =	ssyncset.done $0x0  }
0x89: {  	[sflag:s19] =	ssyncadd.s32 $0xFFFFFF38  }
0x8a: {  	_ =	swait.ge [sflag:s19], $0x1900  }
0x8b: {  	[sflag:s19] =	ssyncset.done $0x0  }
0x8c: {  	s28 =	simm.s32 $0x1D0;
	[sflag:s19] =	ssyncadd.s32 $0xFFFFE700  }
0x8d: {  	[tilespmem:s20], [sflag:$0x4] =	stream.indirect.gather [hbm4b:s9+s6], $0x20, s15, s6, $0xb8;
	[tilespmem:$0x1F720] =	vst v63  }
0x8e: {  	s29 =	simm.s32 $0x1AD0;
	v1 =	vld [tilespmem:s28+$0x20]  }
0x8f: {  	v2 =	vld [tilespmem:s29+$0x20]  }
0x90: {  	v3 =	vld [tilespmem:s28+$0xFFFFFFE0]  }
0x91: {  	v4 =	vld [tilespmem:s29+$0xFFFFFFE0]  }
0x92: {  	v5 =	vld [tilespmem:s28+$0x0]  }
0x93: {  	v6 =	vld [tilespmem:s29+$0x0]  }
0x94: {  	v7 =	vld [tilespmem:s29+$0xFFFFFFC0];
	v1 =	vmul.f32 v2, v1  }
0x95: {  	v8 =	vld [tilespmem:s28+$0xFFFFFFC0]  }
0x96: {  	v9 =	vld [tilespmem:s28+$0x30];
	[tilespmem:s28+$0x20] =	vst v1  }
0x97: {  	v2 =	vmul.f32 v4, v3;
	v10 =	vld [tilespmem:s29+$0x30]  }
0x98: {  	v1 =	vld [tilespmem:s28+$0xFFFFFFD0]  }
0x99: {  	v3 =	vmul.f32 v6, v5;
	[tilespmem:s28+$0xFFFFFFE0] =	vst v2;
	v2 =	vld [tilespmem:s28+$0xFFFFFFF0]  }
0x9a: {  	v5 =	vmul.f32 v7, v8;
	v4 =	vld [tilespmem:s29+$0xFFFFFFF0]  }
0x9b: {  	[tilespmem:s28+$0x0] =	vst v3;
	v3 =	vld [tilespmem:s28+$0x10]  }
0x9c: {  	[tilespmem:s28+$0xFFFFFFC0] =	vst v5;
	v5 =	vld [tilespmem:s29+$0x10];
	v7 =	vmul.f32 v10, v9  }
0x9d: {  	s31 =	simm.s32 $0x250;
	s30 =	simm.s32 $0x0;
	v6 =	vld [tilespmem:s29+$0xFFFFFFD0]  }
.LBB2_5:
0x9e: {  	v8 =	vld [tilespmem:s31+$0x20];
	[tilespmem:s28+$0x30] =	vst v7;
	s29 =	sadd.s32 $0x80, s29  }
0x9f: {  	s30 =	sadd.s32 $0x4, s30;
	v7 =	vld [tilespmem:s29+$0x20];
	v2 =	vmul.f32 v4, v2  }
0xa0: {  	p0 =	slt.u32 s30, $0xC4;
	v4 =	vld [tilespmem:s29+$0xFFFFFFC0]  }
0xa1: {  	v9 =	vld [tilespmem:s31+$0xFFFFFFE0];
	[tilespmem:s28+$0xFFFFFFF0] =	vst v2;
	v2 =	vmul.f32 v5, v3  }
0xa2: {  	v3 =	vld [tilespmem:s29+$0xFFFFFFE0];
	v1 =	vmul.f32 v6, v1  }
0xa3: {  	v5 =	vld [tilespmem:s31+$0x0];
	[tilespmem:s28+$0x10] =	vst v2  }
0xa4: {  	v6 =	vld [tilespmem:s29+$0x0];
	v2 =	vmul.f32 v7, v8;
	[tilespmem:s28+$0xFFFFFFD0] =	vst v1;
	s28 =	smov.u32 s31  }
0xa5: {  	v7 =	vld [tilespmem:s31+$0xFFFFFFC0]  }
0xa6: {  	[tilespmem:s31+$0x20] =	vst v2;
	v8 =	vld [tilespmem:s31+$0x30]  }
0xa7: {  	v2 =	vmul.f32 v3, v9;
	v9 =	vld [tilespmem:s29+$0x30]  }
0xa8: {  	v1 =	vld [tilespmem:s31+$0xFFFFFFD0]  }
.Ltmp1:
0xa9: {  	[tilespmem:s31+$0xFFFFFFE0] =	vst v2;
	v2 =	vld [tilespmem:s31+$0xFFFFFFF0];
	v3 =	vmul.f32 v6, v5;
	(pc) =	sbr.rel @p0 .LBB2_5-.Ltmp1, $4  }
0xaa: {  	v5 =	vmul.f32 v4, v7;
	v4 =	vld [tilespmem:s29+$0xFFFFFFF0]  }
0xab: {  	[tilespmem:s31+$0x0] =	vst v3;
	v3 =	vld [tilespmem:s31+$0x10]  }
0xac: {  	[tilespmem:s31+$0xFFFFFFC0] =	vst v5;
	v5 =	vld [tilespmem:s29+$0x10];
	v7 =	vmul.f32 v9, v8  }
0xad: {  	s31 =	sadd.s32 $0x80, s31;
	v6 =	vld [tilespmem:s29+$0xFFFFFFD0]  }
0xae: {  	_ =	sdelay $0x1  }
0xaf: {  	v2 =	vmul.f32 v4, v2  }
0xb0: {  	[tilespmem:s28+$0x30] =	vst v7;
	v3 =	vmul.f32 v5, v3  }
0xb1: {  	[tilespmem:s28+$0xFFFFFFF0] =	vst v2;
	v1 =	vmul.f32 v6, v1  }
0xb2: {  	p0 =	sne.s32 s25, $0x7C;
	[tilespmem:s28+$0x10] =	vst v3  }
.Ltmp2:
0xb3: {  	[tilespmem:s28+$0xFFFFFFD0] =	vst v1;
	(pc) =	sbr.rel @!p0 .LBB2_7-.Ltmp2, $4  }
0xb4: {  	[spmem:s3] =	stream.indirect.scatter.add.f32 [tilespmem:s0], [sflag:$0x6], $0x20, s6, s6, $0xb8;
	[tilespmem:$0x1F720] =	vst v63  }
0xb5: {  	_ =	swait.ge [sflag:s21], $0x1900  }
0xb6: {  	[sflag:s21] =	ssyncset.done $0x0  }
0xb7: {  	[sflag:s21] =	ssyncadd.s32 $0xFFFFE700  }
0xb8: {  	s26 =	sadd.s32 s26, s11  }
0xb9: {  	s28 =	sshrl.u32 s26, $0x3  }
0xba: {  	s29 =	sadd.s32 s1, s28  }
0xbb: {  	[tilespmem:s5], [sflag:$0x1] =	stream.linear.gather [hbm4b:s29+s5], $0xC8, $0x38;
	[tilespmem:$0x1F720] =	vst v63  }
0xbc: {  	s26 =	sshll.u32 s26, $0x2;
	s28 =	sadd.s32 s2, s28  }
0xbd: {  	[tilespmem:s6], [sflag:$0x1] =	stream.linear.gather [hbm4b:s28+s5], $0xC8, $0x38;
	[tilespmem:$0x1F720] =	vst v63  }
0xbe: {  	s26 =	sadd.s32 s8, s26  }
0xbf: {  	[tilespmem:s7], [sflag:$0x1] =	stream.linear.gather [hbm4b:s26+s5], $0x1900, $0x38;
	[tilespmem:$0x1F720] =	vst v63  }
0xc0: {  	_ =	swait.ge [sflag:s22], $0x1900  }
0xc1: {  	[sflag:s22] =	ssyncset.done $0x0  }
0xc2: {  	[sflag:s22] =	ssyncadd.s32 $0xFFFFE700  }
0xc3: {  	_ =	swait.ge [sflag:s13], $0xC8  }
0xc4: {  	[sflag:s13] =	ssyncset.done $0x0  }
0xc5: {  	[sflag:s13] =	ssyncadd.s32 $0xFFFFFF38  }
0xc6: {  	_ =	swait.ge [sflag:s13], $0xC8  }
0xc7: {  	[sflag:s13] =	ssyncset.done $0x0  }
0xc8: {  	[sflag:s13] =	ssyncadd.s32 $0xFFFFFF38  }
0xc9: {  	_ =	swait.ge [sflag:s13], $0x1900  }
0xca: {  	[sflag:s13] =	ssyncset.done $0x0  }
0xcb: {  	s26 =	simm.s32 $0x3560;
	[sflag:s13] =	ssyncadd.s32 $0xFFFFE700  }
0xcc: {  	[tilespmem:s0], [sflag:$0x3] =	stream.indirect.gather [hbm4b:s9+s6], $0x20, s5, s6, $0xb8;
	[tilespmem:$0x1F720] =	vst v63  }
0xcd: {  	s28 =	simm.s32 $0x4E60;
	v1 =	vld [tilespmem:s26+$0x20]  }
0xce: {  	v2 =	vld [tilespmem:s28+$0x20]  }
0xcf: {  	v3 =	vld [tilespmem:s26+$0xFFFFFFE0]  }
0xd0: {  	v4 =	vld [tilespmem:s28+$0xFFFFFFE0]  }
0xd1: {  	v5 =	vld [tilespmem:s26+$0x0]  }
0xd2: {  	v6 =	vld [tilespmem:s28+$0x0]  }
0xd3: {  	v7 =	vld [tilespmem:s28+$0xFFFFFFC0];
	v1 =	vmul.f32 v2, v1  }
0xd4: {  	v8 =	vld [tilespmem:s26+$0xFFFFFFC0]  }
0xd5: {  	v9 =	vld [tilespmem:s26+$0x30];
	[tilespmem:s26+$0x20] =	vst v1  }
0xd6: {  	v2 =	vmul.f32 v4, v3;
	v10 =	vld [tilespmem:s28+$0x30]  }
0xd7: {  	v1 =	vld [tilespmem:s26+$0xFFFFFFD0]  }
0xd8: {  	v3 =	vmul.f32 v6, v5;
	[tilespmem:s26+$0xFFFFFFE0] =	vst v2;
	v2 =	vld [tilespmem:s26+$0xFFFFFFF0]  }
0xd9: {  	v5 =	vmul.f32 v7, v8;
	v4 =	vld [tilespmem:s28+$0xFFFFFFF0]  }
0xda: {  	[tilespmem:s26+$0x0] =	vst v3;
	v3 =	vld [tilespmem:s26+$0x10]  }
0xdb: {  	[tilespmem:s26+$0xFFFFFFC0] =	vst v5;
	v5 =	vld [tilespmem:s28+$0x10];
	v7 =	vmul.f32 v10, v9  }
0xdc: {  	s30 =	simm.s32 $0x35E0;
	s29 =	simm.s32 $0x0;
	v6 =	vld [tilespmem:s28+$0xFFFFFFD0]  }
.LBB2_14:
0xdd: {  	v8 =	vld [tilespmem:s30+$0x20];
	[tilespmem:s26+$0x30] =	vst v7;
	s28 =	sadd.s32 $0x80, s28  }
0xde: {  	s29 =	sadd.s32 $0x4, s29;
	v7 =	vld [tilespmem:s28+$0x20];
	v2 =	vmul.f32 v4, v2  }
0xdf: {  	p0 =	slt.u32 s29, $0xC4;
	v4 =	vld [tilespmem:s28+$0xFFFFFFC0]  }
0xe0: {  	v9 =	vld [tilespmem:s30+$0xFFFFFFE0];
	[tilespmem:s26+$0xFFFFFFF0] =	vst v2;
	v2 =	vmul.f32 v5, v3  }
0xe1: {  	v3 =	vld [tilespmem:s28+$0xFFFFFFE0];
	v1 =	vmul.f32 v6, v1  }
0xe2: {  	v5 =	vld [tilespmem:s30+$0x0];
	[tilespmem:s26+$0x10] =	vst v2  }
0xe3: {  	v6 =	vld [tilespmem:s28+$0x0];
	v2 =	vmul.f32 v7, v8;
	[tilespmem:s26+$0xFFFFFFD0] =	vst v1;
	s26 =	smov.u32 s30  }
0xe4: {  	v7 =	vld [tilespmem:s30+$0xFFFFFFC0]  }
0xe5: {  	[tilespmem:s30+$0x20] =	vst v2;
	v8 =	vld [tilespmem:s30+$0x30]  }
0xe6: {  	v2 =	vmul.f32 v3, v9;
	v9 =	vld [tilespmem:s28+$0x30]  }
0xe7: {  	v1 =	vld [tilespmem:s30+$0xFFFFFFD0]  }
.Ltmp3:
0xe8: {  	[tilespmem:s30+$0xFFFFFFE0] =	vst v2;
	v2 =	vld [tilespmem:s30+$0xFFFFFFF0];
	v3 =	vmul.f32 v6, v5;
	(pc) =	sbr.rel @p0 .LBB2_14-.Ltmp3, $4  }
0xe9: {  	v5 =	vmul.f32 v4, v7;
	v4 =	vld [tilespmem:s28+$0xFFFFFFF0]  }
0xea: {  	[tilespmem:s30+$0x0] =	vst v3;
	v3 =	vld [tilespmem:s30+$0x10]  }
0xeb: {  	[tilespmem:s30+$0xFFFFFFC0] =	vst v5;
	v5 =	vld [tilespmem:s28+$0x10];
	v7 =	vmul.f32 v9, v8  }
0xec: {  	s30 =	sadd.s32 $0x80, s30;
	v6 =	vld [tilespmem:s28+$0xFFFFFFD0]  }
0xed: {  	_ =	sdelay $0x1  }
0xee: {  	v2 =	vmul.f32 v4, v2  }
0xef: {  	[tilespmem:s26+$0x30] =	vst v7;
	v3 =	vmul.f32 v5, v3  }
0xf0: {  	[tilespmem:s26+$0xFFFFFFF0] =	vst v2;
	v1 =	vmul.f32 v6, v1  }
0xf1: {  	[tilespmem:s26+$0x10] =	vst v3  }
.Ltmp4:
0xf2: {  	[tilespmem:s26+$0xFFFFFFD0] =	vst v1;
	(pc) =	sbr.rel .LBB2_4-.Ltmp4, $4  }
0xf3: {  	[spmem:s3] =	stream.indirect.scatter.add.f32 [tilespmem:s20], [sflag:$0x6], $0x20, s16, s6, $0xb8;
	[tilespmem:$0x1F720] =	vst v63  }
0xf4: {  	_ =	swait.ge [sflag:s21], $0x1900  }
0xf5: {  	[sflag:s21] =	ssyncset.done $0x0  }
0xf6: {  	s25 =	sadd.s32 $0x1, s25;
	[sflag:s21] =	ssyncadd.s32 $0xFFFFE700  }
.LBB2_7:
0xf7: {  	_ =	swait.ge [sflag:s22], $0x1900  }
0xf8: {  	[sflag:s22] =	ssyncset.done $0x0  }
0xf9: {  	s25 =	simm.s32 $0x3560;
	[sflag:s22] =	ssyncadd.s32 $0xFFFFE700  }
0xfa: {  	s26 =	simm.s32 $0x4E60;
	v1 =	vld [tilespmem:s25+$0x20]  }
0xfb: {  	v2 =	vld [tilespmem:s26+$0x20]  }
0xfc: {  	v3 =	vld [tilespmem:s25+$0xFFFFFFE0]  }
0xfd: {  	v4 =	vld [tilespmem:s26+$0xFFFFFFE0]  }
0xfe: {  	v5 =	vld [tilespmem:s25+$0x0]  }
0xff: {  	v6 =	vld [tilespmem:s26+$0x0]  }
0x100: {  	v7 =	vld [tilespmem:s26+$0xFFFFFFC0];
	v1 =	vmul.f32 v2, v1  }
0x101: {  	v8 =	vld [tilespmem:s25+$0xFFFFFFC0]  }
0x102: {  	v9 =	vld [tilespmem:s25+$0x30];
	[tilespmem:s25+$0x20] =	vst v1  }
0x103: {  	v2 =	vmul.f32 v4, v3;
	v10 =	vld [tilespmem:s26+$0x30]  }
0x104: {  	v1 =	vld [tilespmem:s25+$0xFFFFFFD0]  }
0x105: {  	v3 =	vmul.f32 v6, v5;
	[tilespmem:s25+$0xFFFFFFE0] =	vst v2;
	v2 =	vld [tilespmem:s25+$0xFFFFFFF0]  }
0x106: {  	v5 =	vmul.f32 v7, v8;
	v4 =	vld [tilespmem:s26+$0xFFFFFFF0]  }
0x107: {  	[tilespmem:s25+$0x0] =	vst v3;
	v3 =	vld [tilespmem:s25+$0x10]  }
0x108: {  	[tilespmem:s25+$0xFFFFFFC0] =	vst v5;
	v5 =	vld [tilespmem:s26+$0x10];
	v7 =	vmul.f32 v10, v9  }
0x109: {  	s28 =	simm.s32 $0x0;
	s29 =	simm.s32 $0x35E0;
	v6 =	vld [tilespmem:s26+$0xFFFFFFD0]  }
.LBB2_8:
0x10a: {  	v8 =	vld [tilespmem:s29+$0x20];
	[tilespmem:s25+$0x30] =	vst v7;
	s26 =	sadd.s32 $0x80, s26  }
0x10b: {  	s28 =	sadd.s32 $0x4, s28;
	v7 =	vld [tilespmem:s26+$0x20];
	v2 =	vmul.f32 v4, v2  }
0x10c: {  	p0 =	slt.u32 s28, $0xC4;
	v4 =	vld [tilespmem:s26+$0xFFFFFFC0]  }
0x10d: {  	v9 =	vld [tilespmem:s29+$0xFFFFFFE0];
	[tilespmem:s25+$0xFFFFFFF0] =	vst v2;
	v2 =	vmul.f32 v5, v3  }
0x10e: {  	v3 =	vld [tilespmem:s26+$0xFFFFFFE0];
	v1 =	vmul.f32 v6, v1  }
0x10f: {  	v5 =	vld [tilespmem:s29+$0x0];
	[tilespmem:s25+$0x10] =	vst v2  }
0x110: {  	v6 =	vld [tilespmem:s26+$0x0];
	v2 =	vmul.f32 v7, v8;
	[tilespmem:s25+$0xFFFFFFD0] =	vst v1;
	s25 =	smov.u32 s29  }
0x111: {  	v7 =	vld [tilespmem:s29+$0xFFFFFFC0]  }
0x112: {  	[tilespmem:s29+$0x20] =	vst v2;
	v8 =	vld [tilespmem:s29+$0x30]  }
0x113: {  	v2 =	vmul.f32 v3, v9;
	v9 =	vld [tilespmem:s26+$0x30]  }
0x114: {  	v1 =	vld [tilespmem:s29+$0xFFFFFFD0]  }
.Ltmp5:
0x115: {  	[tilespmem:s29+$0xFFFFFFE0] =	vst v2;
	v2 =	vld [tilespmem:s29+$0xFFFFFFF0];
	v3 =	vmul.f32 v6, v5;
	(pc) =	sbr.rel @p0 .LBB2_8-.Ltmp5, $4  }
0x116: {  	v5 =	vmul.f32 v4, v7;
	v4 =	vld [tilespmem:s26+$0xFFFFFFF0]  }
0x117: {  	[tilespmem:s29+$0x0] =	vst v3;
	v3 =	vld [tilespmem:s29+$0x10]  }
0x118: {  	[tilespmem:s29+$0xFFFFFFC0] =	vst v5;
	v5 =	vld [tilespmem:s26+$0x10];
	v7 =	vmul.f32 v9, v8  }
0x119: {  	s29 =	sadd.s32 $0x80, s29;
	v6 =	vld [tilespmem:s26+$0xFFFFFFD0]  }
0x11a: {  	_ =	sdelay $0x1  }
0x11b: {  	v2 =	vmul.f32 v4, v2  }
0x11c: {  	[tilespmem:s25+$0x30] =	vst v7;
	v3 =	vmul.f32 v5, v3  }
0x11d: {  	[tilespmem:s25+$0xFFFFFFF0] =	vst v2;
	v1 =	vmul.f32 v6, v1  }
0x11e: {  	[tilespmem:s25+$0x10] =	vst v3  }
0x11f: {  	[tilespmem:s25+$0xFFFFFFD0] =	vst v1  }
0x120: {  	[spmem:s3] =	stream.indirect.scatter.add.f32 [tilespmem:s20], [sflag:$0x5], $0x20, s16, s6, $0xb8;
	[tilespmem:$0x1F720] =	vst v63  }
0x121: {  	_ =	swait.ge [sflag:s4], $0x1900  }
0x122: {  	s31 =	stileid.u32;
	[sflag:s4] =	ssyncset.done $0x0  }
0x123: {  	s26 =	sadd.s32 $0x0, s23;
	s25 =	sshll.u32 s31, $0x6;
	[sflag:s4] =	ssyncadd.s32 $0xFFFFE700  }
0x124: {  	s28 =	sshrl.u32 s12, $0x3;
	s25 =	sor.u32 $0x1C05, s25;
	[bflag:$0x0] =	sbarrier.arrive $0xFFFF  }
0x125: {  	[hbm:s26], [sflag:s25] =	dma.local [spmem:s28], $0x320  }
0x126: {  	s26 =	simm.s32 $0x320;
	s28 =	smov.u32 s14;
	_ =	swait.ge [sflag:s4], $0x320  }
.LBB2_10:
0x127: {  	s29 =	sadd.s32 s26, s23;
	[sflag:s4] =	ssyncset.done $0x0;
	p0 =	sne.s32 s26, $0x2EE0  }
.Ltmp6:
0x128: {  	s30 =	sshrl.u32 s28, $0x3;
	[sflag:s4] =	ssyncadd.s32 $0xFFFFFCE0;
	(pc) =	sbr.rel @p0 .LBB2_10-.Ltmp6, $3  }
0x129: {  	[hbm:s29], [sflag:s25] =	dma.local [spmem:s30], $0x320  }
0x12a: {  	s26 =	sadd.s32 $0x320, s26;
	_ =	sdelay $0x1  }
0x12b: {  	s28 =	sadd.s32 $0x1900, s28;
	_ =	swait.ge [sflag:s4], $0x320  }
0x12c: {  	s24 =	sadd.s32 $0x1, s24;
	s25 =	rddreg [dreg:$0x7]  }
0x12d: {  	p0 =	sne.s32 s24, s25  }
.Ltmp7:
0x12e: {  	_ = 	snop;
	(pc) =	sbr.rel @p0 .LBB2_1-.Ltmp7, $3  }
0x12f: {  	_ =	sdelay $0x1  }
0x130: {  	[sflag:s4] =	ssyncset.done $0x0  }
0x131: {  	[sflag:s4] =	ssyncadd.s32 $0xFFFFFCE0  }
0x132: {  	_ =	sfence.sel $0x180000  }
0x133: {  	[bflag:$0x0] =	sbarrier.arrive $0xFFFF  }
0x134: {  	_ =	strace $0x90000050  }
0x135: {  	s0 =	stileid.u32;
	[bflag:$0x2] =	sbarrier.arrive $0xFFFF  }
0x136: {  	p0 =	sne.s32 s0, $0x0;
	s0 =	rddreg [dreg:$0x4]  }
0x137: {  	s0 =	sadd.s32 @!p0 $0x100000, s0  }
0x138: {  	[sflag:s0] =	ssyncadd.tile.s32 @!p0 $0x1;
	_ =	shalt  }
.Lfunc_end2:
_tile_overlayer_lowered:
.L_overlay_start_2:
0x139: {  	(tag) =	ssettag $0x2  }
0x13a: {  	s0 =	rddreg [dreg:$0x0];
	s2 =	stileid.u32  }
0x13b: {  	s1 =	rddreg [dreg:$0x1];
	p0 =	sne.s32 s2, $0x0  }
0x13c: {  	s3 =	rddreg [dreg:$0x2];
	[bflag:$0x3] =	sbarrier.arrive $0xFFFF;
	s2 =	simm.s32 @!p0 $0x1C05  }
0x13d: {  	[timem:s3], [sflag:s2] =	dma.local @!p0 [hbm:s0], s1  }
0x13e: {  	s0 =	simm.s32 @!p0 $0x5  }
0x13f: {  	_ =	swait.ge @!p0 [sflag:s0], s1  }
0x140: {  	s1 =	ssub.s32 @!p0 $0x0, s1;
	[sflag:s0] =	ssyncset.done @!p0 $0x0  }
0x141: {  	[sflag:s0] =	ssyncadd.s32 @!p0 s1  }
0x142: {  	[bflag:$0x3] =	sbarrier.arrive $0xFFFF  }
0x143: {  	_ =	shalt  }

// kernel: kernel.35.cloned.1.call-start
scs
__scs_entry_jumppad:
0x0: {  	(pc) =	sbr.rel $0x88, $3  }
0x1: {  	(tag) =	ssettag $0x0;
	lr =	simm.s32 $0x1  }
0x2: {  	[smem:$0x3F81] =	sst lr;
	_ =	strace $0xD0000000  }
0x3: {  	_ = 	snop  }
0x4: {  	_ = 	snop  }
0x5: {  	_ = 	snop  }
0x6: {  	_ = 	snop  }
0x7: {  	_ = 	snop  }
__scs_overlays_trampoline_lowered:
0x8: {  	[smem:$0x3F90] =	sst s0  }
0x9: {  	[smem:$0x3F91] =	sst s1  }
0xa: {  	[smem:$0x3F92] =	sst s2  }
0xb: {  	[smem:$0x3F93] =	sst s3  }
0xc: {  	[smem:$0x3F94] =	sst s4  }
0xd: {  	[smem:$0x3F95] =	sst s5  }
0xe: {  	[smem:$0x3F96] =	sst s6  }
0xf: {  	[smem:$0x3F97] =	sst s7  }
0x10: {  	[smem:$0x3F98] =	sst s8  }
0x11: {  	[smem:$0x3F99] =	sst s9;
	s0 =	simm.s32 @!p0 $0x0  }
0x12: {  	s1 =	sld [smem:$0x3F7F];
	s0 =	simm.s32 @p0 $0x1  }
0x13: {  	[smem:$0x3F9A] =	sst s0;
	s0 =	simm.s32 @!p1 $0x0  }
0x14: {  	s2 =	sld [smem:$0x3F7E];
	s0 =	simm.s32 @p1 $0x1  }
0x15: {  	[smem:$0x3F9B] =	sst s0;
	s0 =	simm.s32 @!p2 $0x0  }
0x16: {  	s3 =	sld [smem:$0x3FDB];
	s0 =	simm.s32 @p2 $0x1  }
0x17: {  	s4 =	simm.s32 $0x1BF5;
	[smem:$0x3F9D] =	sst s0  }
0x18: {  	s0 =	sld [smem:$0x3F80];
	_ =	swait.ge [sflag:s4], $0x0  }
0x19: {  	s7 =	sld [smem:$0x3F81]  }
0x1a: {  	s8 =	sadd.s32 $0xFFFFE003, lr  }
0x1b: {  	s9 =	sadd.s32 $0xFFFFFEF7, lr;
	s5 =	simm.s32 $0xFFFFFFFF;
	p2 =	slt.u32 s8, $0xFFFFF086  }
0x1c: {  	p1 =	slt.u32 s9, $0xF7A;
	s5 =	simm.s32 @!p2 $0x0  }
0x1d: {  	s5 =	simm.s32 @p1 $0x1;
	p0 =	seq.s32 s7, s2  }
0x1e: {  	s7 =	smul.u32 @!p0 $0xF7A, s2;
	p2 =	seq.s32 @!p0 s5, $0x0  }
0x1f: {  	s9 =	smul.u32 $0xF7A, s1;
	s8 =	simm.s32 @!p0 $0x1BF5;
	p2 =	por !p2, p0  }
0x20: {  	[sflag:s8] =	ssyncset.s32 @!p0 $0xFFFFF086;
	s6 =	sadd.s32 @!p0 s3, s7;
	s7 =	simm.s32 @!p0 $0x108  }
0x21: {  	s3 =	sadd.s32 s3, s9;
	s6 =	sadd.s32 @!p0 $0x88, s6;
	s7 =	simm.s32 @p2 $0x1082  }
0x22: {  	[simem:s7], [sflag:s8] =	dma.local @!p0 [hbm:s6], $0xF7A  }
0x23: {  	s9 =	sor.u32 $0xD0000000, s2;
	s6 =	simm.s32 $0x108;
	_ =	swait.ge @!p0 [sflag:s8], $0x0  }
0x24: {  	s3 =	sadd.s32 $0x88, s3;
	s6 =	simm.s32 @!p1 $0x1082;
	[sflag:s4] =	ssyncset.s32 $0xFFFFF086  }
0x25: {  	[simem:s6], [sflag:s4] =	dma.local [hbm:s3], $0xF7A  }
0x26: {  	[smem:$0x3F81] =	sst s1;
	(tag) =	ssettag s2;
	_ =	strace s9  }
0x27: {  	s1 =	sld [smem:$0x3F91]  }
0x28: {  	s2 =	sld [smem:$0x3F92]  }
0x29: {  	s4 =	sld [smem:$0x3F94]  }
0x2a: {  	p0 =	seq.s32 s5, $0x0;
	s5 =	sld [smem:$0x3F95]  }
0x2b: {  	s6 =	sld [smem:$0x3F96]  }
0x2c: {  	s7 =	sld [smem:$0x3F97]  }
0x2d: {  	s3 =	simm.s32 $0x108;
	s8 =	sld [smem:$0x3F98]  }
0x2e: {  	s3 =	simm.s32 @!p0 $0x1082;
	s9 =	sld [smem:$0x3F99]  }
0x2f: {  	lr =	sadd.s32 s0, s3;
	s0 =	sld [smem:$0x3F90]  }
0x30: {  	s3 =	sld [smem:$0x3F93]  }
0x31: {  	[smem:$0x3F9C] =	sst s10  }
0x32: {  	s10 =	sld [smem:$0x3F9A];
	_ =	sdelay $0x3  }
0x33: {  	p0 =	seq.s32 s10, $0x1;
	s10 =	sld [smem:$0x3F9C];
	_ =	sdelay $0x3  }
0x34: {  	[smem:$0x3F9C] =	sst s10  }
0x35: {  	s10 =	sld [smem:$0x3F9B];
	_ =	sdelay $0x3  }
0x36: {  	p1 =	seq.s32 s10, $0x1;
	s10 =	sld [smem:$0x3F9C];
	_ =	sdelay $0x3  }
0x37: {  	[smem:$0x3F9C] =	sst s10  }
0x38: {  	s10 =	sld [smem:$0x3F9D]  }
0x39: {  	_ = 	snop;
	(pc) =	sbr.ind lr, $3  }
0x3a: {  	_ = 	snop  }
0x3b: {  	_ = 	snop  }
0x3c: {  	p2 =	seq.s32 s10, $0x1;
	s10 =	sld [smem:$0x3F9C]  }
0x3d: {  	_ =	shalt  }
0x3e: {  	_ =	shalt  }
0x3f: {  	_ =	shalt  }
0x40: {  	_ =	shalt  }
0x41: {  	_ =	shalt  }
0x42: {  	_ =	shalt  }
0x43: {  	_ =	shalt  }
0x44: {  	_ =	shalt  }
0x45: {  	_ =	shalt  }
0x46: {  	_ =	shalt  }
0x47: {  	_ =	shalt  }
0x48: {  	_ =	shalt  }
0x49: {  	_ =	shalt  }
0x4a: {  	_ =	shalt  }
0x4b: {  	_ =	shalt  }
0x4c: {  	_ =	shalt  }
0x4d: {  	_ =	shalt  }
0x4e: {  	_ =	shalt  }
0x4f: {  	_ =	shalt  }
0x50: {  	_ =	shalt  }
0x51: {  	_ =	shalt  }
0x52: {  	_ =	shalt  }
0x53: {  	_ =	shalt  }
0x54: {  	_ =	shalt  }
0x55: {  	_ =	shalt  }
0x56: {  	_ =	shalt  }
0x57: {  	_ =	shalt  }
0x58: {  	_ =	shalt  }
0x59: {  	_ =	shalt  }
0x5a: {  	_ =	shalt  }
0x5b: {  	_ =	shalt  }
0x5c: {  	_ =	shalt  }
0x5d: {  	_ =	shalt  }
0x5e: {  	_ =	shalt  }
0x5f: {  	_ =	shalt  }
0x60: {  	_ =	shalt  }
0x61: {  	_ =	shalt  }
0x62: {  	_ =	shalt  }
0x63: {  	_ =	shalt  }
0x64: {  	_ =	shalt  }
0x65: {  	_ =	shalt  }
0x66: {  	_ =	shalt  }
0x67: {  	_ =	shalt  }
0x68: {  	_ =	shalt  }
0x69: {  	_ =	shalt  }
0x6a: {  	_ =	shalt  }
0x6b: {  	_ =	shalt  }
0x6c: {  	_ =	shalt  }
0x6d: {  	_ =	shalt  }
0x6e: {  	_ =	shalt  }
0x6f: {  	_ =	shalt  }
0x70: {  	_ =	shalt  }
0x71: {  	_ =	shalt  }
0x72: {  	_ =	shalt  }
0x73: {  	_ =	shalt  }
0x74: {  	_ =	shalt  }
0x75: {  	_ =	shalt  }
0x76: {  	_ =	shalt  }
0x77: {  	_ =	shalt  }
0x78: {  	_ =	shalt  }
0x79: {  	_ =	shalt  }
0x7a: {  	_ =	shalt  }
0x7b: {  	_ =	shalt  }
0x7c: {  	_ =	shalt  }
0x7d: {  	_ =	shalt  }
0x7e: {  	_ =	shalt  }
0x7f: {  	_ =	shalt  }
0x80: {  	_ =	shalt  }
0x81: {  	_ =	shalt  }
0x82: {  	_ =	shalt  }
0x83: {  	_ =	shalt  }
0x84: {  	_ =	shalt  }
0x85: {  	_ =	shalt  }
0x86: {  	_ =	shalt  }
0x87: {  	_ =	shalt  }
.Lfunc_end0:
.L_simem_size_0:
called_computation.4_lowered:
.L_overlay_start_0:
0x88: {  	s2 =	sld [smem:$0x3FD9]  }
0x89: {  	s3 =	sld [smem:$0x3FFE];
	_ =	sdelay $0x1  }
0x8a: {  	s1 =	srdreg.scid  }
0x8b: {  	s0 =	sand.u32 $0x1, s1  }
0x8c: {  	s17 =	sshll.u32 s0, $0xA;
	s2 =	sadd.s32 s3, s2  }
0x8d: {  	s2 =	sadd.s32 s2, s17  }
0x8e: {  	[smem:$0x3FA8] =	sst s2  }
0x8f: {  	_ = 	snop  }
0x90: {  	s2 =	sld [smem:$0x3FC7]  }
0x91: {  	s18 =	sld [smem:$0x3FC6];
	(tm) =	ssettm $0x1  }
0x92: {  	s4 =	sld [smem:$0x3FFB];
	_ =	sdelay $0x3  }
0x93: {  	_ =	strace s4  }
0x94: {  	s4 =	sld [smem:$0x3FFC];
	_ =	sdelay $0x3  }
0x95: {  	_ =	strace s4  }
0x96: {  	s4 =	sld [smem:$0x3FFD];
	_ =	sdelay $0x3  }
0x97: {  	_ =	strace s4  }
0x98: {  	_ =	strace $0x8FFFFFFF  }
0x99: {  	s19 =	sld [smem:$0x3FDB];
	_ =	sdelay $0x1  }
0x9a: {  	s5 =	simm.s32 $_scs_section_size  }
0x9b: {  	s6 =	simm.s32 $_size__tile_overlayer_lowered;
	s7 =	simm.s32 $_tile_overlayer_lowered  }
0x9c: {  	s22 =	simm.s32 $0x1BFF;
	s21 =	sshll.u32 s7, $0x1;
	s4 =	sadd.s32 s5, s19  }
0x9d: {  	s8 =	simm.s32 $0x0;
	s20 =	sshll.u32 s6, $0x1;
	s6 =	sadd.s32 s21, s4  }
0x9e: {  	[timem:s8], [sflag:s22] =	dma.local [hbm:s6], s20  }
0x9f: {  	_ =	swait.ge [sflag:s22], s20  }
0xa0: {  	s5 =	ssub.s32 $0x0, s20;
	[sflag:s22] =	ssyncset.done $0x0  }
0xa1: {  	[sflag:s22] =	ssyncadd.s32 s5;
	_ =	sdelay $0x1  }
0xa2: {  	s23 =	simm.s32 $0x1B8B  }
0xa3: {  	_ =	swait.ge [sflag:s23], $0x1  }
0xa4: {  	[sflag:s23] =	ssyncset.done $0x0  }
0xa5: {  	s25 =	simm.s32 $0x1B8E;
	s24 =	sld [smem:$0x3FFE];
	[sflag:s23] =	ssyncadd.s32 $0xFFFFFFFF  }
0xa6: {  	s26 =	simm.s32 $execute0_lowered;
	[smem:$0x3FD2] =	sst s25  }
0xa7: {  	s6 =	sshll.u32 s26, $0x1;
	_ =	strace $0x80000052;
	[dreg:$0x1] =	wrdreg $0xFFFFFFFF  }
0xa8: {  	s28 =	simm.s32 $_size_execute0_lowered;
	s4 =	sadd.s32 s4, s6;
	[dreg:$0x0] =	wrdreg $0x0  }
0xa9: {  	s6 =	sshll.u32 s28, $0x1;
	[dreg:$0x2] =	wrdreg s4  }
0xaa: {  	[dreg:$0x3] =	wrdreg s6  }
0xab: {  	[dreg:$0x4] =	wrdreg $0xC0  }
0xac: {  	_ =	task [dreg:s8], $0x5FFFF  }
0xad: {  	[dreg:$0x1] =	wrdreg $0xFFFFFFFF  }
0xae: {  	[dreg:$0x0] =	wrdreg $0x60  }
0xaf: {  	[dreg:$0x2] =	wrdreg s24  }
0xb0: {  	[dreg:$0x3] =	wrdreg s2  }
0xb1: {  	[dreg:$0x4] =	wrdreg s18  }
0xb2: {  	[dreg:$0x5] =	wrdreg $0x67200  }
0xb3: {  	[dreg:$0x6] =	wrdreg $0x9  }
0xb4: {  	_ =	task.clear_ibuf [dreg:s8], $0x7FFFF;
	_ =	strace $0x90000052  }
0xb5: {  	s29 =	simm.s32 $0x9;
	_ =	strace $0x80000054  }
0xb6: {  	_ =	swait.ge [sflag:s29], $0x1  }
0xb7: {  	[sflag:s29] =	ssyncadd.s32 $0xFFFFFFFF  }
0xb8: {  	_ =	strace $0x90000054  }
0xb9: {  	_ =	sfence  }
0xba: {  	s30 =	sld [smem:$0x0];
	_ =	sdelay $0x2  }
0xbb: {  	s31 =	sshll.u32 s1, $0xD;
	s1 =	sshrl.u32 s1, $0x2  }
0xbc: {  	s3 =	sand.u32 $0x4000, s31;
	s1 =	sadd.s32 s1, s30  }
0xbd: {  	s0 =	sor.u32 s3, s0;
	s1 =	sshll.u32 s1, $0x11  }
0xbe: {  	s0 =	sor.u32 s1, s0  }
0xbf: {  	s0 =	sadd.s32 $0x8F2B, s0  }
0xc0: {  	[sflag:s0] =	ssyncadd.remote.s32 $0x1  }
0xc1: {  	_ =	sfence.sel $0xFFFF  }
0xc2: {  	[dreg:$0x0] =	wrdreg $0xFFFFFFFF;
	(pc) =	sbr.abs _section_cstart, $3  }
0xc3: {  	[dreg:$0x1] =	wrdreg $0xFFFFFFFF  }
0xc4: {  	_ =	task.clear_ibuf [dreg:s8], $0x2FFFF;
	_ =	strace $0x9FFFFFFF  }
0xc5: {  	(tm) =	ssettm $0x7FFFFFFF  }
tec
execute0_lowered:
.L_overlay_start_1:
0x0: {  	(tag) =	ssettag $0x1  }
0x1: {  	s0 =	rddreg [dreg:$0x0]  }
0x2: {  	s1 =	rddreg [dreg:$0x1]  }
0x3: {  	s2 =	rddreg [dreg:$0x2]  }
0x4: {  	s4 =	srdreg.scid;
	s13 =	stileid.u32  }
0x5: {  	s3 =	rddreg [dreg:$0x3];
	s11 =	smul.u32 $0xC350, s13  }
0x6: {  	s5 =	simm.s32 $0x0;
	s4 =	sand.u32 $0x1, s4;
	s14 =	smul.u32 $0x64000, s13  }
0x7: {  	[smem:$0x7FF] =	sst s5;
	s6 =	smul.u32 $0x30D400, s4  }
0x8: {  	s7 =	smul.u32 $0x32000, s4;
	_ =	strace $0x80000053;
	s4 =	ssub.s32 $0x2, s4  }
0x9: {  	s10 =	sshrl.u32 s4, $0x1;
	s8 =	sshrl.u32 s11, $0x3;
	s6 =	sadd.s32 s6, s0  }
0xa: {  	s0 =	sadd.s32 s7, s0;
	s4 =	ssub.s32 s4, s10;
	s12 =	sadd.s32 s1, s8  }
0xb: {  	s8 =	sadd.s32 s2, s8;
	s7 =	sshrl.u32 s14, $0x2;
	[dreg:$0x5] =	wrdreg s12  }
0xc: {  	[dreg:$0x6] =	wrdreg s8;
	s12 =	sadd.s32 s7, s3;
	s4 =	smax.u32 s4, $0x1  }
0xd: {  	[dreg:$0x7] =	wrdreg s4;
	s16 =	sadd.s32 $0x3200, s12  }
0xe: {  	s17 =	sadd.s32 $0x4B00, s12;
	[dreg:$0x8] =	wrdreg s16  }
0xf: {  	s18 =	sadd.s32 $0x6400, s12;
	[dreg:$0x9] =	wrdreg s17  }
0x10: {  	s15 =	smul.u32 $0x30D40, s13;
	s7 =	sadd.s32 $0x7D00, s12;
	[dreg:$0xa] =	wrdreg s18  }
0x11: {  	s19 =	smul.u32 $0x3200, s13;
	s20 =	sadd.s32 $0x9600, s12;
	[dreg:$0xb] =	wrdreg s7  }
0x12: {  	s13 =	simm.s32 $0x1;
	s21 =	sadd.s32 $0xAF00, s12;
	[dreg:$0xc] =	wrdreg s20  }
0x13: {  	s10 =	sadd.s32 $0xC8, s11;
	s22 =	sadd.s32 $0xC800, s12;
	[dreg:$0xd] =	wrdreg s21  }
0x14: {  	s11 =	sadd.s32 $0x190, s11;
	s23 =	sadd.s32 $0xE100, s12;
	[dreg:$0xe] =	wrdreg s22  }
0x15: {  	s8 =	sadd.s32 $0x3586A00, s6;
	s24 =	sadd.s32 $0xFA00, s12;
	[dreg:$0xf] =	wrdreg s23  }
0x16: {  	s9 =	sadd.s32 $0x7400, s0;
	s25 =	sadd.s32 s15, s8;
	[dreg:$0x10] =	wrdreg s24  }
0x17: {  	s0 =	sadd.s32 $0x6B400, s0;
	s26 =	sadd.s32 $0x11300, s12;
	[dreg:$0x11] =	wrdreg s25  }
0x18: {  	s6 =	simm.s32 $0xC8;
	s28 =	sadd.s32 $0x12C00, s12;
	[dreg:$0x12] =	wrdreg s26  }
0x19: {  	s14 =	sadd.s32 $0x1900, s12;
	s29 =	sadd.s32 $0x14500, s12;
	[dreg:$0x13] =	wrdreg s28  }
0x1a: {  	s30 =	sadd.s32 $0x15E00, s12;
	s31 =	sadd.s32 $0x17700, s12;
	[dreg:$0x14] =	wrdreg s29  }
0x1b: {  	s4 =	simm.s32 $0x5;
	s15 =	simm.s32 $0x3390;
	[dreg:$0x15] =	wrdreg s30  }
0x1c: {  	s23 =	sadd.s32 s0, s19;
	[dreg:$0x16] =	wrdreg s31;
	s0 =	simm.s32 $0x190  }
0x1d: {  	s7 =	simm.s32 $0x1A90;
	s16 =	simm.s32 $0x3458;
	s17 =	simm.s32 $0x4E20  }
0x1e: {  	s18 =	simm.s32 $0x3;
	s19 =	simm.s32 $0x2;
	s20 =	simm.s32 $0x3520  }
0x1f: {  	v0 =	vimm.f32 $0.0e+00;
	s21 =	simm.s32 $0x6;
	s22 =	simm.s32 $0x4;
	s24 =	simm.s32 $0x0  }
.LBB2_1:
0x20: {  	s25 =	simm.s32 $0x80;
	s26 =	simm.s32 $0x0  }
.LBB2_2:
0x21: {  	p0 =	sne.s32 s25, $0x6380;
	[tilespmem:s26+$0x190] =	vst v0;
	s28 =	smov.u32 s25;
	s25 =	sadd.s32 $0x80, s25  }
.Ltmp0:
0x22: {  	[tilespmem:s26+$0x1A0] =	vst v0;
	(pc) =	sbr.rel @p0 .LBB2_2-.Ltmp0, $2  }
0x23: {  	_ =	sdelay $0x2  }
0x24: {  	s26 =	sshra.s32 s28, $0x2  }
0x25: {  	[tilespmem:s26+$0x190] =	vst v0  }
0x26: {  	[tilespmem:s26+$0x1A0] =	vst v0  }
0x27: {  	[spmem:s12] =	stream.linear.scatter [tilespmem:s0], [sflag:$0x5], $0x1900, $0x38;
	[tilespmem:$0x1F720] =	vst v63  }
0x28: {  	_ =	swait.ge [sflag:s4], $0x1900  }
0x29: {  	[sflag:s4] =	ssyncset.done $0x0  }
0x2a: {  	[sflag:s4] =	ssyncadd.s32 $0xFFFFE700  }
0x2b: {  	[spmem:s14] =	stream.linear.scatter [tilespmem:s0], [sflag:$0x5], $0x1900, $0x38;
	[tilespmem:$0x1F720] =	vst v63  }
0x2c: {  	_ =	swait.ge [sflag:s4], $0x1900  }
0x2d: {  	[sflag:s4] =	ssyncset.done $0x0  }
0x2e: {  	s25 =	rddreg [dreg:$0x8];
	[sflag:s4] =	ssyncadd.s32 $0xFFFFE700  }
0x2f: {  	[spmem:s25] =	stream.linear.scatter [tilespmem:s0], [sflag:$0x5], $0x1900, $0x38;
	[tilespmem:$0x1F720] =	vst v63  }
0x30: {  	_ =	swait.ge [sflag:s4], $0x1900  }
0x31: {  	[sflag:s4] =	ssyncset.done $0x0  }
0x32: {  	s31 =	rddreg [dreg:$0x9];
	[sflag:s4] =	ssyncadd.s32 $0xFFFFE700  }
0x33: {  	[spmem:s31] =	stream.linear.scatter [tilespmem:s0], [sflag:$0x5], $0x1900, $0x38;
	[tilespmem:$0x1F720] =	vst v63  }
0x34: {  	_ =	swait.ge [sflag:s4], $0x1900  }
0x35: {  	[sflag:s4] =	ssyncset.done $0x0  }
0x36: {  	s26 =	rddreg [dreg:$0xa];
	[sflag:s4] =	ssyncadd.s32 $0xFFFFE700  }
0x37: {  	[spmem:s26] =	stream.linear.scatter [tilespmem:s0], [sflag:$0x5], $0x1900, $0x38;
	[tilespmem:$0x1F720] =	vst v63  }
0x38: {  	_ =	swait.ge [sflag:s4], $0x1900  }
0x39: {  	[sflag:s4] =	ssyncset.done $0x0  }
0x3a: {  	s28 =	rddreg [dreg:$0xb];
	[sflag:s4] =	ssyncadd.s32 $0xFFFFE700  }
0x3b: {  	[spmem:s28] =	stream.linear.scatter [tilespmem:s0], [sflag:$0x5], $0x1900, $0x38;
	[tilespmem:$0x1F720] =	vst v63  }
0x3c: {  	_ =	swait.ge [sflag:s4], $0x1900  }
0x3d: {  	[sflag:s4] =	ssyncset.done $0x0  }
0x3e: {  	s29 =	rddreg [dreg:$0xc];
	[sflag:s4] =	ssyncadd.s32 $0xFFFFE700  }
0x3f: {  	[spmem:s29] =	stream.linear.scatter [tilespmem:s0], [sflag:$0x5], $0x1900, $0x38;
	[tilespmem:$0x1F720] =	vst v63  }
0x40: {  	_ =	swait.ge [sflag:s4], $0x1900  }
0x41: {  	[sflag:s4] =	ssyncset.done $0x0  }
0x42: {  	s30 =	rddreg [dreg:$0xd];
	[sflag:s4] =	ssyncadd.s32 $0xFFFFE700  }
0x43: {  	[spmem:s30] =	stream.linear.scatter [tilespmem:s0], [sflag:$0x5], $0x1900, $0x38;
	[tilespmem:$0x1F720] =	vst v63  }
0x44: {  	_ =	swait.ge [sflag:s4], $0x1900  }
0x45: {  	[sflag:s4] =	ssyncset.done $0x0  }
0x46: {  	s31 =	rddreg [dreg:$0xe];
	[sflag:s4] =	ssyncadd.s32 $0xFFFFE700  }
0x47: {  	[spmem:s31] =	stream.linear.scatter [tilespmem:s0], [sflag:$0x5], $0x1900, $0x38;
	[tilespmem:$0x1F720] =	vst v63  }
0x48: {  	_ =	swait.ge [sflag:s4], $0x1900  }
0x49: {  	[sflag:s4] =	ssyncset.done $0x0  }
0x4a: {  	s26 =	rddreg [dreg:$0xf];
	[sflag:s4] =	ssyncadd.s32 $0xFFFFE700  }
0x4b: {  	[spmem:s26] =	stream.linear.scatter [tilespmem:s0], [sflag:$0x5], $0x1900, $0x38;
	[tilespmem:$0x1F720] =	vst v63  }
0x4c: {  	_ =	swait.ge [sflag:s4], $0x1900  }
0x4d: {  	[sflag:s4] =	ssyncset.done $0x0  }
0x4e: {  	s28 =	rddreg [dreg:$0x10];
	[sflag:s4] =	ssyncadd.s32 $0xFFFFE700  }
0x4f: {  	[spmem:s28] =	stream.linear.scatter [tilespmem:s0], [sflag:$0x5], $0x1900, $0x38;
	[tilespmem:$0x1F720] =	vst v63  }
0x50: {  	_ =	swait.ge [sflag:s4], $0x1900  }
0x51: {  	[sflag:s4] =	ssyncset.done $0x0  }
0x52: {  	s29 =	rddreg [dreg:$0x12];
	[sflag:s4] =	ssyncadd.s32 $0xFFFFE700  }
0x53: {  	[spmem:s29] =	stream.linear.scatter [tilespmem:s0], [sflag:$0x5], $0x1900, $0x38;
	[tilespmem:$0x1F720] =	vst v63  }
0x54: {  	_ =	swait.ge [sflag:s4], $0x1900  }
0x55: {  	[sflag:s4] =	ssyncset.done $0x0  }
0x56: {  	s30 =	rddreg [dreg:$0x13];
	[sflag:s4] =	ssyncadd.s32 $0xFFFFE700  }
0x57: {  	[spmem:s30] =	stream.linear.scatter [tilespmem:s0], [sflag:$0x5], $0x1900, $0x38;
	[tilespmem:$0x1F720] =	vst v63  }
0x58: {  	_ =	swait.ge [sflag:s4], $0x1900  }
0x59: {  	[sflag:s4] =	ssyncset.done $0x0  }
0x5a: {  	s31 =	rddreg [dreg:$0x14];
	[sflag:s4] =	ssyncadd.s32 $0xFFFFE700  }
0x5b: {  	[spmem:s31] =	stream.linear.scatter [tilespmem:s0], [sflag:$0x5], $0x1900, $0x38;
	[tilespmem:$0x1F720] =	vst v63  }
0x5c: {  	_ =	swait.ge [sflag:s4], $0x1900  }
0x5d: {  	[sflag:s4] =	ssyncset.done $0x0  }
0x5e: {  	s26 =	rddreg [dreg:$0x15];
	[sflag:s4] =	ssyncadd.s32 $0xFFFFE700  }
0x5f: {  	[spmem:s26] =	stream.linear.scatter [tilespmem:s0], [sflag:$0x5], $0x1900, $0x38;
	[tilespmem:$0x1F720] =	vst v63  }
0x60: {  	_ =	swait.ge [sflag:s4], $0x1900  }
0x61: {  	[sflag:s4] =	ssyncset.done $0x0  }
0x62: {  	s28 =	rddreg [dreg:$0x16];
	[sflag:s4] =	ssyncadd.s32 $0xFFFFE700  }
0x63: {  	[spmem:s28] =	stream.linear.scatter [tilespmem:s0], [sflag:$0x5], $0x1900, $0x38;
	[tilespmem:$0x1F720] =	vst v63  }
0x64: {  	_ =	swait.ge [sflag:s4], $0x1900  }
0x65: {  	[sflag:s4] =	ssyncset.done $0x0  }
0x66: {  	[sflag:s4] =	ssyncadd.s32 $0xFFFFE700  }
0x67: {  	[bflag:$0x0] =	sbarrier.arrive $0xFFFF  }
0x68: {  	s25 =	simm.s32 $0x0;
	s29 =	rddreg [dreg:$0x5]  }
0x69: {  	[tilespmem:s25], [sflag:$0x1] =	stream.linear.gather [hbm4b:s29+s25], $0xC8, $0x38;
	[tilespmem:$0x1F720] =	vst v63  }
0x6a: {  	s30 =	rddreg [dreg:$0x6]  }
0x6b: {  	[tilespmem:s6], [sflag:$0x1] =	stream.linear.gather [hbm4b:s30+s25], $0xC8, $0x38;
	[tilespmem:$0x1F720] =	vst v63  }
0x6c: {  	s31 =	rddreg [dreg:$0x11]  }
0x6d: {  	[tilespmem:s7], [sflag:$0x1] =	stream.linear.gather [hbm4b:s31+s25], $0x1900, $0x38;
	[tilespmem:$0x1F720] =	vst v63  }
0x6e: {  	_ =	swait.ge [sflag:s13], $0xC8  }
0x6f: {  	[sflag:s13] =	ssyncset.done $0x0  }
0x70: {  	[sflag:s13] =	ssyncadd.s32 $0xFFFFFF38  }
0x71: {  	_ =	swait.ge [sflag:s13], $0xC8  }
0x72: {  	[sflag:s13] =	ssyncset.done $0x0  }
0x73: {  	[sflag:s13] =	ssyncadd.s32 $0xFFFFFF38  }
0x74: {  	_ =	swait.ge [sflag:s13], $0x1900  }
0x75: {  	[sflag:s13] =	ssyncset.done $0x0  }
0x76: {  	[sflag:s13] =	ssyncadd.s32 $0xFFFFE700  }
0x77: {  	[tilespmem:s0], [sflag:$0x3] =	stream.indirect.gather [hbm4b:s9+s6], $0x20, s25, s6, $0xb8;
	[tilespmem:$0x1F720] =	vst v63  }
.LBB2_4:
0x78: {  	s26 =	smul.u32 $0x190, s25;
	_ =	sdelay $0x1  }
0x79: {  	s28 =	sadd.s32 s26, s10  }
0x7a: {  	s29 =	sshrl.u32 s28, $0x3  }
0x7b: {  	s30 =	sadd.s32 s1, s29  }
0x7c: {  	[tilespmem:s15], [sflag:$0x2] =	stream.linear.gather [hbm4b:s30+s5], $0xC8, $0x38;
	[tilespmem:$0x1F720] =	vst v63  }
0x7d: {  	s28 =	sshll.u32 s28, $0x2;
	s29 =	sadd.s32 s2, s29  }
0x7e: {  	[tilespmem:s16], [sflag:$0x2] =	stream.linear.gather [hbm4b:s29+s5], $0xC8, $0x38;
	[tilespmem:$0x1F720] =	vst v63  }
0x7f: {  	s28 =	sadd.s32 s8, s28  }
0x80: {  	[tilespmem:s17], [sflag:$0x2] =	stream.linear.gather [hbm4b:s28+s5], $0x1900, $0x38;
	[tilespmem:$0x1F720] =	vst v63  }
0x81: {  	_ =	swait.ge [sflag:s18], $0x1900  }
0x82: {  	[sflag:s18] =	ssyncset.done $0x0  }
0x83: {  	[sflag:s18] =	ssyncadd.s32 $0xFFFFE700  }
0x84: {  	_ =	swait.ge [sflag:s19], $0xC8  }
0x85: {  	[sflag:s19] =	ssyncset.done $0x0  }
0x86: {  	[sflag:s19] =	ssyncadd.s32 $0xFFFFFF38  }
0x87: {  	_ =	swait.ge [sflag:s19], $0xC8  }
0x88: {  	[sflag:s19] =	ssyncset.done $0x0  }
0x89: {  	[sflag:s19] =	ssyncadd.s32 $0xFFFFFF38  }
0x8a: {  	_ =	swait.ge [sflag:s19], $0x1900  }
0x8b: {  	[sflag:s19] =	ssyncset.done $0x0  }
0x8c: {  	s28 =	simm.s32 $0x1D0;
	[sflag:s19] =	ssyncadd.s32 $0xFFFFE700  }
0x8d: {  	[tilespmem:s20], [sflag:$0x4] =	stream.indirect.gather [hbm4b:s9+s6], $0x20, s15, s6, $0xb8;
	[tilespmem:$0x1F720] =	vst v63  }
0x8e: {  	s29 =	simm.s32 $0x1AD0;
	v1 =	vld [tilespmem:s28+$0x20]  }
0x8f: {  	v2 =	vld [tilespmem:s29+$0x20]  }
0x90: {  	v3 =	vld [tilespmem:s28+$0xFFFFFFE0]  }
0x91: {  	v4 =	vld [tilespmem:s29+$0xFFFFFFE0]  }
0x92: {  	v5 =	vld [tilespmem:s28+$0x0]  }
0x93: {  	v6 =	vld [tilespmem:s29+$0x0]  }
0x94: {  	v7 =	vld [tilespmem:s29+$0xFFFFFFC0];
	v1 =	vmul.f32 v2, v1  }
0x95: {  	v8 =	vld [tilespmem:s28+$0xFFFFFFC0]  }
0x96: {  	v9 =	vld [tilespmem:s28+$0x30];
	[tilespmem:s28+$0x20] =	vst v1  }
0x97: {  	v2 =	vmul.f32 v4, v3;
	v10 =	vld [tilespmem:s29+$0x30]  }
0x98: {  	v1 =	vld [tilespmem:s28+$0xFFFFFFD0]  }
0x99: {  	v3 =	vmul.f32 v6, v5;
	[tilespmem:s28+$0xFFFFFFE0] =	vst v2;
	v2 =	vld [tilespmem:s28+$0xFFFFFFF0]  }
0x9a: {  	v5 =	vmul.f32 v7, v8;
	v4 =	vld [tilespmem:s29+$0xFFFFFFF0]  }
0x9b: {  	[tilespmem:s28+$0x0] =	vst v3;
	v3 =	vld [tilespmem:s28+$0x10]  }
0x9c: {  	[tilespmem:s28+$0xFFFFFFC0] =	vst v5;
	v5 =	vld [tilespmem:s29+$0x10];
	v7 =	vmul.f32 v10, v9  }
0x9d: {  	s31 =	simm.s32 $0x250;
	s30 =	simm.s32 $0x0;
	v6 =	vld [tilespmem:s29+$0xFFFFFFD0]  }
.LBB2_5:
0x9e: {  	v8 =	vld [tilespmem:s31+$0x20];
	[tilespmem:s28+$0x30] =	vst v7;
	s29 =	sadd.s32 $0x80, s29  }
0x9f: {  	s30 =	sadd.s32 $0x4, s30;
	v7 =	vld [tilespmem:s29+$0x20];
	v2 =	vmul.f32 v4, v2  }
0xa0: {  	p0 =	slt.u32 s30, $0xC4;
	v4 =	vld [tilespmem:s29+$0xFFFFFFC0]  }
0xa1: {  	v9 =	vld [tilespmem:s31+$0xFFFFFFE0];
	[tilespmem:s28+$0xFFFFFFF0] =	vst v2;
	v2 =	vmul.f32 v5, v3  }
0xa2: {  	v3 =	vld [tilespmem:s29+$0xFFFFFFE0];
	v1 =	vmul.f32 v6, v1  }
0xa3: {  	v5 =	vld [tilespmem:s31+$0x0];
	[tilespmem:s28+$0x10] =	vst v2  }
0xa4: {  	v6 =	vld [tilespmem:s29+$0x0];
	v2 =	vmul.f32 v7, v8;
	[tilespmem:s28+$0xFFFFFFD0] =	vst v1;
	s28 =	smov.u32 s31  }
0xa5: {  	v7 =	vld [tilespmem:s31+$0xFFFFFFC0]  }
0xa6: {  	[tilespmem:s31+$0x20] =	vst v2;
	v8 =	vld [tilespmem:s31+$0x30]  }
0xa7: {  	v2 =	vmul.f32 v3, v9;
	v9 =	vld [tilespmem:s29+$0x30]  }
0xa8: {  	v1 =	vld [tilespmem:s31+$0xFFFFFFD0]  }
.Ltmp1:
0xa9: {  	[tilespmem:s31+$0xFFFFFFE0] =	vst v2;
	v2 =	vld [tilespmem:s31+$0xFFFFFFF0];
	v3 =	vmul.f32 v6, v5;
	(pc) =	sbr.rel @p0 .LBB2_5-.Ltmp1, $4  }
0xaa: {  	v5 =	vmul.f32 v4, v7;
	v4 =	vld [tilespmem:s29+$0xFFFFFFF0]  }
0xab: {  	[tilespmem:s31+$0x0] =	vst v3;
	v3 =	vld [tilespmem:s31+$0x10]  }
0xac: {  	[tilespmem:s31+$0xFFFFFFC0] =	vst v5;
	v5 =	vld [tilespmem:s29+$0x10];
	v7 =	vmul.f32 v9, v8  }
0xad: {  	s31 =	sadd.s32 $0x80, s31;
	v6 =	vld [tilespmem:s29+$0xFFFFFFD0]  }
0xae: {  	_ =	sdelay $0x1  }
0xaf: {  	v2 =	vmul.f32 v4, v2  }
0xb0: {  	[tilespmem:s28+$0x30] =	vst v7;
	v3 =	vmul.f32 v5, v3  }
0xb1: {  	[tilespmem:s28+$0xFFFFFFF0] =	vst v2;
	v1 =	vmul.f32 v6, v1  }
0xb2: {  	p0 =	sne.s32 s25, $0x7C;
	[tilespmem:s28+$0x10] =	vst v3  }
.Ltmp2:
0xb3: {  	[tilespmem:s28+$0xFFFFFFD0] =	vst v1;
	(pc) =	sbr.rel @!p0 .LBB2_7-.Ltmp2, $4  }
0xb4: {  	[spmem:s3] =	stream.indirect.scatter.add.f32 [tilespmem:s0], [sflag:$0x6], $0x20, s6, s6, $0xb8;
	[tilespmem:$0x1F720] =	vst v63  }
0xb5: {  	_ =	swait.ge [sflag:s21], $0x1900  }
0xb6: {  	[sflag:s21] =	ssyncset.done $0x0  }
0xb7: {  	[sflag:s21] =	ssyncadd.s32 $0xFFFFE700  }
0xb8: {  	s26 =	sadd.s32 s26, s11  }
0xb9: {  	s28 =	sshrl.u32 s26, $0x3  }
0xba: {  	s29 =	sadd.s32 s1, s28  }
0xbb: {  	[tilespmem:s5], [sflag:$0x1] =	stream.linear.gather [hbm4b:s29+s5], $0xC8, $0x38;
	[tilespmem:$0x1F720] =	vst v63  }
0xbc: {  	s26 =	sshll.u32 s26, $0x2;
	s28 =	sadd.s32 s2, s28  }
0xbd: {  	[tilespmem:s6], [sflag:$0x1] =	stream.linear.gather [hbm4b:s28+s5], $0xC8, $0x38;
	[tilespmem:$0x1F720] =	vst v63  }
0xbe: {  	s26 =	sadd.s32 s8, s26  }
0xbf: {  	[tilespmem:s7], [sflag:$0x1] =	stream.linear.gather [hbm4b:s26+s5], $0x1900, $0x38;
	[tilespmem:$0x1F720] =	vst v63  }
0xc0: {  	_ =	swait.ge [sflag:s22], $0x1900  }
0xc1: {  	[sflag:s22] =	ssyncset.done $0x0  }
0xc2: {  	[sflag:s22] =	ssyncadd.s32 $0xFFFFE700  }
0xc3: {  	_ =	swait.ge [sflag:s13], $0xC8  }
0xc4: {  	[sflag:s13] =	ssyncset.done $0x0  }
0xc5: {  	[sflag:s13] =	ssyncadd.s32 $0xFFFFFF38  }
0xc6: {  	_ =	swait.ge [sflag:s13], $0xC8  }
0xc7: {  	[sflag:s13] =	ssyncset.done $0x0  }
0xc8: {  	[sflag:s13] =	ssyncadd.s32 $0xFFFFFF38  }
0xc9: {  	_ =	swait.ge [sflag:s13], $0x1900  }
0xca: {  	[sflag:s13] =	ssyncset.done $0x0  }
0xcb: {  	s26 =	simm.s32 $0x3560;
	[sflag:s13] =	ssyncadd.s32 $0xFFFFE700  }
0xcc: {  	[tilespmem:s0], [sflag:$0x3] =	stream.indirect.gather [hbm4b:s9+s6], $0x20, s5, s6, $0xb8;
	[tilespmem:$0x1F720] =	vst v63  }
0xcd: {  	s28 =	simm.s32 $0x4E60;
	v1 =	vld [tilespmem:s26+$0x20]  }
0xce: {  	v2 =	vld [tilespmem:s28+$0x20]  }
0xcf: {  	v3 =	vld [tilespmem:s26+$0xFFFFFFE0]  }
0xd0: {  	v4 =	vld [tilespmem:s28+$0xFFFFFFE0]  }
0xd1: {  	v5 =	vld [tilespmem:s26+$0x0]  }
0xd2: {  	v6 =	vld [tilespmem:s28+$0x0]  }
0xd3: {  	v7 =	vld [tilespmem:s28+$0xFFFFFFC0];
	v1 =	vmul.f32 v2, v1  }
0xd4: {  	v8 =	vld [tilespmem:s26+$0xFFFFFFC0]  }
0xd5: {  	v9 =	vld [tilespmem:s26+$0x30];
	[tilespmem:s26+$0x20] =	vst v1  }
0xd6: {  	v2 =	vmul.f32 v4, v3;
	v10 =	vld [tilespmem:s28+$0x30]  }
0xd7: {  	v1 =	vld [tilespmem:s26+$0xFFFFFFD0]  }
0xd8: {  	v3 =	vmul.f32 v6, v5;
	[tilespmem:s26+$0xFFFFFFE0] =	vst v2;
	v2 =	vld [tilespmem:s26+$0xFFFFFFF0]  }
0xd9: {  	v5 =	vmul.f32 v7, v8;
	v4 =	vld [tilespmem:s28+$0xFFFFFFF0]  }
0xda: {  	[tilespmem:s26+$0x0] =	vst v3;
	v3 =	vld [tilespmem:s26+$0x10]  }
0xdb: {  	[tilespmem:s26+$0xFFFFFFC0] =	vst v5;
	v5 =	vld [tilespmem:s28+$0x10];
	v7 =	vmul.f32 v10, v9  }
0xdc: {  	s30 =	simm.s32 $0x35E0;
	s29 =	simm.s32 $0x0;
	v6 =	vld [tilespmem:s28+$0xFFFFFFD0]  }
.LBB2_14:
0xdd: {  	v8 =	vld [tilespmem:s30+$0x20];
	[tilespmem:s26+$0x30] =	vst v7;
	s28 =	sadd.s32 $0x80, s28  }
0xde: {  	s29 =	sadd.s32 $0x4, s29;
	v7 =	vld [tilespmem:s28+$0x20];
	v2 =	vmul.f32 v4, v2  }
0xdf: {  	p0 =	slt.u32 s29, $0xC4;
	v4 =	vld [tilespmem:s28+$0xFFFFFFC0]  }
0xe0: {  	v9 =	vld [tilespmem:s30+$0xFFFFFFE0];
	[tilespmem:s26+$0xFFFFFFF0] =	vst v2;
	v2 =	vmul.f32 v5, v3  }
0xe1: {  	v3 =	vld [tilespmem:s28+$0xFFFFFFE0];
	v1 =	vmul.f32 v6, v1  }
0xe2: {  	v5 =	vld [tilespmem:s30+$0x0];
	[tilespmem:s26+$0x10] =	vst v2  }
0xe3: {  	v6 =	vld [tilespmem:s28+$0x0];
	v2 =	vmul.f32 v7, v8;
	[tilespmem:s26+$0xFFFFFFD0] =	vst v1;
	s26 =	smov.u32 s30  }
0xe4: {  	v7 =	vld [tilespmem:s30+$0xFFFFFFC0]  }
0xe5: {  	[tilespmem:s30+$0x20] =	vst v2;
	v8 =	vld [tilespmem:s30+$0x30]  }
0xe6: {  	v2 =	vmul.f32 v3, v9;
	v9 =	vld [tilespmem:s28+$0x30]  }
0xe7: {  	v1 =	vld [tilespmem:s30+$0xFFFFFFD0]  }
.Ltmp3:
0xe8: {  	[tilespmem:s30+$0xFFFFFFE0] =	vst v2;
	v2 =	vld [tilespmem:s30+$0xFFFFFFF0];
	v3 =	vmul.f32 v6, v5;
	(pc) =	sbr.rel @p0 .LBB2_14-.Ltmp3, $4  }
0xe9: {  	v5 =	vmul.f32 v4, v7;
	v4 =	vld [tilespmem:s28+$0xFFFFFFF0]  }
0xea: {  	[tilespmem:s30+$0x0] =	vst v3;
	v3 =	vld [tilespmem:s30+$0x10]  }
0xeb: {  	[tilespmem:s30+$0xFFFFFFC0] =	vst v5;
	v5 =	vld [tilespmem:s28+$0x10];
	v7 =	vmul.f32 v9, v8  }
0xec: {  	s30 =	sadd.s32 $0x80, s30;
	v6 =	vld [tilespmem:s28+$0xFFFFFFD0]  }
0xed: {  	_ =	sdelay $0x1  }
0xee: {  	v2 =	vmul.f32 v4, v2  }
0xef: {  	[tilespmem:s26+$0x30] =	vst v7;
	v3 =	vmul.f32 v5, v3  }
0xf0: {  	[tilespmem:s26+$0xFFFFFFF0] =	vst v2;
	v1 =	vmul.f32 v6, v1  }
0xf1: {  	[tilespmem:s26+$0x10] =	vst v3  }
.Ltmp4:
0xf2: {  	[tilespmem:s26+$0xFFFFFFD0] =	vst v1;
	(pc) =	sbr.rel .LBB2_4-.Ltmp4, $4  }
0xf3: {  	[spmem:s3] =	stream.indirect.scatter.add.f32 [tilespmem:s20], [sflag:$0x6], $0x20, s16, s6, $0xb8;
	[tilespmem:$0x1F720] =	vst v63  }
0xf4: {  	_ =	swait.ge [sflag:s21], $0x1900  }
0xf5: {  	[sflag:s21] =	ssyncset.done $0x0  }
0xf6: {  	s25 =	sadd.s32 $0x1, s25;
	[sflag:s21] =	ssyncadd.s32 $0xFFFFE700  }
.LBB2_7:
0xf7: {  	_ =	swait.ge [sflag:s22], $0x1900  }
0xf8: {  	[sflag:s22] =	ssyncset.done $0x0  }
0xf9: {  	s25 =	simm.s32 $0x3560;
	[sflag:s22] =	ssyncadd.s32 $0xFFFFE700  }
0xfa: {  	s26 =	simm.s32 $0x4E60;
	v1 =	vld [tilespmem:s25+$0x20]  }
0xfb: {  	v2 =	vld [tilespmem:s26+$0x20]  }
0xfc: {  	v3 =	vld [tilespmem:s25+$0xFFFFFFE0]  }
0xfd: {  	v4 =	vld [tilespmem:s26+$0xFFFFFFE0]  }
0xfe: {  	v5 =	vld [tilespmem:s25+$0x0]  }
0xff: {  	v6 =	vld [tilespmem:s26+$0x0]  }
0x100: {  	v7 =	vld [tilespmem:s26+$0xFFFFFFC0];
	v1 =	vmul.f32 v2, v1  }
0x101: {  	v8 =	vld [tilespmem:s25+$0xFFFFFFC0]  }
0x102: {  	v9 =	vld [tilespmem:s25+$0x30];
	[tilespmem:s25+$0x20] =	vst v1  }
0x103: {  	v2 =	vmul.f32 v4, v3;
	v10 =	vld [tilespmem:s26+$0x30]  }
0x104: {  	v1 =	vld [tilespmem:s25+$0xFFFFFFD0]  }
0x105: {  	v3 =	vmul.f32 v6, v5;
	[tilespmem:s25+$0xFFFFFFE0] =	vst v2;
	v2 =	vld [tilespmem:s25+$0xFFFFFFF0]  }
0x106: {  	v5 =	vmul.f32 v7, v8;
	v4 =	vld [tilespmem:s26+$0xFFFFFFF0]  }
0x107: {  	[tilespmem:s25+$0x0] =	vst v3;
	v3 =	vld [tilespmem:s25+$0x10]  }
0x108: {  	[tilespmem:s25+$0xFFFFFFC0] =	vst v5;
	v5 =	vld [tilespmem:s26+$0x10];
	v7 =	vmul.f32 v10, v9  }
0x109: {  	s28 =	simm.s32 $0x0;
	s29 =	simm.s32 $0x35E0;
	v6 =	vld [tilespmem:s26+$0xFFFFFFD0]  }
.LBB2_8:
0x10a: {  	v8 =	vld [tilespmem:s29+$0x20];
	[tilespmem:s25+$0x30] =	vst v7;
	s26 =	sadd.s32 $0x80, s26  }
0x10b: {  	s28 =	sadd.s32 $0x4, s28;
	v7 =	vld [tilespmem:s26+$0x20];
	v2 =	vmul.f32 v4, v2  }
0x10c: {  	p0 =	slt.u32 s28, $0xC4;
	v4 =	vld [tilespmem:s26+$0xFFFFFFC0]  }
0x10d: {  	v9 =	vld [tilespmem:s29+$0xFFFFFFE0];
	[tilespmem:s25+$0xFFFFFFF0] =	vst v2;
	v2 =	vmul.f32 v5, v3  }
0x10e: {  	v3 =	vld [tilespmem:s26+$0xFFFFFFE0];
	v1 =	vmul.f32 v6, v1  }
0x10f: {  	v5 =	vld [tilespmem:s29+$0x0];
	[tilespmem:s25+$0x10] =	vst v2  }
0x110: {  	v6 =	vld [tilespmem:s26+$0x0];
	v2 =	vmul.f32 v7, v8;
	[tilespmem:s25+$0xFFFFFFD0] =	vst v1;
	s25 =	smov.u32 s29  }
0x111: {  	v7 =	vld [tilespmem:s29+$0xFFFFFFC0]  }
0x112: {  	[tilespmem:s29+$0x20] =	vst v2;
	v8 =	vld [tilespmem:s29+$0x30]  }
0x113: {  	v2 =	vmul.f32 v3, v9;
	v9 =	vld [tilespmem:s26+$0x30]  }
0x114: {  	v1 =	vld [tilespmem:s29+$0xFFFFFFD0]  }
.Ltmp5:
0x115: {  	[tilespmem:s29+$0xFFFFFFE0] =	vst v2;
	v2 =	vld [tilespmem:s29+$0xFFFFFFF0];
	v3 =	vmul.f32 v6, v5;
	(pc) =	sbr.rel @p0 .LBB2_8-.Ltmp5, $4  }
0x116: {  	v5 =	vmul.f32 v4, v7;
	v4 =	vld [tilespmem:s26+$0xFFFFFFF0]  }
0x117: {  	[tilespmem:s29+$0x0] =	vst v3;
	v3 =	vld [tilespmem:s29+$0x10]  }
0x118: {  	[tilespmem:s29+$0xFFFFFFC0] =	vst v5;
	v5 =	vld [tilespmem:s26+$0x10];
	v7 =	vmul.f32 v9, v8  }
0x119: {  	s29 =	sadd.s32 $0x80, s29;
	v6 =	vld [tilespmem:s26+$0xFFFFFFD0]  }
0x11a: {  	_ =	sdelay $0x1  }
0x11b: {  	v2 =	vmul.f32 v4, v2  }
0x11c: {  	[tilespmem:s25+$0x30] =	vst v7;
	v3 =	vmul.f32 v5, v3  }
0x11d: {  	[tilespmem:s25+$0xFFFFFFF0] =	vst v2;
	v1 =	vmul.f32 v6, v1  }
0x11e: {  	[tilespmem:s25+$0x10] =	vst v3  }
0x11f: {  	[tilespmem:s25+$0xFFFFFFD0] =	vst v1  }
0x120: {  	[spmem:s3] =	stream.indirect.scatter.add.f32 [tilespmem:s20], [sflag:$0x5], $0x20, s16, s6, $0xb8;
	[tilespmem:$0x1F720] =	vst v63  }
0x121: {  	_ =	swait.ge [sflag:s4], $0x1900  }
0x122: {  	s31 =	stileid.u32;
	[sflag:s4] =	ssyncset.done $0x0  }
0x123: {  	s26 =	sadd.s32 $0x0, s23;
	s25 =	sshll.u32 s31, $0x6;
	[sflag:s4] =	ssyncadd.s32 $0xFFFFE700  }
0x124: {  	s28 =	sshrl.u32 s12, $0x3;
	s25 =	sor.u32 $0x1C05, s25;
	[bflag:$0x0] =	sbarrier.arrive $0xFFFF  }
0x125: {  	[hbm:s26], [sflag:s25] =	dma.local [spmem:s28], $0x320  }
0x126: {  	s26 =	simm.s32 $0x320;
	s28 =	smov.u32 s14;
	_ =	swait.ge [sflag:s4], $0x320  }
.LBB2_10:
0x127: {  	s29 =	sadd.s32 s26, s23;
	[sflag:s4] =	ssyncset.done $0x0;
	p0 =	sne.s32 s26, $0x2EE0  }
.Ltmp6:
0x128: {  	s30 =	sshrl.u32 s28, $0x3;
	[sflag:s4] =	ssyncadd.s32 $0xFFFFFCE0;
	(pc) =	sbr.rel @p0 .LBB2_10-.Ltmp6, $3  }
0x129: {  	[hbm:s29], [sflag:s25] =	dma.local [spmem:s30], $0x320  }
0x12a: {  	s26 =	sadd.s32 $0x320, s26;
	_ =	sdelay $0x1  }
0x12b: {  	s28 =	sadd.s32 $0x1900, s28;
	_ =	swait.ge [sflag:s4], $0x320  }
0x12c: {  	s24 =	sadd.s32 $0x1, s24;
	s25 =	rddreg [dreg:$0x7]  }
0x12d: {  	p0 =	sne.s32 s24, s25  }
.Ltmp7:
0x12e: {  	_ = 	snop;
	(pc) =	sbr.rel @p0 .LBB2_1-.Ltmp7, $3  }
0x12f: {  	_ =	sdelay $0x1  }
0x130: {  	[sflag:s4] =	ssyncset.done $0x0  }
0x131: {  	[sflag:s4] =	ssyncadd.s32 $0xFFFFFCE0  }
0x132: {  	_ =	sfence.sel $0x180000  }
0x133: {  	[bflag:$0x0] =	sbarrier.arrive $0xFFFF  }
0x134: {  	_ =	strace $0x90000053  }
0x135: {  	s0 =	stileid.u32;
	[bflag:$0x2] =	sbarrier.arrive $0xFFFF  }
0x136: {  	p0 =	sne.s32 s0, $0x0;
	s0 =	rddreg [dreg:$0x4]  }
0x137: {  	s0 =	sadd.s32 @!p0 $0x100000, s0  }
0x138: {  	[sflag:s0] =	ssyncadd.tile.s32 @!p0 $0x1;
	_ =	shalt  }
.Lfunc_end2:
_tile_overlayer_lowered:
.L_overlay_start_2:
0x139: {  	(tag) =	ssettag $0x2  }
0x13a: {  	s0 =	rddreg [dreg:$0x0];
	s2 =	stileid.u32  }
0x13b: {  	s1 =	rddreg [dreg:$0x1];
	p0 =	sne.s32 s2, $0x0  }
0x13c: {  	s3 =	rddreg [dreg:$0x2];
	[bflag:$0x3] =	sbarrier.arrive $0xFFFF;
	s2 =	simm.s32 @!p0 $0x1C05  }
0x13d: {  	[timem:s3], [sflag:s2] =	dma.local @!p0 [hbm:s0], s1  }
0x13e: {  	s0 =	simm.s32 @!p0 $0x5  }
0x13f: {  	_ =	swait.ge @!p0 [sflag:s0], s1  }
0x140: {  	s1 =	ssub.s32 @!p0 $0x0, s1;
	[sflag:s0] =	ssyncset.done @!p0 $0x0  }
0x141: {  	[sflag:s0] =	ssyncadd.s32 @!p0 s1  }
0x142: {  	[bflag:$0x3] =	sbarrier.arrive $0xFFFF  }
0x143: {  	_ =	shalt  }

</sc_bundles>
